<compile_context>
chip_gen: v7x
topology: tpu7x:2x2x1
jax: 0.10.2.dev20260603
libtpu: 0.0.44.dev20260713+nightly
codegen_flags: <defaults>
</compile_context>

<pallas_src>
import jax
import jax.numpy as jnp
from jax import lax
from jax.experimental import pallas as pl
from jax.experimental.pallas import tpu as pltpu
from jax.experimental.pallas import tpu_sc as plsc

B, L, C, K = 4, 8192, 1024, 8
NC, NS = 2, 16
NW = NC * NS
LANES = 16
CG = C // LANES
SLABS = B * CG
SLABS_PER_W = SLABS // NW
CHUNK = 2048
NCHUNK = L // CHUNK
GROUP = 16
NGROUP = CHUNK // GROUP
TOT = SLABS_PER_W * NCHUNK


def _neg_inf():
    return jnp.full((LANES,), -jnp.inf, jnp.float32)


def _insert_desc(m, v):
    out = []
    for t in range(len(m)):
        hi = jnp.maximum(m[t], v)
        v = jnp.minimum(m[t], v)
        out.append(hi)
    return out


def _kmax_body(in_hbm, out_hbm, cbuf, gmaxbuf, gidbuf, obuf, sem0, sem1):
    wid = lax.axis_index("s") * NC + lax.axis_index("c")
    iota = lax.iota(jnp.int32, LANES)
    sems = (sem0, sem1)

    def task(t):
        s = wid * SLABS_PER_W + t // NCHUNK
        b = s // CG
        c0 = (s % CG) * LANES
        l0 = (t % NCHUNK) * CHUNK
        return s, b, c0, l0

    def dma_in(t, slot):
        _, b, c0, l0 = task(t)
        return pltpu.make_async_copy(
            in_hbm.at[b, pl.ds(l0, CHUNK), pl.ds(c0, LANES)],
            cbuf.at[slot], sems[slot])

    def process(cb, m, mp):
        def group_body(g, mp_c):
            r0 = g * GROUP
            acc = cb[r0]
            for j in range(1, GROUP):
                acc = jnp.maximum(acc, cb[r0 + j])
            gmaxbuf[g] = acc
            return tuple(_insert_desc(list(mp_c), acc))

        mp = list(lax.fori_loop(0, NGROUP, group_body, tuple(mp)))

        thr = jnp.maximum(mp[K - 1], m[K - 1])

        def scan_body(g, cnt):
            sel = gmaxbuf[g] >= thr
            plsc.store_scatter(gidbuf, [cnt, iota],
                               jnp.full((LANES,), g, jnp.int32), mask=sel)
            return cnt + jnp.where(sel, 1, 0).astype(jnp.int32)

        cnt = lax.fori_loop(0, NGROUP, scan_body,
                            jnp.zeros((LANES,), jnp.int32))

        def cand_body(k, m_c):
            m_l = list(m_c)
            valid = k < cnt
            gid = jnp.clip(gidbuf[k], 0, NGROUP - 1)
            row0 = gid * GROUP
            for j in range(GROUP):
                v = plsc.load_gather(cb, [row0 + j, iota])
                v = jnp.where(valid, v, _neg_inf())
                m_l = _insert_desc(m_l, v)
            return tuple(m_l)

        m = list(lax.fori_loop(0, jnp.max(cnt), cand_body, tuple(m)))
        return m, mp

    dma_in(0, 0).start()
    ninf = _neg_inf()

    def pair_body(tt, carry):
        m, mp = list(carry[0]), list(carry[1])
        for slot in (0, 1):
            t = tt * 2 + slot

            @pl.when(t + 1 < TOT)
            def _():
                dma_in(t + 1, 1 - slot).start()

            dma_in(t, slot).wait()

            is_first = (t % NCHUNK) == 0
            m = [jnp.where(is_first, ninf, x) for x in m]
            mp = [jnp.where(is_first, ninf, x) for x in mp]

            m, mp = process(cbuf.at[slot], m, mp)

            @pl.when((t % NCHUNK) == NCHUNK - 1)
            def _():
                for k in range(K):
                    obuf[k] = m[k]
                _, b, c0, _ = task(t)
                pltpu.sync_copy(obuf, out_hbm.at[b, :, pl.ds(c0, LANES)])
        return (tuple(m), tuple(mp))

    init = (tuple([ninf] * K), tuple([ninf] * K))
    lax.fori_loop(0, TOT // 2, pair_body, init)


@jax.jit
def kernel(inputs):
    mesh = plsc.VectorSubcoreMesh(core_axis_name="c", subcore_axis_name="s")
    f = pl.kernel(
        _kmax_body,
        out_type=jax.ShapeDtypeStruct((B, K, C), jnp.float32),
        mesh=mesh,
        compiler_params=pltpu.CompilerParams(use_tc_tiling_on_sc=False,
                                             needs_layout_passes=False),
        scratch_types=[
            pltpu.VMEM((2, CHUNK, LANES), jnp.float32),
            pltpu.VMEM((NGROUP, LANES), jnp.float32),
            pltpu.VMEM((NGROUP, LANES), jnp.int32),
            pltpu.VMEM((K, LANES), jnp.float32),
            pltpu.SemaphoreType.DMA,
            pltpu.SemaphoreType.DMA,
        ],
    )
    return f(inputs)

# --- scband reference (transcript-rebuilt; emitter-appended) ---
"""Pipeline reference for scband-kmax-pooling-5480378269974 (READ-ONLY COPY).

The authoritative reference and input builder live on the scoring server;
editing this copy changes nothing except your own understanding.
"""

import jax, jax.numpy as jnp
import numpy as np

TOP_K = 8

def setup_inputs(seed: int = 0) -> dict:
    key = jax.random.key(seed)
    inputs = jax.random.normal(key, (4, 8192, 1024), dtype=jnp.float32)
    return {"inputs": inputs}

def reference(inputs):
    # KMaxPooling: transpose [B, L, C] -> [B, C, L], take top-k along last axis,
    # transpose back -> [B, k, C]
    reshape_inputs = jnp.transpose(inputs, (0, 2, 1))
    pool_top_k, _ = jax.lax.top_k(reshape_inputs, TOP_K)
    reshape_pool_top_k = jnp.transpose(pool_top_k, (0, 2, 1))
    return reshape_pool_top_k

if __name__ == "__main__":
    import jax
    _d = setup_inputs()
    print(jax.jit(kernel)(*tuple(_d.values())))

</pallas_src>

<mosaic_0001>
#map = affine_map<(d0, d1) -> (0, 0, 0)>
module attributes {stable_mosaic.version = 14 : i64} {
  func.func @_kmax_body(%arg0: i32, %arg1: i32, %arg2: memref<4x8192x1024xf32, #tpu.memory_space<hbm>>, %arg3: memref<4x8x1024xf32, #tpu.memory_space<hbm>>, %arg4: memref<2x2048x16xf32, #tpu.memory_space<vmem>>, %arg5: memref<128x16xf32, #tpu.memory_space<vmem>>, %arg6: memref<128x16xi32, #tpu.memory_space<vmem>>, %arg7: memref<8x16xf32, #tpu.memory_space<vmem>>, %arg8: memref<!tpu.dma_semaphore, #tpu.memory_space<semaphore_mem>>, %arg9: memref<!tpu.dma_semaphore, #tpu.memory_space<semaphore_mem>>) attributes {dimension_semantics = [#tpu.dimension_semantics<core_parallel>, #tpu.dimension_semantics<subcore_parallel>], iteration_bounds = array<i64: 2, 16>, scalar_prefetch = 0 : i64, scratch_operands = 6 : i64, tpu.core_type = #tpu.core_type<sc_vector_subcore>, window_params = [{transform_indices = #map}, {transform_indices = #map}]} {
    %mul3A = arith.constant 2 : i32
    %mul3A_0 = arith.muli %arg1, %mul3A : i32
    %add3A = arith.addi %mul3A_0, %arg0 : i32
    %iota3A = tpu.iota {dimensions = array<i32: 0>} : vector<16xi32>
    %mul3A_1 = arith.constant 8 : i32
    %mul3A_2 = arith.muli %add3A, %mul3A_1 : i32
    %add3A_3 = arith.constant 0 : i32
    %add3A_4 = arith.addi %mul3A_2, %add3A_3 : i32
    %jit3A = arith.constant 64 : i32
    %div3A = arith.divsi %add3A_4, %jit3A : i32
    %sign3A = arith.constant 0 : i32
    %sign3A_5 = arith.cmpi sgt, %add3A_4, %sign3A : i32
    %sign3A_6 = arith.extui %sign3A_5 : i1 to i32
    %sign3A_7 = arith.constant 0 : i32
    %sign3A_8 = arith.cmpi slt, %add3A_4, %sign3A_7 : i32
    %sign3A_9 = arith.extui %sign3A_8 : i1 to i32
    %sign3A_10 = arith.subi %sign3A_6, %sign3A_9 : i32
    %sign3A_11 = arith.constant 0 : i32
    %sign3A_12 = arith.cmpi sgt, %jit3A, %sign3A_11 : i32
    %sign3A_13 = arith.extui %sign3A_12 : i1 to i32
    %sign3A_14 = arith.constant 0 : i32
    %sign3A_15 = arith.cmpi slt, %jit3A, %sign3A_14 : i32
    %sign3A_16 = arith.extui %sign3A_15 : i1 to i32
    %sign3A_17 = arith.subi %sign3A_13, %sign3A_16 : i32
    %ne3A = arith.cmpi ne, %sign3A_10, %sign3A_17 : i32
    %rem3A = arith.remsi %add3A_4, %jit3A : i32
    %ne3A_18 = arith.constant 0 : i32
    %ne3A_19 = arith.cmpi ne, %rem3A, %ne3A_18 : i32
    %and3A = arith.andi %ne3A, %ne3A_19 : i1
    %sub3A = arith.constant 1 : i32
    %sub3A_20 = arith.subi %div3A, %sub3A : i32
    %select_n3A = arith.select %and3A, %sub3A_20, %div3A : i32
    %jit3A_21 = arith.constant 64 : i32
    %eq3A = arith.constant 0 : i32
    %eq3A_22 = arith.cmpi eq, %jit3A_21, %eq3A : i32
    %jit3A_23 = arith.constant 1 : i32
    %select_n3A_24 = arith.select %eq3A_22, %jit3A_23, %jit3A_21 : i32
    %rem3A_25 = arith.remsi %add3A_4, %select_n3A_24 : i32
    %ne3A_26 = arith.constant 0 : i32
    %ne3A_27 = arith.cmpi ne, %rem3A_25, %ne3A_26 : i32
    %lt3A = arith.constant 0 : i32
    %lt3A_28 = arith.cmpi slt, %rem3A_25, %lt3A : i32
    %lt3A_29 = arith.constant 0 : i32
    %lt3A_30 = arith.cmpi slt, %select_n3A_24, %lt3A_29 : i32
    %ne3A_31 = arith.xori %lt3A_28, %lt3A_30 : i1
    %and3A_32 = arith.andi %ne3A_31, %ne3A_27 : i1
    %add3A_33 = arith.addi %rem3A_25, %select_n3A_24 : i32
    %select_n3A_34 = arith.select %and3A_32, %add3A_33, %rem3A_25 : i32
    %mul3A_35 = arith.constant 16 : i32
    %mul3A_36 = arith.muli %select_n3A_34, %mul3A_35 : i32
    %dma_start3A = arith.constant 0 : i32
    %dma_start3A_37 = arith.constant 0 : i32
    %dma_start3A_38 = arith.constant 0 : i32
    %dma_start3A_39 = tpu.memref_slice %arg4[%dma_start3A, %dma_start3A_37, %dma_start3A_38] : memref<2x2048x16xf32, #tpu.memory_space<vmem>> -> memref<1x2048x16xf32, #tpu.memory_space<vmem>>
    %dma_start3A_40 = tpu.memref_squeeze %dma_start3A_39 : memref<1x2048x16xf32, #tpu.memory_space<vmem>> -> memref<2048x16xf32, #tpu.memory_space<vmem>>
    %dma_start3A_41 = arith.constant 0 : i32
    %dma_start3A_42 = tpu.memref_slice %arg2[%select_n3A, %dma_start3A_41, %mul3A_36] : memref<4x8192x1024xf32, #tpu.memory_space<hbm>> -> memref<1x2048x16xf32, #tpu.memory_space<hbm>>
    %dma_start3A_43 = tpu.memref_squeeze %dma_start3A_42 : memref<1x2048x16xf32, #tpu.memory_space<hbm>> -> memref<2048x16xf32, #tpu.memory_space<hbm>>
    %dma_start3A_44 = arith.constant 0 : i32
    %dma_start3A_45 = arith.constant 0 : i32
    %dma_start3A_46 = tpu.memref_slice %arg4[%dma_start3A, %dma_start3A_44, %dma_start3A_45] : memref<2x2048x16xf32, #tpu.memory_space<vmem>> -> memref<1x2048x16xf32, #tpu.memory_space<vmem>>
    %dma_start3A_47 = tpu.memref_squeeze %dma_start3A_46 : memref<1x2048x16xf32, #tpu.memory_space<vmem>> -> memref<2048x16xf32, #tpu.memory_space<vmem>>
    %dma_start3A_48 = arith.constant 0 : i32
    %dma_start3A_49 = tpu.memref_slice %arg2[%select_n3A, %dma_start3A_48, %mul3A_36] : memref<4x8192x1024xf32, #tpu.memory_space<hbm>> -> memref<1x2048x16xf32, #tpu.memory_space<hbm>>
    %dma_start3A_50 = tpu.memref_squeeze %dma_start3A_49 : memref<1x2048x16xf32, #tpu.memory_space<hbm>> -> memref<2048x16xf32, #tpu.memory_space<hbm>>
    tpu.enqueue_dma source(%dma_start3A_50 : memref<2048x16xf32, #tpu.memory_space<hbm>>) target(%dma_start3A_47 : memref<2048x16xf32, #tpu.memory_space<vmem>>) target_semaphore(%arg8 : memref<!tpu.dma_semaphore, #tpu.memory_space<semaphore_mem>>)
    %broadcast_in_dim3A = arith.constant 0xFF800000 : f32
    %broadcast_in_dim3A_51 = vector.broadcast %broadcast_in_dim3A : f32 to vector<16xf32>
    %scan3A = arith.constant 0 : i32
    %scan3A_52 = arith.constant 16 : i32
    %scan3A_53 = arith.addi %scan3A, %scan3A_52 : i32
    %scan3A_54 = arith.constant 1 : i32
    %scan3A_55:16 = scf.for %scan3A_57 = %scan3A to %scan3A_53 step %scan3A_54 iter_args(%scan3A_58 = %broadcast_in_dim3A_51, %scan3A_59 = %broadcast_in_dim3A_51, %scan3A_60 = %broadcast_in_dim3A_51, %scan3A_61 = %broadcast_in_dim3A_51, %scan3A_62 = %broadcast_in_dim3A_51, %scan3A_63 = %broadcast_in_dim3A_51, %scan3A_64 = %broadcast_in_dim3A_51, %scan3A_65 = %broadcast_in_dim3A_51, %scan3A_66 = %broadcast_in_dim3A_51, %scan3A_67 = %broadcast_in_dim3A_51, %scan3A_68 = %broadcast_in_dim3A_51, %scan3A_69 = %broadcast_in_dim3A_51, %scan3A_70 = %broadcast_in_dim3A_51, %scan3A_71 = %broadcast_in_dim3A_51, %scan3A_72 = %broadcast_in_dim3A_51, %scan3A_73 = %broadcast_in_dim3A_51) -> (vector<16xf32>, vector<16xf32>, vector<16xf32>, vector<16xf32>, vector<16xf32>, vector<16xf32>, vector<16xf32>, vector<16xf32>, vector<16xf32>, vector<16xf32>, vector<16xf32>, vector<16xf32>, vector<16xf32>, vector<16xf32>, vector<16xf32>, vector<16xf32>)  : i32 {
      %mul3A_74 = arith.constant 2 : i32
      %mul3A_75 = arith.muli %scan3A_57, %mul3A_74 : i32
      %add3A_76 = arith.constant 0 : i32
      %add3A_77 = arith.addi %mul3A_75, %add3A_76 : i32
      %add3A_78 = arith.constant 1 : i32
      %add3A_79 = arith.addi %add3A_77, %add3A_78 : i32
      %lt3A_80 = arith.constant 32 : i32
      %lt3A_81 = arith.cmpi slt, %add3A_79, %lt3A_80 : i32
      %convert_element_type3A = arith.extui %lt3A_81 : i1 to i32
      %cond3A = arith.constant 0 : i32
      %cond3A_82 = arith.cmpi ne, %convert_element_type3A, %cond3A : i32
      scf.if %cond3A_82 {
        %add3A_472 = arith.constant 1 : i32
        %add3A_473 = arith.addi %add3A_77, %add3A_472 : i32
        %mul3A_474 = arith.constant 8 : i32
        %mul3A_475 = arith.muli %add3A, %mul3A_474 : i32
        %jit3A_476 = arith.constant 4 : i32
        %div3A_477 = arith.divsi %add3A_473, %jit3A_476 : i32
        %sign3A_478 = arith.constant 0 : i32
        %sign3A_479 = arith.cmpi sgt, %add3A_473, %sign3A_478 : i32
        %sign3A_480 = arith.extui %sign3A_479 : i1 to i32
        %sign3A_481 = arith.constant 0 : i32
        %sign3A_482 = arith.cmpi slt, %add3A_473, %sign3A_481 : i32
        %sign3A_483 = arith.extui %sign3A_482 : i1 to i32
        %sign3A_484 = arith.subi %sign3A_480, %sign3A_483 : i32
        %sign3A_485 = arith.constant 0 : i32
        %sign3A_486 = arith.cmpi sgt, %jit3A_476, %sign3A_485 : i32
        %sign3A_487 = arith.extui %sign3A_486 : i1 to i32
        %sign3A_488 = arith.constant 0 : i32
        %sign3A_489 = arith.cmpi slt, %jit3A_476, %sign3A_488 : i32
        %sign3A_490 = arith.extui %sign3A_489 : i1 to i32
        %sign3A_491 = arith.subi %sign3A_487, %sign3A_490 : i32
        %ne3A_492 = arith.cmpi ne, %sign3A_484, %sign3A_491 : i32
        %rem3A_493 = arith.remsi %add3A_473, %jit3A_476 : i32
        %ne3A_494 = arith.constant 0 : i32
        %ne3A_495 = arith.cmpi ne, %rem3A_493, %ne3A_494 : i32
        %and3A_496 = arith.andi %ne3A_492, %ne3A_495 : i1
        %sub3A_497 = arith.constant 1 : i32
        %sub3A_498 = arith.subi %div3A_477, %sub3A_497 : i32
        %select_n3A_499 = arith.select %and3A_496, %sub3A_498, %div3A_477 : i32
        %add3A_500 = arith.addi %mul3A_475, %select_n3A_499 : i32
        %jit3A_501 = arith.constant 64 : i32
        %div3A_502 = arith.divsi %add3A_500, %jit3A_501 : i32
        %sign3A_503 = arith.constant 0 : i32
        %sign3A_504 = arith.cmpi sgt, %add3A_500, %sign3A_503 : i32
        %sign3A_505 = arith.extui %sign3A_504 : i1 to i32
        %sign3A_506 = arith.constant 0 : i32
        %sign3A_507 = arith.cmpi slt, %add3A_500, %sign3A_506 : i32
        %sign3A_508 = arith.extui %sign3A_507 : i1 to i32
        %sign3A_509 = arith.subi %sign3A_505, %sign3A_508 : i32
        %sign3A_510 = arith.constant 0 : i32
        %sign3A_511 = arith.cmpi sgt, %jit3A_501, %sign3A_510 : i32
        %sign3A_512 = arith.extui %sign3A_511 : i1 to i32
        %sign3A_513 = arith.constant 0 : i32
        %sign3A_514 = arith.cmpi slt, %jit3A_501, %sign3A_513 : i32
        %sign3A_515 = arith.extui %sign3A_514 : i1 to i32
        %sign3A_516 = arith.subi %sign3A_512, %sign3A_515 : i32
        %ne3A_517 = arith.cmpi ne, %sign3A_509, %sign3A_516 : i32
        %rem3A_518 = arith.remsi %add3A_500, %jit3A_501 : i32
        %ne3A_519 = arith.constant 0 : i32
        %ne3A_520 = arith.cmpi ne, %rem3A_518, %ne3A_519 : i32
        %and3A_521 = arith.andi %ne3A_517, %ne3A_520 : i1
        %sub3A_522 = arith.constant 1 : i32
        %sub3A_523 = arith.subi %div3A_502, %sub3A_522 : i32
        %select_n3A_524 = arith.select %and3A_521, %sub3A_523, %div3A_502 : i32
        %jit3A_525 = arith.constant 64 : i32
        %eq3A_526 = arith.constant 0 : i32
        %eq3A_527 = arith.cmpi eq, %jit3A_525, %eq3A_526 : i32
        %jit3A_528 = arith.constant 1 : i32
        %select_n3A_529 = arith.select %eq3A_527, %jit3A_528, %jit3A_525 : i32
        %rem3A_530 = arith.remsi %add3A_500, %select_n3A_529 : i32
        %ne3A_531 = arith.constant 0 : i32
        %ne3A_532 = arith.cmpi ne, %rem3A_530, %ne3A_531 : i32
        %lt3A_533 = arith.constant 0 : i32
        %lt3A_534 = arith.cmpi slt, %rem3A_530, %lt3A_533 : i32
        %lt3A_535 = arith.constant 0 : i32
        %lt3A_536 = arith.cmpi slt, %select_n3A_529, %lt3A_535 : i32
        %ne3A_537 = arith.xori %lt3A_534, %lt3A_536 : i1
        %and3A_538 = arith.andi %ne3A_537, %ne3A_532 : i1
        %add3A_539 = arith.addi %rem3A_530, %select_n3A_529 : i32
        %select_n3A_540 = arith.select %and3A_538, %add3A_539, %rem3A_530 : i32
        %mul3A_541 = arith.constant 16 : i32
        %mul3A_542 = arith.muli %select_n3A_540, %mul3A_541 : i32
        %jit3A_543 = arith.constant 4 : i32
        %eq3A_544 = arith.constant 0 : i32
        %eq3A_545 = arith.cmpi eq, %jit3A_543, %eq3A_544 : i32
        %jit3A_546 = arith.constant 1 : i32
        %select_n3A_547 = arith.select %eq3A_545, %jit3A_546, %jit3A_543 : i32
        %rem3A_548 = arith.remsi %add3A_473, %select_n3A_547 : i32
        %ne3A_549 = arith.constant 0 : i32
        %ne3A_550 = arith.cmpi ne, %rem3A_548, %ne3A_549 : i32
        %lt3A_551 = arith.constant 0 : i32
        %lt3A_552 = arith.cmpi slt, %rem3A_548, %lt3A_551 : i32
        %lt3A_553 = arith.constant 0 : i32
        %lt3A_554 = arith.cmpi slt, %select_n3A_547, %lt3A_553 : i32
        %ne3A_555 = arith.xori %lt3A_552, %lt3A_554 : i1
        %and3A_556 = arith.andi %ne3A_555, %ne3A_550 : i1
        %add3A_557 = arith.addi %rem3A_548, %select_n3A_547 : i32
        %select_n3A_558 = arith.select %and3A_556, %add3A_557, %rem3A_548 : i32
        %mul3A_559 = arith.constant 2048 : i32
        %mul3A_560 = arith.muli %select_n3A_558, %mul3A_559 : i32
        %dma_start3A_561 = arith.constant 1 : i32
        %dma_start3A_562 = arith.constant 0 : i32
        %dma_start3A_563 = arith.constant 0 : i32
        %dma_start3A_564 = tpu.memref_slice %arg4[%dma_start3A_561, %dma_start3A_562, %dma_start3A_563] : memref<2x2048x16xf32, #tpu.memory_space<vmem>> -> memref<1x2048x16xf32, #tpu.memory_space<vmem>>
        %dma_start3A_565 = tpu.memref_squeeze %dma_start3A_564 : memref<1x2048x16xf32, #tpu.memory_space<vmem>> -> memref<2048x16xf32, #tpu.memory_space<vmem>>
        %dma_start3A_566 = tpu.memref_slice %arg2[%select_n3A_524, %mul3A_560, %mul3A_542] : memref<4x8192x1024xf32, #tpu.memory_space<hbm>> -> memref<1x2048x16xf32, #tpu.memory_space<hbm>>
        %dma_start3A_567 = tpu.memref_squeeze %dma_start3A_566 : memref<1x2048x16xf32, #tpu.memory_space<hbm>> -> memref<2048x16xf32, #tpu.memory_space<hbm>>
        %dma_start3A_568 = arith.constant 0 : i32
        %dma_start3A_569 = arith.constant 0 : i32
        %dma_start3A_570 = tpu.memref_slice %arg4[%dma_start3A_561, %dma_start3A_568, %dma_start3A_569] : memref<2x2048x16xf32, #tpu.memory_space<vmem>> -> memref<1x2048x16xf32, #tpu.memory_space<vmem>>
        %dma_start3A_571 = tpu.memref_squeeze %dma_start3A_570 : memref<1x2048x16xf32, #tpu.memory_space<vmem>> -> memref<2048x16xf32, #tpu.memory_space<vmem>>
        %dma_start3A_572 = tpu.memref_slice %arg2[%select_n3A_524, %mul3A_560, %mul3A_542] : memref<4x8192x1024xf32, #tpu.memory_space<hbm>> -> memref<1x2048x16xf32, #tpu.memory_space<hbm>>
        %dma_start3A_573 = tpu.memref_squeeze %dma_start3A_572 : memref<1x2048x16xf32, #tpu.memory_space<hbm>> -> memref<2048x16xf32, #tpu.memory_space<hbm>>
        tpu.enqueue_dma source(%dma_start3A_573 : memref<2048x16xf32, #tpu.memory_space<hbm>>) target(%dma_start3A_571 : memref<2048x16xf32, #tpu.memory_space<vmem>>) target_semaphore(%arg9 : memref<!tpu.dma_semaphore, #tpu.memory_space<semaphore_mem>>)
      } else {
      }
      %mul3A_83 = arith.constant 8 : i32
      %mul3A_84 = arith.muli %add3A, %mul3A_83 : i32
      %jit3A_85 = arith.constant 4 : i32
      %div3A_86 = arith.divsi %add3A_77, %jit3A_85 : i32
      %sign3A_87 = arith.constant 0 : i32
      %sign3A_88 = arith.cmpi sgt, %add3A_77, %sign3A_87 : i32
      %sign3A_89 = arith.extui %sign3A_88 : i1 to i32
      %sign3A_90 = arith.constant 0 : i32
      %sign3A_91 = arith.cmpi slt, %add3A_77, %sign3A_90 : i32
      %sign3A_92 = arith.extui %sign3A_91 : i1 to i32
      %sign3A_93 = arith.subi %sign3A_89, %sign3A_92 : i32
      %sign3A_94 = arith.constant 0 : i32
      %sign3A_95 = arith.cmpi sgt, %jit3A_85, %sign3A_94 : i32
      %sign3A_96 = arith.extui %sign3A_95 : i1 to i32
      %sign3A_97 = arith.constant 0 : i32
      %sign3A_98 = arith.cmpi slt, %jit3A_85, %sign3A_97 : i32
      %sign3A_99 = arith.extui %sign3A_98 : i1 to i32
      %sign3A_100 = arith.subi %sign3A_96, %sign3A_99 : i32
      %ne3A_101 = arith.cmpi ne, %sign3A_93, %sign3A_100 : i32
      %rem3A_102 = arith.remsi %add3A_77, %jit3A_85 : i32
      %ne3A_103 = arith.constant 0 : i32
      %ne3A_104 = arith.cmpi ne, %rem3A_102, %ne3A_103 : i32
      %and3A_105 = arith.andi %ne3A_101, %ne3A_104 : i1
      %sub3A_106 = arith.constant 1 : i32
      %sub3A_107 = arith.subi %div3A_86, %sub3A_106 : i32
      %select_n3A_108 = arith.select %and3A_105, %sub3A_107, %div3A_86 : i32
      %add3A_109 = arith.addi %mul3A_84, %select_n3A_108 : i32
      %jit3A_110 = arith.constant 64 : i32
      %div3A_111 = arith.divsi %add3A_109, %jit3A_110 : i32
      %sign3A_112 = arith.constant 0 : i32
      %sign3A_113 = arith.cmpi sgt, %add3A_109, %sign3A_112 : i32
      %sign3A_114 = arith.extui %sign3A_113 : i1 to i32
      %sign3A_115 = arith.constant 0 : i32
      %sign3A_116 = arith.cmpi slt, %add3A_109, %sign3A_115 : i32
      %sign3A_117 = arith.extui %sign3A_116 : i1 to i32
      %sign3A_118 = arith.subi %sign3A_114, %sign3A_117 : i32
      %sign3A_119 = arith.constant 0 : i32
      %sign3A_120 = arith.cmpi sgt, %jit3A_110, %sign3A_119 : i32
      %sign3A_121 = arith.extui %sign3A_120 : i1 to i32
      %sign3A_122 = arith.constant 0 : i32
      %sign3A_123 = arith.cmpi slt, %jit3A_110, %sign3A_122 : i32
      %sign3A_124 = arith.extui %sign3A_123 : i1 to i32
      %sign3A_125 = arith.subi %sign3A_121, %sign3A_124 : i32
      %ne3A_126 = arith.cmpi ne, %sign3A_118, %sign3A_125 : i32
      %rem3A_127 = arith.remsi %add3A_109, %jit3A_110 : i32
      %ne3A_128 = arith.constant 0 : i32
      %ne3A_129 = arith.cmpi ne, %rem3A_127, %ne3A_128 : i32
      %and3A_130 = arith.andi %ne3A_126, %ne3A_129 : i1
      %sub3A_131 = arith.constant 1 : i32
      %sub3A_132 = arith.subi %div3A_111, %sub3A_131 : i32
      %select_n3A_133 = arith.select %and3A_130, %sub3A_132, %div3A_111 : i32
      %jit3A_134 = arith.constant 64 : i32
      %eq3A_135 = arith.constant 0 : i32
      %eq3A_136 = arith.cmpi eq, %jit3A_134, %eq3A_135 : i32
      %jit3A_137 = arith.constant 1 : i32
      %select_n3A_138 = arith.select %eq3A_136, %jit3A_137, %jit3A_134 : i32
      %rem3A_139 = arith.remsi %add3A_109, %select_n3A_138 : i32
      %ne3A_140 = arith.constant 0 : i32
      %ne3A_141 = arith.cmpi ne, %rem3A_139, %ne3A_140 : i32
      %lt3A_142 = arith.constant 0 : i32
      %lt3A_143 = arith.cmpi slt, %rem3A_139, %lt3A_142 : i32
      %lt3A_144 = arith.constant 0 : i32
      %lt3A_145 = arith.cmpi slt, %select_n3A_138, %lt3A_144 : i32
      %ne3A_146 = arith.xori %lt3A_143, %lt3A_145 : i1
      %and3A_147 = arith.andi %ne3A_146, %ne3A_141 : i1
      %add3A_148 = arith.addi %rem3A_139, %select_n3A_138 : i32
      %select_n3A_149 = arith.select %and3A_147, %add3A_148, %rem3A_139 : i32
      %mul3A_150 = arith.constant 16 : i32
      %mul3A_151 = arith.muli %select_n3A_149, %mul3A_150 : i32
      %jit3A_152 = arith.constant 4 : i32
      %eq3A_153 = arith.constant 0 : i32
      %eq3A_154 = arith.cmpi eq, %jit3A_152, %eq3A_153 : i32
      %jit3A_155 = arith.constant 1 : i32
      %select_n3A_156 = arith.select %eq3A_154, %jit3A_155, %jit3A_152 : i32
      %rem3A_157 = arith.remsi %add3A_77, %select_n3A_156 : i32
      %ne3A_158 = arith.constant 0 : i32
      %ne3A_159 = arith.cmpi ne, %rem3A_157, %ne3A_158 : i32
      %lt3A_160 = arith.constant 0 : i32
      %lt3A_161 = arith.cmpi slt, %rem3A_157, %lt3A_160 : i32
      %lt3A_162 = arith.constant 0 : i32
      %lt3A_163 = arith.cmpi slt, %select_n3A_156, %lt3A_162 : i32
      %ne3A_164 = arith.xori %lt3A_161, %lt3A_163 : i1
      %and3A_165 = arith.andi %ne3A_164, %ne3A_159 : i1
      %add3A_166 = arith.addi %rem3A_157, %select_n3A_156 : i32
      %select_n3A_167 = arith.select %and3A_165, %add3A_166, %rem3A_157 : i32
      %mul3A_168 = arith.constant 2048 : i32
      %mul3A_169 = arith.muli %select_n3A_167, %mul3A_168 : i32
      %dma_wait3A = arith.constant 0 : i32
      %dma_wait3A_170 = arith.constant 0 : i32
      %dma_wait3A_171 = arith.constant 0 : i32
      %dma_wait3A_172 = tpu.memref_slice %arg4[%dma_wait3A, %dma_wait3A_170, %dma_wait3A_171] : memref<2x2048x16xf32, #tpu.memory_space<vmem>> -> memref<1x2048x16xf32, #tpu.memory_space<vmem>>
      %dma_wait3A_173 = tpu.memref_squeeze %dma_wait3A_172 : memref<1x2048x16xf32, #tpu.memory_space<vmem>> -> memref<2048x16xf32, #tpu.memory_space<vmem>>
      %dma_wait3A_174 = tpu.memref_slice %arg2[%select_n3A_133, %mul3A_169, %mul3A_151] : memref<4x8192x1024xf32, #tpu.memory_space<hbm>> -> memref<1x2048x16xf32, #tpu.memory_space<hbm>>
      %dma_wait3A_175 = tpu.memref_squeeze %dma_wait3A_174 : memref<1x2048x16xf32, #tpu.memory_space<hbm>> -> memref<2048x16xf32, #tpu.memory_space<hbm>>
      %dma_wait3A_176 = arith.constant 0 : i32
      %dma_wait3A_177 = arith.constant 0 : i32
      %dma_wait3A_178 = tpu.memref_slice %arg4[%dma_wait3A, %dma_wait3A_176, %dma_wait3A_177] : memref<2x2048x16xf32, #tpu.memory_space<vmem>> -> memref<1x2048x16xf32, #tpu.memory_space<vmem>>
      %dma_wait3A_179 = tpu.memref_squeeze %dma_wait3A_178 : memref<1x2048x16xf32, #tpu.memory_space<vmem>> -> memref<2048x16xf32, #tpu.memory_space<vmem>>
      %dma_wait3A_180 = tpu.memref_slice %arg2[%select_n3A_133, %mul3A_169, %mul3A_151] : memref<4x8192x1024xf32, #tpu.memory_space<hbm>> -> memref<1x2048x16xf32, #tpu.memory_space<hbm>>
      %dma_wait3A_181 = tpu.memref_squeeze %dma_wait3A_180 : memref<1x2048x16xf32, #tpu.memory_space<hbm>> -> memref<2048x16xf32, #tpu.memory_space<hbm>>
      tpu.wait_dma2 semaphore(%arg8 : memref<!tpu.dma_semaphore, #tpu.memory_space<semaphore_mem>>) src(%dma_wait3A_181 : memref<2048x16xf32, #tpu.memory_space<hbm>>) dst(%dma_wait3A_179 : memref<2048x16xf32, #tpu.memory_space<vmem>>)
      %jit3A_182 = arith.constant 4 : i32
      %eq3A_183 = arith.constant 0 : i32
      %eq3A_184 = arith.cmpi eq, %jit3A_182, %eq3A_183 : i32
      %jit3A_185 = arith.constant 1 : i32
      %select_n3A_186 = arith.select %eq3A_184, %jit3A_185, %jit3A_182 : i32
      %rem3A_187 = arith.remsi %add3A_77, %select_n3A_186 : i32
      %ne3A_188 = arith.constant 0 : i32
      %ne3A_189 = arith.cmpi ne, %rem3A_187, %ne3A_188 : i32
      %lt3A_190 = arith.constant 0 : i32
      %lt3A_191 = arith.cmpi slt, %rem3A_187, %lt3A_190 : i32
      %lt3A_192 = arith.constant 0 : i32
      %lt3A_193 = arith.cmpi slt, %select_n3A_186, %lt3A_192 : i32
      %ne3A_194 = arith.xori %lt3A_191, %lt3A_193 : i1
      %and3A_195 = arith.andi %ne3A_194, %ne3A_189 : i1
      %add3A_196 = arith.addi %rem3A_187, %select_n3A_186 : i32
      %select_n3A_197 = arith.select %and3A_195, %add3A_196, %rem3A_187 : i32
      %eq3A_198 = arith.constant 0 : i32
      %eq3A_199 = arith.cmpi eq, %select_n3A_197, %eq3A_198 : i32
      %select_n3A_200 = arith.select %eq3A_199, %broadcast_in_dim3A_51, %scan3A_58 : vector<16xf32>
      %select_n3A_201 = arith.select %eq3A_199, %broadcast_in_dim3A_51, %scan3A_59 : vector<16xf32>
      %select_n3A_202 = arith.select %eq3A_199, %broadcast_in_dim3A_51, %scan3A_60 : vector<16xf32>
      %select_n3A_203 = arith.select %eq3A_199, %broadcast_in_dim3A_51, %scan3A_61 : vector<16xf32>
      %select_n3A_204 = arith.select %eq3A_199, %broadcast_in_dim3A_51, %scan3A_62 : vector<16xf32>
      %select_n3A_205 = arith.select %eq3A_199, %broadcast_in_dim3A_51, %scan3A_63 : vector<16xf32>
      %select_n3A_206 = arith.select %eq3A_199, %broadcast_in_dim3A_51, %scan3A_64 : vector<16xf32>
      %select_n3A_207 = arith.select %eq3A_199, %broadcast_in_dim3A_51, %scan3A_65 : vector<16xf32>
      %select_n3A_208 = arith.select %eq3A_199, %broadcast_in_dim3A_51, %scan3A_66 : vector<16xf32>
      %select_n3A_209 = arith.select %eq3A_199, %broadcast_in_dim3A_51, %scan3A_67 : vector<16xf32>
      %select_n3A_210 = arith.select %eq3A_199, %broadcast_in_dim3A_51, %scan3A_68 : vector<16xf32>
      %select_n3A_211 = arith.select %eq3A_199, %broadcast_in_dim3A_51, %scan3A_69 : vector<16xf32>
      %select_n3A_212 = arith.select %eq3A_199, %broadcast_in_dim3A_51, %scan3A_70 : vector<16xf32>
      %select_n3A_213 = arith.select %eq3A_199, %broadcast_in_dim3A_51, %scan3A_71 : vector<16xf32>
      %select_n3A_214 = arith.select %eq3A_199, %broadcast_in_dim3A_51, %scan3A_72 : vector<16xf32>
      %select_n3A_215 = arith.select %eq3A_199, %broadcast_in_dim3A_51, %scan3A_73 : vector<16xf32>
      %scan3A_216 = arith.constant 0 : i32
      %scan3A_217 = arith.constant 0 : i32
      %scan3A_218 = arith.constant 128 : i32
      %scan3A_219 = arith.addi %scan3A_217, %scan3A_218 : i32
      %scan3A_220 = arith.constant 1 : i32
      %scan3A_221:8 = scf.for %scan3A_472 = %scan3A_217 to %scan3A_219 step %scan3A_220 iter_args(%scan3A_473 = %select_n3A_208, %scan3A_474 = %select_n3A_209, %scan3A_475 = %select_n3A_210, %scan3A_476 = %select_n3A_211, %scan3A_477 = %select_n3A_212, %scan3A_478 = %select_n3A_213, %scan3A_479 = %select_n3A_214, %scan3A_480 = %select_n3A_215) -> (vector<16xf32>, vector<16xf32>, vector<16xf32>, vector<16xf32>, vector<16xf32>, vector<16xf32>, vector<16xf32>, vector<16xf32>)  : i32 {
        %mul3A_481 = arith.constant 16 : i32
        %mul3A_482 = arith.muli %scan3A_472, %mul3A_481 : i32
        %get3A = arith.constant 0 : i32
        %get3A_483 = arith.constant 0 : i32
        %get3A_484 = tpu.memref_slice %arg4[%scan3A_216, %get3A, %get3A_483] : memref<2x2048x16xf32, #tpu.memory_space<vmem>> -> memref<1x2048x16xf32, #tpu.memory_space<vmem>>
        %get3A_485 = tpu.memref_squeeze %get3A_484 : memref<1x2048x16xf32, #tpu.memory_space<vmem>> -> memref<2048x16xf32, #tpu.memory_space<vmem>>
        %get3A_486 = arith.index_cast %mul3A_482 : i32 to index
        %get3A_487 = arith.constant 0 : index
        %get3A_488 = tpu.vector_load %get3A_485[%get3A_486, %get3A_487] {strides = array<i32>} : memref<2048x16xf32, #tpu.memory_space<vmem>>, vector<16xf32>,
        %add3A_489 = arith.constant 1 : i32
        %add3A_490 = arith.addi %mul3A_482, %add3A_489 : i32
        %get3A_491 = arith.constant 0 : i32
        %get3A_492 = arith.constant 0 : i32
        %get3A_493 = tpu.memref_slice %arg4[%scan3A_216, %get3A_491, %get3A_492] : memref<2x2048x16xf32, #tpu.memory_space<vmem>> -> memref<1x2048x16xf32, #tpu.memory_space<vmem>>
        %get3A_494 = tpu.memref_squeeze %get3A_493 : memref<1x2048x16xf32, #tpu.memory_space<vmem>> -> memref<2048x16xf32, #tpu.memory_space<vmem>>
        %get3A_495 = arith.index_cast %add3A_490 : i32 to index
        %get3A_496 = arith.constant 0 : index
        %get3A_497 = tpu.vector_load %get3A_494[%get3A_495, %get3A_496] {strides = array<i32>} : memref<2048x16xf32, #tpu.memory_space<vmem>>, vector<16xf32>,
        %max3A_498 = arith.maximumf %get3A_488, %get3A_497 : vector<16xf32>
        %add3A_499 = arith.constant 2 : i32
        %add3A_500 = arith.addi %mul3A_482, %add3A_499 : i32
        %get3A_501 = arith.constant 0 : i32
        %get3A_502 = arith.constant 0 : i32
        %get3A_503 = tpu.memref_slice %arg4[%scan3A_216, %get3A_501, %get3A_502] : memref<2x2048x16xf32, #tpu.memory_space<vmem>> -> memref<1x2048x16xf32, #tpu.memory_space<vmem>>
        %get3A_504 = tpu.memref_squeeze %get3A_503 : memref<1x2048x16xf32, #tpu.memory_space<vmem>> -> memref<2048x16xf32, #tpu.memory_space<vmem>>
        %get3A_505 = arith.index_cast %add3A_500 : i32 to index
        %get3A_506 = arith.constant 0 : index
        %get3A_507 = tpu.vector_load %get3A_504[%get3A_505, %get3A_506] {strides = array<i32>} : memref<2048x16xf32, #tpu.memory_space<vmem>>, vector<16xf32>,
        %max3A_508 = arith.maximumf %max3A_498, %get3A_507 : vector<16xf32>
        %add3A_509 = arith.constant 3 : i32
        %add3A_510 = arith.addi %mul3A_482, %add3A_509 : i32
        %get3A_511 = arith.constant 0 : i32
        %get3A_512 = arith.constant 0 : i32
        %get3A_513 = tpu.memref_slice %arg4[%scan3A_216, %get3A_511, %get3A_512] : memref<2x2048x16xf32, #tpu.memory_space<vmem>> -> memref<1x2048x16xf32, #tpu.memory_space<vmem>>
        %get3A_514 = tpu.memref_squeeze %get3A_513 : memref<1x2048x16xf32, #tpu.memory_space<vmem>> -> memref<2048x16xf32, #tpu.memory_space<vmem>>
        %get3A_515 = arith.index_cast %add3A_510 : i32 to index
        %get3A_516 = arith.constant 0 : index
        %get3A_517 = tpu.vector_load %get3A_514[%get3A_515, %get3A_516] {strides = array<i32>} : memref<2048x16xf32, #tpu.memory_space<vmem>>, vector<16xf32>,
        %max3A_518 = arith.maximumf %max3A_508, %get3A_517 : vector<16xf32>
        %add3A_519 = arith.constant 4 : i32
        %add3A_520 = arith.addi %mul3A_482, %add3A_519 : i32
        %get3A_521 = arith.constant 0 : i32
        %get3A_522 = arith.constant 0 : i32
        %get3A_523 = tpu.memref_slice %arg4[%scan3A_216, %get3A_521, %get3A_522] : memref<2x2048x16xf32, #tpu.memory_space<vmem>> -> memref<1x2048x16xf32, #tpu.memory_space<vmem>>
        %get3A_524 = tpu.memref_squeeze %get3A_523 : memref<1x2048x16xf32, #tpu.memory_space<vmem>> -> memref<2048x16xf32, #tpu.memory_space<vmem>>
        %get3A_525 = arith.index_cast %add3A_520 : i32 to index
        %get3A_526 = arith.constant 0 : index
        %get3A_527 = tpu.vector_load %get3A_524[%get3A_525, %get3A_526] {strides = array<i32>} : memref<2048x16xf32, #tpu.memory_space<vmem>>, vector<16xf32>,
        %max3A_528 = arith.maximumf %max3A_518, %get3A_527 : vector<16xf32>
        %add3A_529 = arith.constant 5 : i32
        %add3A_530 = arith.addi %mul3A_482, %add3A_529 : i32
        %get3A_531 = arith.constant 0 : i32
        %get3A_532 = arith.constant 0 : i32
        %get3A_533 = tpu.memref_slice %arg4[%scan3A_216, %get3A_531, %get3A_532] : memref<2x2048x16xf32, #tpu.memory_space<vmem>> -> memref<1x2048x16xf32, #tpu.memory_space<vmem>>
        %get3A_534 = tpu.memref_squeeze %get3A_533 : memref<1x2048x16xf32, #tpu.memory_space<vmem>> -> memref<2048x16xf32, #tpu.memory_space<vmem>>
        %get3A_535 = arith.index_cast %add3A_530 : i32 to index
        %get3A_536 = arith.constant 0 : index
        %get3A_537 = tpu.vector_load %get3A_534[%get3A_535, %get3A_536] {strides = array<i32>} : memref<2048x16xf32, #tpu.memory_space<vmem>>, vector<16xf32>,
        %max3A_538 = arith.maximumf %max3A_528, %get3A_537 : vector<16xf32>
        %add3A_539 = arith.constant 6 : i32
        %add3A_540 = arith.addi %mul3A_482, %add3A_539 : i32
        %get3A_541 = arith.constant 0 : i32
        %get3A_542 = arith.constant 0 : i32
        %get3A_543 = tpu.memref_slice %arg4[%scan3A_216, %get3A_541, %get3A_542] : memref<2x2048x16xf32, #tpu.memory_space<vmem>> -> memref<1x2048x16xf32, #tpu.memory_space<vmem>>
        %get3A_544 = tpu.memref_squeeze %get3A_543 : memref<1x2048x16xf32, #tpu.memory_space<vmem>> -> memref<2048x16xf32, #tpu.memory_space<vmem>>
        %get3A_545 = arith.index_cast %add3A_540 : i32 to index
        %get3A_546 = arith.constant 0 : index
        %get3A_547 = tpu.vector_load %get3A_544[%get3A_545, %get3A_546] {strides = array<i32>} : memref<2048x16xf32, #tpu.memory_space<vmem>>, vector<16xf32>,
        %max3A_548 = arith.maximumf %max3A_538, %get3A_547 : vector<16xf32>
        %add3A_549 = arith.constant 7 : i32
        %add3A_550 = arith.addi %mul3A_482, %add3A_549 : i32
        %get3A_551 = arith.constant 0 : i32
        %get3A_552 = arith.constant 0 : i32
        %get3A_553 = tpu.memref_slice %arg4[%scan3A_216, %get3A_551, %get3A_552] : memref<2x2048x16xf32, #tpu.memory_space<vmem>> -> memref<1x2048x16xf32, #tpu.memory_space<vmem>>
        %get3A_554 = tpu.memref_squeeze %get3A_553 : memref<1x2048x16xf32, #tpu.memory_space<vmem>> -> memref<2048x16xf32, #tpu.memory_space<vmem>>
        %get3A_555 = arith.index_cast %add3A_550 : i32 to index
        %get3A_556 = arith.constant 0 : index
        %get3A_557 = tpu.vector_load %get3A_554[%get3A_555, %get3A_556] {strides = array<i32>} : memref<2048x16xf32, #tpu.memory_space<vmem>>, vector<16xf32>,
        %max3A_558 = arith.maximumf %max3A_548, %get3A_557 : vector<16xf32>
        %add3A_559 = arith.constant 8 : i32
        %add3A_560 = arith.addi %mul3A_482, %add3A_559 : i32
        %get3A_561 = arith.constant 0 : i32
        %get3A_562 = arith.constant 0 : i32
        %get3A_563 = tpu.memref_slice %arg4[%scan3A_216, %get3A_561, %get3A_562] : memref<2x2048x16xf32, #tpu.memory_space<vmem>> -> memref<1x2048x16xf32, #tpu.memory_space<vmem>>
        %get3A_564 = tpu.memref_squeeze %get3A_563 : memref<1x2048x16xf32, #tpu.memory_space<vmem>> -> memref<2048x16xf32, #tpu.memory_space<vmem>>
        %get3A_565 = arith.index_cast %add3A_560 : i32 to index
        %get3A_566 = arith.constant 0 : index
        %get3A_567 = tpu.vector_load %get3A_564[%get3A_565, %get3A_566] {strides = array<i32>} : memref<2048x16xf32, #tpu.memory_space<vmem>>, vector<16xf32>,
        %max3A_568 = arith.maximumf %max3A_558, %get3A_567 : vector<16xf32>
        %add3A_569 = arith.constant 9 : i32
        %add3A_570 = arith.addi %mul3A_482, %add3A_569 : i32
        %get3A_571 = arith.constant 0 : i32
        %get3A_572 = arith.constant 0 : i32
        %get3A_573 = tpu.memref_slice %arg4[%scan3A_216, %get3A_571, %get3A_572] : memref<2x2048x16xf32, #tpu.memory_space<vmem>> -> memref<1x2048x16xf32, #tpu.memory_space<vmem>>
        %get3A_574 = tpu.memref_squeeze %get3A_573 : memref<1x2048x16xf32, #tpu.memory_space<vmem>> -> memref<2048x16xf32, #tpu.memory_space<vmem>>
        %get3A_575 = arith.index_cast %add3A_570 : i32 to index
        %get3A_576 = arith.constant 0 : index
        %get3A_577 = tpu.vector_load %get3A_574[%get3A_575, %get3A_576] {strides = array<i32>} : memref<2048x16xf32, #tpu.memory_space<vmem>>, vector<16xf32>,
        %max3A_578 = arith.maximumf %max3A_568, %get3A_577 : vector<16xf32>
        %add3A_579 = arith.constant 10 : i32
        %add3A_580 = arith.addi %mul3A_482, %add3A_579 : i32
        %get3A_581 = arith.constant 0 : i32
        %get3A_582 = arith.constant 0 : i32
        %get3A_583 = tpu.memref_slice %arg4[%scan3A_216, %get3A_581, %get3A_582] : memref<2x2048x16xf32, #tpu.memory_space<vmem>> -> memref<1x2048x16xf32, #tpu.memory_space<vmem>>
        %get3A_584 = tpu.memref_squeeze %get3A_583 : memref<1x2048x16xf32, #tpu.memory_space<vmem>> -> memref<2048x16xf32, #tpu.memory_space<vmem>>
        %get3A_585 = arith.index_cast %add3A_580 : i32 to index
        %get3A_586 = arith.constant 0 : index
        %get3A_587 = tpu.vector_load %get3A_584[%get3A_585, %get3A_586] {strides = array<i32>} : memref<2048x16xf32, #tpu.memory_space<vmem>>, vector<16xf32>,
        %max3A_588 = arith.maximumf %max3A_578, %get3A_587 : vector<16xf32>
        %add3A_589 = arith.constant 11 : i32
        %add3A_590 = arith.addi %mul3A_482, %add3A_589 : i32
        %get3A_591 = arith.constant 0 : i32
        %get3A_592 = arith.constant 0 : i32
        %get3A_593 = tpu.memref_slice %arg4[%scan3A_216, %get3A_591, %get3A_592] : memref<2x2048x16xf32, #tpu.memory_space<vmem>> -> memref<1x2048x16xf32, #tpu.memory_space<vmem>>
        %get3A_594 = tpu.memref_squeeze %get3A_593 : memref<1x2048x16xf32, #tpu.memory_space<vmem>> -> memref<2048x16xf32, #tpu.memory_space<vmem>>
        %get3A_595 = arith.index_cast %add3A_590 : i32 to index
        %get3A_596 = arith.constant 0 : index
        %get3A_597 = tpu.vector_load %get3A_594[%get3A_595, %get3A_596] {strides = array<i32>} : memref<2048x16xf32, #tpu.memory_space<vmem>>, vector<16xf32>,
        %max3A_598 = arith.maximumf %max3A_588, %get3A_597 : vector<16xf32>
        %add3A_599 = arith.constant 12 : i32
        %add3A_600 = arith.addi %mul3A_482, %add3A_599 : i32
        %get3A_601 = arith.constant 0 : i32
        %get3A_602 = arith.constant 0 : i32
        %get3A_603 = tpu.memref_slice %arg4[%scan3A_216, %get3A_601, %get3A_602] : memref<2x2048x16xf32, #tpu.memory_space<vmem>> -> memref<1x2048x16xf32, #tpu.memory_space<vmem>>
        %get3A_604 = tpu.memref_squeeze %get3A_603 : memref<1x2048x16xf32, #tpu.memory_space<vmem>> -> memref<2048x16xf32, #tpu.memory_space<vmem>>
        %get3A_605 = arith.index_cast %add3A_600 : i32 to index
        %get3A_606 = arith.constant 0 : index
        %get3A_607 = tpu.vector_load %get3A_604[%get3A_605, %get3A_606] {strides = array<i32>} : memref<2048x16xf32, #tpu.memory_space<vmem>>, vector<16xf32>,
        %max3A_608 = arith.maximumf %max3A_598, %get3A_607 : vector<16xf32>
        %add3A_609 = arith.constant 13 : i32
        %add3A_610 = arith.addi %mul3A_482, %add3A_609 : i32
        %get3A_611 = arith.constant 0 : i32
        %get3A_612 = arith.constant 0 : i32
        %get3A_613 = tpu.memref_slice %arg4[%scan3A_216, %get3A_611, %get3A_612] : memref<2x2048x16xf32, #tpu.memory_space<vmem>> -> memref<1x2048x16xf32, #tpu.memory_space<vmem>>
        %get3A_614 = tpu.memref_squeeze %get3A_613 : memref<1x2048x16xf32, #tpu.memory_space<vmem>> -> memref<2048x16xf32, #tpu.memory_space<vmem>>
        %get3A_615 = arith.index_cast %add3A_610 : i32 to index
        %get3A_616 = arith.constant 0 : index
        %get3A_617 = tpu.vector_load %get3A_614[%get3A_615, %get3A_616] {strides = array<i32>} : memref<2048x16xf32, #tpu.memory_space<vmem>>, vector<16xf32>,
        %max3A_618 = arith.maximumf %max3A_608, %get3A_617 : vector<16xf32>
        %add3A_619 = arith.constant 14 : i32
        %add3A_620 = arith.addi %mul3A_482, %add3A_619 : i32
        %get3A_621 = arith.constant 0 : i32
        %get3A_622 = arith.constant 0 : i32
        %get3A_623 = tpu.memref_slice %arg4[%scan3A_216, %get3A_621, %get3A_622] : memref<2x2048x16xf32, #tpu.memory_space<vmem>> -> memref<1x2048x16xf32, #tpu.memory_space<vmem>>
        %get3A_624 = tpu.memref_squeeze %get3A_623 : memref<1x2048x16xf32, #tpu.memory_space<vmem>> -> memref<2048x16xf32, #tpu.memory_space<vmem>>
        %get3A_625 = arith.index_cast %add3A_620 : i32 to index
        %get3A_626 = arith.constant 0 : index
        %get3A_627 = tpu.vector_load %get3A_624[%get3A_625, %get3A_626] {strides = array<i32>} : memref<2048x16xf32, #tpu.memory_space<vmem>>, vector<16xf32>,
        %max3A_628 = arith.maximumf %max3A_618, %get3A_627 : vector<16xf32>
        %add3A_629 = arith.constant 15 : i32
        %add3A_630 = arith.addi %mul3A_482, %add3A_629 : i32
        %get3A_631 = arith.constant 0 : i32
        %get3A_632 = arith.constant 0 : i32
        %get3A_633 = tpu.memref_slice %arg4[%scan3A_216, %get3A_631, %get3A_632] : memref<2x2048x16xf32, #tpu.memory_space<vmem>> -> memref<1x2048x16xf32, #tpu.memory_space<vmem>>
        %get3A_634 = tpu.memref_squeeze %get3A_633 : memref<1x2048x16xf32, #tpu.memory_space<vmem>> -> memref<2048x16xf32, #tpu.memory_space<vmem>>
        %get3A_635 = arith.index_cast %add3A_630 : i32 to index
        %get3A_636 = arith.constant 0 : index
        %get3A_637 = tpu.vector_load %get3A_634[%get3A_635, %get3A_636] {strides = array<i32>} : memref<2048x16xf32, #tpu.memory_space<vmem>>, vector<16xf32>,
        %max3A_638 = arith.maximumf %max3A_628, %get3A_637 : vector<16xf32>
        %swap3A = arith.index_cast %scan3A_472 : i32 to index
        %swap3A_639 = arith.constant 0 : index
        %swap3A_640 = tpu.vector_load %arg5[%swap3A, %swap3A_639] {strides = array<i32>} : memref<128x16xf32, #tpu.memory_space<vmem>>, vector<16xf32>,
        tpu.vector_store %arg5[%swap3A, %swap3A_639], %max3A_638 {strides = array<i32>} : memref<128x16xf32, #tpu.memory_space<vmem>>, vector<16xf32>,
        %max3A_641 = arith.maximumf %scan3A_473, %max3A_638 : vector<16xf32>
        %min3A = arith.minimumf %scan3A_473, %max3A_638 : vector<16xf32>
        %max3A_642 = arith.maximumf %scan3A_474, %min3A : vector<16xf32>
        %min3A_643 = arith.minimumf %scan3A_474, %min3A : vector<16xf32>
        %max3A_644 = arith.maximumf %scan3A_475, %min3A_643 : vector<16xf32>
        %min3A_645 = arith.minimumf %scan3A_475, %min3A_643 : vector<16xf32>
        %max3A_646 = arith.maximumf %scan3A_476, %min3A_645 : vector<16xf32>
        %min3A_647 = arith.minimumf %scan3A_476, %min3A_645 : vector<16xf32>
        %max3A_648 = arith.maximumf %scan3A_477, %min3A_647 : vector<16xf32>
        %min3A_649 = arith.minimumf %scan3A_477, %min3A_647 : vector<16xf32>
        %max3A_650 = arith.maximumf %scan3A_478, %min3A_649 : vector<16xf32>
        %min3A_651 = arith.minimumf %scan3A_478, %min3A_649 : vector<16xf32>
        %max3A_652 = arith.maximumf %scan3A_479, %min3A_651 : vector<16xf32>
        %min3A_653 = arith.minimumf %scan3A_479, %min3A_651 : vector<16xf32>
        %max3A_654 = arith.maximumf %scan3A_480, %min3A_653 : vector<16xf32>
        %min3A_655 = arith.minimumf %scan3A_480, %min3A_653 : vector<16xf32>
        scf.yield %max3A_641, %max3A_642, %max3A_644, %max3A_646, %max3A_648, %max3A_650, %max3A_652, %max3A_654 : vector<16xf32>, vector<16xf32>, vector<16xf32>, vector<16xf32>, vector<16xf32>, vector<16xf32>, vector<16xf32>, vector<16xf32>
      }
      %scan3A_222 = arith.constant 128 : i32
      %max3A = arith.maximumf %scan3A_221#7, %select_n3A_207 : vector<16xf32>
      %broadcast_in_dim3A_223 = arith.constant 0 : i32
      %broadcast_in_dim3A_224 = vector.broadcast %broadcast_in_dim3A_223 : i32 to vector<16xi32>
      %scan3A_225 = arith.constant 0 : i32
      %scan3A_226 = arith.constant 128 : i32
      %scan3A_227 = arith.addi %scan3A_225, %scan3A_226 : i32
      %scan3A_228 = arith.constant 1 : i32
      %scan3A_229 = scf.for %scan3A_472 = %scan3A_225 to %scan3A_227 step %scan3A_228 iter_args(%scan3A_473 = %broadcast_in_dim3A_224) -> (vector<16xi32>)  : i32 {
        %get3A = arith.index_cast %scan3A_472 : i32 to index
        %get3A_474 = arith.constant 0 : index
        %get3A_475 = tpu.vector_load %arg5[%get3A, %get3A_474] {strides = array<i32>} : memref<128x16xf32, #tpu.memory_space<vmem>>, vector<16xf32>,
        %ge3A = arith.cmpf oge, %get3A_475, %max3A : vector<16xf32>
        %broadcast_in_dim3A_476 = vector.broadcast %scan3A_472 : i32 to vector<16xi32>
        tpu.vector_store_idx %arg6[%scan3A_473, %iota3A], %broadcast_in_dim3A_476 masked %ge3A : memref<128x16xi32, #tpu.memory_space<vmem>>[vector<16xi32>, vector<16xi32>], vector<16xi32>, vector<16xi1>
        %jit3A_477 = arith.constant 1 : i32
        %jit3A_478 = arith.constant 0 : i32
        %broadcast_in_dim3A_479 = vector.broadcast %jit3A_477 : i32 to vector<16xi32>
        %broadcast_in_dim3A_480 = vector.broadcast %jit3A_478 : i32 to vector<16xi32>
        %select_n3A_481 = arith.select %ge3A, %broadcast_in_dim3A_479, %broadcast_in_dim3A_480 : vector<16xi1>, vector<16xi32>
        %add3A_482 = arith.addi %scan3A_473, %select_n3A_481 : vector<16xi32>
        scf.yield %add3A_482 : vector<16xi32>
      }
      %scan3A_230 = arith.constant 128 : i32
      %reduce_max3A = arith.constant true
      %reduce_max3A_231 = vector.broadcast %reduce_max3A : i1 to vector<16xi1>
      %reduce_max3A_232 = arith.constant -2147483648 : i32
      %reduce_max3A_233 = vector.broadcast %reduce_max3A_232 : i32 to vector<16xi32>
      %reduce_max3A_234 = arith.xori %scan3A_229, %reduce_max3A_233 : vector<16xi32>
      %reduce_max3A_235 = tpu.scan <max>, %reduce_max3A_234 masked %reduce_max3A_231 : vector<16xi32>, vector<16xi1> -> vector<16xi32>
      %reduce_max3A_236 = arith.xori %reduce_max3A_235, %reduce_max3A_233 : vector<16xi32>
      %reduce_max3A_237 = vector.extract %reduce_max3A_236[15] : i32 from vector<16xi32>
      %while3A = arith.constant 0 : i32
      %while3A_238 = arith.constant 0 : i32
      %while3A_239 = arith.subi %reduce_max3A_237, %while3A_238 : i32
      %while3A_240 = arith.addi %while3A_238, %while3A_239 : i32
      %while3A_241 = arith.constant 1 : i32
      %while3A_242 = arith.divsi %while3A_239, %while3A_241 : i32
      %while3A_243 = arith.muli %while3A_242, %while3A_241 : i32
      %while3A_244 = arith.addi %while3A_238, %while3A_243 : i32
      %while3A_245 = arith.constant 1 : i32
      %while3A_246:8 = scf.for %while3A_472 = %while3A_238 to %while3A_244 step %while3A_245 iter_args(%while3A_473 = %select_n3A_200, %while3A_474 = %select_n3A_201, %while3A_475 = %select_n3A_202, %while3A_476 = %select_n3A_203, %while3A_477 = %select_n3A_204, %while3A_478 = %select_n3A_205, %while3A_479 = %select_n3A_206, %while3A_480 = %select_n3A_207) -> (vector<16xf32>, vector<16xf32>, vector<16xf32>, vector<16xf32>, vector<16xf32>, vector<16xf32>, vector<16xf32>, vector<16xf32>)  : i32 {
        %lt3A_481 = vector.broadcast %while3A_472 : i32 to vector<16xi32>
        %lt3A_482 = arith.cmpi slt, %lt3A_481, %scan3A_229 : vector<16xi32>
        %get3A = arith.index_cast %while3A_472 : i32 to index
        %get3A_483 = arith.constant 0 : index
        %get3A_484 = tpu.vector_load %arg6[%get3A, %get3A_483] {strides = array<i32>} : memref<128x16xi32, #tpu.memory_space<vmem>>, vector<16xi32>,
        %jit3A_485 = arith.constant 0 : i32
        %jit3A_486 = arith.constant 127 : i32
        %max3A_487 = vector.broadcast %jit3A_485 : i32 to vector<16xi32>
        %max3A_488 = arith.maxsi %max3A_487, %get3A_484 : vector<16xi32>
        %min3A = vector.broadcast %jit3A_486 : i32 to vector<16xi32>
        %min3A_489 = arith.minsi %min3A, %max3A_488 : vector<16xi32>
        %mul3A_490 = arith.constant 16 : i32
        %mul3A_491 = vector.broadcast %mul3A_490 : i32 to vector<16xi32>
        %mul3A_492 = arith.muli %min3A_489, %mul3A_491 : vector<16xi32>
        %add3A_493 = arith.constant 0 : i32
        %add3A_494 = vector.broadcast %add3A_493 : i32 to vector<16xi32>
        %add3A_495 = arith.addi %mul3A_492, %add3A_494 : vector<16xi32>
        %gather3A = arith.constant 0 : i32
        %gather3A_496 = arith.constant 0 : i32
        %gather3A_497 = tpu.memref_slice %arg4[%while3A, %gather3A, %gather3A_496] : memref<2x2048x16xf32, #tpu.memory_space<vmem>> -> memref<1x2048x16xf32, #tpu.memory_space<vmem>>
        %gather3A_498 = tpu.memref_squeeze %gather3A_497 : memref<1x2048x16xf32, #tpu.memory_space<vmem>> -> memref<2048x16xf32, #tpu.memory_space<vmem>>
        %gather3A_499 = tpu.vector_load_idx %gather3A_498[%add3A_495, %iota3A] : memref<2048x16xf32, #tpu.memory_space<vmem>>[vector<16xi32>, vector<16xi32>], vector<16xf32>,
        %broadcast_in_dim3A_500 = arith.constant 0xFF800000 : f32
        %broadcast_in_dim3A_501 = vector.broadcast %broadcast_in_dim3A_500 : f32 to vector<16xf32>
        %select_n3A_502 = arith.select %lt3A_482, %gather3A_499, %broadcast_in_dim3A_501 : vector<16xi1>, vector<16xf32>
        %max3A_503 = arith.maximumf %while3A_473, %select_n3A_502 : vector<16xf32>
        %min3A_504 = arith.minimumf %while3A_473, %select_n3A_502 : vector<16xf32>
        %max3A_505 = arith.maximumf %while3A_474, %min3A_504 : vector<16xf32>
        %min3A_506 = arith.minimumf %while3A_474, %min3A_504 : vector<16xf32>
        %max3A_507 = arith.maximumf %while3A_475, %min3A_506 : vector<16xf32>
        %min3A_508 = arith.minimumf %while3A_475, %min3A_506 : vector<16xf32>
        %max3A_509 = arith.maximumf %while3A_476, %min3A_508 : vector<16xf32>
        %min3A_510 = arith.minimumf %while3A_476, %min3A_508 : vector<16xf32>
        %max3A_511 = arith.maximumf %while3A_477, %min3A_510 : vector<16xf32>
        %min3A_512 = arith.minimumf %while3A_477, %min3A_510 : vector<16xf32>
        %max3A_513 = arith.maximumf %while3A_478, %min3A_512 : vector<16xf32>
        %min3A_514 = arith.minimumf %while3A_478, %min3A_512 : vector<16xf32>
        %max3A_515 = arith.maximumf %while3A_479, %min3A_514 : vector<16xf32>
        %min3A_516 = arith.minimumf %while3A_479, %min3A_514 : vector<16xf32>
        %max3A_517 = arith.maximumf %while3A_480, %min3A_516 : vector<16xf32>
        %min3A_518 = arith.minimumf %while3A_480, %min3A_516 : vector<16xf32>
        %add3A_519 = arith.constant 1 : i32
        %add3A_520 = vector.broadcast %add3A_519 : i32 to vector<16xi32>
        %add3A_521 = arith.addi %mul3A_492, %add3A_520 : vector<16xi32>
        %gather3A_522 = arith.constant 0 : i32
        %gather3A_523 = arith.constant 0 : i32
        %gather3A_524 = tpu.memref_slice %arg4[%while3A, %gather3A_522, %gather3A_523] : memref<2x2048x16xf32, #tpu.memory_space<vmem>> -> memref<1x2048x16xf32, #tpu.memory_space<vmem>>
        %gather3A_525 = tpu.memref_squeeze %gather3A_524 : memref<1x2048x16xf32, #tpu.memory_space<vmem>> -> memref<2048x16xf32, #tpu.memory_space<vmem>>
        %gather3A_526 = tpu.vector_load_idx %gather3A_525[%add3A_521, %iota3A] : memref<2048x16xf32, #tpu.memory_space<vmem>>[vector<16xi32>, vector<16xi32>], vector<16xf32>,
        %broadcast_in_dim3A_527 = arith.constant 0xFF800000 : f32
        %broadcast_in_dim3A_528 = vector.broadcast %broadcast_in_dim3A_527 : f32 to vector<16xf32>
        %select_n3A_529 = arith.select %lt3A_482, %gather3A_526, %broadcast_in_dim3A_528 : vector<16xi1>, vector<16xf32>
        %max3A_530 = arith.maximumf %max3A_503, %select_n3A_529 : vector<16xf32>
        %min3A_531 = arith.minimumf %max3A_503, %select_n3A_529 : vector<16xf32>
        %max3A_532 = arith.maximumf %max3A_505, %min3A_531 : vector<16xf32>
        %min3A_533 = arith.minimumf %max3A_505, %min3A_531 : vector<16xf32>
        %max3A_534 = arith.maximumf %max3A_507, %min3A_533 : vector<16xf32>
        %min3A_535 = arith.minimumf %max3A_507, %min3A_533 : vector<16xf32>
        %max3A_536 = arith.maximumf %max3A_509, %min3A_535 : vector<16xf32>
        %min3A_537 = arith.minimumf %max3A_509, %min3A_535 : vector<16xf32>
        %max3A_538 = arith.maximumf %max3A_511, %min3A_537 : vector<16xf32>
        %min3A_539 = arith.minimumf %max3A_511, %min3A_537 : vector<16xf32>
        %max3A_540 = arith.maximumf %max3A_513, %min3A_539 : vector<16xf32>
        %min3A_541 = arith.minimumf %max3A_513, %min3A_539 : vector<16xf32>
        %max3A_542 = arith.maximumf %max3A_515, %min3A_541 : vector<16xf32>
        %min3A_543 = arith.minimumf %max3A_515, %min3A_541 : vector<16xf32>
        %max3A_544 = arith.maximumf %max3A_517, %min3A_543 : vector<16xf32>
        %min3A_545 = arith.minimumf %max3A_517, %min3A_543 : vector<16xf32>
        %add3A_546 = arith.constant 2 : i32
        %add3A_547 = vector.broadcast %add3A_546 : i32 to vector<16xi32>
        %add3A_548 = arith.addi %mul3A_492, %add3A_547 : vector<16xi32>
        %gather3A_549 = arith.constant 0 : i32
        %gather3A_550 = arith.constant 0 : i32
        %gather3A_551 = tpu.memref_slice %arg4[%while3A, %gather3A_549, %gather3A_550] : memref<2x2048x16xf32, #tpu.memory_space<vmem>> -> memref<1x2048x16xf32, #tpu.memory_space<vmem>>
        %gather3A_552 = tpu.memref_squeeze %gather3A_551 : memref<1x2048x16xf32, #tpu.memory_space<vmem>> -> memref<2048x16xf32, #tpu.memory_space<vmem>>
        %gather3A_553 = tpu.vector_load_idx %gather3A_552[%add3A_548, %iota3A] : memref<2048x16xf32, #tpu.memory_space<vmem>>[vector<16xi32>, vector<16xi32>], vector<16xf32>,
        %broadcast_in_dim3A_554 = arith.constant 0xFF800000 : f32
        %broadcast_in_dim3A_555 = vector.broadcast %broadcast_in_dim3A_554 : f32 to vector<16xf32>
        %select_n3A_556 = arith.select %lt3A_482, %gather3A_553, %broadcast_in_dim3A_555 : vector<16xi1>, vector<16xf32>
        %max3A_557 = arith.maximumf %max3A_530, %select_n3A_556 : vector<16xf32>
        %min3A_558 = arith.minimumf %max3A_530, %select_n3A_556 : vector<16xf32>
        %max3A_559 = arith.maximumf %max3A_532, %min3A_558 : vector<16xf32>
        %min3A_560 = arith.minimumf %max3A_532, %min3A_558 : vector<16xf32>
        %max3A_561 = arith.maximumf %max3A_534, %min3A_560 : vector<16xf32>
        %min3A_562 = arith.minimumf %max3A_534, %min3A_560 : vector<16xf32>
        %max3A_563 = arith.maximumf %max3A_536, %min3A_562 : vector<16xf32>
        %min3A_564 = arith.minimumf %max3A_536, %min3A_562 : vector<16xf32>
        %max3A_565 = arith.maximumf %max3A_538, %min3A_564 : vector<16xf32>
        %min3A_566 = arith.minimumf %max3A_538, %min3A_564 : vector<16xf32>
        %max3A_567 = arith.maximumf %max3A_540, %min3A_566 : vector<16xf32>
        %min3A_568 = arith.minimumf %max3A_540, %min3A_566 : vector<16xf32>
        %max3A_569 = arith.maximumf %max3A_542, %min3A_568 : vector<16xf32>
        %min3A_570 = arith.minimumf %max3A_542, %min3A_568 : vector<16xf32>
        %max3A_571 = arith.maximumf %max3A_544, %min3A_570 : vector<16xf32>
        %min3A_572 = arith.minimumf %max3A_544, %min3A_570 : vector<16xf32>
        %add3A_573 = arith.constant 3 : i32
        %add3A_574 = vector.broadcast %add3A_573 : i32 to vector<16xi32>
        %add3A_575 = arith.addi %mul3A_492, %add3A_574 : vector<16xi32>
        %gather3A_576 = arith.constant 0 : i32
        %gather3A_577 = arith.constant 0 : i32
        %gather3A_578 = tpu.memref_slice %arg4[%while3A, %gather3A_576, %gather3A_577] : memref<2x2048x16xf32, #tpu.memory_space<vmem>> -> memref<1x2048x16xf32, #tpu.memory_space<vmem>>
        %gather3A_579 = tpu.memref_squeeze %gather3A_578 : memref<1x2048x16xf32, #tpu.memory_space<vmem>> -> memref<2048x16xf32, #tpu.memory_space<vmem>>
        %gather3A_580 = tpu.vector_load_idx %gather3A_579[%add3A_575, %iota3A] : memref<2048x16xf32, #tpu.memory_space<vmem>>[vector<16xi32>, vector<16xi32>], vector<16xf32>,
        %broadcast_in_dim3A_581 = arith.constant 0xFF800000 : f32
        %broadcast_in_dim3A_582 = vector.broadcast %broadcast_in_dim3A_581 : f32 to vector<16xf32>
        %select_n3A_583 = arith.select %lt3A_482, %gather3A_580, %broadcast_in_dim3A_582 : vector<16xi1>, vector<16xf32>
        %max3A_584 = arith.maximumf %max3A_557, %select_n3A_583 : vector<16xf32>
        %min3A_585 = arith.minimumf %max3A_557, %select_n3A_583 : vector<16xf32>
        %max3A_586 = arith.maximumf %max3A_559, %min3A_585 : vector<16xf32>
        %min3A_587 = arith.minimumf %max3A_559, %min3A_585 : vector<16xf32>
        %max3A_588 = arith.maximumf %max3A_561, %min3A_587 : vector<16xf32>
        %min3A_589 = arith.minimumf %max3A_561, %min3A_587 : vector<16xf32>
        %max3A_590 = arith.maximumf %max3A_563, %min3A_589 : vector<16xf32>
        %min3A_591 = arith.minimumf %max3A_563, %min3A_589 : vector<16xf32>
        %max3A_592 = arith.maximumf %max3A_565, %min3A_591 : vector<16xf32>
        %min3A_593 = arith.minimumf %max3A_565, %min3A_591 : vector<16xf32>
        %max3A_594 = arith.maximumf %max3A_567, %min3A_593 : vector<16xf32>
        %min3A_595 = arith.minimumf %max3A_567, %min3A_593 : vector<16xf32>
        %max3A_596 = arith.maximumf %max3A_569, %min3A_595 : vector<16xf32>
        %min3A_597 = arith.minimumf %max3A_569, %min3A_595 : vector<16xf32>
        %max3A_598 = arith.maximumf %max3A_571, %min3A_597 : vector<16xf32>
        %min3A_599 = arith.minimumf %max3A_571, %min3A_597 : vector<16xf32>
        %add3A_600 = arith.constant 4 : i32
        %add3A_601 = vector.broadcast %add3A_600 : i32 to vector<16xi32>
        %add3A_602 = arith.addi %mul3A_492, %add3A_601 : vector<16xi32>
        %gather3A_603 = arith.constant 0 : i32
        %gather3A_604 = arith.constant 0 : i32
        %gather3A_605 = tpu.memref_slice %arg4[%while3A, %gather3A_603, %gather3A_604] : memref<2x2048x16xf32, #tpu.memory_space<vmem>> -> memref<1x2048x16xf32, #tpu.memory_space<vmem>>
        %gather3A_606 = tpu.memref_squeeze %gather3A_605 : memref<1x2048x16xf32, #tpu.memory_space<vmem>> -> memref<2048x16xf32, #tpu.memory_space<vmem>>
        %gather3A_607 = tpu.vector_load_idx %gather3A_606[%add3A_602, %iota3A] : memref<2048x16xf32, #tpu.memory_space<vmem>>[vector<16xi32>, vector<16xi32>], vector<16xf32>,
        %broadcast_in_dim3A_608 = arith.constant 0xFF800000 : f32
        %broadcast_in_dim3A_609 = vector.broadcast %broadcast_in_dim3A_608 : f32 to vector<16xf32>
        %select_n3A_610 = arith.select %lt3A_482, %gather3A_607, %broadcast_in_dim3A_609 : vector<16xi1>, vector<16xf32>
        %max3A_611 = arith.maximumf %max3A_584, %select_n3A_610 : vector<16xf32>
        %min3A_612 = arith.minimumf %max3A_584, %select_n3A_610 : vector<16xf32>
        %max3A_613 = arith.maximumf %max3A_586, %min3A_612 : vector<16xf32>
        %min3A_614 = arith.minimumf %max3A_586, %min3A_612 : vector<16xf32>
        %max3A_615 = arith.maximumf %max3A_588, %min3A_614 : vector<16xf32>
        %min3A_616 = arith.minimumf %max3A_588, %min3A_614 : vector<16xf32>
        %max3A_617 = arith.maximumf %max3A_590, %min3A_616 : vector<16xf32>
        %min3A_618 = arith.minimumf %max3A_590, %min3A_616 : vector<16xf32>
        %max3A_619 = arith.maximumf %max3A_592, %min3A_618 : vector<16xf32>
        %min3A_620 = arith.minimumf %max3A_592, %min3A_618 : vector<16xf32>
        %max3A_621 = arith.maximumf %max3A_594, %min3A_620 : vector<16xf32>
        %min3A_622 = arith.minimumf %max3A_594, %min3A_620 : vector<16xf32>
        %max3A_623 = arith.maximumf %max3A_596, %min3A_622 : vector<16xf32>
        %min3A_624 = arith.minimumf %max3A_596, %min3A_622 : vector<16xf32>
        %max3A_625 = arith.maximumf %max3A_598, %min3A_624 : vector<16xf32>
        %min3A_626 = arith.minimumf %max3A_598, %min3A_624 : vector<16xf32>
        %add3A_627 = arith.constant 5 : i32
        %add3A_628 = vector.broadcast %add3A_627 : i32 to vector<16xi32>
        %add3A_629 = arith.addi %mul3A_492, %add3A_628 : vector<16xi32>
        %gather3A_630 = arith.constant 0 : i32
        %gather3A_631 = arith.constant 0 : i32
        %gather3A_632 = tpu.memref_slice %arg4[%while3A, %gather3A_630, %gather3A_631] : memref<2x2048x16xf32, #tpu.memory_space<vmem>> -> memref<1x2048x16xf32, #tpu.memory_space<vmem>>
        %gather3A_633 = tpu.memref_squeeze %gather3A_632 : memref<1x2048x16xf32, #tpu.memory_space<vmem>> -> memref<2048x16xf32, #tpu.memory_space<vmem>>
        %gather3A_634 = tpu.vector_load_idx %gather3A_633[%add3A_629, %iota3A] : memref<2048x16xf32, #tpu.memory_space<vmem>>[vector<16xi32>, vector<16xi32>], vector<16xf32>,
        %broadcast_in_dim3A_635 = arith.constant 0xFF800000 : f32
        %broadcast_in_dim3A_636 = vector.broadcast %broadcast_in_dim3A_635 : f32 to vector<16xf32>
        %select_n3A_637 = arith.select %lt3A_482, %gather3A_634, %broadcast_in_dim3A_636 : vector<16xi1>, vector<16xf32>
        %max3A_638 = arith.maximumf %max3A_611, %select_n3A_637 : vector<16xf32>
        %min3A_639 = arith.minimumf %max3A_611, %select_n3A_637 : vector<16xf32>
        %max3A_640 = arith.maximumf %max3A_613, %min3A_639 : vector<16xf32>
        %min3A_641 = arith.minimumf %max3A_613, %min3A_639 : vector<16xf32>
        %max3A_642 = arith.maximumf %max3A_615, %min3A_641 : vector<16xf32>
        %min3A_643 = arith.minimumf %max3A_615, %min3A_641 : vector<16xf32>
        %max3A_644 = arith.maximumf %max3A_617, %min3A_643 : vector<16xf32>
        %min3A_645 = arith.minimumf %max3A_617, %min3A_643 : vector<16xf32>
        %max3A_646 = arith.maximumf %max3A_619, %min3A_645 : vector<16xf32>
        %min3A_647 = arith.minimumf %max3A_619, %min3A_645 : vector<16xf32>
        %max3A_648 = arith.maximumf %max3A_621, %min3A_647 : vector<16xf32>
        %min3A_649 = arith.minimumf %max3A_621, %min3A_647 : vector<16xf32>
        %max3A_650 = arith.maximumf %max3A_623, %min3A_649 : vector<16xf32>
        %min3A_651 = arith.minimumf %max3A_623, %min3A_649 : vector<16xf32>
        %max3A_652 = arith.maximumf %max3A_625, %min3A_651 : vector<16xf32>
        %min3A_653 = arith.minimumf %max3A_625, %min3A_651 : vector<16xf32>
        %add3A_654 = arith.constant 6 : i32
        %add3A_655 = vector.broadcast %add3A_654 : i32 to vector<16xi32>
        %add3A_656 = arith.addi %mul3A_492, %add3A_655 : vector<16xi32>
        %gather3A_657 = arith.constant 0 : i32
        %gather3A_658 = arith.constant 0 : i32
        %gather3A_659 = tpu.memref_slice %arg4[%while3A, %gather3A_657, %gather3A_658] : memref<2x2048x16xf32, #tpu.memory_space<vmem>> -> memref<1x2048x16xf32, #tpu.memory_space<vmem>>
        %gather3A_660 = tpu.memref_squeeze %gather3A_659 : memref<1x2048x16xf32, #tpu.memory_space<vmem>> -> memref<2048x16xf32, #tpu.memory_space<vmem>>
        %gather3A_661 = tpu.vector_load_idx %gather3A_660[%add3A_656, %iota3A] : memref<2048x16xf32, #tpu.memory_space<vmem>>[vector<16xi32>, vector<16xi32>], vector<16xf32>,
        %broadcast_in_dim3A_662 = arith.constant 0xFF800000 : f32
        %broadcast_in_dim3A_663 = vector.broadcast %broadcast_in_dim3A_662 : f32 to vector<16xf32>
        %select_n3A_664 = arith.select %lt3A_482, %gather3A_661, %broadcast_in_dim3A_663 : vector<16xi1>, vector<16xf32>
        %max3A_665 = arith.maximumf %max3A_638, %select_n3A_664 : vector<16xf32>
        %min3A_666 = arith.minimumf %max3A_638, %select_n3A_664 : vector<16xf32>
        %max3A_667 = arith.maximumf %max3A_640, %min3A_666 : vector<16xf32>
        %min3A_668 = arith.minimumf %max3A_640, %min3A_666 : vector<16xf32>
        %max3A_669 = arith.maximumf %max3A_642, %min3A_668 : vector<16xf32>
        %min3A_670 = arith.minimumf %max3A_642, %min3A_668 : vector<16xf32>
        %max3A_671 = arith.maximumf %max3A_644, %min3A_670 : vector<16xf32>
        %min3A_672 = arith.minimumf %max3A_644, %min3A_670 : vector<16xf32>
        %max3A_673 = arith.maximumf %max3A_646, %min3A_672 : vector<16xf32>
        %min3A_674 = arith.minimumf %max3A_646, %min3A_672 : vector<16xf32>
        %max3A_675 = arith.maximumf %max3A_648, %min3A_674 : vector<16xf32>
        %min3A_676 = arith.minimumf %max3A_648, %min3A_674 : vector<16xf32>
        %max3A_677 = arith.maximumf %max3A_650, %min3A_676 : vector<16xf32>
        %min3A_678 = arith.minimumf %max3A_650, %min3A_676 : vector<16xf32>
        %max3A_679 = arith.maximumf %max3A_652, %min3A_678 : vector<16xf32>
        %min3A_680 = arith.minimumf %max3A_652, %min3A_678 : vector<16xf32>
        %add3A_681 = arith.constant 7 : i32
        %add3A_682 = vector.broadcast %add3A_681 : i32 to vector<16xi32>
        %add3A_683 = arith.addi %mul3A_492, %add3A_682 : vector<16xi32>
        %gather3A_684 = arith.constant 0 : i32
        %gather3A_685 = arith.constant 0 : i32
        %gather3A_686 = tpu.memref_slice %arg4[%while3A, %gather3A_684, %gather3A_685] : memref<2x2048x16xf32, #tpu.memory_space<vmem>> -> memref<1x2048x16xf32, #tpu.memory_space<vmem>>
        %gather3A_687 = tpu.memref_squeeze %gather3A_686 : memref<1x2048x16xf32, #tpu.memory_space<vmem>> -> memref<2048x16xf32, #tpu.memory_space<vmem>>
        %gather3A_688 = tpu.vector_load_idx %gather3A_687[%add3A_683, %iota3A] : memref<2048x16xf32, #tpu.memory_space<vmem>>[vector<16xi32>, vector<16xi32>], vector<16xf32>,
        %broadcast_in_dim3A_689 = arith.constant 0xFF800000 : f32
        %broadcast_in_dim3A_690 = vector.broadcast %broadcast_in_dim3A_689 : f32 to vector<16xf32>
        %select_n3A_691 = arith.select %lt3A_482, %gather3A_688, %broadcast_in_dim3A_690 : vector<16xi1>, vector<16xf32>
        %max3A_692 = arith.maximumf %max3A_665, %select_n3A_691 : vector<16xf32>
        %min3A_693 = arith.minimumf %max3A_665, %select_n3A_691 : vector<16xf32>
        %max3A_694 = arith.maximumf %max3A_667, %min3A_693 : vector<16xf32>
        %min3A_695 = arith.minimumf %max3A_667, %min3A_693 : vector<16xf32>
        %max3A_696 = arith.maximumf %max3A_669, %min3A_695 : vector<16xf32>
        %min3A_697 = arith.minimumf %max3A_669, %min3A_695 : vector<16xf32>
        %max3A_698 = arith.maximumf %max3A_671, %min3A_697 : vector<16xf32>
        %min3A_699 = arith.minimumf %max3A_671, %min3A_697 : vector<16xf32>
        %max3A_700 = arith.maximumf %max3A_673, %min3A_699 : vector<16xf32>
        %min3A_701 = arith.minimumf %max3A_673, %min3A_699 : vector<16xf32>
        %max3A_702 = arith.maximumf %max3A_675, %min3A_701 : vector<16xf32>
        %min3A_703 = arith.minimumf %max3A_675, %min3A_701 : vector<16xf32>
        %max3A_704 = arith.maximumf %max3A_677, %min3A_703 : vector<16xf32>
        %min3A_705 = arith.minimumf %max3A_677, %min3A_703 : vector<16xf32>
        %max3A_706 = arith.maximumf %max3A_679, %min3A_705 : vector<16xf32>
        %min3A_707 = arith.minimumf %max3A_679, %min3A_705 : vector<16xf32>
        %add3A_708 = arith.constant 8 : i32
        %add3A_709 = vector.broadcast %add3A_708 : i32 to vector<16xi32>
        %add3A_710 = arith.addi %mul3A_492, %add3A_709 : vector<16xi32>
        %gather3A_711 = arith.constant 0 : i32
        %gather3A_712 = arith.constant 0 : i32
        %gather3A_713 = tpu.memref_slice %arg4[%while3A, %gather3A_711, %gather3A_712] : memref<2x2048x16xf32, #tpu.memory_space<vmem>> -> memref<1x2048x16xf32, #tpu.memory_space<vmem>>
        %gather3A_714 = tpu.memref_squeeze %gather3A_713 : memref<1x2048x16xf32, #tpu.memory_space<vmem>> -> memref<2048x16xf32, #tpu.memory_space<vmem>>
        %gather3A_715 = tpu.vector_load_idx %gather3A_714[%add3A_710, %iota3A] : memref<2048x16xf32, #tpu.memory_space<vmem>>[vector<16xi32>, vector<16xi32>], vector<16xf32>,
        %broadcast_in_dim3A_716 = arith.constant 0xFF800000 : f32
        %broadcast_in_dim3A_717 = vector.broadcast %broadcast_in_dim3A_716 : f32 to vector<16xf32>
        %select_n3A_718 = arith.select %lt3A_482, %gather3A_715, %broadcast_in_dim3A_717 : vector<16xi1>, vector<16xf32>
        %max3A_719 = arith.maximumf %max3A_692, %select_n3A_718 : vector<16xf32>
        %min3A_720 = arith.minimumf %max3A_692, %select_n3A_718 : vector<16xf32>
        %max3A_721 = arith.maximumf %max3A_694, %min3A_720 : vector<16xf32>
        %min3A_722 = arith.minimumf %max3A_694, %min3A_720 : vector<16xf32>
        %max3A_723 = arith.maximumf %max3A_696, %min3A_722 : vector<16xf32>
        %min3A_724 = arith.minimumf %max3A_696, %min3A_722 : vector<16xf32>
        %max3A_725 = arith.maximumf %max3A_698, %min3A_724 : vector<16xf32>
        %min3A_726 = arith.minimumf %max3A_698, %min3A_724 : vector<16xf32>
        %max3A_727 = arith.maximumf %max3A_700, %min3A_726 : vector<16xf32>
        %min3A_728 = arith.minimumf %max3A_700, %min3A_726 : vector<16xf32>
        %max3A_729 = arith.maximumf %max3A_702, %min3A_728 : vector<16xf32>
        %min3A_730 = arith.minimumf %max3A_702, %min3A_728 : vector<16xf32>
        %max3A_731 = arith.maximumf %max3A_704, %min3A_730 : vector<16xf32>
        %min3A_732 = arith.minimumf %max3A_704, %min3A_730 : vector<16xf32>
        %max3A_733 = arith.maximumf %max3A_706, %min3A_732 : vector<16xf32>
        %min3A_734 = arith.minimumf %max3A_706, %min3A_732 : vector<16xf32>
        %add3A_735 = arith.constant 9 : i32
        %add3A_736 = vector.broadcast %add3A_735 : i32 to vector<16xi32>
        %add3A_737 = arith.addi %mul3A_492, %add3A_736 : vector<16xi32>
        %gather3A_738 = arith.constant 0 : i32
        %gather3A_739 = arith.constant 0 : i32
        %gather3A_740 = tpu.memref_slice %arg4[%while3A, %gather3A_738, %gather3A_739] : memref<2x2048x16xf32, #tpu.memory_space<vmem>> -> memref<1x2048x16xf32, #tpu.memory_space<vmem>>
        %gather3A_741 = tpu.memref_squeeze %gather3A_740 : memref<1x2048x16xf32, #tpu.memory_space<vmem>> -> memref<2048x16xf32, #tpu.memory_space<vmem>>
        %gather3A_742 = tpu.vector_load_idx %gather3A_741[%add3A_737, %iota3A] : memref<2048x16xf32, #tpu.memory_space<vmem>>[vector<16xi32>, vector<16xi32>], vector<16xf32>,
        %broadcast_in_dim3A_743 = arith.constant 0xFF800000 : f32
        %broadcast_in_dim3A_744 = vector.broadcast %broadcast_in_dim3A_743 : f32 to vector<16xf32>
        %select_n3A_745 = arith.select %lt3A_482, %gather3A_742, %broadcast_in_dim3A_744 : vector<16xi1>, vector<16xf32>
        %max3A_746 = arith.maximumf %max3A_719, %select_n3A_745 : vector<16xf32>
        %min3A_747 = arith.minimumf %max3A_719, %select_n3A_745 : vector<16xf32>
        %max3A_748 = arith.maximumf %max3A_721, %min3A_747 : vector<16xf32>
        %min3A_749 = arith.minimumf %max3A_721, %min3A_747 : vector<16xf32>
        %max3A_750 = arith.maximumf %max3A_723, %min3A_749 : vector<16xf32>
        %min3A_751 = arith.minimumf %max3A_723, %min3A_749 : vector<16xf32>
        %max3A_752 = arith.maximumf %max3A_725, %min3A_751 : vector<16xf32>
        %min3A_753 = arith.minimumf %max3A_725, %min3A_751 : vector<16xf32>
        %max3A_754 = arith.maximumf %max3A_727, %min3A_753 : vector<16xf32>
        %min3A_755 = arith.minimumf %max3A_727, %min3A_753 : vector<16xf32>
        %max3A_756 = arith.maximumf %max3A_729, %min3A_755 : vector<16xf32>
        %min3A_757 = arith.minimumf %max3A_729, %min3A_755 : vector<16xf32>
        %max3A_758 = arith.maximumf %max3A_731, %min3A_757 : vector<16xf32>
        %min3A_759 = arith.minimumf %max3A_731, %min3A_757 : vector<16xf32>
        %max3A_760 = arith.maximumf %max3A_733, %min3A_759 : vector<16xf32>
        %min3A_761 = arith.minimumf %max3A_733, %min3A_759 : vector<16xf32>
        %add3A_762 = arith.constant 10 : i32
        %add3A_763 = vector.broadcast %add3A_762 : i32 to vector<16xi32>
        %add3A_764 = arith.addi %mul3A_492, %add3A_763 : vector<16xi32>
        %gather3A_765 = arith.constant 0 : i32
        %gather3A_766 = arith.constant 0 : i32
        %gather3A_767 = tpu.memref_slice %arg4[%while3A, %gather3A_765, %gather3A_766] : memref<2x2048x16xf32, #tpu.memory_space<vmem>> -> memref<1x2048x16xf32, #tpu.memory_space<vmem>>
        %gather3A_768 = tpu.memref_squeeze %gather3A_767 : memref<1x2048x16xf32, #tpu.memory_space<vmem>> -> memref<2048x16xf32, #tpu.memory_space<vmem>>
        %gather3A_769 = tpu.vector_load_idx %gather3A_768[%add3A_764, %iota3A] : memref<2048x16xf32, #tpu.memory_space<vmem>>[vector<16xi32>, vector<16xi32>], vector<16xf32>,
        %broadcast_in_dim3A_770 = arith.constant 0xFF800000 : f32
        %broadcast_in_dim3A_771 = vector.broadcast %broadcast_in_dim3A_770 : f32 to vector<16xf32>
        %select_n3A_772 = arith.select %lt3A_482, %gather3A_769, %broadcast_in_dim3A_771 : vector<16xi1>, vector<16xf32>
        %max3A_773 = arith.maximumf %max3A_746, %select_n3A_772 : vector<16xf32>
        %min3A_774 = arith.minimumf %max3A_746, %select_n3A_772 : vector<16xf32>
        %max3A_775 = arith.maximumf %max3A_748, %min3A_774 : vector<16xf32>
        %min3A_776 = arith.minimumf %max3A_748, %min3A_774 : vector<16xf32>
        %max3A_777 = arith.maximumf %max3A_750, %min3A_776 : vector<16xf32>
        %min3A_778 = arith.minimumf %max3A_750, %min3A_776 : vector<16xf32>
        %max3A_779 = arith.maximumf %max3A_752, %min3A_778 : vector<16xf32>
        %min3A_780 = arith.minimumf %max3A_752, %min3A_778 : vector<16xf32>
        %max3A_781 = arith.maximumf %max3A_754, %min3A_780 : vector<16xf32>
        %min3A_782 = arith.minimumf %max3A_754, %min3A_780 : vector<16xf32>
        %max3A_783 = arith.maximumf %max3A_756, %min3A_782 : vector<16xf32>
        %min3A_784 = arith.minimumf %max3A_756, %min3A_782 : vector<16xf32>
        %max3A_785 = arith.maximumf %max3A_758, %min3A_784 : vector<16xf32>
        %min3A_786 = arith.minimumf %max3A_758, %min3A_784 : vector<16xf32>
        %max3A_787 = arith.maximumf %max3A_760, %min3A_786 : vector<16xf32>
        %min3A_788 = arith.minimumf %max3A_760, %min3A_786 : vector<16xf32>
        %add3A_789 = arith.constant 11 : i32
        %add3A_790 = vector.broadcast %add3A_789 : i32 to vector<16xi32>
        %add3A_791 = arith.addi %mul3A_492, %add3A_790 : vector<16xi32>
        %gather3A_792 = arith.constant 0 : i32
        %gather3A_793 = arith.constant 0 : i32
        %gather3A_794 = tpu.memref_slice %arg4[%while3A, %gather3A_792, %gather3A_793] : memref<2x2048x16xf32, #tpu.memory_space<vmem>> -> memref<1x2048x16xf32, #tpu.memory_space<vmem>>
        %gather3A_795 = tpu.memref_squeeze %gather3A_794 : memref<1x2048x16xf32, #tpu.memory_space<vmem>> -> memref<2048x16xf32, #tpu.memory_space<vmem>>
        %gather3A_796 = tpu.vector_load_idx %gather3A_795[%add3A_791, %iota3A] : memref<2048x16xf32, #tpu.memory_space<vmem>>[vector<16xi32>, vector<16xi32>], vector<16xf32>,
        %broadcast_in_dim3A_797 = arith.constant 0xFF800000 : f32
        %broadcast_in_dim3A_798 = vector.broadcast %broadcast_in_dim3A_797 : f32 to vector<16xf32>
        %select_n3A_799 = arith.select %lt3A_482, %gather3A_796, %broadcast_in_dim3A_798 : vector<16xi1>, vector<16xf32>
        %max3A_800 = arith.maximumf %max3A_773, %select_n3A_799 : vector<16xf32>
        %min3A_801 = arith.minimumf %max3A_773, %select_n3A_799 : vector<16xf32>
        %max3A_802 = arith.maximumf %max3A_775, %min3A_801 : vector<16xf32>
        %min3A_803 = arith.minimumf %max3A_775, %min3A_801 : vector<16xf32>
        %max3A_804 = arith.maximumf %max3A_777, %min3A_803 : vector<16xf32>
        %min3A_805 = arith.minimumf %max3A_777, %min3A_803 : vector<16xf32>
        %max3A_806 = arith.maximumf %max3A_779, %min3A_805 : vector<16xf32>
        %min3A_807 = arith.minimumf %max3A_779, %min3A_805 : vector<16xf32>
        %max3A_808 = arith.maximumf %max3A_781, %min3A_807 : vector<16xf32>
        %min3A_809 = arith.minimumf %max3A_781, %min3A_807 : vector<16xf32>
        %max3A_810 = arith.maximumf %max3A_783, %min3A_809 : vector<16xf32>
        %min3A_811 = arith.minimumf %max3A_783, %min3A_809 : vector<16xf32>
        %max3A_812 = arith.maximumf %max3A_785, %min3A_811 : vector<16xf32>
        %min3A_813 = arith.minimumf %max3A_785, %min3A_811 : vector<16xf32>
        %max3A_814 = arith.maximumf %max3A_787, %min3A_813 : vector<16xf32>
        %min3A_815 = arith.minimumf %max3A_787, %min3A_813 : vector<16xf32>
        %add3A_816 = arith.constant 12 : i32
        %add3A_817 = vector.broadcast %add3A_816 : i32 to vector<16xi32>
        %add3A_818 = arith.addi %mul3A_492, %add3A_817 : vector<16xi32>
        %gather3A_819 = arith.constant 0 : i32
        %gather3A_820 = arith.constant 0 : i32
        %gather3A_821 = tpu.memref_slice %arg4[%while3A, %gather3A_819, %gather3A_820] : memref<2x2048x16xf32, #tpu.memory_space<vmem>> -> memref<1x2048x16xf32, #tpu.memory_space<vmem>>
        %gather3A_822 = tpu.memref_squeeze %gather3A_821 : memref<1x2048x16xf32, #tpu.memory_space<vmem>> -> memref<2048x16xf32, #tpu.memory_space<vmem>>
        %gather3A_823 = tpu.vector_load_idx %gather3A_822[%add3A_818, %iota3A] : memref<2048x16xf32, #tpu.memory_space<vmem>>[vector<16xi32>, vector<16xi32>], vector<16xf32>,
        %broadcast_in_dim3A_824 = arith.constant 0xFF800000 : f32
        %broadcast_in_dim3A_825 = vector.broadcast %broadcast_in_dim3A_824 : f32 to vector<16xf32>
        %select_n3A_826 = arith.select %lt3A_482, %gather3A_823, %broadcast_in_dim3A_825 : vector<16xi1>, vector<16xf32>
        %max3A_827 = arith.maximumf %max3A_800, %select_n3A_826 : vector<16xf32>
        %min3A_828 = arith.minimumf %max3A_800, %select_n3A_826 : vector<16xf32>
        %max3A_829 = arith.maximumf %max3A_802, %min3A_828 : vector<16xf32>
        %min3A_830 = arith.minimumf %max3A_802, %min3A_828 : vector<16xf32>
        %max3A_831 = arith.maximumf %max3A_804, %min3A_830 : vector<16xf32>
        %min3A_832 = arith.minimumf %max3A_804, %min3A_830 : vector<16xf32>
        %max3A_833 = arith.maximumf %max3A_806, %min3A_832 : vector<16xf32>
        %min3A_834 = arith.minimumf %max3A_806, %min3A_832 : vector<16xf32>
        %max3A_835 = arith.maximumf %max3A_808, %min3A_834 : vector<16xf32>
        %min3A_836 = arith.minimumf %max3A_808, %min3A_834 : vector<16xf32>
        %max3A_837 = arith.maximumf %max3A_810, %min3A_836 : vector<16xf32>
        %min3A_838 = arith.minimumf %max3A_810, %min3A_836 : vector<16xf32>
        %max3A_839 = arith.maximumf %max3A_812, %min3A_838 : vector<16xf32>
        %min3A_840 = arith.minimumf %max3A_812, %min3A_838 : vector<16xf32>
        %max3A_841 = arith.maximumf %max3A_814, %min3A_840 : vector<16xf32>
        %min3A_842 = arith.minimumf %max3A_814, %min3A_840 : vector<16xf32>
        %add3A_843 = arith.constant 13 : i32
        %add3A_844 = vector.broadcast %add3A_843 : i32 to vector<16xi32>
        %add3A_845 = arith.addi %mul3A_492, %add3A_844 : vector<16xi32>
        %gather3A_846 = arith.constant 0 : i32
        %gather3A_847 = arith.constant 0 : i32
        %gather3A_848 = tpu.memref_slice %arg4[%while3A, %gather3A_846, %gather3A_847] : memref<2x2048x16xf32, #tpu.memory_space<vmem>> -> memref<1x2048x16xf32, #tpu.memory_space<vmem>>
        %gather3A_849 = tpu.memref_squeeze %gather3A_848 : memref<1x2048x16xf32, #tpu.memory_space<vmem>> -> memref<2048x16xf32, #tpu.memory_space<vmem>>
        %gather3A_850 = tpu.vector_load_idx %gather3A_849[%add3A_845, %iota3A] : memref<2048x16xf32, #tpu.memory_space<vmem>>[vector<16xi32>, vector<16xi32>], vector<16xf32>,
        %broadcast_in_dim3A_851 = arith.constant 0xFF800000 : f32
        %broadcast_in_dim3A_852 = vector.broadcast %broadcast_in_dim3A_851 : f32 to vector<16xf32>
        %select_n3A_853 = arith.select %lt3A_482, %gather3A_850, %broadcast_in_dim3A_852 : vector<16xi1>, vector<16xf32>
        %max3A_854 = arith.maximumf %max3A_827, %select_n3A_853 : vector<16xf32>
        %min3A_855 = arith.minimumf %max3A_827, %select_n3A_853 : vector<16xf32>
        %max3A_856 = arith.maximumf %max3A_829, %min3A_855 : vector<16xf32>
        %min3A_857 = arith.minimumf %max3A_829, %min3A_855 : vector<16xf32>
        %max3A_858 = arith.maximumf %max3A_831, %min3A_857 : vector<16xf32>
        %min3A_859 = arith.minimumf %max3A_831, %min3A_857 : vector<16xf32>
        %max3A_860 = arith.maximumf %max3A_833, %min3A_859 : vector<16xf32>
        %min3A_861 = arith.minimumf %max3A_833, %min3A_859 : vector<16xf32>
        %max3A_862 = arith.maximumf %max3A_835, %min3A_861 : vector<16xf32>
        %min3A_863 = arith.minimumf %max3A_835, %min3A_861 : vector<16xf32>
        %max3A_864 = arith.maximumf %max3A_837, %min3A_863 : vector<16xf32>
        %min3A_865 = arith.minimumf %max3A_837, %min3A_863 : vector<16xf32>
        %max3A_866 = arith.maximumf %max3A_839, %min3A_865 : vector<16xf32>
        %min3A_867 = arith.minimumf %max3A_839, %min3A_865 : vector<16xf32>
        %max3A_868 = arith.maximumf %max3A_841, %min3A_867 : vector<16xf32>
        %min3A_869 = arith.minimumf %max3A_841, %min3A_867 : vector<16xf32>
        %add3A_870 = arith.constant 14 : i32
        %add3A_871 = vector.broadcast %add3A_870 : i32 to vector<16xi32>
        %add3A_872 = arith.addi %mul3A_492, %add3A_871 : vector<16xi32>
        %gather3A_873 = arith.constant 0 : i32
        %gather3A_874 = arith.constant 0 : i32
        %gather3A_875 = tpu.memref_slice %arg4[%while3A, %gather3A_873, %gather3A_874] : memref<2x2048x16xf32, #tpu.memory_space<vmem>> -> memref<1x2048x16xf32, #tpu.memory_space<vmem>>
        %gather3A_876 = tpu.memref_squeeze %gather3A_875 : memref<1x2048x16xf32, #tpu.memory_space<vmem>> -> memref<2048x16xf32, #tpu.memory_space<vmem>>
        %gather3A_877 = tpu.vector_load_idx %gather3A_876[%add3A_872, %iota3A] : memref<2048x16xf32, #tpu.memory_space<vmem>>[vector<16xi32>, vector<16xi32>], vector<16xf32>,
        %broadcast_in_dim3A_878 = arith.constant 0xFF800000 : f32
        %broadcast_in_dim3A_879 = vector.broadcast %broadcast_in_dim3A_878 : f32 to vector<16xf32>
        %select_n3A_880 = arith.select %lt3A_482, %gather3A_877, %broadcast_in_dim3A_879 : vector<16xi1>, vector<16xf32>
        %max3A_881 = arith.maximumf %max3A_854, %select_n3A_880 : vector<16xf32>
        %min3A_882 = arith.minimumf %max3A_854, %select_n3A_880 : vector<16xf32>
        %max3A_883 = arith.maximumf %max3A_856, %min3A_882 : vector<16xf32>
        %min3A_884 = arith.minimumf %max3A_856, %min3A_882 : vector<16xf32>
        %max3A_885 = arith.maximumf %max3A_858, %min3A_884 : vector<16xf32>
        %min3A_886 = arith.minimumf %max3A_858, %min3A_884 : vector<16xf32>
        %max3A_887 = arith.maximumf %max3A_860, %min3A_886 : vector<16xf32>
        %min3A_888 = arith.minimumf %max3A_860, %min3A_886 : vector<16xf32>
        %max3A_889 = arith.maximumf %max3A_862, %min3A_888 : vector<16xf32>
        %min3A_890 = arith.minimumf %max3A_862, %min3A_888 : vector<16xf32>
        %max3A_891 = arith.maximumf %max3A_864, %min3A_890 : vector<16xf32>
        %min3A_892 = arith.minimumf %max3A_864, %min3A_890 : vector<16xf32>
        %max3A_893 = arith.maximumf %max3A_866, %min3A_892 : vector<16xf32>
        %min3A_894 = arith.minimumf %max3A_866, %min3A_892 : vector<16xf32>
        %max3A_895 = arith.maximumf %max3A_868, %min3A_894 : vector<16xf32>
        %min3A_896 = arith.minimumf %max3A_868, %min3A_894 : vector<16xf32>
        %add3A_897 = arith.constant 15 : i32
        %add3A_898 = vector.broadcast %add3A_897 : i32 to vector<16xi32>
        %add3A_899 = arith.addi %mul3A_492, %add3A_898 : vector<16xi32>
        %gather3A_900 = arith.constant 0 : i32
        %gather3A_901 = arith.constant 0 : i32
        %gather3A_902 = tpu.memref_slice %arg4[%while3A, %gather3A_900, %gather3A_901] : memref<2x2048x16xf32, #tpu.memory_space<vmem>> -> memref<1x2048x16xf32, #tpu.memory_space<vmem>>
        %gather3A_903 = tpu.memref_squeeze %gather3A_902 : memref<1x2048x16xf32, #tpu.memory_space<vmem>> -> memref<2048x16xf32, #tpu.memory_space<vmem>>
        %gather3A_904 = tpu.vector_load_idx %gather3A_903[%add3A_899, %iota3A] : memref<2048x16xf32, #tpu.memory_space<vmem>>[vector<16xi32>, vector<16xi32>], vector<16xf32>,
        %broadcast_in_dim3A_905 = arith.constant 0xFF800000 : f32
        %broadcast_in_dim3A_906 = vector.broadcast %broadcast_in_dim3A_905 : f32 to vector<16xf32>
        %select_n3A_907 = arith.select %lt3A_482, %gather3A_904, %broadcast_in_dim3A_906 : vector<16xi1>, vector<16xf32>
        %max3A_908 = arith.maximumf %max3A_881, %select_n3A_907 : vector<16xf32>
        %min3A_909 = arith.minimumf %max3A_881, %select_n3A_907 : vector<16xf32>
        %max3A_910 = arith.maximumf %max3A_883, %min3A_909 : vector<16xf32>
        %min3A_911 = arith.minimumf %max3A_883, %min3A_909 : vector<16xf32>
        %max3A_912 = arith.maximumf %max3A_885, %min3A_911 : vector<16xf32>
        %min3A_913 = arith.minimumf %max3A_885, %min3A_911 : vector<16xf32>
        %max3A_914 = arith.maximumf %max3A_887, %min3A_913 : vector<16xf32>
        %min3A_915 = arith.minimumf %max3A_887, %min3A_913 : vector<16xf32>
        %max3A_916 = arith.maximumf %max3A_889, %min3A_915 : vector<16xf32>
        %min3A_917 = arith.minimumf %max3A_889, %min3A_915 : vector<16xf32>
        %max3A_918 = arith.maximumf %max3A_891, %min3A_917 : vector<16xf32>
        %min3A_919 = arith.minimumf %max3A_891, %min3A_917 : vector<16xf32>
        %max3A_920 = arith.maximumf %max3A_893, %min3A_919 : vector<16xf32>
        %min3A_921 = arith.minimumf %max3A_893, %min3A_919 : vector<16xf32>
        %max3A_922 = arith.maximumf %max3A_895, %min3A_921 : vector<16xf32>
        %min3A_923 = arith.minimumf %max3A_895, %min3A_921 : vector<16xf32>
        scf.yield %max3A_908, %max3A_910, %max3A_912, %max3A_914, %max3A_916, %max3A_918, %max3A_920, %max3A_922 : vector<16xf32>, vector<16xf32>, vector<16xf32>, vector<16xf32>, vector<16xf32>, vector<16xf32>, vector<16xf32>, vector<16xf32>
      }
      %while3A_247 = arith.constant 1 : i32
      %while3A_248:8 = scf.for %while3A_472 = %while3A_244 to %while3A_240 step %while3A_247 iter_args(%while3A_473 = %while3A_246#0, %while3A_474 = %while3A_246#1, %while3A_475 = %while3A_246#2, %while3A_476 = %while3A_246#3, %while3A_477 = %while3A_246#4, %while3A_478 = %while3A_246#5, %while3A_479 = %while3A_246#6, %while3A_480 = %while3A_246#7) -> (vector<16xf32>, vector<16xf32>, vector<16xf32>, vector<16xf32>, vector<16xf32>, vector<16xf32>, vector<16xf32>, vector<16xf32>)  : i32 {
        %lt3A_481 = vector.broadcast %while3A_472 : i32 to vector<16xi32>
        %lt3A_482 = arith.cmpi slt, %lt3A_481, %scan3A_229 : vector<16xi32>
        %get3A = arith.index_cast %while3A_472 : i32 to index
        %get3A_483 = arith.constant 0 : index
        %get3A_484 = tpu.vector_load %arg6[%get3A, %get3A_483] {strides = array<i32>} : memref<128x16xi32, #tpu.memory_space<vmem>>, vector<16xi32>,
        %jit3A_485 = arith.constant 0 : i32
        %jit3A_486 = arith.constant 127 : i32
        %max3A_487 = vector.broadcast %jit3A_485 : i32 to vector<16xi32>
        %max3A_488 = arith.maxsi %max3A_487, %get3A_484 : vector<16xi32>
        %min3A = vector.broadcast %jit3A_486 : i32 to vector<16xi32>
        %min3A_489 = arith.minsi %min3A, %max3A_488 : vector<16xi32>
        %mul3A_490 = arith.constant 16 : i32
        %mul3A_491 = vector.broadcast %mul3A_490 : i32 to vector<16xi32>
        %mul3A_492 = arith.muli %min3A_489, %mul3A_491 : vector<16xi32>
        %add3A_493 = arith.constant 0 : i32
        %add3A_494 = vector.broadcast %add3A_493 : i32 to vector<16xi32>
        %add3A_495 = arith.addi %mul3A_492, %add3A_494 : vector<16xi32>
        %gather3A = arith.constant 0 : i32
        %gather3A_496 = arith.constant 0 : i32
        %gather3A_497 = tpu.memref_slice %arg4[%while3A, %gather3A, %gather3A_496] : memref<2x2048x16xf32, #tpu.memory_space<vmem>> -> memref<1x2048x16xf32, #tpu.memory_space<vmem>>
        %gather3A_498 = tpu.memref_squeeze %gather3A_497 : memref<1x2048x16xf32, #tpu.memory_space<vmem>> -> memref<2048x16xf32, #tpu.memory_space<vmem>>
        %gather3A_499 = tpu.vector_load_idx %gather3A_498[%add3A_495, %iota3A] : memref<2048x16xf32, #tpu.memory_space<vmem>>[vector<16xi32>, vector<16xi32>], vector<16xf32>,
        %broadcast_in_dim3A_500 = arith.constant 0xFF800000 : f32
        %broadcast_in_dim3A_501 = vector.broadcast %broadcast_in_dim3A_500 : f32 to vector<16xf32>
        %select_n3A_502 = arith.select %lt3A_482, %gather3A_499, %broadcast_in_dim3A_501 : vector<16xi1>, vector<16xf32>
        %max3A_503 = arith.maximumf %while3A_473, %select_n3A_502 : vector<16xf32>
        %min3A_504 = arith.minimumf %while3A_473, %select_n3A_502 : vector<16xf32>
        %max3A_505 = arith.maximumf %while3A_474, %min3A_504 : vector<16xf32>
        %min3A_506 = arith.minimumf %while3A_474, %min3A_504 : vector<16xf32>
        %max3A_507 = arith.maximumf %while3A_475, %min3A_506 : vector<16xf32>
        %min3A_508 = arith.minimumf %while3A_475, %min3A_506 : vector<16xf32>
        %max3A_509 = arith.maximumf %while3A_476, %min3A_508 : vector<16xf32>
        %min3A_510 = arith.minimumf %while3A_476, %min3A_508 : vector<16xf32>
        %max3A_511 = arith.maximumf %while3A_477, %min3A_510 : vector<16xf32>
        %min3A_512 = arith.minimumf %while3A_477, %min3A_510 : vector<16xf32>
        %max3A_513 = arith.maximumf %while3A_478, %min3A_512 : vector<16xf32>
        %min3A_514 = arith.minimumf %while3A_478, %min3A_512 : vector<16xf32>
        %max3A_515 = arith.maximumf %while3A_479, %min3A_514 : vector<16xf32>
        %min3A_516 = arith.minimumf %while3A_479, %min3A_514 : vector<16xf32>
        %max3A_517 = arith.maximumf %while3A_480, %min3A_516 : vector<16xf32>
        %min3A_518 = arith.minimumf %while3A_480, %min3A_516 : vector<16xf32>
        %add3A_519 = arith.constant 1 : i32
        %add3A_520 = vector.broadcast %add3A_519 : i32 to vector<16xi32>
        %add3A_521 = arith.addi %mul3A_492, %add3A_520 : vector<16xi32>
        %gather3A_522 = arith.constant 0 : i32
        %gather3A_523 = arith.constant 0 : i32
        %gather3A_524 = tpu.memref_slice %arg4[%while3A, %gather3A_522, %gather3A_523] : memref<2x2048x16xf32, #tpu.memory_space<vmem>> -> memref<1x2048x16xf32, #tpu.memory_space<vmem>>
        %gather3A_525 = tpu.memref_squeeze %gather3A_524 : memref<1x2048x16xf32, #tpu.memory_space<vmem>> -> memref<2048x16xf32, #tpu.memory_space<vmem>>
        %gather3A_526 = tpu.vector_load_idx %gather3A_525[%add3A_521, %iota3A] : memref<2048x16xf32, #tpu.memory_space<vmem>>[vector<16xi32>, vector<16xi32>], vector<16xf32>,
        %broadcast_in_dim3A_527 = arith.constant 0xFF800000 : f32
        %broadcast_in_dim3A_528 = vector.broadcast %broadcast_in_dim3A_527 : f32 to vector<16xf32>
        %select_n3A_529 = arith.select %lt3A_482, %gather3A_526, %broadcast_in_dim3A_528 : vector<16xi1>, vector<16xf32>
        %max3A_530 = arith.maximumf %max3A_503, %select_n3A_529 : vector<16xf32>
        %min3A_531 = arith.minimumf %max3A_503, %select_n3A_529 : vector<16xf32>
        %max3A_532 = arith.maximumf %max3A_505, %min3A_531 : vector<16xf32>
        %min3A_533 = arith.minimumf %max3A_505, %min3A_531 : vector<16xf32>
        %max3A_534 = arith.maximumf %max3A_507, %min3A_533 : vector<16xf32>
        %min3A_535 = arith.minimumf %max3A_507, %min3A_533 : vector<16xf32>
        %max3A_536 = arith.maximumf %max3A_509, %min3A_535 : vector<16xf32>
        %min3A_537 = arith.minimumf %max3A_509, %min3A_535 : vector<16xf32>
        %max3A_538 = arith.maximumf %max3A_511, %min3A_537 : vector<16xf32>
        %min3A_539 = arith.minimumf %max3A_511, %min3A_537 : vector<16xf32>
        %max3A_540 = arith.maximumf %max3A_513, %min3A_539 : vector<16xf32>
        %min3A_541 = arith.minimumf %max3A_513, %min3A_539 : vector<16xf32>
        %max3A_542 = arith.maximumf %max3A_515, %min3A_541 : vector<16xf32>
        %min3A_543 = arith.minimumf %max3A_515, %min3A_541 : vector<16xf32>
        %max3A_544 = arith.maximumf %max3A_517, %min3A_543 : vector<16xf32>
        %min3A_545 = arith.minimumf %max3A_517, %min3A_543 : vector<16xf32>
        %add3A_546 = arith.constant 2 : i32
        %add3A_547 = vector.broadcast %add3A_546 : i32 to vector<16xi32>
        %add3A_548 = arith.addi %mul3A_492, %add3A_547 : vector<16xi32>
        %gather3A_549 = arith.constant 0 : i32
        %gather3A_550 = arith.constant 0 : i32
        %gather3A_551 = tpu.memref_slice %arg4[%while3A, %gather3A_549, %gather3A_550] : memref<2x2048x16xf32, #tpu.memory_space<vmem>> -> memref<1x2048x16xf32, #tpu.memory_space<vmem>>
        %gather3A_552 = tpu.memref_squeeze %gather3A_551 : memref<1x2048x16xf32, #tpu.memory_space<vmem>> -> memref<2048x16xf32, #tpu.memory_space<vmem>>
        %gather3A_553 = tpu.vector_load_idx %gather3A_552[%add3A_548, %iota3A] : memref<2048x16xf32, #tpu.memory_space<vmem>>[vector<16xi32>, vector<16xi32>], vector<16xf32>,
        %broadcast_in_dim3A_554 = arith.constant 0xFF800000 : f32
        %broadcast_in_dim3A_555 = vector.broadcast %broadcast_in_dim3A_554 : f32 to vector<16xf32>
        %select_n3A_556 = arith.select %lt3A_482, %gather3A_553, %broadcast_in_dim3A_555 : vector<16xi1>, vector<16xf32>
        %max3A_557 = arith.maximumf %max3A_530, %select_n3A_556 : vector<16xf32>
        %min3A_558 = arith.minimumf %max3A_530, %select_n3A_556 : vector<16xf32>
        %max3A_559 = arith.maximumf %max3A_532, %min3A_558 : vector<16xf32>
        %min3A_560 = arith.minimumf %max3A_532, %min3A_558 : vector<16xf32>
        %max3A_561 = arith.maximumf %max3A_534, %min3A_560 : vector<16xf32>
        %min3A_562 = arith.minimumf %max3A_534, %min3A_560 : vector<16xf32>
        %max3A_563 = arith.maximumf %max3A_536, %min3A_562 : vector<16xf32>
        %min3A_564 = arith.minimumf %max3A_536, %min3A_562 : vector<16xf32>
        %max3A_565 = arith.maximumf %max3A_538, %min3A_564 : vector<16xf32>
        %min3A_566 = arith.minimumf %max3A_538, %min3A_564 : vector<16xf32>
        %max3A_567 = arith.maximumf %max3A_540, %min3A_566 : vector<16xf32>
        %min3A_568 = arith.minimumf %max3A_540, %min3A_566 : vector<16xf32>
        %max3A_569 = arith.maximumf %max3A_542, %min3A_568 : vector<16xf32>
        %min3A_570 = arith.minimumf %max3A_542, %min3A_568 : vector<16xf32>
        %max3A_571 = arith.maximumf %max3A_544, %min3A_570 : vector<16xf32>
        %min3A_572 = arith.minimumf %max3A_544, %min3A_570 : vector<16xf32>
        %add3A_573 = arith.constant 3 : i32
        %add3A_574 = vector.broadcast %add3A_573 : i32 to vector<16xi32>
        %add3A_575 = arith.addi %mul3A_492, %add3A_574 : vector<16xi32>
        %gather3A_576 = arith.constant 0 : i32
        %gather3A_577 = arith.constant 0 : i32
        %gather3A_578 = tpu.memref_slice %arg4[%while3A, %gather3A_576, %gather3A_577] : memref<2x2048x16xf32, #tpu.memory_space<vmem>> -> memref<1x2048x16xf32, #tpu.memory_space<vmem>>
        %gather3A_579 = tpu.memref_squeeze %gather3A_578 : memref<1x2048x16xf32, #tpu.memory_space<vmem>> -> memref<2048x16xf32, #tpu.memory_space<vmem>>
        %gather3A_580 = tpu.vector_load_idx %gather3A_579[%add3A_575, %iota3A] : memref<2048x16xf32, #tpu.memory_space<vmem>>[vector<16xi32>, vector<16xi32>], vector<16xf32>,
        %broadcast_in_dim3A_581 = arith.constant 0xFF800000 : f32
        %broadcast_in_dim3A_582 = vector.broadcast %broadcast_in_dim3A_581 : f32 to vector<16xf32>
        %select_n3A_583 = arith.select %lt3A_482, %gather3A_580, %broadcast_in_dim3A_582 : vector<16xi1>, vector<16xf32>
        %max3A_584 = arith.maximumf %max3A_557, %select_n3A_583 : vector<16xf32>
        %min3A_585 = arith.minimumf %max3A_557, %select_n3A_583 : vector<16xf32>
        %max3A_586 = arith.maximumf %max3A_559, %min3A_585 : vector<16xf32>
        %min3A_587 = arith.minimumf %max3A_559, %min3A_585 : vector<16xf32>
        %max3A_588 = arith.maximumf %max3A_561, %min3A_587 : vector<16xf32>
        %min3A_589 = arith.minimumf %max3A_561, %min3A_587 : vector<16xf32>
        %max3A_590 = arith.maximumf %max3A_563, %min3A_589 : vector<16xf32>
        %min3A_591 = arith.minimumf %max3A_563, %min3A_589 : vector<16xf32>
        %max3A_592 = arith.maximumf %max3A_565, %min3A_591 : vector<16xf32>
        %min3A_593 = arith.minimumf %max3A_565, %min3A_591 : vector<16xf32>
        %max3A_594 = arith.maximumf %max3A_567, %min3A_593 : vector<16xf32>
        %min3A_595 = arith.minimumf %max3A_567, %min3A_593 : vector<16xf32>
        %max3A_596 = arith.maximumf %max3A_569, %min3A_595 : vector<16xf32>
        %min3A_597 = arith.minimumf %max3A_569, %min3A_595 : vector<16xf32>
        %max3A_598 = arith.maximumf %max3A_571, %min3A_597 : vector<16xf32>
        %min3A_599 = arith.minimumf %max3A_571, %min3A_597 : vector<16xf32>
        %add3A_600 = arith.constant 4 : i32
        %add3A_601 = vector.broadcast %add3A_600 : i32 to vector<16xi32>
        %add3A_602 = arith.addi %mul3A_492, %add3A_601 : vector<16xi32>
        %gather3A_603 = arith.constant 0 : i32
        %gather3A_604 = arith.constant 0 : i32
        %gather3A_605 = tpu.memref_slice %arg4[%while3A, %gather3A_603, %gather3A_604] : memref<2x2048x16xf32, #tpu.memory_space<vmem>> -> memref<1x2048x16xf32, #tpu.memory_space<vmem>>
        %gather3A_606 = tpu.memref_squeeze %gather3A_605 : memref<1x2048x16xf32, #tpu.memory_space<vmem>> -> memref<2048x16xf32, #tpu.memory_space<vmem>>
        %gather3A_607 = tpu.vector_load_idx %gather3A_606[%add3A_602, %iota3A] : memref<2048x16xf32, #tpu.memory_space<vmem>>[vector<16xi32>, vector<16xi32>], vector<16xf32>,
        %broadcast_in_dim3A_608 = arith.constant 0xFF800000 : f32
        %broadcast_in_dim3A_609 = vector.broadcast %broadcast_in_dim3A_608 : f32 to vector<16xf32>
        %select_n3A_610 = arith.select %lt3A_482, %gather3A_607, %broadcast_in_dim3A_609 : vector<16xi1>, vector<16xf32>
        %max3A_611 = arith.maximumf %max3A_584, %select_n3A_610 : vector<16xf32>
        %min3A_612 = arith.minimumf %max3A_584, %select_n3A_610 : vector<16xf32>
        %max3A_613 = arith.maximumf %max3A_586, %min3A_612 : vector<16xf32>
        %min3A_614 = arith.minimumf %max3A_586, %min3A_612 : vector<16xf32>
        %max3A_615 = arith.maximumf %max3A_588, %min3A_614 : vector<16xf32>
        %min3A_616 = arith.minimumf %max3A_588, %min3A_614 : vector<16xf32>
        %max3A_617 = arith.maximumf %max3A_590, %min3A_616 : vector<16xf32>
        %min3A_618 = arith.minimumf %max3A_590, %min3A_616 : vector<16xf32>
        %max3A_619 = arith.maximumf %max3A_592, %min3A_618 : vector<16xf32>
        %min3A_620 = arith.minimumf %max3A_592, %min3A_618 : vector<16xf32>
        %max3A_621 = arith.maximumf %max3A_594, %min3A_620 : vector<16xf32>
        %min3A_622 = arith.minimumf %max3A_594, %min3A_620 : vector<16xf32>
        %max3A_623 = arith.maximumf %max3A_596, %min3A_622 : vector<16xf32>
        %min3A_624 = arith.minimumf %max3A_596, %min3A_622 : vector<16xf32>
        %max3A_625 = arith.maximumf %max3A_598, %min3A_624 : vector<16xf32>
        %min3A_626 = arith.minimumf %max3A_598, %min3A_624 : vector<16xf32>
        %add3A_627 = arith.constant 5 : i32
        %add3A_628 = vector.broadcast %add3A_627 : i32 to vector<16xi32>
        %add3A_629 = arith.addi %mul3A_492, %add3A_628 : vector<16xi32>
        %gather3A_630 = arith.constant 0 : i32
        %gather3A_631 = arith.constant 0 : i32
        %gather3A_632 = tpu.memref_slice %arg4[%while3A, %gather3A_630, %gather3A_631] : memref<2x2048x16xf32, #tpu.memory_space<vmem>> -> memref<1x2048x16xf32, #tpu.memory_space<vmem>>
        %gather3A_633 = tpu.memref_squeeze %gather3A_632 : memref<1x2048x16xf32, #tpu.memory_space<vmem>> -> memref<2048x16xf32, #tpu.memory_space<vmem>>
        %gather3A_634 = tpu.vector_load_idx %gather3A_633[%add3A_629, %iota3A] : memref<2048x16xf32, #tpu.memory_space<vmem>>[vector<16xi32>, vector<16xi32>], vector<16xf32>,
        %broadcast_in_dim3A_635 = arith.constant 0xFF800000 : f32
        %broadcast_in_dim3A_636 = vector.broadcast %broadcast_in_dim3A_635 : f32 to vector<16xf32>
        %select_n3A_637 = arith.select %lt3A_482, %gather3A_634, %broadcast_in_dim3A_636 : vector<16xi1>, vector<16xf32>
        %max3A_638 = arith.maximumf %max3A_611, %select_n3A_637 : vector<16xf32>
        %min3A_639 = arith.minimumf %max3A_611, %select_n3A_637 : vector<16xf32>
        %max3A_640 = arith.maximumf %max3A_613, %min3A_639 : vector<16xf32>
        %min3A_641 = arith.minimumf %max3A_613, %min3A_639 : vector<16xf32>
        %max3A_642 = arith.maximumf %max3A_615, %min3A_641 : vector<16xf32>
        %min3A_643 = arith.minimumf %max3A_615, %min3A_641 : vector<16xf32>
        %max3A_644 = arith.maximumf %max3A_617, %min3A_643 : vector<16xf32>
        %min3A_645 = arith.minimumf %max3A_617, %min3A_643 : vector<16xf32>
        %max3A_646 = arith.maximumf %max3A_619, %min3A_645 : vector<16xf32>
        %min3A_647 = arith.minimumf %max3A_619, %min3A_645 : vector<16xf32>
        %max3A_648 = arith.maximumf %max3A_621, %min3A_647 : vector<16xf32>
        %min3A_649 = arith.minimumf %max3A_621, %min3A_647 : vector<16xf32>
        %max3A_650 = arith.maximumf %max3A_623, %min3A_649 : vector<16xf32>
        %min3A_651 = arith.minimumf %max3A_623, %min3A_649 : vector<16xf32>
        %max3A_652 = arith.maximumf %max3A_625, %min3A_651 : vector<16xf32>
        %min3A_653 = arith.minimumf %max3A_625, %min3A_651 : vector<16xf32>
        %add3A_654 = arith.constant 6 : i32
        %add3A_655 = vector.broadcast %add3A_654 : i32 to vector<16xi32>
        %add3A_656 = arith.addi %mul3A_492, %add3A_655 : vector<16xi32>
        %gather3A_657 = arith.constant 0 : i32
        %gather3A_658 = arith.constant 0 : i32
        %gather3A_659 = tpu.memref_slice %arg4[%while3A, %gather3A_657, %gather3A_658] : memref<2x2048x16xf32, #tpu.memory_space<vmem>> -> memref<1x2048x16xf32, #tpu.memory_space<vmem>>
        %gather3A_660 = tpu.memref_squeeze %gather3A_659 : memref<1x2048x16xf32, #tpu.memory_space<vmem>> -> memref<2048x16xf32, #tpu.memory_space<vmem>>
        %gather3A_661 = tpu.vector_load_idx %gather3A_660[%add3A_656, %iota3A] : memref<2048x16xf32, #tpu.memory_space<vmem>>[vector<16xi32>, vector<16xi32>], vector<16xf32>,
        %broadcast_in_dim3A_662 = arith.constant 0xFF800000 : f32
        %broadcast_in_dim3A_663 = vector.broadcast %broadcast_in_dim3A_662 : f32 to vector<16xf32>
        %select_n3A_664 = arith.select %lt3A_482, %gather3A_661, %broadcast_in_dim3A_663 : vector<16xi1>, vector<16xf32>
        %max3A_665 = arith.maximumf %max3A_638, %select_n3A_664 : vector<16xf32>
        %min3A_666 = arith.minimumf %max3A_638, %select_n3A_664 : vector<16xf32>
        %max3A_667 = arith.maximumf %max3A_640, %min3A_666 : vector<16xf32>
        %min3A_668 = arith.minimumf %max3A_640, %min3A_666 : vector<16xf32>
        %max3A_669 = arith.maximumf %max3A_642, %min3A_668 : vector<16xf32>
        %min3A_670 = arith.minimumf %max3A_642, %min3A_668 : vector<16xf32>
        %max3A_671 = arith.maximumf %max3A_644, %min3A_670 : vector<16xf32>
        %min3A_672 = arith.minimumf %max3A_644, %min3A_670 : vector<16xf32>
        %max3A_673 = arith.maximumf %max3A_646, %min3A_672 : vector<16xf32>
        %min3A_674 = arith.minimumf %max3A_646, %min3A_672 : vector<16xf32>
        %max3A_675 = arith.maximumf %max3A_648, %min3A_674 : vector<16xf32>
        %min3A_676 = arith.minimumf %max3A_648, %min3A_674 : vector<16xf32>
        %max3A_677 = arith.maximumf %max3A_650, %min3A_676 : vector<16xf32>
        %min3A_678 = arith.minimumf %max3A_650, %min3A_676 : vector<16xf32>
        %max3A_679 = arith.maximumf %max3A_652, %min3A_678 : vector<16xf32>
        %min3A_680 = arith.minimumf %max3A_652, %min3A_678 : vector<16xf32>
        %add3A_681 = arith.constant 7 : i32
        %add3A_682 = vector.broadcast %add3A_681 : i32 to vector<16xi32>
        %add3A_683 = arith.addi %mul3A_492, %add3A_682 : vector<16xi32>
        %gather3A_684 = arith.constant 0 : i32
        %gather3A_685 = arith.constant 0 : i32
        %gather3A_686 = tpu.memref_slice %arg4[%while3A, %gather3A_684, %gather3A_685] : memref<2x2048x16xf32, #tpu.memory_space<vmem>> -> memref<1x2048x16xf32, #tpu.memory_space<vmem>>
        %gather3A_687 = tpu.memref_squeeze %gather3A_686 : memref<1x2048x16xf32, #tpu.memory_space<vmem>> -> memref<2048x16xf32, #tpu.memory_space<vmem>>
        %gather3A_688 = tpu.vector_load_idx %gather3A_687[%add3A_683, %iota3A] : memref<2048x16xf32, #tpu.memory_space<vmem>>[vector<16xi32>, vector<16xi32>], vector<16xf32>,
        %broadcast_in_dim3A_689 = arith.constant 0xFF800000 : f32
        %broadcast_in_dim3A_690 = vector.broadcast %broadcast_in_dim3A_689 : f32 to vector<16xf32>
        %select_n3A_691 = arith.select %lt3A_482, %gather3A_688, %broadcast_in_dim3A_690 : vector<16xi1>, vector<16xf32>
        %max3A_692 = arith.maximumf %max3A_665, %select_n3A_691 : vector<16xf32>
        %min3A_693 = arith.minimumf %max3A_665, %select_n3A_691 : vector<16xf32>
        %max3A_694 = arith.maximumf %max3A_667, %min3A_693 : vector<16xf32>
        %min3A_695 = arith.minimumf %max3A_667, %min3A_693 : vector<16xf32>
        %max3A_696 = arith.maximumf %max3A_669, %min3A_695 : vector<16xf32>
        %min3A_697 = arith.minimumf %max3A_669, %min3A_695 : vector<16xf32>
        %max3A_698 = arith.maximumf %max3A_671, %min3A_697 : vector<16xf32>
        %min3A_699 = arith.minimumf %max3A_671, %min3A_697 : vector<16xf32>
        %max3A_700 = arith.maximumf %max3A_673, %min3A_699 : vector<16xf32>
        %min3A_701 = arith.minimumf %max3A_673, %min3A_699 : vector<16xf32>
        %max3A_702 = arith.maximumf %max3A_675, %min3A_701 : vector<16xf32>
        %min3A_703 = arith.minimumf %max3A_675, %min3A_701 : vector<16xf32>
        %max3A_704 = arith.maximumf %max3A_677, %min3A_703 : vector<16xf32>
        %min3A_705 = arith.minimumf %max3A_677, %min3A_703 : vector<16xf32>
        %max3A_706 = arith.maximumf %max3A_679, %min3A_705 : vector<16xf32>
        %min3A_707 = arith.minimumf %max3A_679, %min3A_705 : vector<16xf32>
        %add3A_708 = arith.constant 8 : i32
        %add3A_709 = vector.broadcast %add3A_708 : i32 to vector<16xi32>
        %add3A_710 = arith.addi %mul3A_492, %add3A_709 : vector<16xi32>
        %gather3A_711 = arith.constant 0 : i32
        %gather3A_712 = arith.constant 0 : i32
        %gather3A_713 = tpu.memref_slice %arg4[%while3A, %gather3A_711, %gather3A_712] : memref<2x2048x16xf32, #tpu.memory_space<vmem>> -> memref<1x2048x16xf32, #tpu.memory_space<vmem>>
        %gather3A_714 = tpu.memref_squeeze %gather3A_713 : memref<1x2048x16xf32, #tpu.memory_space<vmem>> -> memref<2048x16xf32, #tpu.memory_space<vmem>>
        %gather3A_715 = tpu.vector_load_idx %gather3A_714[%add3A_710, %iota3A] : memref<2048x16xf32, #tpu.memory_space<vmem>>[vector<16xi32>, vector<16xi32>], vector<16xf32>,
        %broadcast_in_dim3A_716 = arith.constant 0xFF800000 : f32
        %broadcast_in_dim3A_717 = vector.broadcast %broadcast_in_dim3A_716 : f32 to vector<16xf32>
        %select_n3A_718 = arith.select %lt3A_482, %gather3A_715, %broadcast_in_dim3A_717 : vector<16xi1>, vector<16xf32>
        %max3A_719 = arith.maximumf %max3A_692, %select_n3A_718 : vector<16xf32>
        %min3A_720 = arith.minimumf %max3A_692, %select_n3A_718 : vector<16xf32>
        %max3A_721 = arith.maximumf %max3A_694, %min3A_720 : vector<16xf32>
        %min3A_722 = arith.minimumf %max3A_694, %min3A_720 : vector<16xf32>
        %max3A_723 = arith.maximumf %max3A_696, %min3A_722 : vector<16xf32>
        %min3A_724 = arith.minimumf %max3A_696, %min3A_722 : vector<16xf32>
        %max3A_725 = arith.maximumf %max3A_698, %min3A_724 : vector<16xf32>
        %min3A_726 = arith.minimumf %max3A_698, %min3A_724 : vector<16xf32>
        %max3A_727 = arith.maximumf %max3A_700, %min3A_726 : vector<16xf32>
        %min3A_728 = arith.minimumf %max3A_700, %min3A_726 : vector<16xf32>
        %max3A_729 = arith.maximumf %max3A_702, %min3A_728 : vector<16xf32>
        %min3A_730 = arith.minimumf %max3A_702, %min3A_728 : vector<16xf32>
        %max3A_731 = arith.maximumf %max3A_704, %min3A_730 : vector<16xf32>
        %min3A_732 = arith.minimumf %max3A_704, %min3A_730 : vector<16xf32>
        %max3A_733 = arith.maximumf %max3A_706, %min3A_732 : vector<16xf32>
        %min3A_734 = arith.minimumf %max3A_706, %min3A_732 : vector<16xf32>
        %add3A_735 = arith.constant 9 : i32
        %add3A_736 = vector.broadcast %add3A_735 : i32 to vector<16xi32>
        %add3A_737 = arith.addi %mul3A_492, %add3A_736 : vector<16xi32>
        %gather3A_738 = arith.constant 0 : i32
        %gather3A_739 = arith.constant 0 : i32
        %gather3A_740 = tpu.memref_slice %arg4[%while3A, %gather3A_738, %gather3A_739] : memref<2x2048x16xf32, #tpu.memory_space<vmem>> -> memref<1x2048x16xf32, #tpu.memory_space<vmem>>
        %gather3A_741 = tpu.memref_squeeze %gather3A_740 : memref<1x2048x16xf32, #tpu.memory_space<vmem>> -> memref<2048x16xf32, #tpu.memory_space<vmem>>
        %gather3A_742 = tpu.vector_load_idx %gather3A_741[%add3A_737, %iota3A] : memref<2048x16xf32, #tpu.memory_space<vmem>>[vector<16xi32>, vector<16xi32>], vector<16xf32>,
        %broadcast_in_dim3A_743 = arith.constant 0xFF800000 : f32
        %broadcast_in_dim3A_744 = vector.broadcast %broadcast_in_dim3A_743 : f32 to vector<16xf32>
        %select_n3A_745 = arith.select %lt3A_482, %gather3A_742, %broadcast_in_dim3A_744 : vector<16xi1>, vector<16xf32>
        %max3A_746 = arith.maximumf %max3A_719, %select_n3A_745 : vector<16xf32>
        %min3A_747 = arith.minimumf %max3A_719, %select_n3A_745 : vector<16xf32>
        %max3A_748 = arith.maximumf %max3A_721, %min3A_747 : vector<16xf32>
        %min3A_749 = arith.minimumf %max3A_721, %min3A_747 : vector<16xf32>
        %max3A_750 = arith.maximumf %max3A_723, %min3A_749 : vector<16xf32>
        %min3A_751 = arith.minimumf %max3A_723, %min3A_749 : vector<16xf32>
        %max3A_752 = arith.maximumf %max3A_725, %min3A_751 : vector<16xf32>
        %min3A_753 = arith.minimumf %max3A_725, %min3A_751 : vector<16xf32>
        %max3A_754 = arith.maximumf %max3A_727, %min3A_753 : vector<16xf32>
        %min3A_755 = arith.minimumf %max3A_727, %min3A_753 : vector<16xf32>
        %max3A_756 = arith.maximumf %max3A_729, %min3A_755 : vector<16xf32>
        %min3A_757 = arith.minimumf %max3A_729, %min3A_755 : vector<16xf32>
        %max3A_758 = arith.maximumf %max3A_731, %min3A_757 : vector<16xf32>
        %min3A_759 = arith.minimumf %max3A_731, %min3A_757 : vector<16xf32>
        %max3A_760 = arith.maximumf %max3A_733, %min3A_759 : vector<16xf32>
        %min3A_761 = arith.minimumf %max3A_733, %min3A_759 : vector<16xf32>
        %add3A_762 = arith.constant 10 : i32
        %add3A_763 = vector.broadcast %add3A_762 : i32 to vector<16xi32>
        %add3A_764 = arith.addi %mul3A_492, %add3A_763 : vector<16xi32>
        %gather3A_765 = arith.constant 0 : i32
        %gather3A_766 = arith.constant 0 : i32
        %gather3A_767 = tpu.memref_slice %arg4[%while3A, %gather3A_765, %gather3A_766] : memref<2x2048x16xf32, #tpu.memory_space<vmem>> -> memref<1x2048x16xf32, #tpu.memory_space<vmem>>
        %gather3A_768 = tpu.memref_squeeze %gather3A_767 : memref<1x2048x16xf32, #tpu.memory_space<vmem>> -> memref<2048x16xf32, #tpu.memory_space<vmem>>
        %gather3A_769 = tpu.vector_load_idx %gather3A_768[%add3A_764, %iota3A] : memref<2048x16xf32, #tpu.memory_space<vmem>>[vector<16xi32>, vector<16xi32>], vector<16xf32>,
        %broadcast_in_dim3A_770 = arith.constant 0xFF800000 : f32
        %broadcast_in_dim3A_771 = vector.broadcast %broadcast_in_dim3A_770 : f32 to vector<16xf32>
        %select_n3A_772 = arith.select %lt3A_482, %gather3A_769, %broadcast_in_dim3A_771 : vector<16xi1>, vector<16xf32>
        %max3A_773 = arith.maximumf %max3A_746, %select_n3A_772 : vector<16xf32>
        %min3A_774 = arith.minimumf %max3A_746, %select_n3A_772 : vector<16xf32>
        %max3A_775 = arith.maximumf %max3A_748, %min3A_774 : vector<16xf32>
        %min3A_776 = arith.minimumf %max3A_748, %min3A_774 : vector<16xf32>
        %max3A_777 = arith.maximumf %max3A_750, %min3A_776 : vector<16xf32>
        %min3A_778 = arith.minimumf %max3A_750, %min3A_776 : vector<16xf32>
        %max3A_779 = arith.maximumf %max3A_752, %min3A_778 : vector<16xf32>
        %min3A_780 = arith.minimumf %max3A_752, %min3A_778 : vector<16xf32>
        %max3A_781 = arith.maximumf %max3A_754, %min3A_780 : vector<16xf32>
        %min3A_782 = arith.minimumf %max3A_754, %min3A_780 : vector<16xf32>
        %max3A_783 = arith.maximumf %max3A_756, %min3A_782 : vector<16xf32>
        %min3A_784 = arith.minimumf %max3A_756, %min3A_782 : vector<16xf32>
        %max3A_785 = arith.maximumf %max3A_758, %min3A_784 : vector<16xf32>
        %min3A_786 = arith.minimumf %max3A_758, %min3A_784 : vector<16xf32>
        %max3A_787 = arith.maximumf %max3A_760, %min3A_786 : vector<16xf32>
        %min3A_788 = arith.minimumf %max3A_760, %min3A_786 : vector<16xf32>
        %add3A_789 = arith.constant 11 : i32
        %add3A_790 = vector.broadcast %add3A_789 : i32 to vector<16xi32>
        %add3A_791 = arith.addi %mul3A_492, %add3A_790 : vector<16xi32>
        %gather3A_792 = arith.constant 0 : i32
        %gather3A_793 = arith.constant 0 : i32
        %gather3A_794 = tpu.memref_slice %arg4[%while3A, %gather3A_792, %gather3A_793] : memref<2x2048x16xf32, #tpu.memory_space<vmem>> -> memref<1x2048x16xf32, #tpu.memory_space<vmem>>
        %gather3A_795 = tpu.memref_squeeze %gather3A_794 : memref<1x2048x16xf32, #tpu.memory_space<vmem>> -> memref<2048x16xf32, #tpu.memory_space<vmem>>
        %gather3A_796 = tpu.vector_load_idx %gather3A_795[%add3A_791, %iota3A] : memref<2048x16xf32, #tpu.memory_space<vmem>>[vector<16xi32>, vector<16xi32>], vector<16xf32>,
        %broadcast_in_dim3A_797 = arith.constant 0xFF800000 : f32
        %broadcast_in_dim3A_798 = vector.broadcast %broadcast_in_dim3A_797 : f32 to vector<16xf32>
        %select_n3A_799 = arith.select %lt3A_482, %gather3A_796, %broadcast_in_dim3A_798 : vector<16xi1>, vector<16xf32>
        %max3A_800 = arith.maximumf %max3A_773, %select_n3A_799 : vector<16xf32>
        %min3A_801 = arith.minimumf %max3A_773, %select_n3A_799 : vector<16xf32>
        %max3A_802 = arith.maximumf %max3A_775, %min3A_801 : vector<16xf32>
        %min3A_803 = arith.minimumf %max3A_775, %min3A_801 : vector<16xf32>
        %max3A_804 = arith.maximumf %max3A_777, %min3A_803 : vector<16xf32>
        %min3A_805 = arith.minimumf %max3A_777, %min3A_803 : vector<16xf32>
        %max3A_806 = arith.maximumf %max3A_779, %min3A_805 : vector<16xf32>
        %min3A_807 = arith.minimumf %max3A_779, %min3A_805 : vector<16xf32>
        %max3A_808 = arith.maximumf %max3A_781, %min3A_807 : vector<16xf32>
        %min3A_809 = arith.minimumf %max3A_781, %min3A_807 : vector<16xf32>
        %max3A_810 = arith.maximumf %max3A_783, %min3A_809 : vector<16xf32>
        %min3A_811 = arith.minimumf %max3A_783, %min3A_809 : vector<16xf32>
        %max3A_812 = arith.maximumf %max3A_785, %min3A_811 : vector<16xf32>
        %min3A_813 = arith.minimumf %max3A_785, %min3A_811 : vector<16xf32>
        %max3A_814 = arith.maximumf %max3A_787, %min3A_813 : vector<16xf32>
        %min3A_815 = arith.minimumf %max3A_787, %min3A_813 : vector<16xf32>
        %add3A_816 = arith.constant 12 : i32
        %add3A_817 = vector.broadcast %add3A_816 : i32 to vector<16xi32>
        %add3A_818 = arith.addi %mul3A_492, %add3A_817 : vector<16xi32>
        %gather3A_819 = arith.constant 0 : i32
        %gather3A_820 = arith.constant 0 : i32
        %gather3A_821 = tpu.memref_slice %arg4[%while3A, %gather3A_819, %gather3A_820] : memref<2x2048x16xf32, #tpu.memory_space<vmem>> -> memref<1x2048x16xf32, #tpu.memory_space<vmem>>
        %gather3A_822 = tpu.memref_squeeze %gather3A_821 : memref<1x2048x16xf32, #tpu.memory_space<vmem>> -> memref<2048x16xf32, #tpu.memory_space<vmem>>
        %gather3A_823 = tpu.vector_load_idx %gather3A_822[%add3A_818, %iota3A] : memref<2048x16xf32, #tpu.memory_space<vmem>>[vector<16xi32>, vector<16xi32>], vector<16xf32>,
        %broadcast_in_dim3A_824 = arith.constant 0xFF800000 : f32
        %broadcast_in_dim3A_825 = vector.broadcast %broadcast_in_dim3A_824 : f32 to vector<16xf32>
        %select_n3A_826 = arith.select %lt3A_482, %gather3A_823, %broadcast_in_dim3A_825 : vector<16xi1>, vector<16xf32>
        %max3A_827 = arith.maximumf %max3A_800, %select_n3A_826 : vector<16xf32>
        %min3A_828 = arith.minimumf %max3A_800, %select_n3A_826 : vector<16xf32>
        %max3A_829 = arith.maximumf %max3A_802, %min3A_828 : vector<16xf32>
        %min3A_830 = arith.minimumf %max3A_802, %min3A_828 : vector<16xf32>
        %max3A_831 = arith.maximumf %max3A_804, %min3A_830 : vector<16xf32>
        %min3A_832 = arith.minimumf %max3A_804, %min3A_830 : vector<16xf32>
        %max3A_833 = arith.maximumf %max3A_806, %min3A_832 : vector<16xf32>
        %min3A_834 = arith.minimumf %max3A_806, %min3A_832 : vector<16xf32>
        %max3A_835 = arith.maximumf %max3A_808, %min3A_834 : vector<16xf32>
        %min3A_836 = arith.minimumf %max3A_808, %min3A_834 : vector<16xf32>
        %max3A_837 = arith.maximumf %max3A_810, %min3A_836 : vector<16xf32>
        %min3A_838 = arith.minimumf %max3A_810, %min3A_836 : vector<16xf32>
        %max3A_839 = arith.maximumf %max3A_812, %min3A_838 : vector<16xf32>
        %min3A_840 = arith.minimumf %max3A_812, %min3A_838 : vector<16xf32>
        %max3A_841 = arith.maximumf %max3A_814, %min3A_840 : vector<16xf32>
        %min3A_842 = arith.minimumf %max3A_814, %min3A_840 : vector<16xf32>
        %add3A_843 = arith.constant 13 : i32
        %add3A_844 = vector.broadcast %add3A_843 : i32 to vector<16xi32>
        %add3A_845 = arith.addi %mul3A_492, %add3A_844 : vector<16xi32>
        %gather3A_846 = arith.constant 0 : i32
        %gather3A_847 = arith.constant 0 : i32
        %gather3A_848 = tpu.memref_slice %arg4[%while3A, %gather3A_846, %gather3A_847] : memref<2x2048x16xf32, #tpu.memory_space<vmem>> -> memref<1x2048x16xf32, #tpu.memory_space<vmem>>
        %gather3A_849 = tpu.memref_squeeze %gather3A_848 : memref<1x2048x16xf32, #tpu.memory_space<vmem>> -> memref<2048x16xf32, #tpu.memory_space<vmem>>
        %gather3A_850 = tpu.vector_load_idx %gather3A_849[%add3A_845, %iota3A] : memref<2048x16xf32, #tpu.memory_space<vmem>>[vector<16xi32>, vector<16xi32>], vector<16xf32>,
        %broadcast_in_dim3A_851 = arith.constant 0xFF800000 : f32
        %broadcast_in_dim3A_852 = vector.broadcast %broadcast_in_dim3A_851 : f32 to vector<16xf32>
        %select_n3A_853 = arith.select %lt3A_482, %gather3A_850, %broadcast_in_dim3A_852 : vector<16xi1>, vector<16xf32>
        %max3A_854 = arith.maximumf %max3A_827, %select_n3A_853 : vector<16xf32>
        %min3A_855 = arith.minimumf %max3A_827, %select_n3A_853 : vector<16xf32>
        %max3A_856 = arith.maximumf %max3A_829, %min3A_855 : vector<16xf32>
        %min3A_857 = arith.minimumf %max3A_829, %min3A_855 : vector<16xf32>
        %max3A_858 = arith.maximumf %max3A_831, %min3A_857 : vector<16xf32>
        %min3A_859 = arith.minimumf %max3A_831, %min3A_857 : vector<16xf32>
        %max3A_860 = arith.maximumf %max3A_833, %min3A_859 : vector<16xf32>
        %min3A_861 = arith.minimumf %max3A_833, %min3A_859 : vector<16xf32>
        %max3A_862 = arith.maximumf %max3A_835, %min3A_861 : vector<16xf32>
        %min3A_863 = arith.minimumf %max3A_835, %min3A_861 : vector<16xf32>
        %max3A_864 = arith.maximumf %max3A_837, %min3A_863 : vector<16xf32>
        %min3A_865 = arith.minimumf %max3A_837, %min3A_863 : vector<16xf32>
        %max3A_866 = arith.maximumf %max3A_839, %min3A_865 : vector<16xf32>
        %min3A_867 = arith.minimumf %max3A_839, %min3A_865 : vector<16xf32>
        %max3A_868 = arith.maximumf %max3A_841, %min3A_867 : vector<16xf32>
        %min3A_869 = arith.minimumf %max3A_841, %min3A_867 : vector<16xf32>
        %add3A_870 = arith.constant 14 : i32
        %add3A_871 = vector.broadcast %add3A_870 : i32 to vector<16xi32>
        %add3A_872 = arith.addi %mul3A_492, %add3A_871 : vector<16xi32>
        %gather3A_873 = arith.constant 0 : i32
        %gather3A_874 = arith.constant 0 : i32
        %gather3A_875 = tpu.memref_slice %arg4[%while3A, %gather3A_873, %gather3A_874] : memref<2x2048x16xf32, #tpu.memory_space<vmem>> -> memref<1x2048x16xf32, #tpu.memory_space<vmem>>
        %gather3A_876 = tpu.memref_squeeze %gather3A_875 : memref<1x2048x16xf32, #tpu.memory_space<vmem>> -> memref<2048x16xf32, #tpu.memory_space<vmem>>
        %gather3A_877 = tpu.vector_load_idx %gather3A_876[%add3A_872, %iota3A] : memref<2048x16xf32, #tpu.memory_space<vmem>>[vector<16xi32>, vector<16xi32>], vector<16xf32>,
        %broadcast_in_dim3A_878 = arith.constant 0xFF800000 : f32
        %broadcast_in_dim3A_879 = vector.broadcast %broadcast_in_dim3A_878 : f32 to vector<16xf32>
        %select_n3A_880 = arith.select %lt3A_482, %gather3A_877, %broadcast_in_dim3A_879 : vector<16xi1>, vector<16xf32>
        %max3A_881 = arith.maximumf %max3A_854, %select_n3A_880 : vector<16xf32>
        %min3A_882 = arith.minimumf %max3A_854, %select_n3A_880 : vector<16xf32>
        %max3A_883 = arith.maximumf %max3A_856, %min3A_882 : vector<16xf32>
        %min3A_884 = arith.minimumf %max3A_856, %min3A_882 : vector<16xf32>
        %max3A_885 = arith.maximumf %max3A_858, %min3A_884 : vector<16xf32>
        %min3A_886 = arith.minimumf %max3A_858, %min3A_884 : vector<16xf32>
        %max3A_887 = arith.maximumf %max3A_860, %min3A_886 : vector<16xf32>
        %min3A_888 = arith.minimumf %max3A_860, %min3A_886 : vector<16xf32>
        %max3A_889 = arith.maximumf %max3A_862, %min3A_888 : vector<16xf32>
        %min3A_890 = arith.minimumf %max3A_862, %min3A_888 : vector<16xf32>
        %max3A_891 = arith.maximumf %max3A_864, %min3A_890 : vector<16xf32>
        %min3A_892 = arith.minimumf %max3A_864, %min3A_890 : vector<16xf32>
        %max3A_893 = arith.maximumf %max3A_866, %min3A_892 : vector<16xf32>
        %min3A_894 = arith.minimumf %max3A_866, %min3A_892 : vector<16xf32>
        %max3A_895 = arith.maximumf %max3A_868, %min3A_894 : vector<16xf32>
        %min3A_896 = arith.minimumf %max3A_868, %min3A_894 : vector<16xf32>
        %add3A_897 = arith.constant 15 : i32
        %add3A_898 = vector.broadcast %add3A_897 : i32 to vector<16xi32>
        %add3A_899 = arith.addi %mul3A_492, %add3A_898 : vector<16xi32>
        %gather3A_900 = arith.constant 0 : i32
        %gather3A_901 = arith.constant 0 : i32
        %gather3A_902 = tpu.memref_slice %arg4[%while3A, %gather3A_900, %gather3A_901] : memref<2x2048x16xf32, #tpu.memory_space<vmem>> -> memref<1x2048x16xf32, #tpu.memory_space<vmem>>
        %gather3A_903 = tpu.memref_squeeze %gather3A_902 : memref<1x2048x16xf32, #tpu.memory_space<vmem>> -> memref<2048x16xf32, #tpu.memory_space<vmem>>
        %gather3A_904 = tpu.vector_load_idx %gather3A_903[%add3A_899, %iota3A] : memref<2048x16xf32, #tpu.memory_space<vmem>>[vector<16xi32>, vector<16xi32>], vector<16xf32>,
        %broadcast_in_dim3A_905 = arith.constant 0xFF800000 : f32
        %broadcast_in_dim3A_906 = vector.broadcast %broadcast_in_dim3A_905 : f32 to vector<16xf32>
        %select_n3A_907 = arith.select %lt3A_482, %gather3A_904, %broadcast_in_dim3A_906 : vector<16xi1>, vector<16xf32>
        %max3A_908 = arith.maximumf %max3A_881, %select_n3A_907 : vector<16xf32>
        %min3A_909 = arith.minimumf %max3A_881, %select_n3A_907 : vector<16xf32>
        %max3A_910 = arith.maximumf %max3A_883, %min3A_909 : vector<16xf32>
        %min3A_911 = arith.minimumf %max3A_883, %min3A_909 : vector<16xf32>
        %max3A_912 = arith.maximumf %max3A_885, %min3A_911 : vector<16xf32>
        %min3A_913 = arith.minimumf %max3A_885, %min3A_911 : vector<16xf32>
        %max3A_914 = arith.maximumf %max3A_887, %min3A_913 : vector<16xf32>
        %min3A_915 = arith.minimumf %max3A_887, %min3A_913 : vector<16xf32>
        %max3A_916 = arith.maximumf %max3A_889, %min3A_915 : vector<16xf32>
        %min3A_917 = arith.minimumf %max3A_889, %min3A_915 : vector<16xf32>
        %max3A_918 = arith.maximumf %max3A_891, %min3A_917 : vector<16xf32>
        %min3A_919 = arith.minimumf %max3A_891, %min3A_917 : vector<16xf32>
        %max3A_920 = arith.maximumf %max3A_893, %min3A_919 : vector<16xf32>
        %min3A_921 = arith.minimumf %max3A_893, %min3A_919 : vector<16xf32>
        %max3A_922 = arith.maximumf %max3A_895, %min3A_921 : vector<16xf32>
        %min3A_923 = arith.minimumf %max3A_895, %min3A_921 : vector<16xf32>
        scf.yield %max3A_908, %max3A_910, %max3A_912, %max3A_914, %max3A_916, %max3A_918, %max3A_920, %max3A_922 : vector<16xf32>, vector<16xf32>, vector<16xf32>, vector<16xf32>, vector<16xf32>, vector<16xf32>, vector<16xf32>, vector<16xf32>
      }
      %jit3A_249 = arith.constant 4 : i32
      %eq3A_250 = arith.constant 0 : i32
      %eq3A_251 = arith.cmpi eq, %jit3A_249, %eq3A_250 : i32
      %jit3A_252 = arith.constant 1 : i32
      %select_n3A_253 = arith.select %eq3A_251, %jit3A_252, %jit3A_249 : i32
      %rem3A_254 = arith.remsi %add3A_77, %select_n3A_253 : i32
      %ne3A_255 = arith.constant 0 : i32
      %ne3A_256 = arith.cmpi ne, %rem3A_254, %ne3A_255 : i32
      %lt3A_257 = arith.constant 0 : i32
      %lt3A_258 = arith.cmpi slt, %rem3A_254, %lt3A_257 : i32
      %lt3A_259 = arith.constant 0 : i32
      %lt3A_260 = arith.cmpi slt, %select_n3A_253, %lt3A_259 : i32
      %ne3A_261 = arith.xori %lt3A_258, %lt3A_260 : i1
      %and3A_262 = arith.andi %ne3A_261, %ne3A_256 : i1
      %add3A_263 = arith.addi %rem3A_254, %select_n3A_253 : i32
      %select_n3A_264 = arith.select %and3A_262, %add3A_263, %rem3A_254 : i32
      %eq3A_265 = arith.constant 3 : i32
      %eq3A_266 = arith.cmpi eq, %select_n3A_264, %eq3A_265 : i32
      %convert_element_type3A_267 = arith.extui %eq3A_266 : i1 to i32
      %cond3A_268 = arith.constant 0 : i32
      %cond3A_269 = arith.cmpi ne, %convert_element_type3A_267, %cond3A_268 : i32
      scf.if %cond3A_269 {
        %swap3A = arith.constant 0 : i32
        %swap3A_472 = arith.index_cast %swap3A : i32 to index
        %swap3A_473 = arith.constant 0 : index
        %swap3A_474 = tpu.vector_load %arg7[%swap3A_472, %swap3A_473] {strides = array<i32>} : memref<8x16xf32, #tpu.memory_space<vmem>>, vector<16xf32>,
        tpu.vector_store %arg7[%swap3A_472, %swap3A_473], %while3A_248#0 {strides = array<i32>} : memref<8x16xf32, #tpu.memory_space<vmem>>, vector<16xf32>,
        %swap3A_475 = arith.constant 1 : i32
        %swap3A_476 = arith.index_cast %swap3A_475 : i32 to index
        %swap3A_477 = arith.constant 0 : index
        %swap3A_478 = tpu.vector_load %arg7[%swap3A_476, %swap3A_477] {strides = array<i32>} : memref<8x16xf32, #tpu.memory_space<vmem>>, vector<16xf32>,
        tpu.vector_store %arg7[%swap3A_476, %swap3A_477], %while3A_248#1 {strides = array<i32>} : memref<8x16xf32, #tpu.memory_space<vmem>>, vector<16xf32>,
        %swap3A_479 = arith.constant 2 : i32
        %swap3A_480 = arith.index_cast %swap3A_479 : i32 to index
        %swap3A_481 = arith.constant 0 : index
        %swap3A_482 = tpu.vector_load %arg7[%swap3A_480, %swap3A_481] {strides = array<i32>} : memref<8x16xf32, #tpu.memory_space<vmem>>, vector<16xf32>,
        tpu.vector_store %arg7[%swap3A_480, %swap3A_481], %while3A_248#2 {strides = array<i32>} : memref<8x16xf32, #tpu.memory_space<vmem>>, vector<16xf32>,
        %swap3A_483 = arith.constant 3 : i32
        %swap3A_484 = arith.index_cast %swap3A_483 : i32 to index
        %swap3A_485 = arith.constant 0 : index
        %swap3A_486 = tpu.vector_load %arg7[%swap3A_484, %swap3A_485] {strides = array<i32>} : memref<8x16xf32, #tpu.memory_space<vmem>>, vector<16xf32>,
        tpu.vector_store %arg7[%swap3A_484, %swap3A_485], %while3A_248#3 {strides = array<i32>} : memref<8x16xf32, #tpu.memory_space<vmem>>, vector<16xf32>,
        %swap3A_487 = arith.constant 4 : i32
        %swap3A_488 = arith.index_cast %swap3A_487 : i32 to index
        %swap3A_489 = arith.constant 0 : index
        %swap3A_490 = tpu.vector_load %arg7[%swap3A_488, %swap3A_489] {strides = array<i32>} : memref<8x16xf32, #tpu.memory_space<vmem>>, vector<16xf32>,
        tpu.vector_store %arg7[%swap3A_488, %swap3A_489], %while3A_248#4 {strides = array<i32>} : memref<8x16xf32, #tpu.memory_space<vmem>>, vector<16xf32>,
        %swap3A_491 = arith.constant 5 : i32
        %swap3A_492 = arith.index_cast %swap3A_491 : i32 to index
        %swap3A_493 = arith.constant 0 : index
        %swap3A_494 = tpu.vector_load %arg7[%swap3A_492, %swap3A_493] {strides = array<i32>} : memref<8x16xf32, #tpu.memory_space<vmem>>, vector<16xf32>,
        tpu.vector_store %arg7[%swap3A_492, %swap3A_493], %while3A_248#5 {strides = array<i32>} : memref<8x16xf32, #tpu.memory_space<vmem>>, vector<16xf32>,
        %swap3A_495 = arith.constant 6 : i32
        %swap3A_496 = arith.index_cast %swap3A_495 : i32 to index
        %swap3A_497 = arith.constant 0 : index
        %swap3A_498 = tpu.vector_load %arg7[%swap3A_496, %swap3A_497] {strides = array<i32>} : memref<8x16xf32, #tpu.memory_space<vmem>>, vector<16xf32>,
        tpu.vector_store %arg7[%swap3A_496, %swap3A_497], %while3A_248#6 {strides = array<i32>} : memref<8x16xf32, #tpu.memory_space<vmem>>, vector<16xf32>,
        %swap3A_499 = arith.constant 7 : i32
        %swap3A_500 = arith.index_cast %swap3A_499 : i32 to index
        %swap3A_501 = arith.constant 0 : index
        %swap3A_502 = tpu.vector_load %arg7[%swap3A_500, %swap3A_501] {strides = array<i32>} : memref<8x16xf32, #tpu.memory_space<vmem>>, vector<16xf32>,
        tpu.vector_store %arg7[%swap3A_500, %swap3A_501], %while3A_248#7 {strides = array<i32>} : memref<8x16xf32, #tpu.memory_space<vmem>>, vector<16xf32>,
        %mul3A_503 = arith.constant 8 : i32
        %mul3A_504 = arith.muli %add3A, %mul3A_503 : i32
        %jit3A_505 = arith.constant 4 : i32
        %div3A_506 = arith.divsi %add3A_77, %jit3A_505 : i32
        %sign3A_507 = arith.constant 0 : i32
        %sign3A_508 = arith.cmpi sgt, %add3A_77, %sign3A_507 : i32
        %sign3A_509 = arith.extui %sign3A_508 : i1 to i32
        %sign3A_510 = arith.constant 0 : i32
        %sign3A_511 = arith.cmpi slt, %add3A_77, %sign3A_510 : i32
        %sign3A_512 = arith.extui %sign3A_511 : i1 to i32
        %sign3A_513 = arith.subi %sign3A_509, %sign3A_512 : i32
        %sign3A_514 = arith.constant 0 : i32
        %sign3A_515 = arith.cmpi sgt, %jit3A_505, %sign3A_514 : i32
        %sign3A_516 = arith.extui %sign3A_515 : i1 to i32
        %sign3A_517 = arith.constant 0 : i32
        %sign3A_518 = arith.cmpi slt, %jit3A_505, %sign3A_517 : i32
        %sign3A_519 = arith.extui %sign3A_518 : i1 to i32
        %sign3A_520 = arith.subi %sign3A_516, %sign3A_519 : i32
        %ne3A_521 = arith.cmpi ne, %sign3A_513, %sign3A_520 : i32
        %rem3A_522 = arith.remsi %add3A_77, %jit3A_505 : i32
        %ne3A_523 = arith.constant 0 : i32
        %ne3A_524 = arith.cmpi ne, %rem3A_522, %ne3A_523 : i32
        %and3A_525 = arith.andi %ne3A_521, %ne3A_524 : i1
        %sub3A_526 = arith.constant 1 : i32
        %sub3A_527 = arith.subi %div3A_506, %sub3A_526 : i32
        %select_n3A_528 = arith.select %and3A_525, %sub3A_527, %div3A_506 : i32
        %add3A_529 = arith.addi %mul3A_504, %select_n3A_528 : i32
        %jit3A_530 = arith.constant 64 : i32
        %div3A_531 = arith.divsi %add3A_529, %jit3A_530 : i32
        %sign3A_532 = arith.constant 0 : i32
        %sign3A_533 = arith.cmpi sgt, %add3A_529, %sign3A_532 : i32
        %sign3A_534 = arith.extui %sign3A_533 : i1 to i32
        %sign3A_535 = arith.constant 0 : i32
        %sign3A_536 = arith.cmpi slt, %add3A_529, %sign3A_535 : i32
        %sign3A_537 = arith.extui %sign3A_536 : i1 to i32
        %sign3A_538 = arith.subi %sign3A_534, %sign3A_537 : i32
        %sign3A_539 = arith.constant 0 : i32
        %sign3A_540 = arith.cmpi sgt, %jit3A_530, %sign3A_539 : i32
        %sign3A_541 = arith.extui %sign3A_540 : i1 to i32
        %sign3A_542 = arith.constant 0 : i32
        %sign3A_543 = arith.cmpi slt, %jit3A_530, %sign3A_542 : i32
        %sign3A_544 = arith.extui %sign3A_543 : i1 to i32
        %sign3A_545 = arith.subi %sign3A_541, %sign3A_544 : i32
        %ne3A_546 = arith.cmpi ne, %sign3A_538, %sign3A_545 : i32
        %rem3A_547 = arith.remsi %add3A_529, %jit3A_530 : i32
        %ne3A_548 = arith.constant 0 : i32
        %ne3A_549 = arith.cmpi ne, %rem3A_547, %ne3A_548 : i32
        %and3A_550 = arith.andi %ne3A_546, %ne3A_549 : i1
        %sub3A_551 = arith.constant 1 : i32
        %sub3A_552 = arith.subi %div3A_531, %sub3A_551 : i32
        %select_n3A_553 = arith.select %and3A_550, %sub3A_552, %div3A_531 : i32
        %jit3A_554 = arith.constant 64 : i32
        %eq3A_555 = arith.constant 0 : i32
        %eq3A_556 = arith.cmpi eq, %jit3A_554, %eq3A_555 : i32
        %jit3A_557 = arith.constant 1 : i32
        %select_n3A_558 = arith.select %eq3A_556, %jit3A_557, %jit3A_554 : i32
        %rem3A_559 = arith.remsi %add3A_529, %select_n3A_558 : i32
        %ne3A_560 = arith.constant 0 : i32
        %ne3A_561 = arith.cmpi ne, %rem3A_559, %ne3A_560 : i32
        %lt3A_562 = arith.constant 0 : i32
        %lt3A_563 = arith.cmpi slt, %rem3A_559, %lt3A_562 : i32
        %lt3A_564 = arith.constant 0 : i32
        %lt3A_565 = arith.cmpi slt, %select_n3A_558, %lt3A_564 : i32
        %ne3A_566 = arith.xori %lt3A_563, %lt3A_565 : i1
        %and3A_567 = arith.andi %ne3A_566, %ne3A_561 : i1
        %add3A_568 = arith.addi %rem3A_559, %select_n3A_558 : i32
        %select_n3A_569 = arith.select %and3A_567, %add3A_568, %rem3A_559 : i32
        %mul3A_570 = arith.constant 16 : i32
        %mul3A_571 = arith.muli %select_n3A_569, %mul3A_570 : i32
        %jit3A_572 = arith.constant 4 : i32
        %eq3A_573 = arith.constant 0 : i32
        %eq3A_574 = arith.cmpi eq, %jit3A_572, %eq3A_573 : i32
        %jit3A_575 = arith.constant 1 : i32
        %select_n3A_576 = arith.select %eq3A_574, %jit3A_575, %jit3A_572 : i32
        %rem3A_577 = arith.remsi %add3A_77, %select_n3A_576 : i32
        %ne3A_578 = arith.constant 0 : i32
        %ne3A_579 = arith.cmpi ne, %rem3A_577, %ne3A_578 : i32
        %lt3A_580 = arith.constant 0 : i32
        %lt3A_581 = arith.cmpi slt, %rem3A_577, %lt3A_580 : i32
        %lt3A_582 = arith.constant 0 : i32
        %lt3A_583 = arith.cmpi slt, %select_n3A_576, %lt3A_582 : i32
        %ne3A_584 = arith.xori %lt3A_581, %lt3A_583 : i1
        %and3A_585 = arith.andi %ne3A_584, %ne3A_579 : i1
        %add3A_586 = arith.addi %rem3A_577, %select_n3A_576 : i32
        %select_n3A_587 = arith.select %and3A_585, %add3A_586, %rem3A_577 : i32
        %mul3A_588 = arith.constant 2048 : i32
        %mul3A_589 = arith.muli %select_n3A_587, %mul3A_588 : i32
        "tpu.region"() ({
          %run_scoped3A = tpu.sem_alloc : memref<!tpu.dma_semaphore, #tpu.memory_space<semaphore_mem>>
          %dma_start3A_590 = arith.constant 0 : i32
          %dma_start3A_591 = tpu.memref_slice %arg3[%select_n3A_553, %dma_start3A_590, %mul3A_571] : memref<4x8x1024xf32, #tpu.memory_space<hbm>> -> memref<1x8x16xf32, #tpu.memory_space<hbm>>
          %dma_start3A_592 = tpu.memref_squeeze %dma_start3A_591 : memref<1x8x16xf32, #tpu.memory_space<hbm>> -> memref<8x16xf32, #tpu.memory_space<hbm>>
          %dma_start3A_593 = arith.constant 0 : i32
          %dma_start3A_594 = tpu.memref_slice %arg3[%select_n3A_553, %dma_start3A_593, %mul3A_571] : memref<4x8x1024xf32, #tpu.memory_space<hbm>> -> memref<1x8x16xf32, #tpu.memory_space<hbm>>
          %dma_start3A_595 = tpu.memref_squeeze %dma_start3A_594 : memref<1x8x16xf32, #tpu.memory_space<hbm>> -> memref<8x16xf32, #tpu.memory_space<hbm>>
          tpu.enqueue_dma source(%arg7 : memref<8x16xf32, #tpu.memory_space<vmem>>) target(%dma_start3A_595 : memref<8x16xf32, #tpu.memory_space<hbm>>) target_semaphore(%run_scoped3A : memref<!tpu.dma_semaphore, #tpu.memory_space<semaphore_mem>>)
          %dma_wait3A_596 = arith.constant 0 : i32
          %dma_wait3A_597 = tpu.memref_slice %arg3[%select_n3A_553, %dma_wait3A_596, %mul3A_571] : memref<4x8x1024xf32, #tpu.memory_space<hbm>> -> memref<1x8x16xf32, #tpu.memory_space<hbm>>
          %dma_wait3A_598 = tpu.memref_squeeze %dma_wait3A_597 : memref<1x8x16xf32, #tpu.memory_space<hbm>> -> memref<8x16xf32, #tpu.memory_space<hbm>>
          %dma_wait3A_599 = arith.constant 0 : i32
          %dma_wait3A_600 = tpu.memref_slice %arg3[%select_n3A_553, %dma_wait3A_599, %mul3A_571] : memref<4x8x1024xf32, #tpu.memory_space<hbm>> -> memref<1x8x16xf32, #tpu.memory_space<hbm>>
          %dma_wait3A_601 = tpu.memref_squeeze %dma_wait3A_600 : memref<1x8x16xf32, #tpu.memory_space<hbm>> -> memref<8x16xf32, #tpu.memory_space<hbm>>
          tpu.wait_dma2 semaphore(%run_scoped3A : memref<!tpu.dma_semaphore, #tpu.memory_space<semaphore_mem>>) src(%arg7 : memref<8x16xf32, #tpu.memory_space<vmem>>) dst(%dma_wait3A_601 : memref<8x16xf32, #tpu.memory_space<hbm>>)
          tpu.yield
        }) : () -> ()
      } else {
      }
      %mul3A_270 = arith.constant 2 : i32
      %mul3A_271 = arith.muli %scan3A_57, %mul3A_270 : i32
      %add3A_272 = arith.constant 1 : i32
      %add3A_273 = arith.addi %mul3A_271, %add3A_272 : i32
      %add3A_274 = arith.constant 1 : i32
      %add3A_275 = arith.addi %add3A_273, %add3A_274 : i32
      %lt3A_276 = arith.constant 32 : i32
      %lt3A_277 = arith.cmpi slt, %add3A_275, %lt3A_276 : i32
      %convert_element_type3A_278 = arith.extui %lt3A_277 : i1 to i32
      %cond3A_279 = arith.constant 0 : i32
      %cond3A_280 = arith.cmpi ne, %convert_element_type3A_278, %cond3A_279 : i32
      scf.if %cond3A_280 {
        %add3A_472 = arith.constant 1 : i32
        %add3A_473 = arith.addi %add3A_273, %add3A_472 : i32
        %mul3A_474 = arith.constant 8 : i32
        %mul3A_475 = arith.muli %add3A, %mul3A_474 : i32
        %jit3A_476 = arith.constant 4 : i32
        %div3A_477 = arith.divsi %add3A_473, %jit3A_476 : i32
        %sign3A_478 = arith.constant 0 : i32
        %sign3A_479 = arith.cmpi sgt, %add3A_473, %sign3A_478 : i32
        %sign3A_480 = arith.extui %sign3A_479 : i1 to i32
        %sign3A_481 = arith.constant 0 : i32
        %sign3A_482 = arith.cmpi slt, %add3A_473, %sign3A_481 : i32
        %sign3A_483 = arith.extui %sign3A_482 : i1 to i32
        %sign3A_484 = arith.subi %sign3A_480, %sign3A_483 : i32
        %sign3A_485 = arith.constant 0 : i32
        %sign3A_486 = arith.cmpi sgt, %jit3A_476, %sign3A_485 : i32
        %sign3A_487 = arith.extui %sign3A_486 : i1 to i32
        %sign3A_488 = arith.constant 0 : i32
        %sign3A_489 = arith.cmpi slt, %jit3A_476, %sign3A_488 : i32
        %sign3A_490 = arith.extui %sign3A_489 : i1 to i32
        %sign3A_491 = arith.subi %sign3A_487, %sign3A_490 : i32
        %ne3A_492 = arith.cmpi ne, %sign3A_484, %sign3A_491 : i32
        %rem3A_493 = arith.remsi %add3A_473, %jit3A_476 : i32
        %ne3A_494 = arith.constant 0 : i32
        %ne3A_495 = arith.cmpi ne, %rem3A_493, %ne3A_494 : i32
        %and3A_496 = arith.andi %ne3A_492, %ne3A_495 : i1
        %sub3A_497 = arith.constant 1 : i32
        %sub3A_498 = arith.subi %div3A_477, %sub3A_497 : i32
        %select_n3A_499 = arith.select %and3A_496, %sub3A_498, %div3A_477 : i32
        %add3A_500 = arith.addi %mul3A_475, %select_n3A_499 : i32
        %jit3A_501 = arith.constant 64 : i32
        %div3A_502 = arith.divsi %add3A_500, %jit3A_501 : i32
        %sign3A_503 = arith.constant 0 : i32
        %sign3A_504 = arith.cmpi sgt, %add3A_500, %sign3A_503 : i32
        %sign3A_505 = arith.extui %sign3A_504 : i1 to i32
        %sign3A_506 = arith.constant 0 : i32
        %sign3A_507 = arith.cmpi slt, %add3A_500, %sign3A_506 : i32
        %sign3A_508 = arith.extui %sign3A_507 : i1 to i32
        %sign3A_509 = arith.subi %sign3A_505, %sign3A_508 : i32
        %sign3A_510 = arith.constant 0 : i32
        %sign3A_511 = arith.cmpi sgt, %jit3A_501, %sign3A_510 : i32
        %sign3A_512 = arith.extui %sign3A_511 : i1 to i32
        %sign3A_513 = arith.constant 0 : i32
        %sign3A_514 = arith.cmpi slt, %jit3A_501, %sign3A_513 : i32
        %sign3A_515 = arith.extui %sign3A_514 : i1 to i32
        %sign3A_516 = arith.subi %sign3A_512, %sign3A_515 : i32
        %ne3A_517 = arith.cmpi ne, %sign3A_509, %sign3A_516 : i32
        %rem3A_518 = arith.remsi %add3A_500, %jit3A_501 : i32
        %ne3A_519 = arith.constant 0 : i32
        %ne3A_520 = arith.cmpi ne, %rem3A_518, %ne3A_519 : i32
        %and3A_521 = arith.andi %ne3A_517, %ne3A_520 : i1
        %sub3A_522 = arith.constant 1 : i32
        %sub3A_523 = arith.subi %div3A_502, %sub3A_522 : i32
        %select_n3A_524 = arith.select %and3A_521, %sub3A_523, %div3A_502 : i32
        %jit3A_525 = arith.constant 64 : i32
        %eq3A_526 = arith.constant 0 : i32
        %eq3A_527 = arith.cmpi eq, %jit3A_525, %eq3A_526 : i32
        %jit3A_528 = arith.constant 1 : i32
        %select_n3A_529 = arith.select %eq3A_527, %jit3A_528, %jit3A_525 : i32
        %rem3A_530 = arith.remsi %add3A_500, %select_n3A_529 : i32
        %ne3A_531 = arith.constant 0 : i32
        %ne3A_532 = arith.cmpi ne, %rem3A_530, %ne3A_531 : i32
        %lt3A_533 = arith.constant 0 : i32
        %lt3A_534 = arith.cmpi slt, %rem3A_530, %lt3A_533 : i32
        %lt3A_535 = arith.constant 0 : i32
        %lt3A_536 = arith.cmpi slt, %select_n3A_529, %lt3A_535 : i32
        %ne3A_537 = arith.xori %lt3A_534, %lt3A_536 : i1
        %and3A_538 = arith.andi %ne3A_537, %ne3A_532 : i1
        %add3A_539 = arith.addi %rem3A_530, %select_n3A_529 : i32
        %select_n3A_540 = arith.select %and3A_538, %add3A_539, %rem3A_530 : i32
        %mul3A_541 = arith.constant 16 : i32
        %mul3A_542 = arith.muli %select_n3A_540, %mul3A_541 : i32
        %jit3A_543 = arith.constant 4 : i32
        %eq3A_544 = arith.constant 0 : i32
        %eq3A_545 = arith.cmpi eq, %jit3A_543, %eq3A_544 : i32
        %jit3A_546 = arith.constant 1 : i32
        %select_n3A_547 = arith.select %eq3A_545, %jit3A_546, %jit3A_543 : i32
        %rem3A_548 = arith.remsi %add3A_473, %select_n3A_547 : i32
        %ne3A_549 = arith.constant 0 : i32
        %ne3A_550 = arith.cmpi ne, %rem3A_548, %ne3A_549 : i32
        %lt3A_551 = arith.constant 0 : i32
        %lt3A_552 = arith.cmpi slt, %rem3A_548, %lt3A_551 : i32
        %lt3A_553 = arith.constant 0 : i32
        %lt3A_554 = arith.cmpi slt, %select_n3A_547, %lt3A_553 : i32
        %ne3A_555 = arith.xori %lt3A_552, %lt3A_554 : i1
        %and3A_556 = arith.andi %ne3A_555, %ne3A_550 : i1
        %add3A_557 = arith.addi %rem3A_548, %select_n3A_547 : i32
        %select_n3A_558 = arith.select %and3A_556, %add3A_557, %rem3A_548 : i32
        %mul3A_559 = arith.constant 2048 : i32
        %mul3A_560 = arith.muli %select_n3A_558, %mul3A_559 : i32
        %dma_start3A_561 = arith.constant 0 : i32
        %dma_start3A_562 = arith.constant 0 : i32
        %dma_start3A_563 = arith.constant 0 : i32
        %dma_start3A_564 = tpu.memref_slice %arg4[%dma_start3A_561, %dma_start3A_562, %dma_start3A_563] : memref<2x2048x16xf32, #tpu.memory_space<vmem>> -> memref<1x2048x16xf32, #tpu.memory_space<vmem>>
        %dma_start3A_565 = tpu.memref_squeeze %dma_start3A_564 : memref<1x2048x16xf32, #tpu.memory_space<vmem>> -> memref<2048x16xf32, #tpu.memory_space<vmem>>
        %dma_start3A_566 = tpu.memref_slice %arg2[%select_n3A_524, %mul3A_560, %mul3A_542] : memref<4x8192x1024xf32, #tpu.memory_space<hbm>> -> memref<1x2048x16xf32, #tpu.memory_space<hbm>>
        %dma_start3A_567 = tpu.memref_squeeze %dma_start3A_566 : memref<1x2048x16xf32, #tpu.memory_space<hbm>> -> memref<2048x16xf32, #tpu.memory_space<hbm>>
        %dma_start3A_568 = arith.constant 0 : i32
        %dma_start3A_569 = arith.constant 0 : i32
        %dma_start3A_570 = tpu.memref_slice %arg4[%dma_start3A_561, %dma_start3A_568, %dma_start3A_569] : memref<2x2048x16xf32, #tpu.memory_space<vmem>> -> memref<1x2048x16xf32, #tpu.memory_space<vmem>>
        %dma_start3A_571 = tpu.memref_squeeze %dma_start3A_570 : memref<1x2048x16xf32, #tpu.memory_space<vmem>> -> memref<2048x16xf32, #tpu.memory_space<vmem>>
        %dma_start3A_572 = tpu.memref_slice %arg2[%select_n3A_524, %mul3A_560, %mul3A_542] : memref<4x8192x1024xf32, #tpu.memory_space<hbm>> -> memref<1x2048x16xf32, #tpu.memory_space<hbm>>
        %dma_start3A_573 = tpu.memref_squeeze %dma_start3A_572 : memref<1x2048x16xf32, #tpu.memory_space<hbm>> -> memref<2048x16xf32, #tpu.memory_space<hbm>>
        tpu.enqueue_dma source(%dma_start3A_573 : memref<2048x16xf32, #tpu.memory_space<hbm>>) target(%dma_start3A_571 : memref<2048x16xf32, #tpu.memory_space<vmem>>) target_semaphore(%arg8 : memref<!tpu.dma_semaphore, #tpu.memory_space<semaphore_mem>>)
      } else {
      }
      %mul3A_281 = arith.constant 8 : i32
      %mul3A_282 = arith.muli %add3A, %mul3A_281 : i32
      %jit3A_283 = arith.constant 4 : i32
      %div3A_284 = arith.divsi %add3A_273, %jit3A_283 : i32
      %sign3A_285 = arith.constant 0 : i32
      %sign3A_286 = arith.cmpi sgt, %add3A_273, %sign3A_285 : i32
      %sign3A_287 = arith.extui %sign3A_286 : i1 to i32
      %sign3A_288 = arith.constant 0 : i32
      %sign3A_289 = arith.cmpi slt, %add3A_273, %sign3A_288 : i32
      %sign3A_290 = arith.extui %sign3A_289 : i1 to i32
      %sign3A_291 = arith.subi %sign3A_287, %sign3A_290 : i32
      %sign3A_292 = arith.constant 0 : i32
      %sign3A_293 = arith.cmpi sgt, %jit3A_283, %sign3A_292 : i32
      %sign3A_294 = arith.extui %sign3A_293 : i1 to i32
      %sign3A_295 = arith.constant 0 : i32
      %sign3A_296 = arith.cmpi slt, %jit3A_283, %sign3A_295 : i32
      %sign3A_297 = arith.extui %sign3A_296 : i1 to i32
      %sign3A_298 = arith.subi %sign3A_294, %sign3A_297 : i32
      %ne3A_299 = arith.cmpi ne, %sign3A_291, %sign3A_298 : i32
      %rem3A_300 = arith.remsi %add3A_273, %jit3A_283 : i32
      %ne3A_301 = arith.constant 0 : i32
      %ne3A_302 = arith.cmpi ne, %rem3A_300, %ne3A_301 : i32
      %and3A_303 = arith.andi %ne3A_299, %ne3A_302 : i1
      %sub3A_304 = arith.constant 1 : i32
      %sub3A_305 = arith.subi %div3A_284, %sub3A_304 : i32
      %select_n3A_306 = arith.select %and3A_303, %sub3A_305, %div3A_284 : i32
      %add3A_307 = arith.addi %mul3A_282, %select_n3A_306 : i32
      %jit3A_308 = arith.constant 64 : i32
      %div3A_309 = arith.divsi %add3A_307, %jit3A_308 : i32
      %sign3A_310 = arith.constant 0 : i32
      %sign3A_311 = arith.cmpi sgt, %add3A_307, %sign3A_310 : i32
      %sign3A_312 = arith.extui %sign3A_311 : i1 to i32
      %sign3A_313 = arith.constant 0 : i32
      %sign3A_314 = arith.cmpi slt, %add3A_307, %sign3A_313 : i32
      %sign3A_315 = arith.extui %sign3A_314 : i1 to i32
      %sign3A_316 = arith.subi %sign3A_312, %sign3A_315 : i32
      %sign3A_317 = arith.constant 0 : i32
      %sign3A_318 = arith.cmpi sgt, %jit3A_308, %sign3A_317 : i32
      %sign3A_319 = arith.extui %sign3A_318 : i1 to i32
      %sign3A_320 = arith.constant 0 : i32
      %sign3A_321 = arith.cmpi slt, %jit3A_308, %sign3A_320 : i32
      %sign3A_322 = arith.extui %sign3A_321 : i1 to i32
      %sign3A_323 = arith.subi %sign3A_319, %sign3A_322 : i32
      %ne3A_324 = arith.cmpi ne, %sign3A_316, %sign3A_323 : i32
      %rem3A_325 = arith.remsi %add3A_307, %jit3A_308 : i32
      %ne3A_326 = arith.constant 0 : i32
      %ne3A_327 = arith.cmpi ne, %rem3A_325, %ne3A_326 : i32
      %and3A_328 = arith.andi %ne3A_324, %ne3A_327 : i1
      %sub3A_329 = arith.constant 1 : i32
      %sub3A_330 = arith.subi %div3A_309, %sub3A_329 : i32
      %select_n3A_331 = arith.select %and3A_328, %sub3A_330, %div3A_309 : i32
      %jit3A_332 = arith.constant 64 : i32
      %eq3A_333 = arith.constant 0 : i32
      %eq3A_334 = arith.cmpi eq, %jit3A_332, %eq3A_333 : i32
      %jit3A_335 = arith.constant 1 : i32
      %select_n3A_336 = arith.select %eq3A_334, %jit3A_335, %jit3A_332 : i32
      %rem3A_337 = arith.remsi %add3A_307, %select_n3A_336 : i32
      %ne3A_338 = arith.constant 0 : i32
      %ne3A_339 = arith.cmpi ne, %rem3A_337, %ne3A_338 : i32
      %lt3A_340 = arith.constant 0 : i32
      %lt3A_341 = arith.cmpi slt, %rem3A_337, %lt3A_340 : i32
      %lt3A_342 = arith.constant 0 : i32
      %lt3A_343 = arith.cmpi slt, %select_n3A_336, %lt3A_342 : i32
      %ne3A_344 = arith.xori %lt3A_341, %lt3A_343 : i1
      %and3A_345 = arith.andi %ne3A_344, %ne3A_339 : i1
      %add3A_346 = arith.addi %rem3A_337, %select_n3A_336 : i32
      %select_n3A_347 = arith.select %and3A_345, %add3A_346, %rem3A_337 : i32
      %mul3A_348 = arith.constant 16 : i32
      %mul3A_349 = arith.muli %select_n3A_347, %mul3A_348 : i32
      %jit3A_350 = arith.constant 4 : i32
      %eq3A_351 = arith.constant 0 : i32
      %eq3A_352 = arith.cmpi eq, %jit3A_350, %eq3A_351 : i32
      %jit3A_353 = arith.constant 1 : i32
      %select_n3A_354 = arith.select %eq3A_352, %jit3A_353, %jit3A_350 : i32
      %rem3A_355 = arith.remsi %add3A_273, %select_n3A_354 : i32
      %ne3A_356 = arith.constant 0 : i32
      %ne3A_357 = arith.cmpi ne, %rem3A_355, %ne3A_356 : i32
      %lt3A_358 = arith.constant 0 : i32
      %lt3A_359 = arith.cmpi slt, %rem3A_355, %lt3A_358 : i32
      %lt3A_360 = arith.constant 0 : i32
      %lt3A_361 = arith.cmpi slt, %select_n3A_354, %lt3A_360 : i32
      %ne3A_362 = arith.xori %lt3A_359, %lt3A_361 : i1
      %and3A_363 = arith.andi %ne3A_362, %ne3A_357 : i1
      %add3A_364 = arith.addi %rem3A_355, %select_n3A_354 : i32
      %select_n3A_365 = arith.select %and3A_363, %add3A_364, %rem3A_355 : i32
      %mul3A_366 = arith.constant 2048 : i32
      %mul3A_367 = arith.muli %select_n3A_365, %mul3A_366 : i32
      %dma_wait3A_368 = arith.constant 1 : i32
      %dma_wait3A_369 = arith.constant 0 : i32
      %dma_wait3A_370 = arith.constant 0 : i32
      %dma_wait3A_371 = tpu.memref_slice %arg4[%dma_wait3A_368, %dma_wait3A_369, %dma_wait3A_370] : memref<2x2048x16xf32, #tpu.memory_space<vmem>> -> memref<1x2048x16xf32, #tpu.memory_space<vmem>>
      %dma_wait3A_372 = tpu.memref_squeeze %dma_wait3A_371 : memref<1x2048x16xf32, #tpu.memory_space<vmem>> -> memref<2048x16xf32, #tpu.memory_space<vmem>>
      %dma_wait3A_373 = tpu.memref_slice %arg2[%select_n3A_331, %mul3A_367, %mul3A_349] : memref<4x8192x1024xf32, #tpu.memory_space<hbm>> -> memref<1x2048x16xf32, #tpu.memory_space<hbm>>
      %dma_wait3A_374 = tpu.memref_squeeze %dma_wait3A_373 : memref<1x2048x16xf32, #tpu.memory_space<hbm>> -> memref<2048x16xf32, #tpu.memory_space<hbm>>
      %dma_wait3A_375 = arith.constant 0 : i32
      %dma_wait3A_376 = arith.constant 0 : i32
      %dma_wait3A_377 = tpu.memref_slice %arg4[%dma_wait3A_368, %dma_wait3A_375, %dma_wait3A_376] : memref<2x2048x16xf32, #tpu.memory_space<vmem>> -> memref<1x2048x16xf32, #tpu.memory_space<vmem>>
      %dma_wait3A_378 = tpu.memref_squeeze %dma_wait3A_377 : memref<1x2048x16xf32, #tpu.memory_space<vmem>> -> memref<2048x16xf32, #tpu.memory_space<vmem>>
      %dma_wait3A_379 = tpu.memref_slice %arg2[%select_n3A_331, %mul3A_367, %mul3A_349] : memref<4x8192x1024xf32, #tpu.memory_space<hbm>> -> memref<1x2048x16xf32, #tpu.memory_space<hbm>>
      %dma_wait3A_380 = tpu.memref_squeeze %dma_wait3A_379 : memref<1x2048x16xf32, #tpu.memory_space<hbm>> -> memref<2048x16xf32, #tpu.memory_space<hbm>>
      tpu.wait_dma2 semaphore(%arg9 : memref<!tpu.dma_semaphore, #tpu.memory_space<semaphore_mem>>) src(%dma_wait3A_380 : memref<2048x16xf32, #tpu.memory_space<hbm>>) dst(%dma_wait3A_378 : memref<2048x16xf32, #tpu.memory_space<vmem>>)
      %jit3A_381 = arith.constant 4 : i32
      %eq3A_382 = arith.constant 0 : i32
      %eq3A_383 = arith.cmpi eq, %jit3A_381, %eq3A_382 : i32
      %jit3A_384 = arith.constant 1 : i32
      %select_n3A_385 = arith.select %eq3A_383, %jit3A_384, %jit3A_381 : i32
      %rem3A_386 = arith.remsi %add3A_273, %select_n3A_385 : i32
      %ne3A_387 = arith.constant 0 : i32
      %ne3A_388 = arith.cmpi ne, %rem3A_386, %ne3A_387 : i32
      %lt3A_389 = arith.constant 0 : i32
      %lt3A_390 = arith.cmpi slt, %rem3A_386, %lt3A_389 : i32
      %lt3A_391 = arith.constant 0 : i32
      %lt3A_392 = arith.cmpi slt, %select_n3A_385, %lt3A_391 : i32
      %ne3A_393 = arith.xori %lt3A_390, %lt3A_392 : i1
      %and3A_394 = arith.andi %ne3A_393, %ne3A_388 : i1
      %add3A_395 = arith.addi %rem3A_386, %select_n3A_385 : i32
      %select_n3A_396 = arith.select %and3A_394, %add3A_395, %rem3A_386 : i32
      %eq3A_397 = arith.constant 0 : i32
      %eq3A_398 = arith.cmpi eq, %select_n3A_396, %eq3A_397 : i32
      %select_n3A_399 = arith.select %eq3A_398, %broadcast_in_dim3A_51, %while3A_248#0 : vector<16xf32>
      %select_n3A_400 = arith.select %eq3A_398, %broadcast_in_dim3A_51, %while3A_248#1 : vector<16xf32>
      %select_n3A_401 = arith.select %eq3A_398, %broadcast_in_dim3A_51, %while3A_248#2 : vector<16xf32>
      %select_n3A_402 = arith.select %eq3A_398, %broadcast_in_dim3A_51, %while3A_248#3 : vector<16xf32>
      %select_n3A_403 = arith.select %eq3A_398, %broadcast_in_dim3A_51, %while3A_248#4 : vector<16xf32>
      %select_n3A_404 = arith.select %eq3A_398, %broadcast_in_dim3A_51, %while3A_248#5 : vector<16xf32>
      %select_n3A_405 = arith.select %eq3A_398, %broadcast_in_dim3A_51, %while3A_248#6 : vector<16xf32>
      %select_n3A_406 = arith.select %eq3A_398, %broadcast_in_dim3A_51, %while3A_248#7 : vector<16xf32>
      %select_n3A_407 = arith.select %eq3A_398, %broadcast_in_dim3A_51, %scan3A_221#0 : vector<16xf32>
      %select_n3A_408 = arith.select %eq3A_398, %broadcast_in_dim3A_51, %scan3A_221#1 : vector<16xf32>
      %select_n3A_409 = arith.select %eq3A_398, %broadcast_in_dim3A_51, %scan3A_221#2 : vector<16xf32>
      %select_n3A_410 = arith.select %eq3A_398, %broadcast_in_dim3A_51, %scan3A_221#3 : vector<16xf32>
      %select_n3A_411 = arith.select %eq3A_398, %broadcast_in_dim3A_51, %scan3A_221#4 : vector<16xf32>
      %select_n3A_412 = arith.select %eq3A_398, %broadcast_in_dim3A_51, %scan3A_221#5 : vector<16xf32>
      %select_n3A_413 = arith.select %eq3A_398, %broadcast_in_dim3A_51, %scan3A_221#6 : vector<16xf32>
      %select_n3A_414 = arith.select %eq3A_398, %broadcast_in_dim3A_51, %scan3A_221#7 : vector<16xf32>
      %scan3A_415 = arith.constant 1 : i32
      %scan3A_416 = arith.constant 0 : i32
      %scan3A_417 = arith.constant 128 : i32
      %scan3A_418 = arith.addi %scan3A_416, %scan3A_417 : i32
      %scan3A_419 = arith.constant 1 : i32
      %scan3A_420:8 = scf.for %scan3A_472 = %scan3A_416 to %scan3A_418 step %scan3A_419 iter_args(%scan3A_473 = %select_n3A_407, %scan3A_474 = %select_n3A_408, %scan3A_475 = %select_n3A_409, %scan3A_476 = %select_n3A_410, %scan3A_477 = %select_n3A_411, %scan3A_478 = %select_n3A_412, %scan3A_479 = %select_n3A_413, %scan3A_480 = %select_n3A_414) -> (vector<16xf32>, vector<16xf32>, vector<16xf32>, vector<16xf32>, vector<16xf32>, vector<16xf32>, vector<16xf32>, vector<16xf32>)  : i32 {
        %mul3A_481 = arith.constant 16 : i32
        %mul3A_482 = arith.muli %scan3A_472, %mul3A_481 : i32
        %get3A = arith.constant 0 : i32
        %get3A_483 = arith.constant 0 : i32
        %get3A_484 = tpu.memref_slice %arg4[%scan3A_415, %get3A, %get3A_483] : memref<2x2048x16xf32, #tpu.memory_space<vmem>> -> memref<1x2048x16xf32, #tpu.memory_space<vmem>>
        %get3A_485 = tpu.memref_squeeze %get3A_484 : memref<1x2048x16xf32, #tpu.memory_space<vmem>> -> memref<2048x16xf32, #tpu.memory_space<vmem>>
        %get3A_486 = arith.index_cast %mul3A_482 : i32 to index
        %get3A_487 = arith.constant 0 : index
        %get3A_488 = tpu.vector_load %get3A_485[%get3A_486, %get3A_487] {strides = array<i32>} : memref<2048x16xf32, #tpu.memory_space<vmem>>, vector<16xf32>,
        %add3A_489 = arith.constant 1 : i32
        %add3A_490 = arith.addi %mul3A_482, %add3A_489 : i32
        %get3A_491 = arith.constant 0 : i32
        %get3A_492 = arith.constant 0 : i32
        %get3A_493 = tpu.memref_slice %arg4[%scan3A_415, %get3A_491, %get3A_492] : memref<2x2048x16xf32, #tpu.memory_space<vmem>> -> memref<1x2048x16xf32, #tpu.memory_space<vmem>>
        %get3A_494 = tpu.memref_squeeze %get3A_493 : memref<1x2048x16xf32, #tpu.memory_space<vmem>> -> memref<2048x16xf32, #tpu.memory_space<vmem>>
        %get3A_495 = arith.index_cast %add3A_490 : i32 to index
        %get3A_496 = arith.constant 0 : index
        %get3A_497 = tpu.vector_load %get3A_494[%get3A_495, %get3A_496] {strides = array<i32>} : memref<2048x16xf32, #tpu.memory_space<vmem>>, vector<16xf32>,
        %max3A_498 = arith.maximumf %get3A_488, %get3A_497 : vector<16xf32>
        %add3A_499 = arith.constant 2 : i32
        %add3A_500 = arith.addi %mul3A_482, %add3A_499 : i32
        %get3A_501 = arith.constant 0 : i32
        %get3A_502 = arith.constant 0 : i32
        %get3A_503 = tpu.memref_slice %arg4[%scan3A_415, %get3A_501, %get3A_502] : memref<2x2048x16xf32, #tpu.memory_space<vmem>> -> memref<1x2048x16xf32, #tpu.memory_space<vmem>>
        %get3A_504 = tpu.memref_squeeze %get3A_503 : memref<1x2048x16xf32, #tpu.memory_space<vmem>> -> memref<2048x16xf32, #tpu.memory_space<vmem>>
        %get3A_505 = arith.index_cast %add3A_500 : i32 to index
        %get3A_506 = arith.constant 0 : index
        %get3A_507 = tpu.vector_load %get3A_504[%get3A_505, %get3A_506] {strides = array<i32>} : memref<2048x16xf32, #tpu.memory_space<vmem>>, vector<16xf32>,
        %max3A_508 = arith.maximumf %max3A_498, %get3A_507 : vector<16xf32>
        %add3A_509 = arith.constant 3 : i32
        %add3A_510 = arith.addi %mul3A_482, %add3A_509 : i32
        %get3A_511 = arith.constant 0 : i32
        %get3A_512 = arith.constant 0 : i32
        %get3A_513 = tpu.memref_slice %arg4[%scan3A_415, %get3A_511, %get3A_512] : memref<2x2048x16xf32, #tpu.memory_space<vmem>> -> memref<1x2048x16xf32, #tpu.memory_space<vmem>>
        %get3A_514 = tpu.memref_squeeze %get3A_513 : memref<1x2048x16xf32, #tpu.memory_space<vmem>> -> memref<2048x16xf32, #tpu.memory_space<vmem>>
        %get3A_515 = arith.index_cast %add3A_510 : i32 to index
        %get3A_516 = arith.constant 0 : index
        %get3A_517 = tpu.vector_load %get3A_514[%get3A_515, %get3A_516] {strides = array<i32>} : memref<2048x16xf32, #tpu.memory_space<vmem>>, vector<16xf32>,
        %max3A_518 = arith.maximumf %max3A_508, %get3A_517 : vector<16xf32>
        %add3A_519 = arith.constant 4 : i32
        %add3A_520 = arith.addi %mul3A_482, %add3A_519 : i32
        %get3A_521 = arith.constant 0 : i32
        %get3A_522 = arith.constant 0 : i32
        %get3A_523 = tpu.memref_slice %arg4[%scan3A_415, %get3A_521, %get3A_522] : memref<2x2048x16xf32, #tpu.memory_space<vmem>> -> memref<1x2048x16xf32, #tpu.memory_space<vmem>>
        %get3A_524 = tpu.memref_squeeze %get3A_523 : memref<1x2048x16xf32, #tpu.memory_space<vmem>> -> memref<2048x16xf32, #tpu.memory_space<vmem>>
        %get3A_525 = arith.index_cast %add3A_520 : i32 to index
        %get3A_526 = arith.constant 0 : index
        %get3A_527 = tpu.vector_load %get3A_524[%get3A_525, %get3A_526] {strides = array<i32>} : memref<2048x16xf32, #tpu.memory_space<vmem>>, vector<16xf32>,
        %max3A_528 = arith.maximumf %max3A_518, %get3A_527 : vector<16xf32>
        %add3A_529 = arith.constant 5 : i32
        %add3A_530 = arith.addi %mul3A_482, %add3A_529 : i32
        %get3A_531 = arith.constant 0 : i32
        %get3A_532 = arith.constant 0 : i32
        %get3A_533 = tpu.memref_slice %arg4[%scan3A_415, %get3A_531, %get3A_532] : memref<2x2048x16xf32, #tpu.memory_space<vmem>> -> memref<1x2048x16xf32, #tpu.memory_space<vmem>>
        %get3A_534 = tpu.memref_squeeze %get3A_533 : memref<1x2048x16xf32, #tpu.memory_space<vmem>> -> memref<2048x16xf32, #tpu.memory_space<vmem>>
        %get3A_535 = arith.index_cast %add3A_530 : i32 to index
        %get3A_536 = arith.constant 0 : index
        %get3A_537 = tpu.vector_load %get3A_534[%get3A_535, %get3A_536] {strides = array<i32>} : memref<2048x16xf32, #tpu.memory_space<vmem>>, vector<16xf32>,
        %max3A_538 = arith.maximumf %max3A_528, %get3A_537 : vector<16xf32>
        %add3A_539 = arith.constant 6 : i32
        %add3A_540 = arith.addi %mul3A_482, %add3A_539 : i32
        %get3A_541 = arith.constant 0 : i32
        %get3A_542 = arith.constant 0 : i32
        %get3A_543 = tpu.memref_slice %arg4[%scan3A_415, %get3A_541, %get3A_542] : memref<2x2048x16xf32, #tpu.memory_space<vmem>> -> memref<1x2048x16xf32, #tpu.memory_space<vmem>>
        %get3A_544 = tpu.memref_squeeze %get3A_543 : memref<1x2048x16xf32, #tpu.memory_space<vmem>> -> memref<2048x16xf32, #tpu.memory_space<vmem>>
        %get3A_545 = arith.index_cast %add3A_540 : i32 to index
        %get3A_546 = arith.constant 0 : index
        %get3A_547 = tpu.vector_load %get3A_544[%get3A_545, %get3A_546] {strides = array<i32>} : memref<2048x16xf32, #tpu.memory_space<vmem>>, vector<16xf32>,
        %max3A_548 = arith.maximumf %max3A_538, %get3A_547 : vector<16xf32>
        %add3A_549 = arith.constant 7 : i32
        %add3A_550 = arith.addi %mul3A_482, %add3A_549 : i32
        %get3A_551 = arith.constant 0 : i32
        %get3A_552 = arith.constant 0 : i32
        %get3A_553 = tpu.memref_slice %arg4[%scan3A_415, %get3A_551, %get3A_552] : memref<2x2048x16xf32, #tpu.memory_space<vmem>> -> memref<1x2048x16xf32, #tpu.memory_space<vmem>>
        %get3A_554 = tpu.memref_squeeze %get3A_553 : memref<1x2048x16xf32, #tpu.memory_space<vmem>> -> memref<2048x16xf32, #tpu.memory_space<vmem>>
        %get3A_555 = arith.index_cast %add3A_550 : i32 to index
        %get3A_556 = arith.constant 0 : index
        %get3A_557 = tpu.vector_load %get3A_554[%get3A_555, %get3A_556] {strides = array<i32>} : memref<2048x16xf32, #tpu.memory_space<vmem>>, vector<16xf32>,
        %max3A_558 = arith.maximumf %max3A_548, %get3A_557 : vector<16xf32>
        %add3A_559 = arith.constant 8 : i32
        %add3A_560 = arith.addi %mul3A_482, %add3A_559 : i32
        %get3A_561 = arith.constant 0 : i32
        %get3A_562 = arith.constant 0 : i32
        %get3A_563 = tpu.memref_slice %arg4[%scan3A_415, %get3A_561, %get3A_562] : memref<2x2048x16xf32, #tpu.memory_space<vmem>> -> memref<1x2048x16xf32, #tpu.memory_space<vmem>>
        %get3A_564 = tpu.memref_squeeze %get3A_563 : memref<1x2048x16xf32, #tpu.memory_space<vmem>> -> memref<2048x16xf32, #tpu.memory_space<vmem>>
        %get3A_565 = arith.index_cast %add3A_560 : i32 to index
        %get3A_566 = arith.constant 0 : index
        %get3A_567 = tpu.vector_load %get3A_564[%get3A_565, %get3A_566] {strides = array<i32>} : memref<2048x16xf32, #tpu.memory_space<vmem>>, vector<16xf32>,
        %max3A_568 = arith.maximumf %max3A_558, %get3A_567 : vector<16xf32>
        %add3A_569 = arith.constant 9 : i32
        %add3A_570 = arith.addi %mul3A_482, %add3A_569 : i32
        %get3A_571 = arith.constant 0 : i32
        %get3A_572 = arith.constant 0 : i32
        %get3A_573 = tpu.memref_slice %arg4[%scan3A_415, %get3A_571, %get3A_572] : memref<2x2048x16xf32, #tpu.memory_space<vmem>> -> memref<1x2048x16xf32, #tpu.memory_space<vmem>>
        %get3A_574 = tpu.memref_squeeze %get3A_573 : memref<1x2048x16xf32, #tpu.memory_space<vmem>> -> memref<2048x16xf32, #tpu.memory_space<vmem>>
        %get3A_575 = arith.index_cast %add3A_570 : i32 to index
        %get3A_576 = arith.constant 0 : index
        %get3A_577 = tpu.vector_load %get3A_574[%get3A_575, %get3A_576] {strides = array<i32>} : memref<2048x16xf32, #tpu.memory_space<vmem>>, vector<16xf32>,
        %max3A_578 = arith.maximumf %max3A_568, %get3A_577 : vector<16xf32>
        %add3A_579 = arith.constant 10 : i32
        %add3A_580 = arith.addi %mul3A_482, %add3A_579 : i32
        %get3A_581 = arith.constant 0 : i32
        %get3A_582 = arith.constant 0 : i32
        %get3A_583 = tpu.memref_slice %arg4[%scan3A_415, %get3A_581, %get3A_582] : memref<2x2048x16xf32, #tpu.memory_space<vmem>> -> memref<1x2048x16xf32, #tpu.memory_space<vmem>>
        %get3A_584 = tpu.memref_squeeze %get3A_583 : memref<1x2048x16xf32, #tpu.memory_space<vmem>> -> memref<2048x16xf32, #tpu.memory_space<vmem>>
        %get3A_585 = arith.index_cast %add3A_580 : i32 to index
        %get3A_586 = arith.constant 0 : index
        %get3A_587 = tpu.vector_load %get3A_584[%get3A_585, %get3A_586] {strides = array<i32>} : memref<2048x16xf32, #tpu.memory_space<vmem>>, vector<16xf32>,
        %max3A_588 = arith.maximumf %max3A_578, %get3A_587 : vector<16xf32>
        %add3A_589 = arith.constant 11 : i32
        %add3A_590 = arith.addi %mul3A_482, %add3A_589 : i32
        %get3A_591 = arith.constant 0 : i32
        %get3A_592 = arith.constant 0 : i32
        %get3A_593 = tpu.memref_slice %arg4[%scan3A_415, %get3A_591, %get3A_592] : memref<2x2048x16xf32, #tpu.memory_space<vmem>> -> memref<1x2048x16xf32, #tpu.memory_space<vmem>>
        %get3A_594 = tpu.memref_squeeze %get3A_593 : memref<1x2048x16xf32, #tpu.memory_space<vmem>> -> memref<2048x16xf32, #tpu.memory_space<vmem>>
        %get3A_595 = arith.index_cast %add3A_590 : i32 to index
        %get3A_596 = arith.constant 0 : index
        %get3A_597 = tpu.vector_load %get3A_594[%get3A_595, %get3A_596] {strides = array<i32>} : memref<2048x16xf32, #tpu.memory_space<vmem>>, vector<16xf32>,
        %max3A_598 = arith.maximumf %max3A_588, %get3A_597 : vector<16xf32>
        %add3A_599 = arith.constant 12 : i32
        %add3A_600 = arith.addi %mul3A_482, %add3A_599 : i32
        %get3A_601 = arith.constant 0 : i32
        %get3A_602 = arith.constant 0 : i32
        %get3A_603 = tpu.memref_slice %arg4[%scan3A_415, %get3A_601, %get3A_602] : memref<2x2048x16xf32, #tpu.memory_space<vmem>> -> memref<1x2048x16xf32, #tpu.memory_space<vmem>>
        %get3A_604 = tpu.memref_squeeze %get3A_603 : memref<1x2048x16xf32, #tpu.memory_space<vmem>> -> memref<2048x16xf32, #tpu.memory_space<vmem>>
        %get3A_605 = arith.index_cast %add3A_600 : i32 to index
        %get3A_606 = arith.constant 0 : index
        %get3A_607 = tpu.vector_load %get3A_604[%get3A_605, %get3A_606] {strides = array<i32>} : memref<2048x16xf32, #tpu.memory_space<vmem>>, vector<16xf32>,
        %max3A_608 = arith.maximumf %max3A_598, %get3A_607 : vector<16xf32>
        %add3A_609 = arith.constant 13 : i32
        %add3A_610 = arith.addi %mul3A_482, %add3A_609 : i32
        %get3A_611 = arith.constant 0 : i32
        %get3A_612 = arith.constant 0 : i32
        %get3A_613 = tpu.memref_slice %arg4[%scan3A_415, %get3A_611, %get3A_612] : memref<2x2048x16xf32, #tpu.memory_space<vmem>> -> memref<1x2048x16xf32, #tpu.memory_space<vmem>>
        %get3A_614 = tpu.memref_squeeze %get3A_613 : memref<1x2048x16xf32, #tpu.memory_space<vmem>> -> memref<2048x16xf32, #tpu.memory_space<vmem>>
        %get3A_615 = arith.index_cast %add3A_610 : i32 to index
        %get3A_616 = arith.constant 0 : index
        %get3A_617 = tpu.vector_load %get3A_614[%get3A_615, %get3A_616] {strides = array<i32>} : memref<2048x16xf32, #tpu.memory_space<vmem>>, vector<16xf32>,
        %max3A_618 = arith.maximumf %max3A_608, %get3A_617 : vector<16xf32>
        %add3A_619 = arith.constant 14 : i32
        %add3A_620 = arith.addi %mul3A_482, %add3A_619 : i32
        %get3A_621 = arith.constant 0 : i32
        %get3A_622 = arith.constant 0 : i32
        %get3A_623 = tpu.memref_slice %arg4[%scan3A_415, %get3A_621, %get3A_622] : memref<2x2048x16xf32, #tpu.memory_space<vmem>> -> memref<1x2048x16xf32, #tpu.memory_space<vmem>>
        %get3A_624 = tpu.memref_squeeze %get3A_623 : memref<1x2048x16xf32, #tpu.memory_space<vmem>> -> memref<2048x16xf32, #tpu.memory_space<vmem>>
        %get3A_625 = arith.index_cast %add3A_620 : i32 to index
        %get3A_626 = arith.constant 0 : index
        %get3A_627 = tpu.vector_load %get3A_624[%get3A_625, %get3A_626] {strides = array<i32>} : memref<2048x16xf32, #tpu.memory_space<vmem>>, vector<16xf32>,
        %max3A_628 = arith.maximumf %max3A_618, %get3A_627 : vector<16xf32>
        %add3A_629 = arith.constant 15 : i32
        %add3A_630 = arith.addi %mul3A_482, %add3A_629 : i32
        %get3A_631 = arith.constant 0 : i32
        %get3A_632 = arith.constant 0 : i32
        %get3A_633 = tpu.memref_slice %arg4[%scan3A_415, %get3A_631, %get3A_632] : memref<2x2048x16xf32, #tpu.memory_space<vmem>> -> memref<1x2048x16xf32, #tpu.memory_space<vmem>>
        %get3A_634 = tpu.memref_squeeze %get3A_633 : memref<1x2048x16xf32, #tpu.memory_space<vmem>> -> memref<2048x16xf32, #tpu.memory_space<vmem>>
        %get3A_635 = arith.index_cast %add3A_630 : i32 to index
        %get3A_636 = arith.constant 0 : index
        %get3A_637 = tpu.vector_load %get3A_634[%get3A_635, %get3A_636] {strides = array<i32>} : memref<2048x16xf32, #tpu.memory_space<vmem>>, vector<16xf32>,
        %max3A_638 = arith.maximumf %max3A_628, %get3A_637 : vector<16xf32>
        %swap3A = arith.index_cast %scan3A_472 : i32 to index
        %swap3A_639 = arith.constant 0 : index
        %swap3A_640 = tpu.vector_load %arg5[%swap3A, %swap3A_639] {strides = array<i32>} : memref<128x16xf32, #tpu.memory_space<vmem>>, vector<16xf32>,
        tpu.vector_store %arg5[%swap3A, %swap3A_639], %max3A_638 {strides = array<i32>} : memref<128x16xf32, #tpu.memory_space<vmem>>, vector<16xf32>,
        %max3A_641 = arith.maximumf %scan3A_473, %max3A_638 : vector<16xf32>
        %min3A = arith.minimumf %scan3A_473, %max3A_638 : vector<16xf32>
        %max3A_642 = arith.maximumf %scan3A_474, %min3A : vector<16xf32>
        %min3A_643 = arith.minimumf %scan3A_474, %min3A : vector<16xf32>
        %max3A_644 = arith.maximumf %scan3A_475, %min3A_643 : vector<16xf32>
        %min3A_645 = arith.minimumf %scan3A_475, %min3A_643 : vector<16xf32>
        %max3A_646 = arith.maximumf %scan3A_476, %min3A_645 : vector<16xf32>
        %min3A_647 = arith.minimumf %scan3A_476, %min3A_645 : vector<16xf32>
        %max3A_648 = arith.maximumf %scan3A_477, %min3A_647 : vector<16xf32>
        %min3A_649 = arith.minimumf %scan3A_477, %min3A_647 : vector<16xf32>
        %max3A_650 = arith.maximumf %scan3A_478, %min3A_649 : vector<16xf32>
        %min3A_651 = arith.minimumf %scan3A_478, %min3A_649 : vector<16xf32>
        %max3A_652 = arith.maximumf %scan3A_479, %min3A_651 : vector<16xf32>
        %min3A_653 = arith.minimumf %scan3A_479, %min3A_651 : vector<16xf32>
        %max3A_654 = arith.maximumf %scan3A_480, %min3A_653 : vector<16xf32>
        %min3A_655 = arith.minimumf %scan3A_480, %min3A_653 : vector<16xf32>
        scf.yield %max3A_641, %max3A_642, %max3A_644, %max3A_646, %max3A_648, %max3A_650, %max3A_652, %max3A_654 : vector<16xf32>, vector<16xf32>, vector<16xf32>, vector<16xf32>, vector<16xf32>, vector<16xf32>, vector<16xf32>, vector<16xf32>
      }
      %scan3A_421 = arith.constant 128 : i32
      %max3A_422 = arith.maximumf %scan3A_420#7, %select_n3A_406 : vector<16xf32>
      %broadcast_in_dim3A_423 = arith.constant 0 : i32
      %broadcast_in_dim3A_424 = vector.broadcast %broadcast_in_dim3A_423 : i32 to vector<16xi32>
      %scan3A_425 = arith.constant 0 : i32
      %scan3A_426 = arith.constant 128 : i32
      %scan3A_427 = arith.addi %scan3A_425, %scan3A_426 : i32
      %scan3A_428 = arith.constant 1 : i32
      %scan3A_429 = scf.for %scan3A_472 = %scan3A_425 to %scan3A_427 step %scan3A_428 iter_args(%scan3A_473 = %broadcast_in_dim3A_424) -> (vector<16xi32>)  : i32 {
        %get3A = arith.index_cast %scan3A_472 : i32 to index
        %get3A_474 = arith.constant 0 : index
        %get3A_475 = tpu.vector_load %arg5[%get3A, %get3A_474] {strides = array<i32>} : memref<128x16xf32, #tpu.memory_space<vmem>>, vector<16xf32>,
        %ge3A = arith.cmpf oge, %get3A_475, %max3A_422 : vector<16xf32>
        %broadcast_in_dim3A_476 = vector.broadcast %scan3A_472 : i32 to vector<16xi32>
        tpu.vector_store_idx %arg6[%scan3A_473, %iota3A], %broadcast_in_dim3A_476 masked %ge3A : memref<128x16xi32, #tpu.memory_space<vmem>>[vector<16xi32>, vector<16xi32>], vector<16xi32>, vector<16xi1>
        %jit3A_477 = arith.constant 1 : i32
        %jit3A_478 = arith.constant 0 : i32
        %broadcast_in_dim3A_479 = vector.broadcast %jit3A_477 : i32 to vector<16xi32>
        %broadcast_in_dim3A_480 = vector.broadcast %jit3A_478 : i32 to vector<16xi32>
        %select_n3A_481 = arith.select %ge3A, %broadcast_in_dim3A_479, %broadcast_in_dim3A_480 : vector<16xi1>, vector<16xi32>
        %add3A_482 = arith.addi %scan3A_473, %select_n3A_481 : vector<16xi32>
        scf.yield %add3A_482 : vector<16xi32>
      }
      %scan3A_430 = arith.constant 128 : i32
      %reduce_max3A_431 = arith.constant true
      %reduce_max3A_432 = vector.broadcast %reduce_max3A_431 : i1 to vector<16xi1>
      %reduce_max3A_433 = arith.constant -2147483648 : i32
      %reduce_max3A_434 = vector.broadcast %reduce_max3A_433 : i32 to vector<16xi32>
      %reduce_max3A_435 = arith.xori %scan3A_429, %reduce_max3A_434 : vector<16xi32>
      %reduce_max3A_436 = tpu.scan <max>, %reduce_max3A_435 masked %reduce_max3A_432 : vector<16xi32>, vector<16xi1> -> vector<16xi32>
      %reduce_max3A_437 = arith.xori %reduce_max3A_436, %reduce_max3A_434 : vector<16xi32>
      %reduce_max3A_438 = vector.extract %reduce_max3A_437[15] : i32 from vector<16xi32>
      %while3A_439 = arith.constant 1 : i32
      %while3A_440 = arith.constant 0 : i32
      %while3A_441 = arith.subi %reduce_max3A_438, %while3A_440 : i32
      %while3A_442 = arith.addi %while3A_440, %while3A_441 : i32
      %while3A_443 = arith.constant 1 : i32
      %while3A_444 = arith.divsi %while3A_441, %while3A_443 : i32
      %while3A_445 = arith.muli %while3A_444, %while3A_443 : i32
      %while3A_446 = arith.addi %while3A_440, %while3A_445 : i32
      %while3A_447 = arith.constant 1 : i32
      %while3A_448:8 = scf.for %while3A_472 = %while3A_440 to %while3A_446 step %while3A_447 iter_args(%while3A_473 = %select_n3A_399, %while3A_474 = %select_n3A_400, %while3A_475 = %select_n3A_401, %while3A_476 = %select_n3A_402, %while3A_477 = %select_n3A_403, %while3A_478 = %select_n3A_404, %while3A_479 = %select_n3A_405, %while3A_480 = %select_n3A_406) -> (vector<16xf32>, vector<16xf32>, vector<16xf32>, vector<16xf32>, vector<16xf32>, vector<16xf32>, vector<16xf32>, vector<16xf32>)  : i32 {
        %lt3A_481 = vector.broadcast %while3A_472 : i32 to vector<16xi32>
        %lt3A_482 = arith.cmpi slt, %lt3A_481, %scan3A_429 : vector<16xi32>
        %get3A = arith.index_cast %while3A_472 : i32 to index
        %get3A_483 = arith.constant 0 : index
        %get3A_484 = tpu.vector_load %arg6[%get3A, %get3A_483] {strides = array<i32>} : memref<128x16xi32, #tpu.memory_space<vmem>>, vector<16xi32>,
        %jit3A_485 = arith.constant 0 : i32
        %jit3A_486 = arith.constant 127 : i32
        %max3A_487 = vector.broadcast %jit3A_485 : i32 to vector<16xi32>
        %max3A_488 = arith.maxsi %max3A_487, %get3A_484 : vector<16xi32>
        %min3A = vector.broadcast %jit3A_486 : i32 to vector<16xi32>
        %min3A_489 = arith.minsi %min3A, %max3A_488 : vector<16xi32>
        %mul3A_490 = arith.constant 16 : i32
        %mul3A_491 = vector.broadcast %mul3A_490 : i32 to vector<16xi32>
        %mul3A_492 = arith.muli %min3A_489, %mul3A_491 : vector<16xi32>
        %add3A_493 = arith.constant 0 : i32
        %add3A_494 = vector.broadcast %add3A_493 : i32 to vector<16xi32>
        %add3A_495 = arith.addi %mul3A_492, %add3A_494 : vector<16xi32>
        %gather3A = arith.constant 0 : i32
        %gather3A_496 = arith.constant 0 : i32
        %gather3A_497 = tpu.memref_slice %arg4[%while3A_439, %gather3A, %gather3A_496] : memref<2x2048x16xf32, #tpu.memory_space<vmem>> -> memref<1x2048x16xf32, #tpu.memory_space<vmem>>
        %gather3A_498 = tpu.memref_squeeze %gather3A_497 : memref<1x2048x16xf32, #tpu.memory_space<vmem>> -> memref<2048x16xf32, #tpu.memory_space<vmem>>
        %gather3A_499 = tpu.vector_load_idx %gather3A_498[%add3A_495, %iota3A] : memref<2048x16xf32, #tpu.memory_space<vmem>>[vector<16xi32>, vector<16xi32>], vector<16xf32>,
        %broadcast_in_dim3A_500 = arith.constant 0xFF800000 : f32
        %broadcast_in_dim3A_501 = vector.broadcast %broadcast_in_dim3A_500 : f32 to vector<16xf32>
        %select_n3A_502 = arith.select %lt3A_482, %gather3A_499, %broadcast_in_dim3A_501 : vector<16xi1>, vector<16xf32>
        %max3A_503 = arith.maximumf %while3A_473, %select_n3A_502 : vector<16xf32>
        %min3A_504 = arith.minimumf %while3A_473, %select_n3A_502 : vector<16xf32>
        %max3A_505 = arith.maximumf %while3A_474, %min3A_504 : vector<16xf32>
        %min3A_506 = arith.minimumf %while3A_474, %min3A_504 : vector<16xf32>
        %max3A_507 = arith.maximumf %while3A_475, %min3A_506 : vector<16xf32>
        %min3A_508 = arith.minimumf %while3A_475, %min3A_506 : vector<16xf32>
        %max3A_509 = arith.maximumf %while3A_476, %min3A_508 : vector<16xf32>
        %min3A_510 = arith.minimumf %while3A_476, %min3A_508 : vector<16xf32>
        %max3A_511 = arith.maximumf %while3A_477, %min3A_510 : vector<16xf32>
        %min3A_512 = arith.minimumf %while3A_477, %min3A_510 : vector<16xf32>
        %max3A_513 = arith.maximumf %while3A_478, %min3A_512 : vector<16xf32>
        %min3A_514 = arith.minimumf %while3A_478, %min3A_512 : vector<16xf32>
        %max3A_515 = arith.maximumf %while3A_479, %min3A_514 : vector<16xf32>
        %min3A_516 = arith.minimumf %while3A_479, %min3A_514 : vector<16xf32>
        %max3A_517 = arith.maximumf %while3A_480, %min3A_516 : vector<16xf32>
        %min3A_518 = arith.minimumf %while3A_480, %min3A_516 : vector<16xf32>
        %add3A_519 = arith.constant 1 : i32
        %add3A_520 = vector.broadcast %add3A_519 : i32 to vector<16xi32>
        %add3A_521 = arith.addi %mul3A_492, %add3A_520 : vector<16xi32>
        %gather3A_522 = arith.constant 0 : i32
        %gather3A_523 = arith.constant 0 : i32
        %gather3A_524 = tpu.memref_slice %arg4[%while3A_439, %gather3A_522, %gather3A_523] : memref<2x2048x16xf32, #tpu.memory_space<vmem>> -> memref<1x2048x16xf32, #tpu.memory_space<vmem>>
        %gather3A_525 = tpu.memref_squeeze %gather3A_524 : memref<1x2048x16xf32, #tpu.memory_space<vmem>> -> memref<2048x16xf32, #tpu.memory_space<vmem>>
        %gather3A_526 = tpu.vector_load_idx %gather3A_525[%add3A_521, %iota3A] : memref<2048x16xf32, #tpu.memory_space<vmem>>[vector<16xi32>, vector<16xi32>], vector<16xf32>,
        %broadcast_in_dim3A_527 = arith.constant 0xFF800000 : f32
        %broadcast_in_dim3A_528 = vector.broadcast %broadcast_in_dim3A_527 : f32 to vector<16xf32>
        %select_n3A_529 = arith.select %lt3A_482, %gather3A_526, %broadcast_in_dim3A_528 : vector<16xi1>, vector<16xf32>
        %max3A_530 = arith.maximumf %max3A_503, %select_n3A_529 : vector<16xf32>
        %min3A_531 = arith.minimumf %max3A_503, %select_n3A_529 : vector<16xf32>
        %max3A_532 = arith.maximumf %max3A_505, %min3A_531 : vector<16xf32>
        %min3A_533 = arith.minimumf %max3A_505, %min3A_531 : vector<16xf32>
        %max3A_534 = arith.maximumf %max3A_507, %min3A_533 : vector<16xf32>
        %min3A_535 = arith.minimumf %max3A_507, %min3A_533 : vector<16xf32>
        %max3A_536 = arith.maximumf %max3A_509, %min3A_535 : vector<16xf32>
        %min3A_537 = arith.minimumf %max3A_509, %min3A_535 : vector<16xf32>
        %max3A_538 = arith.maximumf %max3A_511, %min3A_537 : vector<16xf32>
        %min3A_539 = arith.minimumf %max3A_511, %min3A_537 : vector<16xf32>
        %max3A_540 = arith.maximumf %max3A_513, %min3A_539 : vector<16xf32>
        %min3A_541 = arith.minimumf %max3A_513, %min3A_539 : vector<16xf32>
        %max3A_542 = arith.maximumf %max3A_515, %min3A_541 : vector<16xf32>
        %min3A_543 = arith.minimumf %max3A_515, %min3A_541 : vector<16xf32>
        %max3A_544 = arith.maximumf %max3A_517, %min3A_543 : vector<16xf32>
        %min3A_545 = arith.minimumf %max3A_517, %min3A_543 : vector<16xf32>
        %add3A_546 = arith.constant 2 : i32
        %add3A_547 = vector.broadcast %add3A_546 : i32 to vector<16xi32>
        %add3A_548 = arith.addi %mul3A_492, %add3A_547 : vector<16xi32>
        %gather3A_549 = arith.constant 0 : i32
        %gather3A_550 = arith.constant 0 : i32
        %gather3A_551 = tpu.memref_slice %arg4[%while3A_439, %gather3A_549, %gather3A_550] : memref<2x2048x16xf32, #tpu.memory_space<vmem>> -> memref<1x2048x16xf32, #tpu.memory_space<vmem>>
        %gather3A_552 = tpu.memref_squeeze %gather3A_551 : memref<1x2048x16xf32, #tpu.memory_space<vmem>> -> memref<2048x16xf32, #tpu.memory_space<vmem>>
        %gather3A_553 = tpu.vector_load_idx %gather3A_552[%add3A_548, %iota3A] : memref<2048x16xf32, #tpu.memory_space<vmem>>[vector<16xi32>, vector<16xi32>], vector<16xf32>,
        %broadcast_in_dim3A_554 = arith.constant 0xFF800000 : f32
        %broadcast_in_dim3A_555 = vector.broadcast %broadcast_in_dim3A_554 : f32 to vector<16xf32>
        %select_n3A_556 = arith.select %lt3A_482, %gather3A_553, %broadcast_in_dim3A_555 : vector<16xi1>, vector<16xf32>
        %max3A_557 = arith.maximumf %max3A_530, %select_n3A_556 : vector<16xf32>
        %min3A_558 = arith.minimumf %max3A_530, %select_n3A_556 : vector<16xf32>
        %max3A_559 = arith.maximumf %max3A_532, %min3A_558 : vector<16xf32>
        %min3A_560 = arith.minimumf %max3A_532, %min3A_558 : vector<16xf32>
        %max3A_561 = arith.maximumf %max3A_534, %min3A_560 : vector<16xf32>
        %min3A_562 = arith.minimumf %max3A_534, %min3A_560 : vector<16xf32>
        %max3A_563 = arith.maximumf %max3A_536, %min3A_562 : vector<16xf32>
        %min3A_564 = arith.minimumf %max3A_536, %min3A_562 : vector<16xf32>
        %max3A_565 = arith.maximumf %max3A_538, %min3A_564 : vector<16xf32>
        %min3A_566 = arith.minimumf %max3A_538, %min3A_564 : vector<16xf32>
        %max3A_567 = arith.maximumf %max3A_540, %min3A_566 : vector<16xf32>
        %min3A_568 = arith.minimumf %max3A_540, %min3A_566 : vector<16xf32>
        %max3A_569 = arith.maximumf %max3A_542, %min3A_568 : vector<16xf32>
        %min3A_570 = arith.minimumf %max3A_542, %min3A_568 : vector<16xf32>
        %max3A_571 = arith.maximumf %max3A_544, %min3A_570 : vector<16xf32>
        %min3A_572 = arith.minimumf %max3A_544, %min3A_570 : vector<16xf32>
        %add3A_573 = arith.constant 3 : i32
        %add3A_574 = vector.broadcast %add3A_573 : i32 to vector<16xi32>
        %add3A_575 = arith.addi %mul3A_492, %add3A_574 : vector<16xi32>
        %gather3A_576 = arith.constant 0 : i32
        %gather3A_577 = arith.constant 0 : i32
        %gather3A_578 = tpu.memref_slice %arg4[%while3A_439, %gather3A_576, %gather3A_577] : memref<2x2048x16xf32, #tpu.memory_space<vmem>> -> memref<1x2048x16xf32, #tpu.memory_space<vmem>>
        %gather3A_579 = tpu.memref_squeeze %gather3A_578 : memref<1x2048x16xf32, #tpu.memory_space<vmem>> -> memref<2048x16xf32, #tpu.memory_space<vmem>>
        %gather3A_580 = tpu.vector_load_idx %gather3A_579[%add3A_575, %iota3A] : memref<2048x16xf32, #tpu.memory_space<vmem>>[vector<16xi32>, vector<16xi32>], vector<16xf32>,
        %broadcast_in_dim3A_581 = arith.constant 0xFF800000 : f32
        %broadcast_in_dim3A_582 = vector.broadcast %broadcast_in_dim3A_581 : f32 to vector<16xf32>
        %select_n3A_583 = arith.select %lt3A_482, %gather3A_580, %broadcast_in_dim3A_582 : vector<16xi1>, vector<16xf32>
        %max3A_584 = arith.maximumf %max3A_557, %select_n3A_583 : vector<16xf32>
        %min3A_585 = arith.minimumf %max3A_557, %select_n3A_583 : vector<16xf32>
        %max3A_586 = arith.maximumf %max3A_559, %min3A_585 : vector<16xf32>
        %min3A_587 = arith.minimumf %max3A_559, %min3A_585 : vector<16xf32>
        %max3A_588 = arith.maximumf %max3A_561, %min3A_587 : vector<16xf32>
        %min3A_589 = arith.minimumf %max3A_561, %min3A_587 : vector<16xf32>
        %max3A_590 = arith.maximumf %max3A_563, %min3A_589 : vector<16xf32>
        %min3A_591 = arith.minimumf %max3A_563, %min3A_589 : vector<16xf32>
        %max3A_592 = arith.maximumf %max3A_565, %min3A_591 : vector<16xf32>
        %min3A_593 = arith.minimumf %max3A_565, %min3A_591 : vector<16xf32>
        %max3A_594 = arith.maximumf %max3A_567, %min3A_593 : vector<16xf32>
        %min3A_595 = arith.minimumf %max3A_567, %min3A_593 : vector<16xf32>
        %max3A_596 = arith.maximumf %max3A_569, %min3A_595 : vector<16xf32>
        %min3A_597 = arith.minimumf %max3A_569, %min3A_595 : vector<16xf32>
        %max3A_598 = arith.maximumf %max3A_571, %min3A_597 : vector<16xf32>
        %min3A_599 = arith.minimumf %max3A_571, %min3A_597 : vector<16xf32>
        %add3A_600 = arith.constant 4 : i32
        %add3A_601 = vector.broadcast %add3A_600 : i32 to vector<16xi32>
        %add3A_602 = arith.addi %mul3A_492, %add3A_601 : vector<16xi32>
        %gather3A_603 = arith.constant 0 : i32
        %gather3A_604 = arith.constant 0 : i32
        %gather3A_605 = tpu.memref_slice %arg4[%while3A_439, %gather3A_603, %gather3A_604] : memref<2x2048x16xf32, #tpu.memory_space<vmem>> -> memref<1x2048x16xf32, #tpu.memory_space<vmem>>
        %gather3A_606 = tpu.memref_squeeze %gather3A_605 : memref<1x2048x16xf32, #tpu.memory_space<vmem>> -> memref<2048x16xf32, #tpu.memory_space<vmem>>
        %gather3A_607 = tpu.vector_load_idx %gather3A_606[%add3A_602, %iota3A] : memref<2048x16xf32, #tpu.memory_space<vmem>>[vector<16xi32>, vector<16xi32>], vector<16xf32>,
        %broadcast_in_dim3A_608 = arith.constant 0xFF800000 : f32
        %broadcast_in_dim3A_609 = vector.broadcast %broadcast_in_dim3A_608 : f32 to vector<16xf32>
        %select_n3A_610 = arith.select %lt3A_482, %gather3A_607, %broadcast_in_dim3A_609 : vector<16xi1>, vector<16xf32>
        %max3A_611 = arith.maximumf %max3A_584, %select_n3A_610 : vector<16xf32>
        %min3A_612 = arith.minimumf %max3A_584, %select_n3A_610 : vector<16xf32>
        %max3A_613 = arith.maximumf %max3A_586, %min3A_612 : vector<16xf32>
        %min3A_614 = arith.minimumf %max3A_586, %min3A_612 : vector<16xf32>
        %max3A_615 = arith.maximumf %max3A_588, %min3A_614 : vector<16xf32>
        %min3A_616 = arith.minimumf %max3A_588, %min3A_614 : vector<16xf32>
        %max3A_617 = arith.maximumf %max3A_590, %min3A_616 : vector<16xf32>
        %min3A_618 = arith.minimumf %max3A_590, %min3A_616 : vector<16xf32>
        %max3A_619 = arith.maximumf %max3A_592, %min3A_618 : vector<16xf32>
        %min3A_620 = arith.minimumf %max3A_592, %min3A_618 : vector<16xf32>
        %max3A_621 = arith.maximumf %max3A_594, %min3A_620 : vector<16xf32>
        %min3A_622 = arith.minimumf %max3A_594, %min3A_620 : vector<16xf32>
        %max3A_623 = arith.maximumf %max3A_596, %min3A_622 : vector<16xf32>
        %min3A_624 = arith.minimumf %max3A_596, %min3A_622 : vector<16xf32>
        %max3A_625 = arith.maximumf %max3A_598, %min3A_624 : vector<16xf32>
        %min3A_626 = arith.minimumf %max3A_598, %min3A_624 : vector<16xf32>
        %add3A_627 = arith.constant 5 : i32
        %add3A_628 = vector.broadcast %add3A_627 : i32 to vector<16xi32>
        %add3A_629 = arith.addi %mul3A_492, %add3A_628 : vector<16xi32>
        %gather3A_630 = arith.constant 0 : i32
        %gather3A_631 = arith.constant 0 : i32
        %gather3A_632 = tpu.memref_slice %arg4[%while3A_439, %gather3A_630, %gather3A_631] : memref<2x2048x16xf32, #tpu.memory_space<vmem>> -> memref<1x2048x16xf32, #tpu.memory_space<vmem>>
        %gather3A_633 = tpu.memref_squeeze %gather3A_632 : memref<1x2048x16xf32, #tpu.memory_space<vmem>> -> memref<2048x16xf32, #tpu.memory_space<vmem>>
        %gather3A_634 = tpu.vector_load_idx %gather3A_633[%add3A_629, %iota3A] : memref<2048x16xf32, #tpu.memory_space<vmem>>[vector<16xi32>, vector<16xi32>], vector<16xf32>,
        %broadcast_in_dim3A_635 = arith.constant 0xFF800000 : f32
        %broadcast_in_dim3A_636 = vector.broadcast %broadcast_in_dim3A_635 : f32 to vector<16xf32>
        %select_n3A_637 = arith.select %lt3A_482, %gather3A_634, %broadcast_in_dim3A_636 : vector<16xi1>, vector<16xf32>
        %max3A_638 = arith.maximumf %max3A_611, %select_n3A_637 : vector<16xf32>
        %min3A_639 = arith.minimumf %max3A_611, %select_n3A_637 : vector<16xf32>
        %max3A_640 = arith.maximumf %max3A_613, %min3A_639 : vector<16xf32>
        %min3A_641 = arith.minimumf %max3A_613, %min3A_639 : vector<16xf32>
        %max3A_642 = arith.maximumf %max3A_615, %min3A_641 : vector<16xf32>
        %min3A_643 = arith.minimumf %max3A_615, %min3A_641 : vector<16xf32>
        %max3A_644 = arith.maximumf %max3A_617, %min3A_643 : vector<16xf32>
        %min3A_645 = arith.minimumf %max3A_617, %min3A_643 : vector<16xf32>
        %max3A_646 = arith.maximumf %max3A_619, %min3A_645 : vector<16xf32>
        %min3A_647 = arith.minimumf %max3A_619, %min3A_645 : vector<16xf32>
        %max3A_648 = arith.maximumf %max3A_621, %min3A_647 : vector<16xf32>
        %min3A_649 = arith.minimumf %max3A_621, %min3A_647 : vector<16xf32>
        %max3A_650 = arith.maximumf %max3A_623, %min3A_649 : vector<16xf32>
        %min3A_651 = arith.minimumf %max3A_623, %min3A_649 : vector<16xf32>
        %max3A_652 = arith.maximumf %max3A_625, %min3A_651 : vector<16xf32>
        %min3A_653 = arith.minimumf %max3A_625, %min3A_651 : vector<16xf32>
        %add3A_654 = arith.constant 6 : i32
        %add3A_655 = vector.broadcast %add3A_654 : i32 to vector<16xi32>
        %add3A_656 = arith.addi %mul3A_492, %add3A_655 : vector<16xi32>
        %gather3A_657 = arith.constant 0 : i32
        %gather3A_658 = arith.constant 0 : i32
        %gather3A_659 = tpu.memref_slice %arg4[%while3A_439, %gather3A_657, %gather3A_658] : memref<2x2048x16xf32, #tpu.memory_space<vmem>> -> memref<1x2048x16xf32, #tpu.memory_space<vmem>>
        %gather3A_660 = tpu.memref_squeeze %gather3A_659 : memref<1x2048x16xf32, #tpu.memory_space<vmem>> -> memref<2048x16xf32, #tpu.memory_space<vmem>>
        %gather3A_661 = tpu.vector_load_idx %gather3A_660[%add3A_656, %iota3A] : memref<2048x16xf32, #tpu.memory_space<vmem>>[vector<16xi32>, vector<16xi32>], vector<16xf32>,
        %broadcast_in_dim3A_662 = arith.constant 0xFF800000 : f32
        %broadcast_in_dim3A_663 = vector.broadcast %broadcast_in_dim3A_662 : f32 to vector<16xf32>
        %select_n3A_664 = arith.select %lt3A_482, %gather3A_661, %broadcast_in_dim3A_663 : vector<16xi1>, vector<16xf32>
        %max3A_665 = arith.maximumf %max3A_638, %select_n3A_664 : vector<16xf32>
        %min3A_666 = arith.minimumf %max3A_638, %select_n3A_664 : vector<16xf32>
        %max3A_667 = arith.maximumf %max3A_640, %min3A_666 : vector<16xf32>
        %min3A_668 = arith.minimumf %max3A_640, %min3A_666 : vector<16xf32>
        %max3A_669 = arith.maximumf %max3A_642, %min3A_668 : vector<16xf32>
        %min3A_670 = arith.minimumf %max3A_642, %min3A_668 : vector<16xf32>
        %max3A_671 = arith.maximumf %max3A_644, %min3A_670 : vector<16xf32>
        %min3A_672 = arith.minimumf %max3A_644, %min3A_670 : vector<16xf32>
        %max3A_673 = arith.maximumf %max3A_646, %min3A_672 : vector<16xf32>
        %min3A_674 = arith.minimumf %max3A_646, %min3A_672 : vector<16xf32>
        %max3A_675 = arith.maximumf %max3A_648, %min3A_674 : vector<16xf32>
        %min3A_676 = arith.minimumf %max3A_648, %min3A_674 : vector<16xf32>
        %max3A_677 = arith.maximumf %max3A_650, %min3A_676 : vector<16xf32>
        %min3A_678 = arith.minimumf %max3A_650, %min3A_676 : vector<16xf32>
        %max3A_679 = arith.maximumf %max3A_652, %min3A_678 : vector<16xf32>
        %min3A_680 = arith.minimumf %max3A_652, %min3A_678 : vector<16xf32>
        %add3A_681 = arith.constant 7 : i32
        %add3A_682 = vector.broadcast %add3A_681 : i32 to vector<16xi32>
        %add3A_683 = arith.addi %mul3A_492, %add3A_682 : vector<16xi32>
        %gather3A_684 = arith.constant 0 : i32
        %gather3A_685 = arith.constant 0 : i32
        %gather3A_686 = tpu.memref_slice %arg4[%while3A_439, %gather3A_684, %gather3A_685] : memref<2x2048x16xf32, #tpu.memory_space<vmem>> -> memref<1x2048x16xf32, #tpu.memory_space<vmem>>
        %gather3A_687 = tpu.memref_squeeze %gather3A_686 : memref<1x2048x16xf32, #tpu.memory_space<vmem>> -> memref<2048x16xf32, #tpu.memory_space<vmem>>
        %gather3A_688 = tpu.vector_load_idx %gather3A_687[%add3A_683, %iota3A] : memref<2048x16xf32, #tpu.memory_space<vmem>>[vector<16xi32>, vector<16xi32>], vector<16xf32>,
        %broadcast_in_dim3A_689 = arith.constant 0xFF800000 : f32
        %broadcast_in_dim3A_690 = vector.broadcast %broadcast_in_dim3A_689 : f32 to vector<16xf32>
        %select_n3A_691 = arith.select %lt3A_482, %gather3A_688, %broadcast_in_dim3A_690 : vector<16xi1>, vector<16xf32>
        %max3A_692 = arith.maximumf %max3A_665, %select_n3A_691 : vector<16xf32>
        %min3A_693 = arith.minimumf %max3A_665, %select_n3A_691 : vector<16xf32>
        %max3A_694 = arith.maximumf %max3A_667, %min3A_693 : vector<16xf32>
        %min3A_695 = arith.minimumf %max3A_667, %min3A_693 : vector<16xf32>
        %max3A_696 = arith.maximumf %max3A_669, %min3A_695 : vector<16xf32>
        %min3A_697 = arith.minimumf %max3A_669, %min3A_695 : vector<16xf32>
        %max3A_698 = arith.maximumf %max3A_671, %min3A_697 : vector<16xf32>
        %min3A_699 = arith.minimumf %max3A_671, %min3A_697 : vector<16xf32>
        %max3A_700 = arith.maximumf %max3A_673, %min3A_699 : vector<16xf32>
        %min3A_701 = arith.minimumf %max3A_673, %min3A_699 : vector<16xf32>
        %max3A_702 = arith.maximumf %max3A_675, %min3A_701 : vector<16xf32>
        %min3A_703 = arith.minimumf %max3A_675, %min3A_701 : vector<16xf32>
        %max3A_704 = arith.maximumf %max3A_677, %min3A_703 : vector<16xf32>
        %min3A_705 = arith.minimumf %max3A_677, %min3A_703 : vector<16xf32>
        %max3A_706 = arith.maximumf %max3A_679, %min3A_705 : vector<16xf32>
        %min3A_707 = arith.minimumf %max3A_679, %min3A_705 : vector<16xf32>
        %add3A_708 = arith.constant 8 : i32
        %add3A_709 = vector.broadcast %add3A_708 : i32 to vector<16xi32>
        %add3A_710 = arith.addi %mul3A_492, %add3A_709 : vector<16xi32>
        %gather3A_711 = arith.constant 0 : i32
        %gather3A_712 = arith.constant 0 : i32
        %gather3A_713 = tpu.memref_slice %arg4[%while3A_439, %gather3A_711, %gather3A_712] : memref<2x2048x16xf32, #tpu.memory_space<vmem>> -> memref<1x2048x16xf32, #tpu.memory_space<vmem>>
        %gather3A_714 = tpu.memref_squeeze %gather3A_713 : memref<1x2048x16xf32, #tpu.memory_space<vmem>> -> memref<2048x16xf32, #tpu.memory_space<vmem>>
        %gather3A_715 = tpu.vector_load_idx %gather3A_714[%add3A_710, %iota3A] : memref<2048x16xf32, #tpu.memory_space<vmem>>[vector<16xi32>, vector<16xi32>], vector<16xf32>,
        %broadcast_in_dim3A_716 = arith.constant 0xFF800000 : f32
        %broadcast_in_dim3A_717 = vector.broadcast %broadcast_in_dim3A_716 : f32 to vector<16xf32>
        %select_n3A_718 = arith.select %lt3A_482, %gather3A_715, %broadcast_in_dim3A_717 : vector<16xi1>, vector<16xf32>
        %max3A_719 = arith.maximumf %max3A_692, %select_n3A_718 : vector<16xf32>
        %min3A_720 = arith.minimumf %max3A_692, %select_n3A_718 : vector<16xf32>
        %max3A_721 = arith.maximumf %max3A_694, %min3A_720 : vector<16xf32>
        %min3A_722 = arith.minimumf %max3A_694, %min3A_720 : vector<16xf32>
        %max3A_723 = arith.maximumf %max3A_696, %min3A_722 : vector<16xf32>
        %min3A_724 = arith.minimumf %max3A_696, %min3A_722 : vector<16xf32>
        %max3A_725 = arith.maximumf %max3A_698, %min3A_724 : vector<16xf32>
        %min3A_726 = arith.minimumf %max3A_698, %min3A_724 : vector<16xf32>
        %max3A_727 = arith.maximumf %max3A_700, %min3A_726 : vector<16xf32>
        %min3A_728 = arith.minimumf %max3A_700, %min3A_726 : vector<16xf32>
        %max3A_729 = arith.maximumf %max3A_702, %min3A_728 : vector<16xf32>
        %min3A_730 = arith.minimumf %max3A_702, %min3A_728 : vector<16xf32>
        %max3A_731 = arith.maximumf %max3A_704, %min3A_730 : vector<16xf32>
        %min3A_732 = arith.minimumf %max3A_704, %min3A_730 : vector<16xf32>
        %max3A_733 = arith.maximumf %max3A_706, %min3A_732 : vector<16xf32>
        %min3A_734 = arith.minimumf %max3A_706, %min3A_732 : vector<16xf32>
        %add3A_735 = arith.constant 9 : i32
        %add3A_736 = vector.broadcast %add3A_735 : i32 to vector<16xi32>
        %add3A_737 = arith.addi %mul3A_492, %add3A_736 : vector<16xi32>
        %gather3A_738 = arith.constant 0 : i32
        %gather3A_739 = arith.constant 0 : i32
        %gather3A_740 = tpu.memref_slice %arg4[%while3A_439, %gather3A_738, %gather3A_739] : memref<2x2048x16xf32, #tpu.memory_space<vmem>> -> memref<1x2048x16xf32, #tpu.memory_space<vmem>>
        %gather3A_741 = tpu.memref_squeeze %gather3A_740 : memref<1x2048x16xf32, #tpu.memory_space<vmem>> -> memref<2048x16xf32, #tpu.memory_space<vmem>>
        %gather3A_742 = tpu.vector_load_idx %gather3A_741[%add3A_737, %iota3A] : memref<2048x16xf32, #tpu.memory_space<vmem>>[vector<16xi32>, vector<16xi32>], vector<16xf32>,
        %broadcast_in_dim3A_743 = arith.constant 0xFF800000 : f32
        %broadcast_in_dim3A_744 = vector.broadcast %broadcast_in_dim3A_743 : f32 to vector<16xf32>
        %select_n3A_745 = arith.select %lt3A_482, %gather3A_742, %broadcast_in_dim3A_744 : vector<16xi1>, vector<16xf32>
        %max3A_746 = arith.maximumf %max3A_719, %select_n3A_745 : vector<16xf32>
        %min3A_747 = arith.minimumf %max3A_719, %select_n3A_745 : vector<16xf32>
        %max3A_748 = arith.maximumf %max3A_721, %min3A_747 : vector<16xf32>
        %min3A_749 = arith.minimumf %max3A_721, %min3A_747 : vector<16xf32>
        %max3A_750 = arith.maximumf %max3A_723, %min3A_749 : vector<16xf32>
        %min3A_751 = arith.minimumf %max3A_723, %min3A_749 : vector<16xf32>
        %max3A_752 = arith.maximumf %max3A_725, %min3A_751 : vector<16xf32>
        %min3A_753 = arith.minimumf %max3A_725, %min3A_751 : vector<16xf32>
        %max3A_754 = arith.maximumf %max3A_727, %min3A_753 : vector<16xf32>
        %min3A_755 = arith.minimumf %max3A_727, %min3A_753 : vector<16xf32>
        %max3A_756 = arith.maximumf %max3A_729, %min3A_755 : vector<16xf32>
        %min3A_757 = arith.minimumf %max3A_729, %min3A_755 : vector<16xf32>
        %max3A_758 = arith.maximumf %max3A_731, %min3A_757 : vector<16xf32>
        %min3A_759 = arith.minimumf %max3A_731, %min3A_757 : vector<16xf32>
        %max3A_760 = arith.maximumf %max3A_733, %min3A_759 : vector<16xf32>
        %min3A_761 = arith.minimumf %max3A_733, %min3A_759 : vector<16xf32>
        %add3A_762 = arith.constant 10 : i32
        %add3A_763 = vector.broadcast %add3A_762 : i32 to vector<16xi32>
        %add3A_764 = arith.addi %mul3A_492, %add3A_763 : vector<16xi32>
        %gather3A_765 = arith.constant 0 : i32
        %gather3A_766 = arith.constant 0 : i32
        %gather3A_767 = tpu.memref_slice %arg4[%while3A_439, %gather3A_765, %gather3A_766] : memref<2x2048x16xf32, #tpu.memory_space<vmem>> -> memref<1x2048x16xf32, #tpu.memory_space<vmem>>
        %gather3A_768 = tpu.memref_squeeze %gather3A_767 : memref<1x2048x16xf32, #tpu.memory_space<vmem>> -> memref<2048x16xf32, #tpu.memory_space<vmem>>
        %gather3A_769 = tpu.vector_load_idx %gather3A_768[%add3A_764, %iota3A] : memref<2048x16xf32, #tpu.memory_space<vmem>>[vector<16xi32>, vector<16xi32>], vector<16xf32>,
        %broadcast_in_dim3A_770 = arith.constant 0xFF800000 : f32
        %broadcast_in_dim3A_771 = vector.broadcast %broadcast_in_dim3A_770 : f32 to vector<16xf32>
        %select_n3A_772 = arith.select %lt3A_482, %gather3A_769, %broadcast_in_dim3A_771 : vector<16xi1>, vector<16xf32>
        %max3A_773 = arith.maximumf %max3A_746, %select_n3A_772 : vector<16xf32>
        %min3A_774 = arith.minimumf %max3A_746, %select_n3A_772 : vector<16xf32>
        %max3A_775 = arith.maximumf %max3A_748, %min3A_774 : vector<16xf32>
        %min3A_776 = arith.minimumf %max3A_748, %min3A_774 : vector<16xf32>
        %max3A_777 = arith.maximumf %max3A_750, %min3A_776 : vector<16xf32>
        %min3A_778 = arith.minimumf %max3A_750, %min3A_776 : vector<16xf32>
        %max3A_779 = arith.maximumf %max3A_752, %min3A_778 : vector<16xf32>
        %min3A_780 = arith.minimumf %max3A_752, %min3A_778 : vector<16xf32>
        %max3A_781 = arith.maximumf %max3A_754, %min3A_780 : vector<16xf32>
        %min3A_782 = arith.minimumf %max3A_754, %min3A_780 : vector<16xf32>
        %max3A_783 = arith.maximumf %max3A_756, %min3A_782 : vector<16xf32>
        %min3A_784 = arith.minimumf %max3A_756, %min3A_782 : vector<16xf32>
        %max3A_785 = arith.maximumf %max3A_758, %min3A_784 : vector<16xf32>
        %min3A_786 = arith.minimumf %max3A_758, %min3A_784 : vector<16xf32>
        %max3A_787 = arith.maximumf %max3A_760, %min3A_786 : vector<16xf32>
        %min3A_788 = arith.minimumf %max3A_760, %min3A_786 : vector<16xf32>
        %add3A_789 = arith.constant 11 : i32
        %add3A_790 = vector.broadcast %add3A_789 : i32 to vector<16xi32>
        %add3A_791 = arith.addi %mul3A_492, %add3A_790 : vector<16xi32>
        %gather3A_792 = arith.constant 0 : i32
        %gather3A_793 = arith.constant 0 : i32
        %gather3A_794 = tpu.memref_slice %arg4[%while3A_439, %gather3A_792, %gather3A_793] : memref<2x2048x16xf32, #tpu.memory_space<vmem>> -> memref<1x2048x16xf32, #tpu.memory_space<vmem>>
        %gather3A_795 = tpu.memref_squeeze %gather3A_794 : memref<1x2048x16xf32, #tpu.memory_space<vmem>> -> memref<2048x16xf32, #tpu.memory_space<vmem>>
        %gather3A_796 = tpu.vector_load_idx %gather3A_795[%add3A_791, %iota3A] : memref<2048x16xf32, #tpu.memory_space<vmem>>[vector<16xi32>, vector<16xi32>], vector<16xf32>,
        %broadcast_in_dim3A_797 = arith.constant 0xFF800000 : f32
        %broadcast_in_dim3A_798 = vector.broadcast %broadcast_in_dim3A_797 : f32 to vector<16xf32>
        %select_n3A_799 = arith.select %lt3A_482, %gather3A_796, %broadcast_in_dim3A_798 : vector<16xi1>, vector<16xf32>
        %max3A_800 = arith.maximumf %max3A_773, %select_n3A_799 : vector<16xf32>
        %min3A_801 = arith.minimumf %max3A_773, %select_n3A_799 : vector<16xf32>
        %max3A_802 = arith.maximumf %max3A_775, %min3A_801 : vector<16xf32>
        %min3A_803 = arith.minimumf %max3A_775, %min3A_801 : vector<16xf32>
        %max3A_804 = arith.maximumf %max3A_777, %min3A_803 : vector<16xf32>
        %min3A_805 = arith.minimumf %max3A_777, %min3A_803 : vector<16xf32>
        %max3A_806 = arith.maximumf %max3A_779, %min3A_805 : vector<16xf32>
        %min3A_807 = arith.minimumf %max3A_779, %min3A_805 : vector<16xf32>
        %max3A_808 = arith.maximumf %max3A_781, %min3A_807 : vector<16xf32>
        %min3A_809 = arith.minimumf %max3A_781, %min3A_807 : vector<16xf32>
        %max3A_810 = arith.maximumf %max3A_783, %min3A_809 : vector<16xf32>
        %min3A_811 = arith.minimumf %max3A_783, %min3A_809 : vector<16xf32>
        %max3A_812 = arith.maximumf %max3A_785, %min3A_811 : vector<16xf32>
        %min3A_813 = arith.minimumf %max3A_785, %min3A_811 : vector<16xf32>
        %max3A_814 = arith.maximumf %max3A_787, %min3A_813 : vector<16xf32>
        %min3A_815 = arith.minimumf %max3A_787, %min3A_813 : vector<16xf32>
        %add3A_816 = arith.constant 12 : i32
        %add3A_817 = vector.broadcast %add3A_816 : i32 to vector<16xi32>
        %add3A_818 = arith.addi %mul3A_492, %add3A_817 : vector<16xi32>
        %gather3A_819 = arith.constant 0 : i32
        %gather3A_820 = arith.constant 0 : i32
        %gather3A_821 = tpu.memref_slice %arg4[%while3A_439, %gather3A_819, %gather3A_820] : memref<2x2048x16xf32, #tpu.memory_space<vmem>> -> memref<1x2048x16xf32, #tpu.memory_space<vmem>>
        %gather3A_822 = tpu.memref_squeeze %gather3A_821 : memref<1x2048x16xf32, #tpu.memory_space<vmem>> -> memref<2048x16xf32, #tpu.memory_space<vmem>>
        %gather3A_823 = tpu.vector_load_idx %gather3A_822[%add3A_818, %iota3A] : memref<2048x16xf32, #tpu.memory_space<vmem>>[vector<16xi32>, vector<16xi32>], vector<16xf32>,
        %broadcast_in_dim3A_824 = arith.constant 0xFF800000 : f32
        %broadcast_in_dim3A_825 = vector.broadcast %broadcast_in_dim3A_824 : f32 to vector<16xf32>
        %select_n3A_826 = arith.select %lt3A_482, %gather3A_823, %broadcast_in_dim3A_825 : vector<16xi1>, vector<16xf32>
        %max3A_827 = arith.maximumf %max3A_800, %select_n3A_826 : vector<16xf32>
        %min3A_828 = arith.minimumf %max3A_800, %select_n3A_826 : vector<16xf32>
        %max3A_829 = arith.maximumf %max3A_802, %min3A_828 : vector<16xf32>
        %min3A_830 = arith.minimumf %max3A_802, %min3A_828 : vector<16xf32>
        %max3A_831 = arith.maximumf %max3A_804, %min3A_830 : vector<16xf32>
        %min3A_832 = arith.minimumf %max3A_804, %min3A_830 : vector<16xf32>
        %max3A_833 = arith.maximumf %max3A_806, %min3A_832 : vector<16xf32>
        %min3A_834 = arith.minimumf %max3A_806, %min3A_832 : vector<16xf32>
        %max3A_835 = arith.maximumf %max3A_808, %min3A_834 : vector<16xf32>
        %min3A_836 = arith.minimumf %max3A_808, %min3A_834 : vector<16xf32>
        %max3A_837 = arith.maximumf %max3A_810, %min3A_836 : vector<16xf32>
        %min3A_838 = arith.minimumf %max3A_810, %min3A_836 : vector<16xf32>
        %max3A_839 = arith.maximumf %max3A_812, %min3A_838 : vector<16xf32>
        %min3A_840 = arith.minimumf %max3A_812, %min3A_838 : vector<16xf32>
        %max3A_841 = arith.maximumf %max3A_814, %min3A_840 : vector<16xf32>
        %min3A_842 = arith.minimumf %max3A_814, %min3A_840 : vector<16xf32>
        %add3A_843 = arith.constant 13 : i32
        %add3A_844 = vector.broadcast %add3A_843 : i32 to vector<16xi32>
        %add3A_845 = arith.addi %mul3A_492, %add3A_844 : vector<16xi32>
        %gather3A_846 = arith.constant 0 : i32
        %gather3A_847 = arith.constant 0 : i32
        %gather3A_848 = tpu.memref_slice %arg4[%while3A_439, %gather3A_846, %gather3A_847] : memref<2x2048x16xf32, #tpu.memory_space<vmem>> -> memref<1x2048x16xf32, #tpu.memory_space<vmem>>
        %gather3A_849 = tpu.memref_squeeze %gather3A_848 : memref<1x2048x16xf32, #tpu.memory_space<vmem>> -> memref<2048x16xf32, #tpu.memory_space<vmem>>
        %gather3A_850 = tpu.vector_load_idx %gather3A_849[%add3A_845, %iota3A] : memref<2048x16xf32, #tpu.memory_space<vmem>>[vector<16xi32>, vector<16xi32>], vector<16xf32>,
        %broadcast_in_dim3A_851 = arith.constant 0xFF800000 : f32
        %broadcast_in_dim3A_852 = vector.broadcast %broadcast_in_dim3A_851 : f32 to vector<16xf32>
        %select_n3A_853 = arith.select %lt3A_482, %gather3A_850, %broadcast_in_dim3A_852 : vector<16xi1>, vector<16xf32>
        %max3A_854 = arith.maximumf %max3A_827, %select_n3A_853 : vector<16xf32>
        %min3A_855 = arith.minimumf %max3A_827, %select_n3A_853 : vector<16xf32>
        %max3A_856 = arith.maximumf %max3A_829, %min3A_855 : vector<16xf32>
        %min3A_857 = arith.minimumf %max3A_829, %min3A_855 : vector<16xf32>
        %max3A_858 = arith.maximumf %max3A_831, %min3A_857 : vector<16xf32>
        %min3A_859 = arith.minimumf %max3A_831, %min3A_857 : vector<16xf32>
        %max3A_860 = arith.maximumf %max3A_833, %min3A_859 : vector<16xf32>
        %min3A_861 = arith.minimumf %max3A_833, %min3A_859 : vector<16xf32>
        %max3A_862 = arith.maximumf %max3A_835, %min3A_861 : vector<16xf32>
        %min3A_863 = arith.minimumf %max3A_835, %min3A_861 : vector<16xf32>
        %max3A_864 = arith.maximumf %max3A_837, %min3A_863 : vector<16xf32>
        %min3A_865 = arith.minimumf %max3A_837, %min3A_863 : vector<16xf32>
        %max3A_866 = arith.maximumf %max3A_839, %min3A_865 : vector<16xf32>
        %min3A_867 = arith.minimumf %max3A_839, %min3A_865 : vector<16xf32>
        %max3A_868 = arith.maximumf %max3A_841, %min3A_867 : vector<16xf32>
        %min3A_869 = arith.minimumf %max3A_841, %min3A_867 : vector<16xf32>
        %add3A_870 = arith.constant 14 : i32
        %add3A_871 = vector.broadcast %add3A_870 : i32 to vector<16xi32>
        %add3A_872 = arith.addi %mul3A_492, %add3A_871 : vector<16xi32>
        %gather3A_873 = arith.constant 0 : i32
        %gather3A_874 = arith.constant 0 : i32
        %gather3A_875 = tpu.memref_slice %arg4[%while3A_439, %gather3A_873, %gather3A_874] : memref<2x2048x16xf32, #tpu.memory_space<vmem>> -> memref<1x2048x16xf32, #tpu.memory_space<vmem>>
        %gather3A_876 = tpu.memref_squeeze %gather3A_875 : memref<1x2048x16xf32, #tpu.memory_space<vmem>> -> memref<2048x16xf32, #tpu.memory_space<vmem>>
        %gather3A_877 = tpu.vector_load_idx %gather3A_876[%add3A_872, %iota3A] : memref<2048x16xf32, #tpu.memory_space<vmem>>[vector<16xi32>, vector<16xi32>], vector<16xf32>,
        %broadcast_in_dim3A_878 = arith.constant 0xFF800000 : f32
        %broadcast_in_dim3A_879 = vector.broadcast %broadcast_in_dim3A_878 : f32 to vector<16xf32>
        %select_n3A_880 = arith.select %lt3A_482, %gather3A_877, %broadcast_in_dim3A_879 : vector<16xi1>, vector<16xf32>
        %max3A_881 = arith.maximumf %max3A_854, %select_n3A_880 : vector<16xf32>
        %min3A_882 = arith.minimumf %max3A_854, %select_n3A_880 : vector<16xf32>
        %max3A_883 = arith.maximumf %max3A_856, %min3A_882 : vector<16xf32>
        %min3A_884 = arith.minimumf %max3A_856, %min3A_882 : vector<16xf32>
        %max3A_885 = arith.maximumf %max3A_858, %min3A_884 : vector<16xf32>
        %min3A_886 = arith.minimumf %max3A_858, %min3A_884 : vector<16xf32>
        %max3A_887 = arith.maximumf %max3A_860, %min3A_886 : vector<16xf32>
        %min3A_888 = arith.minimumf %max3A_860, %min3A_886 : vector<16xf32>
        %max3A_889 = arith.maximumf %max3A_862, %min3A_888 : vector<16xf32>
        %min3A_890 = arith.minimumf %max3A_862, %min3A_888 : vector<16xf32>
        %max3A_891 = arith.maximumf %max3A_864, %min3A_890 : vector<16xf32>
        %min3A_892 = arith.minimumf %max3A_864, %min3A_890 : vector<16xf32>
        %max3A_893 = arith.maximumf %max3A_866, %min3A_892 : vector<16xf32>
        %min3A_894 = arith.minimumf %max3A_866, %min3A_892 : vector<16xf32>
        %max3A_895 = arith.maximumf %max3A_868, %min3A_894 : vector<16xf32>
        %min3A_896 = arith.minimumf %max3A_868, %min3A_894 : vector<16xf32>
        %add3A_897 = arith.constant 15 : i32
        %add3A_898 = vector.broadcast %add3A_897 : i32 to vector<16xi32>
        %add3A_899 = arith.addi %mul3A_492, %add3A_898 : vector<16xi32>
        %gather3A_900 = arith.constant 0 : i32
        %gather3A_901 = arith.constant 0 : i32
        %gather3A_902 = tpu.memref_slice %arg4[%while3A_439, %gather3A_900, %gather3A_901] : memref<2x2048x16xf32, #tpu.memory_space<vmem>> -> memref<1x2048x16xf32, #tpu.memory_space<vmem>>
        %gather3A_903 = tpu.memref_squeeze %gather3A_902 : memref<1x2048x16xf32, #tpu.memory_space<vmem>> -> memref<2048x16xf32, #tpu.memory_space<vmem>>
        %gather3A_904 = tpu.vector_load_idx %gather3A_903[%add3A_899, %iota3A] : memref<2048x16xf32, #tpu.memory_space<vmem>>[vector<16xi32>, vector<16xi32>], vector<16xf32>,
        %broadcast_in_dim3A_905 = arith.constant 0xFF800000 : f32
        %broadcast_in_dim3A_906 = vector.broadcast %broadcast_in_dim3A_905 : f32 to vector<16xf32>
        %select_n3A_907 = arith.select %lt3A_482, %gather3A_904, %broadcast_in_dim3A_906 : vector<16xi1>, vector<16xf32>
        %max3A_908 = arith.maximumf %max3A_881, %select_n3A_907 : vector<16xf32>
        %min3A_909 = arith.minimumf %max3A_881, %select_n3A_907 : vector<16xf32>
        %max3A_910 = arith.maximumf %max3A_883, %min3A_909 : vector<16xf32>
        %min3A_911 = arith.minimumf %max3A_883, %min3A_909 : vector<16xf32>
        %max3A_912 = arith.maximumf %max3A_885, %min3A_911 : vector<16xf32>
        %min3A_913 = arith.minimumf %max3A_885, %min3A_911 : vector<16xf32>
        %max3A_914 = arith.maximumf %max3A_887, %min3A_913 : vector<16xf32>
        %min3A_915 = arith.minimumf %max3A_887, %min3A_913 : vector<16xf32>
        %max3A_916 = arith.maximumf %max3A_889, %min3A_915 : vector<16xf32>
        %min3A_917 = arith.minimumf %max3A_889, %min3A_915 : vector<16xf32>
        %max3A_918 = arith.maximumf %max3A_891, %min3A_917 : vector<16xf32>
        %min3A_919 = arith.minimumf %max3A_891, %min3A_917 : vector<16xf32>
        %max3A_920 = arith.maximumf %max3A_893, %min3A_919 : vector<16xf32>
        %min3A_921 = arith.minimumf %max3A_893, %min3A_919 : vector<16xf32>
        %max3A_922 = arith.maximumf %max3A_895, %min3A_921 : vector<16xf32>
        %min3A_923 = arith.minimumf %max3A_895, %min3A_921 : vector<16xf32>
        scf.yield %max3A_908, %max3A_910, %max3A_912, %max3A_914, %max3A_916, %max3A_918, %max3A_920, %max3A_922 : vector<16xf32>, vector<16xf32>, vector<16xf32>, vector<16xf32>, vector<16xf32>, vector<16xf32>, vector<16xf32>, vector<16xf32>
      }
      %while3A_449 = arith.constant 1 : i32
      %while3A_450:8 = scf.for %while3A_472 = %while3A_446 to %while3A_442 step %while3A_449 iter_args(%while3A_473 = %while3A_448#0, %while3A_474 = %while3A_448#1, %while3A_475 = %while3A_448#2, %while3A_476 = %while3A_448#3, %while3A_477 = %while3A_448#4, %while3A_478 = %while3A_448#5, %while3A_479 = %while3A_448#6, %while3A_480 = %while3A_448#7) -> (vector<16xf32>, vector<16xf32>, vector<16xf32>, vector<16xf32>, vector<16xf32>, vector<16xf32>, vector<16xf32>, vector<16xf32>)  : i32 {
        %lt3A_481 = vector.broadcast %while3A_472 : i32 to vector<16xi32>
        %lt3A_482 = arith.cmpi slt, %lt3A_481, %scan3A_429 : vector<16xi32>
        %get3A = arith.index_cast %while3A_472 : i32 to index
        %get3A_483 = arith.constant 0 : index
        %get3A_484 = tpu.vector_load %arg6[%get3A, %get3A_483] {strides = array<i32>} : memref<128x16xi32, #tpu.memory_space<vmem>>, vector<16xi32>,
        %jit3A_485 = arith.constant 0 : i32
        %jit3A_486 = arith.constant 127 : i32
        %max3A_487 = vector.broadcast %jit3A_485 : i32 to vector<16xi32>
        %max3A_488 = arith.maxsi %max3A_487, %get3A_484 : vector<16xi32>
        %min3A = vector.broadcast %jit3A_486 : i32 to vector<16xi32>
        %min3A_489 = arith.minsi %min3A, %max3A_488 : vector<16xi32>
        %mul3A_490 = arith.constant 16 : i32
        %mul3A_491 = vector.broadcast %mul3A_490 : i32 to vector<16xi32>
        %mul3A_492 = arith.muli %min3A_489, %mul3A_491 : vector<16xi32>
        %add3A_493 = arith.constant 0 : i32
        %add3A_494 = vector.broadcast %add3A_493 : i32 to vector<16xi32>
        %add3A_495 = arith.addi %mul3A_492, %add3A_494 : vector<16xi32>
        %gather3A = arith.constant 0 : i32
        %gather3A_496 = arith.constant 0 : i32
        %gather3A_497 = tpu.memref_slice %arg4[%while3A_439, %gather3A, %gather3A_496] : memref<2x2048x16xf32, #tpu.memory_space<vmem>> -> memref<1x2048x16xf32, #tpu.memory_space<vmem>>
        %gather3A_498 = tpu.memref_squeeze %gather3A_497 : memref<1x2048x16xf32, #tpu.memory_space<vmem>> -> memref<2048x16xf32, #tpu.memory_space<vmem>>
        %gather3A_499 = tpu.vector_load_idx %gather3A_498[%add3A_495, %iota3A] : memref<2048x16xf32, #tpu.memory_space<vmem>>[vector<16xi32>, vector<16xi32>], vector<16xf32>,
        %broadcast_in_dim3A_500 = arith.constant 0xFF800000 : f32
        %broadcast_in_dim3A_501 = vector.broadcast %broadcast_in_dim3A_500 : f32 to vector<16xf32>
        %select_n3A_502 = arith.select %lt3A_482, %gather3A_499, %broadcast_in_dim3A_501 : vector<16xi1>, vector<16xf32>
        %max3A_503 = arith.maximumf %while3A_473, %select_n3A_502 : vector<16xf32>
        %min3A_504 = arith.minimumf %while3A_473, %select_n3A_502 : vector<16xf32>
        %max3A_505 = arith.maximumf %while3A_474, %min3A_504 : vector<16xf32>
        %min3A_506 = arith.minimumf %while3A_474, %min3A_504 : vector<16xf32>
        %max3A_507 = arith.maximumf %while3A_475, %min3A_506 : vector<16xf32>
        %min3A_508 = arith.minimumf %while3A_475, %min3A_506 : vector<16xf32>
        %max3A_509 = arith.maximumf %while3A_476, %min3A_508 : vector<16xf32>
        %min3A_510 = arith.minimumf %while3A_476, %min3A_508 : vector<16xf32>
        %max3A_511 = arith.maximumf %while3A_477, %min3A_510 : vector<16xf32>
        %min3A_512 = arith.minimumf %while3A_477, %min3A_510 : vector<16xf32>
        %max3A_513 = arith.maximumf %while3A_478, %min3A_512 : vector<16xf32>
        %min3A_514 = arith.minimumf %while3A_478, %min3A_512 : vector<16xf32>
        %max3A_515 = arith.maximumf %while3A_479, %min3A_514 : vector<16xf32>
        %min3A_516 = arith.minimumf %while3A_479, %min3A_514 : vector<16xf32>
        %max3A_517 = arith.maximumf %while3A_480, %min3A_516 : vector<16xf32>
        %min3A_518 = arith.minimumf %while3A_480, %min3A_516 : vector<16xf32>
        %add3A_519 = arith.constant 1 : i32
        %add3A_520 = vector.broadcast %add3A_519 : i32 to vector<16xi32>
        %add3A_521 = arith.addi %mul3A_492, %add3A_520 : vector<16xi32>
        %gather3A_522 = arith.constant 0 : i32
        %gather3A_523 = arith.constant 0 : i32
        %gather3A_524 = tpu.memref_slice %arg4[%while3A_439, %gather3A_522, %gather3A_523] : memref<2x2048x16xf32, #tpu.memory_space<vmem>> -> memref<1x2048x16xf32, #tpu.memory_space<vmem>>
        %gather3A_525 = tpu.memref_squeeze %gather3A_524 : memref<1x2048x16xf32, #tpu.memory_space<vmem>> -> memref<2048x16xf32, #tpu.memory_space<vmem>>
        %gather3A_526 = tpu.vector_load_idx %gather3A_525[%add3A_521, %iota3A] : memref<2048x16xf32, #tpu.memory_space<vmem>>[vector<16xi32>, vector<16xi32>], vector<16xf32>,
        %broadcast_in_dim3A_527 = arith.constant 0xFF800000 : f32
        %broadcast_in_dim3A_528 = vector.broadcast %broadcast_in_dim3A_527 : f32 to vector<16xf32>
        %select_n3A_529 = arith.select %lt3A_482, %gather3A_526, %broadcast_in_dim3A_528 : vector<16xi1>, vector<16xf32>
        %max3A_530 = arith.maximumf %max3A_503, %select_n3A_529 : vector<16xf32>
        %min3A_531 = arith.minimumf %max3A_503, %select_n3A_529 : vector<16xf32>
        %max3A_532 = arith.maximumf %max3A_505, %min3A_531 : vector<16xf32>
        %min3A_533 = arith.minimumf %max3A_505, %min3A_531 : vector<16xf32>
        %max3A_534 = arith.maximumf %max3A_507, %min3A_533 : vector<16xf32>
        %min3A_535 = arith.minimumf %max3A_507, %min3A_533 : vector<16xf32>
        %max3A_536 = arith.maximumf %max3A_509, %min3A_535 : vector<16xf32>
        %min3A_537 = arith.minimumf %max3A_509, %min3A_535 : vector<16xf32>
        %max3A_538 = arith.maximumf %max3A_511, %min3A_537 : vector<16xf32>
        %min3A_539 = arith.minimumf %max3A_511, %min3A_537 : vector<16xf32>
        %max3A_540 = arith.maximumf %max3A_513, %min3A_539 : vector<16xf32>
        %min3A_541 = arith.minimumf %max3A_513, %min3A_539 : vector<16xf32>
        %max3A_542 = arith.maximumf %max3A_515, %min3A_541 : vector<16xf32>
        %min3A_543 = arith.minimumf %max3A_515, %min3A_541 : vector<16xf32>
        %max3A_544 = arith.maximumf %max3A_517, %min3A_543 : vector<16xf32>
        %min3A_545 = arith.minimumf %max3A_517, %min3A_543 : vector<16xf32>
        %add3A_546 = arith.constant 2 : i32
        %add3A_547 = vector.broadcast %add3A_546 : i32 to vector<16xi32>
        %add3A_548 = arith.addi %mul3A_492, %add3A_547 : vector<16xi32>
        %gather3A_549 = arith.constant 0 : i32
        %gather3A_550 = arith.constant 0 : i32
        %gather3A_551 = tpu.memref_slice %arg4[%while3A_439, %gather3A_549, %gather3A_550] : memref<2x2048x16xf32, #tpu.memory_space<vmem>> -> memref<1x2048x16xf32, #tpu.memory_space<vmem>>
        %gather3A_552 = tpu.memref_squeeze %gather3A_551 : memref<1x2048x16xf32, #tpu.memory_space<vmem>> -> memref<2048x16xf32, #tpu.memory_space<vmem>>
        %gather3A_553 = tpu.vector_load_idx %gather3A_552[%add3A_548, %iota3A] : memref<2048x16xf32, #tpu.memory_space<vmem>>[vector<16xi32>, vector<16xi32>], vector<16xf32>,
        %broadcast_in_dim3A_554 = arith.constant 0xFF800000 : f32
        %broadcast_in_dim3A_555 = vector.broadcast %broadcast_in_dim3A_554 : f32 to vector<16xf32>
        %select_n3A_556 = arith.select %lt3A_482, %gather3A_553, %broadcast_in_dim3A_555 : vector<16xi1>, vector<16xf32>
        %max3A_557 = arith.maximumf %max3A_530, %select_n3A_556 : vector<16xf32>
        %min3A_558 = arith.minimumf %max3A_530, %select_n3A_556 : vector<16xf32>
        %max3A_559 = arith.maximumf %max3A_532, %min3A_558 : vector<16xf32>
        %min3A_560 = arith.minimumf %max3A_532, %min3A_558 : vector<16xf32>
        %max3A_561 = arith.maximumf %max3A_534, %min3A_560 : vector<16xf32>
        %min3A_562 = arith.minimumf %max3A_534, %min3A_560 : vector<16xf32>
        %max3A_563 = arith.maximumf %max3A_536, %min3A_562 : vector<16xf32>
        %min3A_564 = arith.minimumf %max3A_536, %min3A_562 : vector<16xf32>
        %max3A_565 = arith.maximumf %max3A_538, %min3A_564 : vector<16xf32>
        %min3A_566 = arith.minimumf %max3A_538, %min3A_564 : vector<16xf32>
        %max3A_567 = arith.maximumf %max3A_540, %min3A_566 : vector<16xf32>
        %min3A_568 = arith.minimumf %max3A_540, %min3A_566 : vector<16xf32>
        %max3A_569 = arith.maximumf %max3A_542, %min3A_568 : vector<16xf32>
        %min3A_570 = arith.minimumf %max3A_542, %min3A_568 : vector<16xf32>
        %max3A_571 = arith.maximumf %max3A_544, %min3A_570 : vector<16xf32>
        %min3A_572 = arith.minimumf %max3A_544, %min3A_570 : vector<16xf32>
        %add3A_573 = arith.constant 3 : i32
        %add3A_574 = vector.broadcast %add3A_573 : i32 to vector<16xi32>
        %add3A_575 = arith.addi %mul3A_492, %add3A_574 : vector<16xi32>
        %gather3A_576 = arith.constant 0 : i32
        %gather3A_577 = arith.constant 0 : i32
        %gather3A_578 = tpu.memref_slice %arg4[%while3A_439, %gather3A_576, %gather3A_577] : memref<2x2048x16xf32, #tpu.memory_space<vmem>> -> memref<1x2048x16xf32, #tpu.memory_space<vmem>>
        %gather3A_579 = tpu.memref_squeeze %gather3A_578 : memref<1x2048x16xf32, #tpu.memory_space<vmem>> -> memref<2048x16xf32, #tpu.memory_space<vmem>>
        %gather3A_580 = tpu.vector_load_idx %gather3A_579[%add3A_575, %iota3A] : memref<2048x16xf32, #tpu.memory_space<vmem>>[vector<16xi32>, vector<16xi32>], vector<16xf32>,
        %broadcast_in_dim3A_581 = arith.constant 0xFF800000 : f32
        %broadcast_in_dim3A_582 = vector.broadcast %broadcast_in_dim3A_581 : f32 to vector<16xf32>
        %select_n3A_583 = arith.select %lt3A_482, %gather3A_580, %broadcast_in_dim3A_582 : vector<16xi1>, vector<16xf32>
        %max3A_584 = arith.maximumf %max3A_557, %select_n3A_583 : vector<16xf32>
        %min3A_585 = arith.minimumf %max3A_557, %select_n3A_583 : vector<16xf32>
        %max3A_586 = arith.maximumf %max3A_559, %min3A_585 : vector<16xf32>
        %min3A_587 = arith.minimumf %max3A_559, %min3A_585 : vector<16xf32>
        %max3A_588 = arith.maximumf %max3A_561, %min3A_587 : vector<16xf32>
        %min3A_589 = arith.minimumf %max3A_561, %min3A_587 : vector<16xf32>
        %max3A_590 = arith.maximumf %max3A_563, %min3A_589 : vector<16xf32>
        %min3A_591 = arith.minimumf %max3A_563, %min3A_589 : vector<16xf32>
        %max3A_592 = arith.maximumf %max3A_565, %min3A_591 : vector<16xf32>
        %min3A_593 = arith.minimumf %max3A_565, %min3A_591 : vector<16xf32>
        %max3A_594 = arith.maximumf %max3A_567, %min3A_593 : vector<16xf32>
        %min3A_595 = arith.minimumf %max3A_567, %min3A_593 : vector<16xf32>
        %max3A_596 = arith.maximumf %max3A_569, %min3A_595 : vector<16xf32>
        %min3A_597 = arith.minimumf %max3A_569, %min3A_595 : vector<16xf32>
        %max3A_598 = arith.maximumf %max3A_571, %min3A_597 : vector<16xf32>
        %min3A_599 = arith.minimumf %max3A_571, %min3A_597 : vector<16xf32>
        %add3A_600 = arith.constant 4 : i32
        %add3A_601 = vector.broadcast %add3A_600 : i32 to vector<16xi32>
        %add3A_602 = arith.addi %mul3A_492, %add3A_601 : vector<16xi32>
        %gather3A_603 = arith.constant 0 : i32
        %gather3A_604 = arith.constant 0 : i32
        %gather3A_605 = tpu.memref_slice %arg4[%while3A_439, %gather3A_603, %gather3A_604] : memref<2x2048x16xf32, #tpu.memory_space<vmem>> -> memref<1x2048x16xf32, #tpu.memory_space<vmem>>
        %gather3A_606 = tpu.memref_squeeze %gather3A_605 : memref<1x2048x16xf32, #tpu.memory_space<vmem>> -> memref<2048x16xf32, #tpu.memory_space<vmem>>
        %gather3A_607 = tpu.vector_load_idx %gather3A_606[%add3A_602, %iota3A] : memref<2048x16xf32, #tpu.memory_space<vmem>>[vector<16xi32>, vector<16xi32>], vector<16xf32>,
        %broadcast_in_dim3A_608 = arith.constant 0xFF800000 : f32
        %broadcast_in_dim3A_609 = vector.broadcast %broadcast_in_dim3A_608 : f32 to vector<16xf32>
        %select_n3A_610 = arith.select %lt3A_482, %gather3A_607, %broadcast_in_dim3A_609 : vector<16xi1>, vector<16xf32>
        %max3A_611 = arith.maximumf %max3A_584, %select_n3A_610 : vector<16xf32>
        %min3A_612 = arith.minimumf %max3A_584, %select_n3A_610 : vector<16xf32>
        %max3A_613 = arith.maximumf %max3A_586, %min3A_612 : vector<16xf32>
        %min3A_614 = arith.minimumf %max3A_586, %min3A_612 : vector<16xf32>
        %max3A_615 = arith.maximumf %max3A_588, %min3A_614 : vector<16xf32>
        %min3A_616 = arith.minimumf %max3A_588, %min3A_614 : vector<16xf32>
        %max3A_617 = arith.maximumf %max3A_590, %min3A_616 : vector<16xf32>
        %min3A_618 = arith.minimumf %max3A_590, %min3A_616 : vector<16xf32>
        %max3A_619 = arith.maximumf %max3A_592, %min3A_618 : vector<16xf32>
        %min3A_620 = arith.minimumf %max3A_592, %min3A_618 : vector<16xf32>
        %max3A_621 = arith.maximumf %max3A_594, %min3A_620 : vector<16xf32>
        %min3A_622 = arith.minimumf %max3A_594, %min3A_620 : vector<16xf32>
        %max3A_623 = arith.maximumf %max3A_596, %min3A_622 : vector<16xf32>
        %min3A_624 = arith.minimumf %max3A_596, %min3A_622 : vector<16xf32>
        %max3A_625 = arith.maximumf %max3A_598, %min3A_624 : vector<16xf32>
        %min3A_626 = arith.minimumf %max3A_598, %min3A_624 : vector<16xf32>
        %add3A_627 = arith.constant 5 : i32
        %add3A_628 = vector.broadcast %add3A_627 : i32 to vector<16xi32>
        %add3A_629 = arith.addi %mul3A_492, %add3A_628 : vector<16xi32>
        %gather3A_630 = arith.constant 0 : i32
        %gather3A_631 = arith.constant 0 : i32
        %gather3A_632 = tpu.memref_slice %arg4[%while3A_439, %gather3A_630, %gather3A_631] : memref<2x2048x16xf32, #tpu.memory_space<vmem>> -> memref<1x2048x16xf32, #tpu.memory_space<vmem>>
        %gather3A_633 = tpu.memref_squeeze %gather3A_632 : memref<1x2048x16xf32, #tpu.memory_space<vmem>> -> memref<2048x16xf32, #tpu.memory_space<vmem>>
        %gather3A_634 = tpu.vector_load_idx %gather3A_633[%add3A_629, %iota3A] : memref<2048x16xf32, #tpu.memory_space<vmem>>[vector<16xi32>, vector<16xi32>], vector<16xf32>,
        %broadcast_in_dim3A_635 = arith.constant 0xFF800000 : f32
        %broadcast_in_dim3A_636 = vector.broadcast %broadcast_in_dim3A_635 : f32 to vector<16xf32>
        %select_n3A_637 = arith.select %lt3A_482, %gather3A_634, %broadcast_in_dim3A_636 : vector<16xi1>, vector<16xf32>
        %max3A_638 = arith.maximumf %max3A_611, %select_n3A_637 : vector<16xf32>
        %min3A_639 = arith.minimumf %max3A_611, %select_n3A_637 : vector<16xf32>
        %max3A_640 = arith.maximumf %max3A_613, %min3A_639 : vector<16xf32>
        %min3A_641 = arith.minimumf %max3A_613, %min3A_639 : vector<16xf32>
        %max3A_642 = arith.maximumf %max3A_615, %min3A_641 : vector<16xf32>
        %min3A_643 = arith.minimumf %max3A_615, %min3A_641 : vector<16xf32>
        %max3A_644 = arith.maximumf %max3A_617, %min3A_643 : vector<16xf32>
        %min3A_645 = arith.minimumf %max3A_617, %min3A_643 : vector<16xf32>
        %max3A_646 = arith.maximumf %max3A_619, %min3A_645 : vector<16xf32>
        %min3A_647 = arith.minimumf %max3A_619, %min3A_645 : vector<16xf32>
        %max3A_648 = arith.maximumf %max3A_621, %min3A_647 : vector<16xf32>
        %min3A_649 = arith.minimumf %max3A_621, %min3A_647 : vector<16xf32>
        %max3A_650 = arith.maximumf %max3A_623, %min3A_649 : vector<16xf32>
        %min3A_651 = arith.minimumf %max3A_623, %min3A_649 : vector<16xf32>
        %max3A_652 = arith.maximumf %max3A_625, %min3A_651 : vector<16xf32>
        %min3A_653 = arith.minimumf %max3A_625, %min3A_651 : vector<16xf32>
        %add3A_654 = arith.constant 6 : i32
        %add3A_655 = vector.broadcast %add3A_654 : i32 to vector<16xi32>
        %add3A_656 = arith.addi %mul3A_492, %add3A_655 : vector<16xi32>
        %gather3A_657 = arith.constant 0 : i32
        %gather3A_658 = arith.constant 0 : i32
        %gather3A_659 = tpu.memref_slice %arg4[%while3A_439, %gather3A_657, %gather3A_658] : memref<2x2048x16xf32, #tpu.memory_space<vmem>> -> memref<1x2048x16xf32, #tpu.memory_space<vmem>>
        %gather3A_660 = tpu.memref_squeeze %gather3A_659 : memref<1x2048x16xf32, #tpu.memory_space<vmem>> -> memref<2048x16xf32, #tpu.memory_space<vmem>>
        %gather3A_661 = tpu.vector_load_idx %gather3A_660[%add3A_656, %iota3A] : memref<2048x16xf32, #tpu.memory_space<vmem>>[vector<16xi32>, vector<16xi32>], vector<16xf32>,
        %broadcast_in_dim3A_662 = arith.constant 0xFF800000 : f32
        %broadcast_in_dim3A_663 = vector.broadcast %broadcast_in_dim3A_662 : f32 to vector<16xf32>
        %select_n3A_664 = arith.select %lt3A_482, %gather3A_661, %broadcast_in_dim3A_663 : vector<16xi1>, vector<16xf32>
        %max3A_665 = arith.maximumf %max3A_638, %select_n3A_664 : vector<16xf32>
        %min3A_666 = arith.minimumf %max3A_638, %select_n3A_664 : vector<16xf32>
        %max3A_667 = arith.maximumf %max3A_640, %min3A_666 : vector<16xf32>
        %min3A_668 = arith.minimumf %max3A_640, %min3A_666 : vector<16xf32>
        %max3A_669 = arith.maximumf %max3A_642, %min3A_668 : vector<16xf32>
        %min3A_670 = arith.minimumf %max3A_642, %min3A_668 : vector<16xf32>
        %max3A_671 = arith.maximumf %max3A_644, %min3A_670 : vector<16xf32>
        %min3A_672 = arith.minimumf %max3A_644, %min3A_670 : vector<16xf32>
        %max3A_673 = arith.maximumf %max3A_646, %min3A_672 : vector<16xf32>
        %min3A_674 = arith.minimumf %max3A_646, %min3A_672 : vector<16xf32>
        %max3A_675 = arith.maximumf %max3A_648, %min3A_674 : vector<16xf32>
        %min3A_676 = arith.minimumf %max3A_648, %min3A_674 : vector<16xf32>
        %max3A_677 = arith.maximumf %max3A_650, %min3A_676 : vector<16xf32>
        %min3A_678 = arith.minimumf %max3A_650, %min3A_676 : vector<16xf32>
        %max3A_679 = arith.maximumf %max3A_652, %min3A_678 : vector<16xf32>
        %min3A_680 = arith.minimumf %max3A_652, %min3A_678 : vector<16xf32>
        %add3A_681 = arith.constant 7 : i32
        %add3A_682 = vector.broadcast %add3A_681 : i32 to vector<16xi32>
        %add3A_683 = arith.addi %mul3A_492, %add3A_682 : vector<16xi32>
        %gather3A_684 = arith.constant 0 : i32
        %gather3A_685 = arith.constant 0 : i32
        %gather3A_686 = tpu.memref_slice %arg4[%while3A_439, %gather3A_684, %gather3A_685] : memref<2x2048x16xf32, #tpu.memory_space<vmem>> -> memref<1x2048x16xf32, #tpu.memory_space<vmem>>
        %gather3A_687 = tpu.memref_squeeze %gather3A_686 : memref<1x2048x16xf32, #tpu.memory_space<vmem>> -> memref<2048x16xf32, #tpu.memory_space<vmem>>
        %gather3A_688 = tpu.vector_load_idx %gather3A_687[%add3A_683, %iota3A] : memref<2048x16xf32, #tpu.memory_space<vmem>>[vector<16xi32>, vector<16xi32>], vector<16xf32>,
        %broadcast_in_dim3A_689 = arith.constant 0xFF800000 : f32
        %broadcast_in_dim3A_690 = vector.broadcast %broadcast_in_dim3A_689 : f32 to vector<16xf32>
        %select_n3A_691 = arith.select %lt3A_482, %gather3A_688, %broadcast_in_dim3A_690 : vector<16xi1>, vector<16xf32>
        %max3A_692 = arith.maximumf %max3A_665, %select_n3A_691 : vector<16xf32>
        %min3A_693 = arith.minimumf %max3A_665, %select_n3A_691 : vector<16xf32>
        %max3A_694 = arith.maximumf %max3A_667, %min3A_693 : vector<16xf32>
        %min3A_695 = arith.minimumf %max3A_667, %min3A_693 : vector<16xf32>
        %max3A_696 = arith.maximumf %max3A_669, %min3A_695 : vector<16xf32>
        %min3A_697 = arith.minimumf %max3A_669, %min3A_695 : vector<16xf32>
        %max3A_698 = arith.maximumf %max3A_671, %min3A_697 : vector<16xf32>
        %min3A_699 = arith.minimumf %max3A_671, %min3A_697 : vector<16xf32>
        %max3A_700 = arith.maximumf %max3A_673, %min3A_699 : vector<16xf32>
        %min3A_701 = arith.minimumf %max3A_673, %min3A_699 : vector<16xf32>
        %max3A_702 = arith.maximumf %max3A_675, %min3A_701 : vector<16xf32>
        %min3A_703 = arith.minimumf %max3A_675, %min3A_701 : vector<16xf32>
        %max3A_704 = arith.maximumf %max3A_677, %min3A_703 : vector<16xf32>
        %min3A_705 = arith.minimumf %max3A_677, %min3A_703 : vector<16xf32>
        %max3A_706 = arith.maximumf %max3A_679, %min3A_705 : vector<16xf32>
        %min3A_707 = arith.minimumf %max3A_679, %min3A_705 : vector<16xf32>
        %add3A_708 = arith.constant 8 : i32
        %add3A_709 = vector.broadcast %add3A_708 : i32 to vector<16xi32>
        %add3A_710 = arith.addi %mul3A_492, %add3A_709 : vector<16xi32>
        %gather3A_711 = arith.constant 0 : i32
        %gather3A_712 = arith.constant 0 : i32
        %gather3A_713 = tpu.memref_slice %arg4[%while3A_439, %gather3A_711, %gather3A_712] : memref<2x2048x16xf32, #tpu.memory_space<vmem>> -> memref<1x2048x16xf32, #tpu.memory_space<vmem>>
        %gather3A_714 = tpu.memref_squeeze %gather3A_713 : memref<1x2048x16xf32, #tpu.memory_space<vmem>> -> memref<2048x16xf32, #tpu.memory_space<vmem>>
        %gather3A_715 = tpu.vector_load_idx %gather3A_714[%add3A_710, %iota3A] : memref<2048x16xf32, #tpu.memory_space<vmem>>[vector<16xi32>, vector<16xi32>], vector<16xf32>,
        %broadcast_in_dim3A_716 = arith.constant 0xFF800000 : f32
        %broadcast_in_dim3A_717 = vector.broadcast %broadcast_in_dim3A_716 : f32 to vector<16xf32>
        %select_n3A_718 = arith.select %lt3A_482, %gather3A_715, %broadcast_in_dim3A_717 : vector<16xi1>, vector<16xf32>
        %max3A_719 = arith.maximumf %max3A_692, %select_n3A_718 : vector<16xf32>
        %min3A_720 = arith.minimumf %max3A_692, %select_n3A_718 : vector<16xf32>
        %max3A_721 = arith.maximumf %max3A_694, %min3A_720 : vector<16xf32>
        %min3A_722 = arith.minimumf %max3A_694, %min3A_720 : vector<16xf32>
        %max3A_723 = arith.maximumf %max3A_696, %min3A_722 : vector<16xf32>
        %min3A_724 = arith.minimumf %max3A_696, %min3A_722 : vector<16xf32>
        %max3A_725 = arith.maximumf %max3A_698, %min3A_724 : vector<16xf32>
        %min3A_726 = arith.minimumf %max3A_698, %min3A_724 : vector<16xf32>
        %max3A_727 = arith.maximumf %max3A_700, %min3A_726 : vector<16xf32>
        %min3A_728 = arith.minimumf %max3A_700, %min3A_726 : vector<16xf32>
        %max3A_729 = arith.maximumf %max3A_702, %min3A_728 : vector<16xf32>
        %min3A_730 = arith.minimumf %max3A_702, %min3A_728 : vector<16xf32>
        %max3A_731 = arith.maximumf %max3A_704, %min3A_730 : vector<16xf32>
        %min3A_732 = arith.minimumf %max3A_704, %min3A_730 : vector<16xf32>
        %max3A_733 = arith.maximumf %max3A_706, %min3A_732 : vector<16xf32>
        %min3A_734 = arith.minimumf %max3A_706, %min3A_732 : vector<16xf32>
        %add3A_735 = arith.constant 9 : i32
        %add3A_736 = vector.broadcast %add3A_735 : i32 to vector<16xi32>
        %add3A_737 = arith.addi %mul3A_492, %add3A_736 : vector<16xi32>
        %gather3A_738 = arith.constant 0 : i32
        %gather3A_739 = arith.constant 0 : i32
        %gather3A_740 = tpu.memref_slice %arg4[%while3A_439, %gather3A_738, %gather3A_739] : memref<2x2048x16xf32, #tpu.memory_space<vmem>> -> memref<1x2048x16xf32, #tpu.memory_space<vmem>>
        %gather3A_741 = tpu.memref_squeeze %gather3A_740 : memref<1x2048x16xf32, #tpu.memory_space<vmem>> -> memref<2048x16xf32, #tpu.memory_space<vmem>>
        %gather3A_742 = tpu.vector_load_idx %gather3A_741[%add3A_737, %iota3A] : memref<2048x16xf32, #tpu.memory_space<vmem>>[vector<16xi32>, vector<16xi32>], vector<16xf32>,
        %broadcast_in_dim3A_743 = arith.constant 0xFF800000 : f32
        %broadcast_in_dim3A_744 = vector.broadcast %broadcast_in_dim3A_743 : f32 to vector<16xf32>
        %select_n3A_745 = arith.select %lt3A_482, %gather3A_742, %broadcast_in_dim3A_744 : vector<16xi1>, vector<16xf32>
        %max3A_746 = arith.maximumf %max3A_719, %select_n3A_745 : vector<16xf32>
        %min3A_747 = arith.minimumf %max3A_719, %select_n3A_745 : vector<16xf32>
        %max3A_748 = arith.maximumf %max3A_721, %min3A_747 : vector<16xf32>
        %min3A_749 = arith.minimumf %max3A_721, %min3A_747 : vector<16xf32>
        %max3A_750 = arith.maximumf %max3A_723, %min3A_749 : vector<16xf32>
        %min3A_751 = arith.minimumf %max3A_723, %min3A_749 : vector<16xf32>
        %max3A_752 = arith.maximumf %max3A_725, %min3A_751 : vector<16xf32>
        %min3A_753 = arith.minimumf %max3A_725, %min3A_751 : vector<16xf32>
        %max3A_754 = arith.maximumf %max3A_727, %min3A_753 : vector<16xf32>
        %min3A_755 = arith.minimumf %max3A_727, %min3A_753 : vector<16xf32>
        %max3A_756 = arith.maximumf %max3A_729, %min3A_755 : vector<16xf32>
        %min3A_757 = arith.minimumf %max3A_729, %min3A_755 : vector<16xf32>
        %max3A_758 = arith.maximumf %max3A_731, %min3A_757 : vector<16xf32>
        %min3A_759 = arith.minimumf %max3A_731, %min3A_757 : vector<16xf32>
        %max3A_760 = arith.maximumf %max3A_733, %min3A_759 : vector<16xf32>
        %min3A_761 = arith.minimumf %max3A_733, %min3A_759 : vector<16xf32>
        %add3A_762 = arith.constant 10 : i32
        %add3A_763 = vector.broadcast %add3A_762 : i32 to vector<16xi32>
        %add3A_764 = arith.addi %mul3A_492, %add3A_763 : vector<16xi32>
        %gather3A_765 = arith.constant 0 : i32
        %gather3A_766 = arith.constant 0 : i32
        %gather3A_767 = tpu.memref_slice %arg4[%while3A_439, %gather3A_765, %gather3A_766] : memref<2x2048x16xf32, #tpu.memory_space<vmem>> -> memref<1x2048x16xf32, #tpu.memory_space<vmem>>
        %gather3A_768 = tpu.memref_squeeze %gather3A_767 : memref<1x2048x16xf32, #tpu.memory_space<vmem>> -> memref<2048x16xf32, #tpu.memory_space<vmem>>
        %gather3A_769 = tpu.vector_load_idx %gather3A_768[%add3A_764, %iota3A] : memref<2048x16xf32, #tpu.memory_space<vmem>>[vector<16xi32>, vector<16xi32>], vector<16xf32>,
        %broadcast_in_dim3A_770 = arith.constant 0xFF800000 : f32
        %broadcast_in_dim3A_771 = vector.broadcast %broadcast_in_dim3A_770 : f32 to vector<16xf32>
        %select_n3A_772 = arith.select %lt3A_482, %gather3A_769, %broadcast_in_dim3A_771 : vector<16xi1>, vector<16xf32>
        %max3A_773 = arith.maximumf %max3A_746, %select_n3A_772 : vector<16xf32>
        %min3A_774 = arith.minimumf %max3A_746, %select_n3A_772 : vector<16xf32>
        %max3A_775 = arith.maximumf %max3A_748, %min3A_774 : vector<16xf32>
        %min3A_776 = arith.minimumf %max3A_748, %min3A_774 : vector<16xf32>
        %max3A_777 = arith.maximumf %max3A_750, %min3A_776 : vector<16xf32>
        %min3A_778 = arith.minimumf %max3A_750, %min3A_776 : vector<16xf32>
        %max3A_779 = arith.maximumf %max3A_752, %min3A_778 : vector<16xf32>
        %min3A_780 = arith.minimumf %max3A_752, %min3A_778 : vector<16xf32>
        %max3A_781 = arith.maximumf %max3A_754, %min3A_780 : vector<16xf32>
        %min3A_782 = arith.minimumf %max3A_754, %min3A_780 : vector<16xf32>
        %max3A_783 = arith.maximumf %max3A_756, %min3A_782 : vector<16xf32>
        %min3A_784 = arith.minimumf %max3A_756, %min3A_782 : vector<16xf32>
        %max3A_785 = arith.maximumf %max3A_758, %min3A_784 : vector<16xf32>
        %min3A_786 = arith.minimumf %max3A_758, %min3A_784 : vector<16xf32>
        %max3A_787 = arith.maximumf %max3A_760, %min3A_786 : vector<16xf32>
        %min3A_788 = arith.minimumf %max3A_760, %min3A_786 : vector<16xf32>
        %add3A_789 = arith.constant 11 : i32
        %add3A_790 = vector.broadcast %add3A_789 : i32 to vector<16xi32>
        %add3A_791 = arith.addi %mul3A_492, %add3A_790 : vector<16xi32>
        %gather3A_792 = arith.constant 0 : i32
        %gather3A_793 = arith.constant 0 : i32
        %gather3A_794 = tpu.memref_slice %arg4[%while3A_439, %gather3A_792, %gather3A_793] : memref<2x2048x16xf32, #tpu.memory_space<vmem>> -> memref<1x2048x16xf32, #tpu.memory_space<vmem>>
        %gather3A_795 = tpu.memref_squeeze %gather3A_794 : memref<1x2048x16xf32, #tpu.memory_space<vmem>> -> memref<2048x16xf32, #tpu.memory_space<vmem>>
        %gather3A_796 = tpu.vector_load_idx %gather3A_795[%add3A_791, %iota3A] : memref<2048x16xf32, #tpu.memory_space<vmem>>[vector<16xi32>, vector<16xi32>], vector<16xf32>,
        %broadcast_in_dim3A_797 = arith.constant 0xFF800000 : f32
        %broadcast_in_dim3A_798 = vector.broadcast %broadcast_in_dim3A_797 : f32 to vector<16xf32>
        %select_n3A_799 = arith.select %lt3A_482, %gather3A_796, %broadcast_in_dim3A_798 : vector<16xi1>, vector<16xf32>
        %max3A_800 = arith.maximumf %max3A_773, %select_n3A_799 : vector<16xf32>
        %min3A_801 = arith.minimumf %max3A_773, %select_n3A_799 : vector<16xf32>
        %max3A_802 = arith.maximumf %max3A_775, %min3A_801 : vector<16xf32>
        %min3A_803 = arith.minimumf %max3A_775, %min3A_801 : vector<16xf32>
        %max3A_804 = arith.maximumf %max3A_777, %min3A_803 : vector<16xf32>
        %min3A_805 = arith.minimumf %max3A_777, %min3A_803 : vector<16xf32>
        %max3A_806 = arith.maximumf %max3A_779, %min3A_805 : vector<16xf32>
        %min3A_807 = arith.minimumf %max3A_779, %min3A_805 : vector<16xf32>
        %max3A_808 = arith.maximumf %max3A_781, %min3A_807 : vector<16xf32>
        %min3A_809 = arith.minimumf %max3A_781, %min3A_807 : vector<16xf32>
        %max3A_810 = arith.maximumf %max3A_783, %min3A_809 : vector<16xf32>
        %min3A_811 = arith.minimumf %max3A_783, %min3A_809 : vector<16xf32>
        %max3A_812 = arith.maximumf %max3A_785, %min3A_811 : vector<16xf32>
        %min3A_813 = arith.minimumf %max3A_785, %min3A_811 : vector<16xf32>
        %max3A_814 = arith.maximumf %max3A_787, %min3A_813 : vector<16xf32>
        %min3A_815 = arith.minimumf %max3A_787, %min3A_813 : vector<16xf32>
        %add3A_816 = arith.constant 12 : i32
        %add3A_817 = vector.broadcast %add3A_816 : i32 to vector<16xi32>
        %add3A_818 = arith.addi %mul3A_492, %add3A_817 : vector<16xi32>
        %gather3A_819 = arith.constant 0 : i32
        %gather3A_820 = arith.constant 0 : i32
        %gather3A_821 = tpu.memref_slice %arg4[%while3A_439, %gather3A_819, %gather3A_820] : memref<2x2048x16xf32, #tpu.memory_space<vmem>> -> memref<1x2048x16xf32, #tpu.memory_space<vmem>>
        %gather3A_822 = tpu.memref_squeeze %gather3A_821 : memref<1x2048x16xf32, #tpu.memory_space<vmem>> -> memref<2048x16xf32, #tpu.memory_space<vmem>>
        %gather3A_823 = tpu.vector_load_idx %gather3A_822[%add3A_818, %iota3A] : memref<2048x16xf32, #tpu.memory_space<vmem>>[vector<16xi32>, vector<16xi32>], vector<16xf32>,
        %broadcast_in_dim3A_824 = arith.constant 0xFF800000 : f32
        %broadcast_in_dim3A_825 = vector.broadcast %broadcast_in_dim3A_824 : f32 to vector<16xf32>
        %select_n3A_826 = arith.select %lt3A_482, %gather3A_823, %broadcast_in_dim3A_825 : vector<16xi1>, vector<16xf32>
        %max3A_827 = arith.maximumf %max3A_800, %select_n3A_826 : vector<16xf32>
        %min3A_828 = arith.minimumf %max3A_800, %select_n3A_826 : vector<16xf32>
        %max3A_829 = arith.maximumf %max3A_802, %min3A_828 : vector<16xf32>
        %min3A_830 = arith.minimumf %max3A_802, %min3A_828 : vector<16xf32>
        %max3A_831 = arith.maximumf %max3A_804, %min3A_830 : vector<16xf32>
        %min3A_832 = arith.minimumf %max3A_804, %min3A_830 : vector<16xf32>
        %max3A_833 = arith.maximumf %max3A_806, %min3A_832 : vector<16xf32>
        %min3A_834 = arith.minimumf %max3A_806, %min3A_832 : vector<16xf32>
        %max3A_835 = arith.maximumf %max3A_808, %min3A_834 : vector<16xf32>
        %min3A_836 = arith.minimumf %max3A_808, %min3A_834 : vector<16xf32>
        %max3A_837 = arith.maximumf %max3A_810, %min3A_836 : vector<16xf32>
        %min3A_838 = arith.minimumf %max3A_810, %min3A_836 : vector<16xf32>
        %max3A_839 = arith.maximumf %max3A_812, %min3A_838 : vector<16xf32>
        %min3A_840 = arith.minimumf %max3A_812, %min3A_838 : vector<16xf32>
        %max3A_841 = arith.maximumf %max3A_814, %min3A_840 : vector<16xf32>
        %min3A_842 = arith.minimumf %max3A_814, %min3A_840 : vector<16xf32>
        %add3A_843 = arith.constant 13 : i32
        %add3A_844 = vector.broadcast %add3A_843 : i32 to vector<16xi32>
        %add3A_845 = arith.addi %mul3A_492, %add3A_844 : vector<16xi32>
        %gather3A_846 = arith.constant 0 : i32
        %gather3A_847 = arith.constant 0 : i32
        %gather3A_848 = tpu.memref_slice %arg4[%while3A_439, %gather3A_846, %gather3A_847] : memref<2x2048x16xf32, #tpu.memory_space<vmem>> -> memref<1x2048x16xf32, #tpu.memory_space<vmem>>
        %gather3A_849 = tpu.memref_squeeze %gather3A_848 : memref<1x2048x16xf32, #tpu.memory_space<vmem>> -> memref<2048x16xf32, #tpu.memory_space<vmem>>
        %gather3A_850 = tpu.vector_load_idx %gather3A_849[%add3A_845, %iota3A] : memref<2048x16xf32, #tpu.memory_space<vmem>>[vector<16xi32>, vector<16xi32>], vector<16xf32>,
        %broadcast_in_dim3A_851 = arith.constant 0xFF800000 : f32
        %broadcast_in_dim3A_852 = vector.broadcast %broadcast_in_dim3A_851 : f32 to vector<16xf32>
        %select_n3A_853 = arith.select %lt3A_482, %gather3A_850, %broadcast_in_dim3A_852 : vector<16xi1>, vector<16xf32>
        %max3A_854 = arith.maximumf %max3A_827, %select_n3A_853 : vector<16xf32>
        %min3A_855 = arith.minimumf %max3A_827, %select_n3A_853 : vector<16xf32>
        %max3A_856 = arith.maximumf %max3A_829, %min3A_855 : vector<16xf32>
        %min3A_857 = arith.minimumf %max3A_829, %min3A_855 : vector<16xf32>
        %max3A_858 = arith.maximumf %max3A_831, %min3A_857 : vector<16xf32>
        %min3A_859 = arith.minimumf %max3A_831, %min3A_857 : vector<16xf32>
        %max3A_860 = arith.maximumf %max3A_833, %min3A_859 : vector<16xf32>
        %min3A_861 = arith.minimumf %max3A_833, %min3A_859 : vector<16xf32>
        %max3A_862 = arith.maximumf %max3A_835, %min3A_861 : vector<16xf32>
        %min3A_863 = arith.minimumf %max3A_835, %min3A_861 : vector<16xf32>
        %max3A_864 = arith.maximumf %max3A_837, %min3A_863 : vector<16xf32>
        %min3A_865 = arith.minimumf %max3A_837, %min3A_863 : vector<16xf32>
        %max3A_866 = arith.maximumf %max3A_839, %min3A_865 : vector<16xf32>
        %min3A_867 = arith.minimumf %max3A_839, %min3A_865 : vector<16xf32>
        %max3A_868 = arith.maximumf %max3A_841, %min3A_867 : vector<16xf32>
        %min3A_869 = arith.minimumf %max3A_841, %min3A_867 : vector<16xf32>
        %add3A_870 = arith.constant 14 : i32
        %add3A_871 = vector.broadcast %add3A_870 : i32 to vector<16xi32>
        %add3A_872 = arith.addi %mul3A_492, %add3A_871 : vector<16xi32>
        %gather3A_873 = arith.constant 0 : i32
        %gather3A_874 = arith.constant 0 : i32
        %gather3A_875 = tpu.memref_slice %arg4[%while3A_439, %gather3A_873, %gather3A_874] : memref<2x2048x16xf32, #tpu.memory_space<vmem>> -> memref<1x2048x16xf32, #tpu.memory_space<vmem>>
        %gather3A_876 = tpu.memref_squeeze %gather3A_875 : memref<1x2048x16xf32, #tpu.memory_space<vmem>> -> memref<2048x16xf32, #tpu.memory_space<vmem>>
        %gather3A_877 = tpu.vector_load_idx %gather3A_876[%add3A_872, %iota3A] : memref<2048x16xf32, #tpu.memory_space<vmem>>[vector<16xi32>, vector<16xi32>], vector<16xf32>,
        %broadcast_in_dim3A_878 = arith.constant 0xFF800000 : f32
        %broadcast_in_dim3A_879 = vector.broadcast %broadcast_in_dim3A_878 : f32 to vector<16xf32>
        %select_n3A_880 = arith.select %lt3A_482, %gather3A_877, %broadcast_in_dim3A_879 : vector<16xi1>, vector<16xf32>
        %max3A_881 = arith.maximumf %max3A_854, %select_n3A_880 : vector<16xf32>
        %min3A_882 = arith.minimumf %max3A_854, %select_n3A_880 : vector<16xf32>
        %max3A_883 = arith.maximumf %max3A_856, %min3A_882 : vector<16xf32>
        %min3A_884 = arith.minimumf %max3A_856, %min3A_882 : vector<16xf32>
        %max3A_885 = arith.maximumf %max3A_858, %min3A_884 : vector<16xf32>
        %min3A_886 = arith.minimumf %max3A_858, %min3A_884 : vector<16xf32>
        %max3A_887 = arith.maximumf %max3A_860, %min3A_886 : vector<16xf32>
        %min3A_888 = arith.minimumf %max3A_860, %min3A_886 : vector<16xf32>
        %max3A_889 = arith.maximumf %max3A_862, %min3A_888 : vector<16xf32>
        %min3A_890 = arith.minimumf %max3A_862, %min3A_888 : vector<16xf32>
        %max3A_891 = arith.maximumf %max3A_864, %min3A_890 : vector<16xf32>
        %min3A_892 = arith.minimumf %max3A_864, %min3A_890 : vector<16xf32>
        %max3A_893 = arith.maximumf %max3A_866, %min3A_892 : vector<16xf32>
        %min3A_894 = arith.minimumf %max3A_866, %min3A_892 : vector<16xf32>
        %max3A_895 = arith.maximumf %max3A_868, %min3A_894 : vector<16xf32>
        %min3A_896 = arith.minimumf %max3A_868, %min3A_894 : vector<16xf32>
        %add3A_897 = arith.constant 15 : i32
        %add3A_898 = vector.broadcast %add3A_897 : i32 to vector<16xi32>
        %add3A_899 = arith.addi %mul3A_492, %add3A_898 : vector<16xi32>
        %gather3A_900 = arith.constant 0 : i32
        %gather3A_901 = arith.constant 0 : i32
        %gather3A_902 = tpu.memref_slice %arg4[%while3A_439, %gather3A_900, %gather3A_901] : memref<2x2048x16xf32, #tpu.memory_space<vmem>> -> memref<1x2048x16xf32, #tpu.memory_space<vmem>>
        %gather3A_903 = tpu.memref_squeeze %gather3A_902 : memref<1x2048x16xf32, #tpu.memory_space<vmem>> -> memref<2048x16xf32, #tpu.memory_space<vmem>>
        %gather3A_904 = tpu.vector_load_idx %gather3A_903[%add3A_899, %iota3A] : memref<2048x16xf32, #tpu.memory_space<vmem>>[vector<16xi32>, vector<16xi32>], vector<16xf32>,
        %broadcast_in_dim3A_905 = arith.constant 0xFF800000 : f32
        %broadcast_in_dim3A_906 = vector.broadcast %broadcast_in_dim3A_905 : f32 to vector<16xf32>
        %select_n3A_907 = arith.select %lt3A_482, %gather3A_904, %broadcast_in_dim3A_906 : vector<16xi1>, vector<16xf32>
        %max3A_908 = arith.maximumf %max3A_881, %select_n3A_907 : vector<16xf32>
        %min3A_909 = arith.minimumf %max3A_881, %select_n3A_907 : vector<16xf32>
        %max3A_910 = arith.maximumf %max3A_883, %min3A_909 : vector<16xf32>
        %min3A_911 = arith.minimumf %max3A_883, %min3A_909 : vector<16xf32>
        %max3A_912 = arith.maximumf %max3A_885, %min3A_911 : vector<16xf32>
        %min3A_913 = arith.minimumf %max3A_885, %min3A_911 : vector<16xf32>
        %max3A_914 = arith.maximumf %max3A_887, %min3A_913 : vector<16xf32>
        %min3A_915 = arith.minimumf %max3A_887, %min3A_913 : vector<16xf32>
        %max3A_916 = arith.maximumf %max3A_889, %min3A_915 : vector<16xf32>
        %min3A_917 = arith.minimumf %max3A_889, %min3A_915 : vector<16xf32>
        %max3A_918 = arith.maximumf %max3A_891, %min3A_917 : vector<16xf32>
        %min3A_919 = arith.minimumf %max3A_891, %min3A_917 : vector<16xf32>
        %max3A_920 = arith.maximumf %max3A_893, %min3A_919 : vector<16xf32>
        %min3A_921 = arith.minimumf %max3A_893, %min3A_919 : vector<16xf32>
        %max3A_922 = arith.maximumf %max3A_895, %min3A_921 : vector<16xf32>
        %min3A_923 = arith.minimumf %max3A_895, %min3A_921 : vector<16xf32>
        scf.yield %max3A_908, %max3A_910, %max3A_912, %max3A_914, %max3A_916, %max3A_918, %max3A_920, %max3A_922 : vector<16xf32>, vector<16xf32>, vector<16xf32>, vector<16xf32>, vector<16xf32>, vector<16xf32>, vector<16xf32>, vector<16xf32>
      }
      %jit3A_451 = arith.constant 4 : i32
      %eq3A_452 = arith.constant 0 : i32
      %eq3A_453 = arith.cmpi eq, %jit3A_451, %eq3A_452 : i32
      %jit3A_454 = arith.constant 1 : i32
      %select_n3A_455 = arith.select %eq3A_453, %jit3A_454, %jit3A_451 : i32
      %rem3A_456 = arith.remsi %add3A_273, %select_n3A_455 : i32
      %ne3A_457 = arith.constant 0 : i32
      %ne3A_458 = arith.cmpi ne, %rem3A_456, %ne3A_457 : i32
      %lt3A_459 = arith.constant 0 : i32
      %lt3A_460 = arith.cmpi slt, %rem3A_456, %lt3A_459 : i32
      %lt3A_461 = arith.constant 0 : i32
      %lt3A_462 = arith.cmpi slt, %select_n3A_455, %lt3A_461 : i32
      %ne3A_463 = arith.xori %lt3A_460, %lt3A_462 : i1
      %and3A_464 = arith.andi %ne3A_463, %ne3A_458 : i1
      %add3A_465 = arith.addi %rem3A_456, %select_n3A_455 : i32
      %select_n3A_466 = arith.select %and3A_464, %add3A_465, %rem3A_456 : i32
      %eq3A_467 = arith.constant 3 : i32
      %eq3A_468 = arith.cmpi eq, %select_n3A_466, %eq3A_467 : i32
      %convert_element_type3A_469 = arith.extui %eq3A_468 : i1 to i32
      %cond3A_470 = arith.constant 0 : i32
      %cond3A_471 = arith.cmpi ne, %convert_element_type3A_469, %cond3A_470 : i32
      scf.if %cond3A_471 {
        %swap3A = arith.constant 0 : i32
        %swap3A_472 = arith.index_cast %swap3A : i32 to index
        %swap3A_473 = arith.constant 0 : index
        %swap3A_474 = tpu.vector_load %arg7[%swap3A_472, %swap3A_473] {strides = array<i32>} : memref<8x16xf32, #tpu.memory_space<vmem>>, vector<16xf32>,
        tpu.vector_store %arg7[%swap3A_472, %swap3A_473], %while3A_450#0 {strides = array<i32>} : memref<8x16xf32, #tpu.memory_space<vmem>>, vector<16xf32>,
        %swap3A_475 = arith.constant 1 : i32
        %swap3A_476 = arith.index_cast %swap3A_475 : i32 to index
        %swap3A_477 = arith.constant 0 : index
        %swap3A_478 = tpu.vector_load %arg7[%swap3A_476, %swap3A_477] {strides = array<i32>} : memref<8x16xf32, #tpu.memory_space<vmem>>, vector<16xf32>,
        tpu.vector_store %arg7[%swap3A_476, %swap3A_477], %while3A_450#1 {strides = array<i32>} : memref<8x16xf32, #tpu.memory_space<vmem>>, vector<16xf32>,
        %swap3A_479 = arith.constant 2 : i32
        %swap3A_480 = arith.index_cast %swap3A_479 : i32 to index
        %swap3A_481 = arith.constant 0 : index
        %swap3A_482 = tpu.vector_load %arg7[%swap3A_480, %swap3A_481] {strides = array<i32>} : memref<8x16xf32, #tpu.memory_space<vmem>>, vector<16xf32>,
        tpu.vector_store %arg7[%swap3A_480, %swap3A_481], %while3A_450#2 {strides = array<i32>} : memref<8x16xf32, #tpu.memory_space<vmem>>, vector<16xf32>,
        %swap3A_483 = arith.constant 3 : i32
        %swap3A_484 = arith.index_cast %swap3A_483 : i32 to index
        %swap3A_485 = arith.constant 0 : index
        %swap3A_486 = tpu.vector_load %arg7[%swap3A_484, %swap3A_485] {strides = array<i32>} : memref<8x16xf32, #tpu.memory_space<vmem>>, vector<16xf32>,
        tpu.vector_store %arg7[%swap3A_484, %swap3A_485], %while3A_450#3 {strides = array<i32>} : memref<8x16xf32, #tpu.memory_space<vmem>>, vector<16xf32>,
        %swap3A_487 = arith.constant 4 : i32
        %swap3A_488 = arith.index_cast %swap3A_487 : i32 to index
        %swap3A_489 = arith.constant 0 : index
        %swap3A_490 = tpu.vector_load %arg7[%swap3A_488, %swap3A_489] {strides = array<i32>} : memref<8x16xf32, #tpu.memory_space<vmem>>, vector<16xf32>,
        tpu.vector_store %arg7[%swap3A_488, %swap3A_489], %while3A_450#4 {strides = array<i32>} : memref<8x16xf32, #tpu.memory_space<vmem>>, vector<16xf32>,
        %swap3A_491 = arith.constant 5 : i32
        %swap3A_492 = arith.index_cast %swap3A_491 : i32 to index
        %swap3A_493 = arith.constant 0 : index
        %swap3A_494 = tpu.vector_load %arg7[%swap3A_492, %swap3A_493] {strides = array<i32>} : memref<8x16xf32, #tpu.memory_space<vmem>>, vector<16xf32>,
        tpu.vector_store %arg7[%swap3A_492, %swap3A_493], %while3A_450#5 {strides = array<i32>} : memref<8x16xf32, #tpu.memory_space<vmem>>, vector<16xf32>,
        %swap3A_495 = arith.constant 6 : i32
        %swap3A_496 = arith.index_cast %swap3A_495 : i32 to index
        %swap3A_497 = arith.constant 0 : index
        %swap3A_498 = tpu.vector_load %arg7[%swap3A_496, %swap3A_497] {strides = array<i32>} : memref<8x16xf32, #tpu.memory_space<vmem>>, vector<16xf32>,
        tpu.vector_store %arg7[%swap3A_496, %swap3A_497], %while3A_450#6 {strides = array<i32>} : memref<8x16xf32, #tpu.memory_space<vmem>>, vector<16xf32>,
        %swap3A_499 = arith.constant 7 : i32
        %swap3A_500 = arith.index_cast %swap3A_499 : i32 to index
        %swap3A_501 = arith.constant 0 : index
        %swap3A_502 = tpu.vector_load %arg7[%swap3A_500, %swap3A_501] {strides = array<i32>} : memref<8x16xf32, #tpu.memory_space<vmem>>, vector<16xf32>,
        tpu.vector_store %arg7[%swap3A_500, %swap3A_501], %while3A_450#7 {strides = array<i32>} : memref<8x16xf32, #tpu.memory_space<vmem>>, vector<16xf32>,
        %mul3A_503 = arith.constant 8 : i32
        %mul3A_504 = arith.muli %add3A, %mul3A_503 : i32
        %jit3A_505 = arith.constant 4 : i32
        %div3A_506 = arith.divsi %add3A_273, %jit3A_505 : i32
        %sign3A_507 = arith.constant 0 : i32
        %sign3A_508 = arith.cmpi sgt, %add3A_273, %sign3A_507 : i32
        %sign3A_509 = arith.extui %sign3A_508 : i1 to i32
        %sign3A_510 = arith.constant 0 : i32
        %sign3A_511 = arith.cmpi slt, %add3A_273, %sign3A_510 : i32
        %sign3A_512 = arith.extui %sign3A_511 : i1 to i32
        %sign3A_513 = arith.subi %sign3A_509, %sign3A_512 : i32
        %sign3A_514 = arith.constant 0 : i32
        %sign3A_515 = arith.cmpi sgt, %jit3A_505, %sign3A_514 : i32
        %sign3A_516 = arith.extui %sign3A_515 : i1 to i32
        %sign3A_517 = arith.constant 0 : i32
        %sign3A_518 = arith.cmpi slt, %jit3A_505, %sign3A_517 : i32
        %sign3A_519 = arith.extui %sign3A_518 : i1 to i32
        %sign3A_520 = arith.subi %sign3A_516, %sign3A_519 : i32
        %ne3A_521 = arith.cmpi ne, %sign3A_513, %sign3A_520 : i32
        %rem3A_522 = arith.remsi %add3A_273, %jit3A_505 : i32
        %ne3A_523 = arith.constant 0 : i32
        %ne3A_524 = arith.cmpi ne, %rem3A_522, %ne3A_523 : i32
        %and3A_525 = arith.andi %ne3A_521, %ne3A_524 : i1
        %sub3A_526 = arith.constant 1 : i32
        %sub3A_527 = arith.subi %div3A_506, %sub3A_526 : i32
        %select_n3A_528 = arith.select %and3A_525, %sub3A_527, %div3A_506 : i32
        %add3A_529 = arith.addi %mul3A_504, %select_n3A_528 : i32
        %jit3A_530 = arith.constant 64 : i32
        %div3A_531 = arith.divsi %add3A_529, %jit3A_530 : i32
        %sign3A_532 = arith.constant 0 : i32
        %sign3A_533 = arith.cmpi sgt, %add3A_529, %sign3A_532 : i32
        %sign3A_534 = arith.extui %sign3A_533 : i1 to i32
        %sign3A_535 = arith.constant 0 : i32
        %sign3A_536 = arith.cmpi slt, %add3A_529, %sign3A_535 : i32
        %sign3A_537 = arith.extui %sign3A_536 : i1 to i32
        %sign3A_538 = arith.subi %sign3A_534, %sign3A_537 : i32
        %sign3A_539 = arith.constant 0 : i32
        %sign3A_540 = arith.cmpi sgt, %jit3A_530, %sign3A_539 : i32
        %sign3A_541 = arith.extui %sign3A_540 : i1 to i32
        %sign3A_542 = arith.constant 0 : i32
        %sign3A_543 = arith.cmpi slt, %jit3A_530, %sign3A_542 : i32
        %sign3A_544 = arith.extui %sign3A_543 : i1 to i32
        %sign3A_545 = arith.subi %sign3A_541, %sign3A_544 : i32
        %ne3A_546 = arith.cmpi ne, %sign3A_538, %sign3A_545 : i32
        %rem3A_547 = arith.remsi %add3A_529, %jit3A_530 : i32
        %ne3A_548 = arith.constant 0 : i32
        %ne3A_549 = arith.cmpi ne, %rem3A_547, %ne3A_548 : i32
        %and3A_550 = arith.andi %ne3A_546, %ne3A_549 : i1
        %sub3A_551 = arith.constant 1 : i32
        %sub3A_552 = arith.subi %div3A_531, %sub3A_551 : i32
        %select_n3A_553 = arith.select %and3A_550, %sub3A_552, %div3A_531 : i32
        %jit3A_554 = arith.constant 64 : i32
        %eq3A_555 = arith.constant 0 : i32
        %eq3A_556 = arith.cmpi eq, %jit3A_554, %eq3A_555 : i32
        %jit3A_557 = arith.constant 1 : i32
        %select_n3A_558 = arith.select %eq3A_556, %jit3A_557, %jit3A_554 : i32
        %rem3A_559 = arith.remsi %add3A_529, %select_n3A_558 : i32
        %ne3A_560 = arith.constant 0 : i32
        %ne3A_561 = arith.cmpi ne, %rem3A_559, %ne3A_560 : i32
        %lt3A_562 = arith.constant 0 : i32
        %lt3A_563 = arith.cmpi slt, %rem3A_559, %lt3A_562 : i32
        %lt3A_564 = arith.constant 0 : i32
        %lt3A_565 = arith.cmpi slt, %select_n3A_558, %lt3A_564 : i32
        %ne3A_566 = arith.xori %lt3A_563, %lt3A_565 : i1
        %and3A_567 = arith.andi %ne3A_566, %ne3A_561 : i1
        %add3A_568 = arith.addi %rem3A_559, %select_n3A_558 : i32
        %select_n3A_569 = arith.select %and3A_567, %add3A_568, %rem3A_559 : i32
        %mul3A_570 = arith.constant 16 : i32
        %mul3A_571 = arith.muli %select_n3A_569, %mul3A_570 : i32
        %jit3A_572 = arith.constant 4 : i32
        %eq3A_573 = arith.constant 0 : i32
        %eq3A_574 = arith.cmpi eq, %jit3A_572, %eq3A_573 : i32
        %jit3A_575 = arith.constant 1 : i32
        %select_n3A_576 = arith.select %eq3A_574, %jit3A_575, %jit3A_572 : i32
        %rem3A_577 = arith.remsi %add3A_273, %select_n3A_576 : i32
        %ne3A_578 = arith.constant 0 : i32
        %ne3A_579 = arith.cmpi ne, %rem3A_577, %ne3A_578 : i32
        %lt3A_580 = arith.constant 0 : i32
        %lt3A_581 = arith.cmpi slt, %rem3A_577, %lt3A_580 : i32
        %lt3A_582 = arith.constant 0 : i32
        %lt3A_583 = arith.cmpi slt, %select_n3A_576, %lt3A_582 : i32
        %ne3A_584 = arith.xori %lt3A_581, %lt3A_583 : i1
        %and3A_585 = arith.andi %ne3A_584, %ne3A_579 : i1
        %add3A_586 = arith.addi %rem3A_577, %select_n3A_576 : i32
        %select_n3A_587 = arith.select %and3A_585, %add3A_586, %rem3A_577 : i32
        %mul3A_588 = arith.constant 2048 : i32
        %mul3A_589 = arith.muli %select_n3A_587, %mul3A_588 : i32
        "tpu.region"() ({
          %run_scoped3A = tpu.sem_alloc : memref<!tpu.dma_semaphore, #tpu.memory_space<semaphore_mem>>
          %dma_start3A_590 = arith.constant 0 : i32
          %dma_start3A_591 = tpu.memref_slice %arg3[%select_n3A_553, %dma_start3A_590, %mul3A_571] : memref<4x8x1024xf32, #tpu.memory_space<hbm>> -> memref<1x8x16xf32, #tpu.memory_space<hbm>>
          %dma_start3A_592 = tpu.memref_squeeze %dma_start3A_591 : memref<1x8x16xf32, #tpu.memory_space<hbm>> -> memref<8x16xf32, #tpu.memory_space<hbm>>
          %dma_start3A_593 = arith.constant 0 : i32
          %dma_start3A_594 = tpu.memref_slice %arg3[%select_n3A_553, %dma_start3A_593, %mul3A_571] : memref<4x8x1024xf32, #tpu.memory_space<hbm>> -> memref<1x8x16xf32, #tpu.memory_space<hbm>>
          %dma_start3A_595 = tpu.memref_squeeze %dma_start3A_594 : memref<1x8x16xf32, #tpu.memory_space<hbm>> -> memref<8x16xf32, #tpu.memory_space<hbm>>
          tpu.enqueue_dma source(%arg7 : memref<8x16xf32, #tpu.memory_space<vmem>>) target(%dma_start3A_595 : memref<8x16xf32, #tpu.memory_space<hbm>>) target_semaphore(%run_scoped3A : memref<!tpu.dma_semaphore, #tpu.memory_space<semaphore_mem>>)
          %dma_wait3A_596 = arith.constant 0 : i32
          %dma_wait3A_597 = tpu.memref_slice %arg3[%select_n3A_553, %dma_wait3A_596, %mul3A_571] : memref<4x8x1024xf32, #tpu.memory_space<hbm>> -> memref<1x8x16xf32, #tpu.memory_space<hbm>>
          %dma_wait3A_598 = tpu.memref_squeeze %dma_wait3A_597 : memref<1x8x16xf32, #tpu.memory_space<hbm>> -> memref<8x16xf32, #tpu.memory_space<hbm>>
          %dma_wait3A_599 = arith.constant 0 : i32
          %dma_wait3A_600 = tpu.memref_slice %arg3[%select_n3A_553, %dma_wait3A_599, %mul3A_571] : memref<4x8x1024xf32, #tpu.memory_space<hbm>> -> memref<1x8x16xf32, #tpu.memory_space<hbm>>
          %dma_wait3A_601 = tpu.memref_squeeze %dma_wait3A_600 : memref<1x8x16xf32, #tpu.memory_space<hbm>> -> memref<8x16xf32, #tpu.memory_space<hbm>>
          tpu.wait_dma2 semaphore(%run_scoped3A : memref<!tpu.dma_semaphore, #tpu.memory_space<semaphore_mem>>) src(%arg7 : memref<8x16xf32, #tpu.memory_space<vmem>>) dst(%dma_wait3A_601 : memref<8x16xf32, #tpu.memory_space<hbm>>)
          tpu.yield
        }) : () -> ()
      } else {
      }
      scf.yield %while3A_450#0, %while3A_450#1, %while3A_450#2, %while3A_450#3, %while3A_450#4, %while3A_450#5, %while3A_450#6, %while3A_450#7, %scan3A_420#0, %scan3A_420#1, %scan3A_420#2, %scan3A_420#3, %scan3A_420#4, %scan3A_420#5, %scan3A_420#6, %scan3A_420#7 : vector<16xf32>, vector<16xf32>, vector<16xf32>, vector<16xf32>, vector<16xf32>, vector<16xf32>, vector<16xf32>, vector<16xf32>, vector<16xf32>, vector<16xf32>, vector<16xf32>, vector<16xf32>, vector<16xf32>, vector<16xf32>, vector<16xf32>, vector<16xf32>
    }
    %scan3A_56 = arith.constant 16 : i32
    return
  }
}

</mosaic_0001>

<sc_bundles>
// kernel: kernel.3.cloned.1.call-start
scs
__scs_entry_jumppad:
0x0: {  	(pc) =	sbr.rel $0x88, $3  }
0x1: {  	(tag) =	ssettag $0x0;
	lr =	simm.s32 $0x1  }
0x2: {  	[smem:$0x3FA0] =	sst lr;
	_ =	strace $0xD0000000  }
0x3: {  	_ = 	snop  }
0x4: {  	_ = 	snop  }
0x5: {  	_ = 	snop  }
0x6: {  	_ = 	snop  }
0x7: {  	_ = 	snop  }
__scs_overlays_trampoline_lowered:
0x8: {  	[smem:$0x3FAF] =	sst s0  }
0x9: {  	[smem:$0x3FB0] =	sst s1  }
0xa: {  	[smem:$0x3FB1] =	sst s2  }
0xb: {  	[smem:$0x3FB2] =	sst s3  }
0xc: {  	[smem:$0x3FB3] =	sst s4  }
0xd: {  	[smem:$0x3FB4] =	sst s5  }
0xe: {  	[smem:$0x3FB5] =	sst s6  }
0xf: {  	[smem:$0x3FB6] =	sst s7  }
0x10: {  	[smem:$0x3FB7] =	sst s8  }
0x11: {  	[smem:$0x3FB8] =	sst s9;
	s0 =	simm.s32 @!p0 $0x0  }
0x12: {  	s1 =	sld [smem:$0x3F9E];
	s0 =	simm.s32 @p0 $0x1  }
0x13: {  	[smem:$0x3FB9] =	sst s0;
	s0 =	simm.s32 @!p1 $0x0  }
0x14: {  	s2 =	sld [smem:$0x3F9D];
	s0 =	simm.s32 @p1 $0x1  }
0x15: {  	[smem:$0x3FBA] =	sst s0;
	s0 =	simm.s32 @!p2 $0x0  }
0x16: {  	s3 =	sld [smem:$0x3FDB];
	s0 =	simm.s32 @p2 $0x1  }
0x17: {  	s4 =	simm.s32 $0x1BF5;
	[smem:$0x3FBC] =	sst s0  }
0x18: {  	s0 =	sld [smem:$0x3F9F];
	_ =	swait.ge [sflag:s4], $0x0  }
0x19: {  	s7 =	sld [smem:$0x3FA0]  }
0x1a: {  	s8 =	sadd.s32 $0xFFFFE003, lr  }
0x1b: {  	s9 =	sadd.s32 $0xFFFFFEF7, lr;
	s5 =	simm.s32 $0xFFFFFFFF;
	p2 =	slt.u32 s8, $0xFFFFF086  }
0x1c: {  	p1 =	slt.u32 s9, $0xF7A;
	s5 =	simm.s32 @!p2 $0x0  }
0x1d: {  	s5 =	simm.s32 @p1 $0x1;
	p0 =	seq.s32 s7, s2  }
0x1e: {  	s7 =	smul.u32 @!p0 $0xF7A, s2;
	p2 =	seq.s32 @!p0 s5, $0x0  }
0x1f: {  	s9 =	smul.u32 $0xF7A, s1;
	s8 =	simm.s32 @!p0 $0x1BF5;
	p2 =	por !p2, p0  }
0x20: {  	[sflag:s8] =	ssyncset.s32 @!p0 $0xFFFFF086;
	s6 =	sadd.s32 @!p0 s3, s7;
	s7 =	simm.s32 @!p0 $0x108  }
0x21: {  	s3 =	sadd.s32 s3, s9;
	s6 =	sadd.s32 @!p0 $0x88, s6;
	s7 =	simm.s32 @p2 $0x1082  }
0x22: {  	[simem:s7], [sflag:s8] =	dma.local @!p0 [hbm:s6], $0xF7A  }
0x23: {  	s9 =	sor.u32 $0xD0000000, s2;
	s6 =	simm.s32 $0x108;
	_ =	swait.ge @!p0 [sflag:s8], $0x0  }
0x24: {  	s3 =	sadd.s32 $0x88, s3;
	s6 =	simm.s32 @!p1 $0x1082;
	[sflag:s4] =	ssyncset.s32 $0xFFFFF086  }
0x25: {  	[simem:s6], [sflag:s4] =	dma.local [hbm:s3], $0xF7A  }
0x26: {  	[smem:$0x3FA0] =	sst s1;
	(tag) =	ssettag s2;
	_ =	strace s9  }
0x27: {  	s1 =	sld [smem:$0x3FB0]  }
0x28: {  	s2 =	sld [smem:$0x3FB1]  }
0x29: {  	s4 =	sld [smem:$0x3FB3]  }
0x2a: {  	p0 =	seq.s32 s5, $0x0;
	s5 =	sld [smem:$0x3FB4]  }
0x2b: {  	s6 =	sld [smem:$0x3FB5]  }
0x2c: {  	s7 =	sld [smem:$0x3FB6]  }
0x2d: {  	s3 =	simm.s32 $0x108;
	s8 =	sld [smem:$0x3FB7]  }
0x2e: {  	s3 =	simm.s32 @!p0 $0x1082;
	s9 =	sld [smem:$0x3FB8]  }
0x2f: {  	lr =	sadd.s32 s0, s3;
	s0 =	sld [smem:$0x3FAF]  }
0x30: {  	s3 =	sld [smem:$0x3FB2]  }
0x31: {  	[smem:$0x3FBB] =	sst s10  }
0x32: {  	s10 =	sld [smem:$0x3FB9];
	_ =	sdelay $0x3  }
0x33: {  	p0 =	seq.s32 s10, $0x1;
	s10 =	sld [smem:$0x3FBB];
	_ =	sdelay $0x3  }
0x34: {  	[smem:$0x3FBB] =	sst s10  }
0x35: {  	s10 =	sld [smem:$0x3FBA];
	_ =	sdelay $0x3  }
0x36: {  	p1 =	seq.s32 s10, $0x1;
	s10 =	sld [smem:$0x3FBB];
	_ =	sdelay $0x3  }
0x37: {  	[smem:$0x3FBB] =	sst s10  }
0x38: {  	s10 =	sld [smem:$0x3FBC]  }
0x39: {  	_ = 	snop;
	(pc) =	sbr.ind lr, $3  }
0x3a: {  	_ = 	snop  }
0x3b: {  	_ = 	snop  }
0x3c: {  	p2 =	seq.s32 s10, $0x1;
	s10 =	sld [smem:$0x3FBB]  }
0x3d: {  	_ =	shalt  }
0x3e: {  	_ =	shalt  }
0x3f: {  	_ =	shalt  }
0x40: {  	_ =	shalt  }
0x41: {  	_ =	shalt  }
0x42: {  	_ =	shalt  }
0x43: {  	_ =	shalt  }
0x44: {  	_ =	shalt  }
0x45: {  	_ =	shalt  }
0x46: {  	_ =	shalt  }
0x47: {  	_ =	shalt  }
0x48: {  	_ =	shalt  }
0x49: {  	_ =	shalt  }
0x4a: {  	_ =	shalt  }
0x4b: {  	_ =	shalt  }
0x4c: {  	_ =	shalt  }
0x4d: {  	_ =	shalt  }
0x4e: {  	_ =	shalt  }
0x4f: {  	_ =	shalt  }
0x50: {  	_ =	shalt  }
0x51: {  	_ =	shalt  }
0x52: {  	_ =	shalt  }
0x53: {  	_ =	shalt  }
0x54: {  	_ =	shalt  }
0x55: {  	_ =	shalt  }
0x56: {  	_ =	shalt  }
0x57: {  	_ =	shalt  }
0x58: {  	_ =	shalt  }
0x59: {  	_ =	shalt  }
0x5a: {  	_ =	shalt  }
0x5b: {  	_ =	shalt  }
0x5c: {  	_ =	shalt  }
0x5d: {  	_ =	shalt  }
0x5e: {  	_ =	shalt  }
0x5f: {  	_ =	shalt  }
0x60: {  	_ =	shalt  }
0x61: {  	_ =	shalt  }
0x62: {  	_ =	shalt  }
0x63: {  	_ =	shalt  }
0x64: {  	_ =	shalt  }
0x65: {  	_ =	shalt  }
0x66: {  	_ =	shalt  }
0x67: {  	_ =	shalt  }
0x68: {  	_ =	shalt  }
0x69: {  	_ =	shalt  }
0x6a: {  	_ =	shalt  }
0x6b: {  	_ =	shalt  }
0x6c: {  	_ =	shalt  }
0x6d: {  	_ =	shalt  }
0x6e: {  	_ =	shalt  }
0x6f: {  	_ =	shalt  }
0x70: {  	_ =	shalt  }
0x71: {  	_ =	shalt  }
0x72: {  	_ =	shalt  }
0x73: {  	_ =	shalt  }
0x74: {  	_ =	shalt  }
0x75: {  	_ =	shalt  }
0x76: {  	_ =	shalt  }
0x77: {  	_ =	shalt  }
0x78: {  	_ =	shalt  }
0x79: {  	_ =	shalt  }
0x7a: {  	_ =	shalt  }
0x7b: {  	_ =	shalt  }
0x7c: {  	_ =	shalt  }
0x7d: {  	_ =	shalt  }
0x7e: {  	_ =	shalt  }
0x7f: {  	_ =	shalt  }
0x80: {  	_ =	shalt  }
0x81: {  	_ =	shalt  }
0x82: {  	_ =	shalt  }
0x83: {  	_ =	shalt  }
0x84: {  	_ =	shalt  }
0x85: {  	_ =	shalt  }
0x86: {  	_ =	shalt  }
0x87: {  	_ =	shalt  }
.Lfunc_end0:
.L_simem_size_0:
called_computation.1_lowered:
.L_overlay_start_0:
0x88: {  	s2 =	sld [smem:$0x3FD9]  }
0x89: {  	s3 =	sld [smem:$0x3FFE];
	_ =	sdelay $0x1  }
0x8a: {  	s1 =	srdreg.scid  }
0x8b: {  	s0 =	sand.u32 $0x1, s1  }
0x8c: {  	s16 =	sshll.u32 s0, $0xA;
	s2 =	sadd.s32 s3, s2  }
0x8d: {  	s2 =	sadd.s32 s2, s16  }
0x8e: {  	[smem:$0x3FC7] =	sst s2  }
0x8f: {  	_ = 	snop  }
0x90: {  	(tm) =	ssettm $0x1  }
0x91: {  	s17 =	sld [smem:$0x3FFB];
	_ =	sdelay $0x3  }
0x92: {  	_ =	strace s17  }
0x93: {  	s2 =	sld [smem:$0x3FFC];
	_ =	sdelay $0x3  }
0x94: {  	_ =	strace s2  }
0x95: {  	s2 =	sld [smem:$0x3FFD];
	_ =	sdelay $0x3  }
0x96: {  	_ =	strace s2  }
0x97: {  	_ =	strace $0x8FFFFFFF  }
0x98: {  	s18 =	sld [smem:$0x3FDB];
	_ =	sdelay $0x1  }
0x99: {  	s19 =	simm.s32 $_scs_section_size  }
0x9a: {  	s4 =	simm.s32 $_size__tile_overlayer_lowered;
	s5 =	simm.s32 $_tile_overlayer_lowered  }
0x9b: {  	s22 =	simm.s32 $0x1BFF;
	s21 =	sshll.u32 s5, $0x1;
	s2 =	sadd.s32 s19, s18  }
0x9c: {  	s6 =	simm.s32 $0x0;
	s20 =	sshll.u32 s4, $0x1;
	s4 =	sadd.s32 s21, s2  }
0x9d: {  	[timem:s6], [sflag:s22] =	dma.local [hbm:s4], s20  }
0x9e: {  	_ =	swait.ge [sflag:s22], s20  }
0x9f: {  	s3 =	ssub.s32 $0x0, s20;
	[sflag:s22] =	ssyncset.done $0x0  }
0xa0: {  	[sflag:s22] =	ssyncadd.s32 s3;
	_ =	sdelay $0x1  }
0xa1: {  	s23 =	simm.s32 $0x1B8B  }
0xa2: {  	_ =	swait.ge [sflag:s23], $0x1  }
0xa3: {  	[sflag:s23] =	ssyncset.done $0x0  }
0xa4: {  	s25 =	simm.s32 $0x1B8E;
	s24 =	sld [smem:$0x3FFE];
	[sflag:s23] =	ssyncadd.s32 $0xFFFFFFFF  }
0xa5: {  	s26 =	simm.s32 $execute0_lowered;
	[smem:$0x3FD2] =	sst s25  }
0xa6: {  	s4 =	sshll.u32 s26, $0x1;
	_ =	strace $0x80000049;
	[dreg:$0x1] =	wrdreg $0xFFFFFFFF  }
0xa7: {  	s28 =	simm.s32 $_size_execute0_lowered;
	s2 =	sadd.s32 s2, s4;
	[dreg:$0x0] =	wrdreg $0x0  }
0xa8: {  	s4 =	sshll.u32 s28, $0x1;
	[dreg:$0x2] =	wrdreg s2  }
0xa9: {  	[dreg:$0x3] =	wrdreg s4  }
0xaa: {  	[dreg:$0x4] =	wrdreg $0xC0  }
0xab: {  	_ =	task [dreg:s6], $0x5FFFF  }
0xac: {  	[dreg:$0x1] =	wrdreg $0xFFFFFFFF  }
0xad: {  	[dreg:$0x0] =	wrdreg $0x60  }
0xae: {  	[dreg:$0x2] =	wrdreg s24  }
0xaf: {  	[dreg:$0x3] =	wrdreg $0x9  }
0xb0: {  	_ =	task.clear_ibuf [dreg:s6], $0x4FFFF;
	_ =	strace $0x90000049  }
0xb1: {  	s29 =	simm.s32 $0x9;
	_ =	strace $0x8000004B  }
0xb2: {  	_ =	swait.ge [sflag:s29], $0x1  }
0xb3: {  	[sflag:s29] =	ssyncadd.s32 $0xFFFFFFFF  }
0xb4: {  	_ =	strace $0x9000004B  }
0xb5: {  	_ =	sfence  }
0xb6: {  	s30 =	sld [smem:$0x0];
	_ =	sdelay $0x2  }
0xb7: {  	s31 =	sshll.u32 s1, $0xD;
	s1 =	sshrl.u32 s1, $0x2  }
0xb8: {  	s3 =	sand.u32 $0x4000, s31;
	s1 =	sadd.s32 s1, s30  }
0xb9: {  	s0 =	sor.u32 s3, s0;
	s1 =	sshll.u32 s1, $0x11  }
0xba: {  	s0 =	sor.u32 s1, s0  }
0xbb: {  	s0 =	sadd.s32 $0x8F2B, s0  }
0xbc: {  	[sflag:s0] =	ssyncadd.remote.s32 $0x1  }
0xbd: {  	_ =	sfence.sel $0xFFFF  }
0xbe: {  	[dreg:$0x0] =	wrdreg $0xFFFFFFFF;
	(pc) =	sbr.abs _section_cstart, $3  }
0xbf: {  	[dreg:$0x1] =	wrdreg $0xFFFFFFFF  }
0xc0: {  	_ =	task.clear_ibuf [dreg:s6], $0x2FFFF;
	_ =	strace $0x9FFFFFFF  }
0xc1: {  	(tm) =	ssettm $0x7FFFFFFF  }
tec
execute0_lowered:
.L_overlay_start_1:
0x0: {  	(tag) =	ssettag $0x1  }
0x1: {  	s7 =	rddreg [dreg:$0x0]  }
0x2: {  	s0 =	rddreg [dreg:$0x1];
	s1 =	simm.s32 $0x0;
	s4 =	srdreg.scid  }
0x3: {  	s2 =	stileid.u32;
	s13 =	simm.s32 $0x1;
	s14 =	simm.s32 $0x10800  }
0x4: {  	s15 =	simm.s32 $0x2;
	s16 =	simm.s32 $0x0;
	[smem:$0x7FF] =	sst s1  }
0x5: {  	s3 =	sadd.s32 $0x800, s7;
	s5 =	sand.u32 $0x1, s4;
	s29 =	sshll.u32 s2, $0x8  }
0x6: {  	s6 =	sshll.u32 s2, $0x4;
	s30 =	sshll.u32 s2, $0x12;
	_ =	strace $0x8000004A  }
0x7: {  	v0 =	vlaneseq.u32;
	v1 =	vimm.s32 $0x0;
	s8 =	sshll.u32 s5, $0x3;
	s9 =	sand.u32 $0xC00, s29;
	s31 =	ssub.s32 $0x2, s5  }
.Ltmp0:
0x8: {  	v2 =	vor.u32 $0x10, v0;
	v3 =	vor.u32 $0x20, v0;
	v4 =	vor.u32 $0x30, v0;
	s5 =	sand.u32 $0x300000, s30;
	s4 =	sor.u32 s8, s6;
	(pc) =	sbr.rel .LBB2_1-.Ltmp0, $4  }
0x9: {  	v5 =	vor.u32 $0x40, v0;
	v6 =	vor.u32 $0x50, v0;
	v7 =	vor.u32 $0x60, v0;
	s10 =	sshrl.u32 s31, $0x1;
	s12 =	sadd.s32 s3, s5;
	s9 =	sadd.s32 s9, s7  }
0xa: {  	v8 =	vor.u32 $0x70, v0;
	v9 =	vor.u32 $0x80, v0;
	v10 =	vor.u32 $0x90, v0;
	s6 =	sshll.u32 s4, $0x1;
	s10 =	ssub.s32 s31, s10;
	s8 =	sadd.s32 $0x400800, s9  }
0xb: {  	v11 =	vor.u32 $0xA0, v0;
	v12 =	vor.u32 $0xB0, v0;
	v13 =	vor.u32 $0xC0, v0;
	s11 =	sand.u32 $0x70, s6;
	s9 =	smax.u32 s10, $0x1;
	s10 =	simm.s32 $0x10  }
0xc: {  	v14 =	vor.u32 $0xD0, v0;
	v15 =	vor.u32 $0xE0, v0;
	v16 =	vor.u32 $0xF0, v0;
	s7 =	sadd.s32 s11, s12;
	s11 =	simm.s32 $0x400;
	s12 =	simm.s32 $0x8000  }
.LBB2_17:
0xd: {  	s16 =	sadd.s32 $0x1, s16  }
0xe: {  	p0 =	sne.s32 s16, s9  }
.Ltmp1:
0xf: {  	_ = 	snop;
	(pc) =	sbr.rel @!p0 .LBB2_18-.Ltmp1, $1  }
0x10: {  	_ =	sdelay $0x3  }
.LBB2_1:
0x11: {  	v25 =	vimm.f32 $-Inf  }
.Ltmp2:
0x12: {  	v26 =	vimm.f32 $-Inf;
	v27 =	vimm.f32 $-Inf;
	v28 =	vimm.f32 $-Inf;
	(pc) =	sbr.rel .LBB2_2-.Ltmp2, $4  }
0x13: {  	v29 =	vimm.f32 $-Inf;
	v30 =	vimm.f32 $-Inf;
	v31 =	vimm.f32 $-Inf  }
0x14: {  	v32 =	vimm.f32 $-Inf;
	v17 =	vimm.f32 $-Inf;
	v18 =	vimm.f32 $-Inf  }
0x15: {  	[tilespmem:s1], [sflag:$0x1] =	stream.strided.gather [hbm4b:s7+s10], $0x8000, s11, s10, $0x38;
	v20 =	vimm.f32 $-Inf;
	v19 =	vimm.f32 $-Inf;
	v23 =	vimm.f32 $-Inf;
	[tilespmem:$0x11080] =	vst v63  }
0x16: {  	v21 =	vimm.f32 $-Inf;
	v22 =	vimm.f32 $-Inf;
	v24 =	vimm.f32 $-Inf;
	s17 =	simm.s32 $0x0  }
.LBB2_16:
0x17: {  	s19 =	sand.u32 $0x3, s19  }
0x18: {  	p0 =	sne.s32 s19, $0x3  }
0x19: {  	[tilespmem:$0x11000] =	vst @!p0 v24  }
0x1a: {  	[tilespmem:$0x11010] =	vst @!p0 v22  }
0x1b: {  	[tilespmem:$0x11020] =	vst @!p0 v21  }
0x1c: {  	[tilespmem:$0x11030] =	vst @!p0 v23  }
0x1d: {  	[tilespmem:$0x11040] =	vst @!p0 v19  }
0x1e: {  	s17 =	sadd.s32 $0x1, s17;
	[tilespmem:$0x11050] =	vst @!p0 v20  }
0x1f: {  	p1 =	sne.s32 s17, $0x10;
	[tilespmem:$0x11060] =	vst @!p0 v18;
	s18 =	sadd.s32 @!p0 s18, s8  }
0x20: {  	[tilespmem:$0x11070] =	vst @!p0 v17;
	s19 =	simm.s32 @!p0 $0x10;
	s20 =	simm.s32 @!p0 $0x400;
	s21 =	simm.s32 @!p0 $0x11000  }
0x21: {  	[hbm4b:s18+s19] =	stream.strided.scatter @!p0 [tilespmem:s21], [sflag:$0x3], $0x80, s20, s19, $0x38;
	[tilespmem:$0x11080] =	vst v63  }
.Ltmp3:
0x22: {  	_ = 	snop;
	(pc) =	sbr.rel @!p1 .LBB2_17-.Ltmp3, $4  }
0x23: {  	s18 =	simm.s32 @!p0 $0x3  }
0x24: {  	_ =	swait.ge @!p0 [sflag:s18], $0x80  }
0x25: {  	[sflag:s18] =	ssyncset.done @!p0 $0x0  }
0x26: {  	[sflag:s18] =	ssyncadd.s32 @!p0 $0xFFFFFF80  }
.LBB2_2:
0x27: {  	s19 =	sshllo.u32 s17, $0x1  }
0x28: {  	s20 =	sadd.s32 s6, s17;
	s18 =	sshll.u32 s19, $0x12  }
0x29: {  	s21 =	sand.u32 $0xC0000, s18;
	s18 =	sand.u32 $0x7E, s20  }
0x2a: {  	s29 =	sor.u32 s21, s5;
	s30 =	sadd.s32 s3, s18  }
0x2b: {  	s20 =	sadd.s32 s29, s30  }
0x2c: {  	[tilespmem:s12], [sflag:$0x2] =	stream.strided.gather [hbm4b:s20+s10], $0x8000, s11, s10, $0x38;
	[tilespmem:$0x11080] =	vst v63  }
0x2d: {  	_ =	swait.ge [sflag:s13], $0x8000  }
0x2e: {  	[sflag:s13] =	ssyncset.done $0x0  }
0x2f: {  	s22 =	simm.s32 $0x80;
	[sflag:s13] =	ssyncadd.s32 $0xFFFF8000  }
0x30: {  	v33 =	vld [tilespmem:s22+$0xFFFFFF90]  }
0x31: {  	v34 =	vld [tilespmem:s22+$0xFFFFFF80]  }
0x32: {  	v35 =	vld [tilespmem:s22+$0xFFFFFFA0]  }
0x33: {  	v36 =	vld [tilespmem:s22+$0xFFFFFFB0]  }
0x34: {  	v37 =	vld [tilespmem:s22+$0xFFFFFFC0]  }
0x35: {  	v38 =	vld [tilespmem:s22+$0xFFFFFFD0]  }
0x36: {  	v59 =	vld [tilespmem:s22+$0xFFFFFFE0];
	v33 =	vmax.f32 v34, v33  }
0x37: {  	v60 =	vld [tilespmem:s22+$0xFFFFFFF0];
	v33 =	vmax.f32 v33, v35  }
0x38: {  	v61 =	vld [tilespmem:s22+$0x0];
	v33 =	vmax.f32 v33, v36  }
0x39: {  	v62 =	vld [tilespmem:s22+$0x10];
	v33 =	vmax.f32 v33, v37  }
0x3a: {  	v63 =	vld [tilespmem:s22+$0x20];
	v33 =	vmax.f32 v33, v38  }
0x3b: {  	s31 =	sand.u32 $0x1, s17;
	v39 =	vld [tilespmem:s22+$0x30];
	v33 =	vmax.f32 v33, v59  }
0x3c: {  	p0 =	seq.s32 s31, $0x0;
	v34 =	vmax.f32 v33, v60;
	v33 =	vld [tilespmem:s22+$0x40]  }
0x3d: {  	v32 =	vpsel p0, $0xFF800000, v32;
	v31 =	vpsel p0, $0xFF800000, v31;
	v35 =	vmax.f32 v34, v61;
	v34 =	vld [tilespmem:s22+$0x50]  }
0x3e: {  	v30 =	vpsel p0, $0xFF800000, v30;
	v29 =	vpsel p0, $0xFF800000, v29;
	v36 =	vmax.f32 v35, v62;
	v35 =	vld [tilespmem:s22+$0x60]  }
0x3f: {  	s23 =	simm.s32 $0x0;
	v28 =	vpsel p0, $0xFF800000, v28;
	v27 =	vpsel p0, $0xFF800000, v27;
	v37 =	vmax.f32 v36, v63;
	v36 =	vld [tilespmem:s22+$0x70]  }
0x40: {  	s24 =	simm.s32 $0x80;
	v26 =	vpsel p0, $0xFF800000, v26;
	v25 =	vpsel p0, $0xFF800000, v25;
	s21 =	simm.s32 $0x40;
	s20 =	sshll.u32 s17, $0x1;
	v37 =	vmax.f32 v37, v39  }
.LBB2_3:
0x41: {  	p1 =	sne.s32 s24, $0x1FC0;
	v33 =	vmax.f32 v37, v33  }
0x42: {  	v33 =	vmax.f32 v33, v34  }
0x43: {  	v33 =	vmax.f32 v33, v35  }
0x44: {  	s25 =	sshra.s32 s23, $0x2;
	s23 =	smov.u32 s21;
	s21 =	smov.u32 s24;
	v33 =	vmax.f32 v33, v36  }
0x45: {  	s22 =	sadd.s32 $0x100, s22;
	[tilespmem:s25+$0x10000] =	vst v33;
	v34 =	vmin.f32 v32, v33;
	v32 =	vmax.f32 v32, v33  }
0x46: {  	v33 =	vld [tilespmem:s22+$0xFFFFFF90];
	v35 =	vmin.f32 v31, v34;
	v31 =	vmax.f32 v31, v34  }
0x47: {  	v34 =	vld [tilespmem:s22+$0xFFFFFF80];
	v36 =	vmin.f32 v30, v35;
	v30 =	vmax.f32 v30, v35  }
0x48: {  	v35 =	vld [tilespmem:s22+$0xFFFFFFA0];
	v37 =	vmin.f32 v29, v36;
	v29 =	vmax.f32 v29, v36  }
0x49: {  	v36 =	vld [tilespmem:s22+$0xFFFFFFB0];
	v38 =	vmin.f32 v28, v37;
	v28 =	vmax.f32 v28, v37  }
0x4a: {  	v37 =	vld [tilespmem:s22+$0xFFFFFFC0];
	v39 =	vmin.f32 v27, v38;
	v27 =	vmax.f32 v27, v38  }
0x4b: {  	v38 =	vld [tilespmem:s22+$0xFFFFFFD0];
	v40 =	vmin.f32 v26, v39;
	v26 =	vmax.f32 v26, v39  }
0x4c: {  	v33 =	vmax.f32 v34, v33;
	v34 =	vld [tilespmem:s22+$0xFFFFFFE0];
	v25 =	vmax.f32 v25, v40  }
0x4d: {  	v33 =	vmax.f32 v33, v35;
	v35 =	vld [tilespmem:s22+$0xFFFFFFF0]  }
0x4e: {  	v33 =	vmax.f32 v33, v36;
	v36 =	vld [tilespmem:s22+$0x0]  }
0x4f: {  	v33 =	vmax.f32 v33, v37;
	v37 =	vld [tilespmem:s22+$0x10]  }
0x50: {  	v33 =	vmax.f32 v33, v38;
	v38 =	vld [tilespmem:s22+$0x20]  }
0x51: {  	v33 =	vmax.f32 v33, v34;
	v39 =	vld [tilespmem:s22+$0x30]  }
.Ltmp4:
0x52: {  	v34 =	vmax.f32 v33, v35;
	v33 =	vld [tilespmem:s22+$0x40];
	(pc) =	sbr.rel @p1 .LBB2_3-.Ltmp4, $4  }
0x53: {  	v35 =	vmax.f32 v34, v36;
	v34 =	vld [tilespmem:s22+$0x50]  }
0x54: {  	v36 =	vmax.f32 v35, v37;
	v35 =	vld [tilespmem:s22+$0x60]  }
0x55: {  	v37 =	vmax.f32 v36, v38;
	v36 =	vld [tilespmem:s22+$0x70]  }
0x56: {  	s24 =	sadd.s32 $0x40, s24;
	v37 =	vmax.f32 v37, v39  }
0x57: {  	v33 =	vmax.f32 v37, v33  }
0x58: {  	v33 =	vmax.f32 v33, v34  }
0x59: {  	v33 =	vmax.f32 v33, v35  }
0x5a: {  	s23 =	sshra.s32 s23, $0x2;
	v33 =	vmax.f32 v33, v36  }
0x5b: {  	s22 =	sadd.s32 $0x100, s22;
	[tilespmem:s23+$0x10000] =	vst v33  }
0x5c: {  	v60 =	vld [tilespmem:s22+$0xFFFFFF90]  }
0x5d: {  	v61 =	vld [tilespmem:s22+$0xFFFFFF80]  }
0x5e: {  	v62 =	vld [tilespmem:s22+$0xFFFFFFA0]  }
0x5f: {  	v63 =	vld [tilespmem:s22+$0xFFFFFFB0]  }
0x60: {  	v38 =	vld [tilespmem:s22+$0xFFFFFFC0]  }
0x61: {  	v39 =	vld [tilespmem:s22+$0xFFFFFFD0]  }
0x62: {  	v42 =	vld [tilespmem:s22+$0xFFFFFFE0];
	v34 =	vmax.f32 v61, v60  }
0x63: {  	v43 =	vld [tilespmem:s22+$0xFFFFFFF0];
	v34 =	vmax.f32 v34, v62  }
0x64: {  	v44 =	vld [tilespmem:s22+$0x0];
	v34 =	vmax.f32 v34, v63  }
0x65: {  	v45 =	vld [tilespmem:s22+$0x10];
	v34 =	vmax.f32 v34, v38  }
0x66: {  	v46 =	vld [tilespmem:s22+$0x20];
	v34 =	vmax.f32 v34, v39  }
0x67: {  	v47 =	vld [tilespmem:s22+$0x30];
	v34 =	vmax.f32 v34, v42  }
0x68: {  	v48 =	vld [tilespmem:s22+$0x40];
	v34 =	vmax.f32 v34, v43  }
0x69: {  	v49 =	vld [tilespmem:s22+$0x50];
	v34 =	vmax.f32 v34, v44  }
0x6a: {  	v50 =	vld [tilespmem:s22+$0x60];
	v34 =	vmax.f32 v34, v45  }
0x6b: {  	v51 =	vld [tilespmem:s22+$0x70];
	v34 =	vmax.f32 v34, v46  }
0x6c: {  	v34 =	vmax.f32 v34, v47  }
0x6d: {  	v34 =	vmax.f32 v34, v48  }
0x6e: {  	v52 =	vmax.f32 v32, v33;
	v53 =	vmin.f32 v32, v33;
	v54 =	vmax.f32 v34, v49  }
0x6f: {  	v55 =	vmax.f32 v31, v53;
	v31 =	vmin.f32 v31, v53;
	v56 =	vmax.f32 v54, v50  }
0x70: {  	v57 =	vmax.f32 v30, v31;
	v30 =	vmin.f32 v30, v31;
	v58 =	vmax.f32 v56, v51  }
0x71: {  	v59 =	vmax.f32 v29, v30;
	v29 =	vmin.f32 v29, v30;
	v30 =	vmin.f32 v52, v58  }
0x72: {  	v60 =	vmax.f32 v28, v29;
	v28 =	vmin.f32 v28, v29;
	v29 =	vmin.f32 v55, v30  }
0x73: {  	v61 =	vmax.f32 v27, v28;
	v27 =	vmin.f32 v27, v28;
	v28 =	vmin.f32 v57, v29  }
0x74: {  	v40 =	vmax.f32 v26, v27;
	v26 =	vmin.f32 v26, v27;
	v27 =	vmin.f32 v59, v28  }
0x75: {  	v17 =	vpsel p0, $0xFF800000, v17;
	v25 =	vmax.f32 v25, v26;
	v26 =	vmin.f32 v60, v27  }
0x76: {  	v34 =	vimm.s32 $0x0;
	v32 =	vmax.f32 v52, v58;
	v62 =	vmin.f32 v61, v26  }
0x77: {  	s21 =	sshra.s32 s21, $0x2;
	v31 =	vmax.f32 v55, v30;
	v30 =	vmax.f32 v57, v29;
	v63 =	vmin.f32 v40, v62  }
0x78: {  	s22 =	simm.s32 $0x10000;
	[tilespmem:s21+$0x10000] =	vst v58;
	v29 =	vmax.f32 v59, v28;
	v28 =	vmax.f32 v60, v27;
	v25 =	vmax.f32 v25, v63  }
0x79: {  	s23 =	simm.s32 $0x1;
	s21 =	simm.s32 $0x0;
	v35 =	vld [tilespmem:s22+$0x0];
	v27 =	vmax.f32 v61, v26;
	v26 =	vmax.f32 v40, v62;
	v33 =	vmax.f32 v25, v17  }
.LBB2_5:
0x7a: {  	p1 =	sne.s32 s23, $0x7F;
	_ =	sdelay $0x3  }
0x7b: {  	vm0 =	vge.f32 v35, v33;
	v35 =	vshll.u32 v34, $0x4  }
0x7c: {  	v35 =	vor.u32 v0, v35;
	v36 =	vsel vm0, $0x1, v1  }
0x7d: {  	v34 =	vadd.s32 v36, v34  }
.Ltmp5:
0x7e: {  	(pc) =	sbr.rel @p1 .LBB2_5-.Ltmp5, $4  }
0x7f: {  	_ = 	snop  }
0x80: {  	v36 =	vmov s21;
	s21 =	smov.u32 s23  }
0x81: {  	s22 =	sadd.s32 $0x10, s22;
	[tilespmem:v35+s14+$0x0] =	vst.idx.msk vm0, v36  }
0x82: {  	s23 =	sadd.s32 $0x1, s23;
	v35 =	vld [tilespmem:s22+$0x0]  }
0x83: {  	_ =	sdelay $0x3  }
0x84: {  	vm0 =	vge.f32 v35, v33  }
0x85: {  	v33 =	vsel vm0, $0x1, v1  }
0x86: {  	v33 =	vadd.s32 v33, v34  }
0x87: {  	v61 =	vxor.u32 $0x80000000, v33  }
0x88: {  	(xrf0) =	vmax.scan.msk.u32 $0xffff, v61;
	_ =	sdelay $0x5  }
0x89: {  	v35, _, _ =	vpop (xrf0)  }
0x8a: {  	(v2sf) =	vpush v35, $0xF;
	_ =	sdelay $0xe  }
0x8b: {  	s22 =	spop (v2sf)  }
0x8c: {  	v62 =	vshll.u32 v34, $0x4;
	v63 =	vmov s21;
	s21 =	sxor.u32 $0x80000000, s22  }
0x8d: {  	v34 =	vor.u32 v0, v62;
	p1 =	slt.s32 s21, $0x1  }
.Ltmp6:
0x8e: {  	_ = 	snop;
	(pc) =	sbr.rel @p1 .LBB2_9-.Ltmp6, $4  }
0x8f: {  	_ = 	snop  }
0x90: {  	v24 =	vpsel p0, $0xFF800000, v24  }
0x91: {  	v22 =	vpsel p0, $0xFF800000, v22;
	v21 =	vpsel p0, $0xFF800000, v21;
	v23 =	vpsel p0, $0xFF800000, v23  }
0x92: {  	v19 =	vpsel p0, $0xFF800000, v19;
	v20 =	vpsel p0, $0xFF800000, v20;
	v18 =	vpsel p0, $0xFF800000, v18;
	[tilespmem:v34+s14+$0x0] =	vst.idx.msk vm0, v63  }
0x93: {  	s22 =	simm.s32 $0x0;
	s23 =	simm.s32 $0x10800  }
.LBB2_8:
0x94: {  	v34 =	vld [tilespmem:s23+$0x0];
	_ =	sdelay $0x4  }
0x95: {  	vm0 =	vgt.s32 v34, $0x0  }
0x96: {  	v34 =	vnsel vm0, $0x0, v34  }
0x97: {  	v34 =	vmin.u32 v34, $0x7F  }
0x98: {  	v34 =	vshll.u32 v34, $0x8  }
0x99: {  	v35 =	vor.u32 v0, v34  }
0x9a: {  	v38 =	vor.u32 v3, v34  }
0x9b: {  	v40 =	vor.u32 v4, v34;
	_ =	sdelay $0x1  }
0x9c: {  	v41 =	vor.u32 v5, v34  }
0x9d: {  	v35 =	vld.idx.msk [tilespmem:v35+s1+$0x0], $0xffff  }
0x9e: {  	v36 =	vor.u32 v2, v34;
	v55 =	vld.idx.msk [tilespmem:v38+s1+$0x0], $0xffff  }
0x9f: {  	v61 =	vld.idx.msk [tilespmem:v40+s1+$0x0], $0xffff  }
0xa0: {  	v37 =	vmov s22  }
0xa1: {  	vm15 =	vlt.s32 v37, v33;
	v48 =	vld.idx.msk [tilespmem:v41+s1+$0x0], $0xffff  }
0xa2: {  	v35 =	vnsel vm15, $0xFF800000, v35  }
0xa3: {  	v49 =	vor.u32 v6, v34;
	v36 =	vld.idx.msk [tilespmem:v36+s1+$0x0], $0xffff;
	v51 =	vmin.f32 v24, v35  }
0xa4: {  	v58 =	vnsel vm15, $0xFF800000, v55;
	v46 =	vnsel vm15, $0xFF800000, v61;
	v39 =	vmin.f32 v22, v51  }
0xa5: {  	v24 =	vmax.f32 v24, v35;
	v22 =	vmax.f32 v22, v51;
	v52 =	vmin.f32 v21, v39  }
0xa6: {  	v51 =	vnsel vm15, $0xFF800000, v48;
	v21 =	vmax.f32 v21, v39;
	v53 =	vmin.f32 v23, v52  }
0xa7: {  	v23 =	vmax.f32 v23, v52;
	v54 =	vmax.f32 v19, v53;
	v19 =	vmin.f32 v19, v53  }
0xa8: {  	v37 =	vmax.f32 v20, v19;
	v19 =	vmin.f32 v20, v19;
	v20 =	vnsel vm15, $0xFF800000, v36  }
0xa9: {  	v56 =	vmin.f32 v18, v19;
	v57 =	vmin.f32 v24, v20;
	v18 =	vmax.f32 v18, v19  }
0xaa: {  	v20 =	vmax.f32 v24, v20;
	v17 =	vmax.f32 v17, v56;
	v19 =	vmin.f32 v22, v57  }
0xab: {  	v22 =	vmax.f32 v22, v57;
	v60 =	vmin.f32 v20, v58;
	v20 =	vmax.f32 v20, v58  }
0xac: {  	v24 =	vmin.f32 v21, v19;
	v19 =	vmax.f32 v21, v19;
	v63 =	vmin.f32 v22, v60  }
0xad: {  	v22 =	vmax.f32 v22, v60;
	v21 =	vmax.f32 v23, v24;
	v23 =	vmin.f32 v23, v24  }
0xae: {  	v47 =	vmin.f32 v20, v46;
	v24 =	vmax.f32 v54, v23;
	v23 =	vmin.f32 v54, v23  }
0xaf: {  	v54 =	vor.u32 v7, v34;
	v59 =	vmax.f32 v37, v23;
	v23 =	vmin.f32 v37, v23  }
0xb0: {  	v62 =	vmin.f32 v18, v23;
	v18 =	vmax.f32 v18, v23;
	v23 =	vmin.f32 v19, v63  }
0xb1: {  	v19 =	vmax.f32 v19, v63;
	v17 =	vmax.f32 v17, v62;
	v44 =	vmin.f32 v21, v23  }
0xb2: {  	v21 =	vmax.f32 v21, v23;
	v62 =	vor.u32 v8, v34;
	v23 =	vmin.f32 v24, v44  }
0xb3: {  	v24 =	vmax.f32 v24, v44;
	v45 =	vmax.f32 v59, v23;
	v23 =	vmin.f32 v59, v23  }
0xb4: {  	v50 =	vmax.f32 v18, v23;
	v18 =	vmin.f32 v18, v23;
	v23 =	vmin.f32 v22, v47  }
0xb5: {  	v22 =	vmax.f32 v22, v47;
	v47 =	vor.u32 v9, v34;
	v17 =	vmax.f32 v17, v18  }
0xb6: {  	v59 =	vld.idx.msk [tilespmem:v54+s1+$0x0], $0xffff;
	v18 =	vmax.f32 v20, v46;
	v20 =	vmin.f32 v19, v23;
	v19 =	vmax.f32 v19, v23  }
0xb7: {  	v23 =	vmin.f32 v21, v20;
	v20 =	vmax.f32 v21, v20;
	v38 =	vmin.f32 v18, v51  }
0xb8: {  	v52 =	vld.idx.msk [tilespmem:v49+s1+$0x0], $0xffff;
	v18 =	vmax.f32 v18, v51;
	v21 =	vmax.f32 v24, v23;
	v23 =	vmin.f32 v24, v23  }
0xb9: {  	v55 =	vmin.f32 v22, v38;
	v22 =	vmax.f32 v22, v38;
	v24 =	vmax.f32 v45, v23  }
0xba: {  	v46 =	vld.idx.msk [tilespmem:v62+s1+$0x0], $0xffff;
	v23 =	vmin.f32 v45, v23;
	v56 =	vmin.f32 v19, v55;
	v19 =	vmax.f32 v19, v55  }
0xbb: {  	v44 =	vnsel vm15, $0xFF800000, v59;
	v53 =	vmin.f32 v50, v23;
	v23 =	vmax.f32 v50, v23  }
0xbc: {  	v57 =	vmax.f32 v20, v56;
	v20 =	vmin.f32 v20, v56;
	v17 =	vmax.f32 v17, v53  }
0xbd: {  	v35 =	vmax.f32 v21, v20;
	v20 =	vmin.f32 v21, v20;
	v21 =	vnsel vm15, $0xFF800000, v52  }
0xbe: {  	v52 =	vor.u32 v10, v34;
	v58 =	vmax.f32 v24, v20;
	v20 =	vmin.f32 v24, v20  }
0xbf: {  	v24 =	vmin.f32 v18, v21;
	v18 =	vmax.f32 v18, v21;
	v49 =	vnsel vm15, $0xFF800000, v46  }
0xc0: {  	v60 =	vmin.f32 v23, v20;
	v61 =	vmin.f32 v22, v24;
	v20 =	vmax.f32 v23, v20  }
0xc1: {  	v21 =	vmax.f32 v22, v24;
	v45 =	vmin.f32 v18, v44;
	v18 =	vmax.f32 v18, v44  }
0xc2: {  	v17 =	vmax.f32 v17, v60;
	v23 =	vmin.f32 v19, v61;
	v19 =	vmax.f32 v19, v61  }
0xc3: {  	v38 =	vmin.f32 v18, v49;
	v18 =	vmax.f32 v18, v49;
	v22 =	vmin.f32 v57, v23  }
0xc4: {  	v60 =	vor.u32 v11, v34;
	v23 =	vmax.f32 v57, v23;
	v24 =	vmin.f32 v35, v22  }
0xc5: {  	v22 =	vmax.f32 v35, v22;
	v63 =	vmax.f32 v58, v24;
	v24 =	vmin.f32 v58, v24  }
0xc6: {  	v48 =	vmax.f32 v20, v24;
	v20 =	vmin.f32 v20, v24;
	v24 =	vmin.f32 v21, v45  }
0xc7: {  	v57 =	vld.idx.msk [tilespmem:v52+s1+$0x0], $0xffff;
	v21 =	vmax.f32 v21, v45;
	v45 =	vor.u32 v12, v34;
	v17 =	vmax.f32 v17, v20  }
0xc8: {  	v50 =	vld.idx.msk [tilespmem:v47+s1+$0x0], $0xffff;
	v20 =	vmin.f32 v19, v24;
	v19 =	vmax.f32 v19, v24;
	v53 =	vmin.f32 v21, v38  }
0xc9: {  	v21 =	vmax.f32 v21, v38;
	v24 =	vmin.f32 v23, v20;
	v20 =	vmax.f32 v23, v20  }
0xca: {  	v54 =	vmin.f32 v19, v53;
	v19 =	vmax.f32 v19, v53;
	v23 =	vmax.f32 v22, v24  }
0xcb: {  	v22 =	vmin.f32 v22, v24;
	v55 =	vmax.f32 v20, v54;
	v20 =	vmin.f32 v20, v54  }
0xcc: {  	v62 =	vnsel vm15, $0xFF800000, v57;
	v24 =	vmax.f32 v63, v22;
	v22 =	vmin.f32 v63, v22  }
0xcd: {  	v44 =	vld.idx.msk [tilespmem:v60+s1+$0x0], $0xffff;
	v35 =	vmax.f32 v23, v20;
	v20 =	vmin.f32 v23, v20;
	v23 =	vnsel vm15, $0xFF800000, v50  }
0xce: {  	v50 =	vor.u32 v13, v34;
	v51 =	vmin.f32 v48, v22;
	v22 =	vmax.f32 v48, v22  }
0xcf: {  	v56 =	vmax.f32 v24, v20;
	v20 =	vmin.f32 v24, v20;
	v24 =	vmin.f32 v18, v23  }
0xd0: {  	v18 =	vmax.f32 v18, v23;
	v17 =	vmax.f32 v17, v51;
	v58 =	vmin.f32 v22, v20  }
0xd1: {  	v59 =	vmin.f32 v21, v24;
	v20 =	vmax.f32 v22, v20;
	v21 =	vmax.f32 v21, v24  }
0xd2: {  	v63 =	vmin.f32 v18, v62;
	v18 =	vmax.f32 v18, v62;
	v47 =	vnsel vm15, $0xFF800000, v44  }
0xd3: {  	v44 =	vor.u32 v15, v34;
	v17 =	vmax.f32 v17, v58;
	v22 =	vmin.f32 v19, v59  }
0xd4: {  	v19 =	vmax.f32 v19, v59;
	v38 =	vmin.f32 v18, v47;
	v23 =	vmin.f32 v55, v22  }
0xd5: {  	v18 =	vmax.f32 v18, v47;
	v22 =	vmax.f32 v55, v22;
	v24 =	vmin.f32 v35, v23  }
0xd6: {  	v23 =	vmax.f32 v35, v23;
	v61 =	vmax.f32 v56, v24;
	v24 =	vmin.f32 v56, v24  }
0xd7: {  	v56 =	vor.u32 v14, v34;
	v34 =	vor.u32 v16, v34;
	v46 =	vmax.f32 v20, v24  }
0xd8: {  	v39 =	vld.idx.msk [tilespmem:v50+s1+$0x0], $0xffff;
	v20 =	vmin.f32 v20, v24;
	v24 =	vmin.f32 v21, v63;
	v21 =	vmax.f32 v21, v63  }
0xd9: {  	v17 =	vmax.f32 v17, v20;
	v20 =	vmin.f32 v19, v24;
	v19 =	vmax.f32 v19, v24  }
0xda: {  	v48 =	vld.idx.msk [tilespmem:v45+s1+$0x0], $0xffff;
	v51 =	vmin.f32 v21, v38;
	v21 =	vmax.f32 v21, v38;
	v24 =	vmin.f32 v22, v20  }
0xdb: {  	v20 =	vmax.f32 v22, v20;
	v52 =	vmin.f32 v19, v51;
	v19 =	vmax.f32 v19, v51  }
0xdc: {  	v22 =	vmax.f32 v23, v24;
	v23 =	vmin.f32 v23, v24;
	v53 =	vmax.f32 v20, v52  }
0xdd: {  	v20 =	vmin.f32 v20, v52;
	v60 =	vnsel vm15, $0xFF800000, v39;
	v24 =	vmax.f32 v61, v23  }
0xde: {  	v23 =	vmin.f32 v61, v23;
	v35 =	vmax.f32 v22, v20;
	v20 =	vmin.f32 v22, v20  }
0xdf: {  	v22 =	vnsel vm15, $0xFF800000, v48;
	v49 =	vmin.f32 v46, v23;
	v23 =	vmax.f32 v46, v23  }
0xe0: {  	v54 =	vmin.f32 v24, v20;
	v55 =	vmin.f32 v18, v22;
	v20 =	vmax.f32 v24, v20  }
0xe1: {  	v18 =	vmax.f32 v18, v22;
	v17 =	vmax.f32 v17, v49;
	v24 =	vmin.f32 v23, v54  }
0xe2: {  	v48 =	vld.idx.msk [tilespmem:v44+s1+$0x0], $0xffff;
	v57 =	vmin.f32 v21, v55;
	v23 =	vmax.f32 v23, v54;
	v21 =	vmax.f32 v21, v55  }
0xe3: {  	v39 =	vmin.f32 v18, v60;
	v17 =	vmax.f32 v17, v24;
	v24 =	vmin.f32 v19, v57  }
0xe4: {  	v18 =	vmax.f32 v18, v60;
	v19 =	vmax.f32 v19, v57;
	v22 =	vmin.f32 v53, v24  }
0xe5: {  	v61 =	vld.idx.msk [tilespmem:v56+s1+$0x0], $0xffff;
	v63 =	vmin.f32 v21, v39;
	v21 =	vmax.f32 v21, v39;
	v58 =	vmin.f32 v35, v22  }
0xe6: {  	v24 =	vmax.f32 v53, v24;
	v22 =	vmax.f32 v35, v22;
	v59 =	vmin.f32 v20, v58  }
0xe7: {  	v53 =	vnsel vm15, $0xFF800000, v48;
	v62 =	vmax.f32 v23, v59;
	v23 =	vmin.f32 v23, v59  }
0xe8: {  	v20 =	vmax.f32 v20, v58;
	v17 =	vmax.f32 v17, v23;
	v23 =	vmin.f32 v19, v63  }
0xe9: {  	v19 =	vmax.f32 v19, v63;
	v45 =	vmax.f32 v24, v23;
	v23 =	vmin.f32 v24, v23  }
0xea: {  	v24 =	vnsel vm15, $0xFF800000, v61;
	v46 =	vmax.f32 v22, v23;
	v22 =	vmin.f32 v22, v23  }
0xeb: {  	v23 =	vmin.f32 v18, v24;
	v18 =	vmax.f32 v18, v24;
	v47 =	vmax.f32 v20, v22  }
0xec: {  	v20 =	vmin.f32 v20, v22;
	v22 =	vmin.f32 v21, v23;
	v21 =	vmax.f32 v21, v23  }
0xed: {  	v54 =	vmin.f32 v18, v53;
	v18 =	vmax.f32 v18, v53;
	v49 =	vmax.f32 v62, v20  }
0xee: {  	v23 =	vld.idx.msk [tilespmem:v34+s1+$0x0], $0xffff;
	v20 =	vmin.f32 v62, v20;
	v50 =	vmin.f32 v19, v22;
	v19 =	vmax.f32 v19, v22  }
0xef: {  	v55 =	vmax.f32 v21, v54;
	v17 =	vmax.f32 v17, v20;
	v20 =	vmin.f32 v45, v50  }
0xf0: {  	v21 =	vmin.f32 v21, v54;
	v24 =	vmax.f32 v45, v50;
	v22 =	vmin.f32 v46, v20  }
0xf1: {  	v35 =	vmax.f32 v19, v21;
	v19 =	vmin.f32 v19, v21;
	v51 =	vmin.f32 v47, v22  }
0xf2: {  	v20 =	vmax.f32 v46, v20;
	v22 =	vmax.f32 v47, v22;
	v52 =	vmin.f32 v49, v51  }
0xf3: {  	v34 =	vmax.f32 v49, v51;
	v21 =	vnsel vm15, $0xFF800000, v23;
	v23 =	vmax.f32 v24, v19  }
0xf4: {  	v19 =	vmin.f32 v24, v19;
	v17 =	vmax.f32 v17, v52;
	v56 =	vmin.f32 v18, v21  }
0xf5: {  	s22 =	sadd.s32 $0x1, s22;
	v57 =	vmax.f32 v20, v19;
	v19 =	vmin.f32 v20, v19;
	v20 =	vmin.f32 v55, v56  }
0xf6: {  	p0 =	sne.s32 s21, s22;
	v24 =	vmax.f32 v18, v21;
	v58 =	vmax.f32 v22, v19;
	v59 =	vmin.f32 v35, v20  }
.Ltmp7:
0xf7: {  	v19 =	vmin.f32 v22, v19;
	v22 =	vmax.f32 v55, v56;
	v61 =	vmin.f32 v23, v59;
	(pc) =	sbr.rel @p0 .LBB2_8-.Ltmp7, $4  }
0xf8: {  	v60 =	vmax.f32 v34, v19;
	v19 =	vmin.f32 v34, v19;
	v18 =	vmin.f32 v57, v61  }
0xf9: {  	v21 =	vmax.f32 v35, v20;
	v17 =	vmax.f32 v17, v19;
	v62 =	vmin.f32 v58, v18  }
0xfa: {  	v23 =	vmax.f32 v23, v59;
	v19 =	vmax.f32 v57, v61;
	v63 =	vmin.f32 v60, v62  }
0xfb: {  	s23 =	sadd.s32 $0x10, s23;
	v20 =	vmax.f32 v58, v18;
	v18 =	vmax.f32 v60, v62;
	v17 =	vmax.f32 v17, v63  }
.LBB2_9:
0xfc: {  	p0 =	seq.s32 s17, $0xF  }
0xfd: {  	s20 =	sadd.s32 @!p0 $0x2, s20  }
0xfe: {  	s21 =	sshrl.u32 @!p0 s20, $0x2  }
0xff: {  	s21 =	sadd.s32 @!p0 s4, s21  }
0x100: {  	s20 =	sshll.u32 @!p0 s20, $0x12;
	s22 =	sshll.u32 @!p0 s21, $0xE;
	s21 =	sshll.u32 @!p0 s21, $0x1  }
0x101: {  	s20 =	sand.u32 @!p0 $0x80000, s20;
	s22 =	sand.u32 @!p0 $0xFF00000, s22;
	s21 =	sand.u32 @!p0 $0x7E, s21  }
0x102: {  	s23 =	simm.s32 @!p0 $0x0;
	s20 =	sor.u32 @!p0 s22, s20;
	s21 =	sadd.s32 @!p0 s3, s21  }
0x103: {  	s22 =	simm.s32 @!p0 $0x400;
	s20 =	sadd.s32 @!p0 s20, s21;
	s21 =	simm.s32 @!p0 $0x10  }
0x104: {  	[tilespmem:s23], [sflag:$0x1] =	stream.strided.gather @!p0 [hbm4b:s20+s21], $0x8000, s22, s21, $0x38;
	[tilespmem:$0x11080] =	vst v63  }
0x105: {  	_ =	swait.ge [sflag:s15], $0x8000  }
0x106: {  	[sflag:s15] =	ssyncset.done $0x0  }
0x107: {  	s30 =	simm.s32 $0x0;
	[sflag:s15] =	ssyncadd.s32 $0xFFFF8000  }
0x108: {  	v33 =	vld [tilespmem:s30+$0x8010]  }
0x109: {  	v34 =	vld [tilespmem:s30+$0x8000]  }
0x10a: {  	v35 =	vld [tilespmem:s30+$0x8020]  }
0x10b: {  	v36 =	vld [tilespmem:s30+$0x8030]  }
0x10c: {  	v37 =	vld [tilespmem:s30+$0x8040]  }
0x10d: {  	v38 =	vld [tilespmem:s30+$0x8050]  }
0x10e: {  	v63 =	vld [tilespmem:s30+$0x8060];
	v33 =	vmax.f32 v34, v33  }
0x10f: {  	v40 =	vld [tilespmem:s30+$0x8070];
	v33 =	vmax.f32 v33, v35  }
0x110: {  	v41 =	vld [tilespmem:s30+$0x8080];
	v33 =	vmax.f32 v33, v36  }
0x111: {  	v42 =	vld [tilespmem:s30+$0x8090];
	v33 =	vmax.f32 v33, v37  }
0x112: {  	v43 =	vld [tilespmem:s30+$0x80A0];
	v33 =	vmax.f32 v33, v38  }
0x113: {  	v44 =	vld [tilespmem:s30+$0x80B0];
	v33 =	vmax.f32 v33, v63  }
0x114: {  	v45 =	vld [tilespmem:s30+$0x80C0];
	v33 =	vmax.f32 v33, v40  }
0x115: {  	v46 =	vld [tilespmem:s30+$0x80D0];
	v33 =	vmax.f32 v33, v41  }
0x116: {  	v47 =	vld [tilespmem:s30+$0x80E0];
	v33 =	vmax.f32 v33, v42  }
0x117: {  	v48 =	vld [tilespmem:s30+$0x80F0];
	v33 =	vmax.f32 v33, v43  }
0x118: {  	v33 =	vmax.f32 v33, v44  }
0x119: {  	v33 =	vmax.f32 v33, v45  }
0x11a: {  	v33 =	vmax.f32 v33, v46  }
0x11b: {  	v33 =	vmax.f32 v33, v47  }
0x11c: {  	s20 =	simm.s32 $0x10000;
	v33 =	vmax.f32 v33, v48  }
0x11d: {  	s31 =	simm.s32 $0x100;
	[tilespmem:s20+$0x0] =	vst v33  }
0x11e: {  	v49 =	vld [tilespmem:s31+$0x8010]  }
0x11f: {  	v50 =	vld [tilespmem:s31+$0x8000]  }
0x120: {  	v51 =	vld [tilespmem:s31+$0x8020]  }
0x121: {  	v52 =	vld [tilespmem:s31+$0x8030]  }
0x122: {  	v53 =	vld [tilespmem:s31+$0x8040]  }
0x123: {  	v39 =	vld [tilespmem:s31+$0x8050]  }
0x124: {  	v54 =	vld [tilespmem:s31+$0x8060];
	v34 =	vmax.f32 v50, v49  }
0x125: {  	v55 =	vld [tilespmem:s31+$0x8070];
	v34 =	vmax.f32 v34, v51  }
0x126: {  	v40 =	vmin.f32 v32, v33;
	v56 =	vld [tilespmem:s31+$0x8080];
	v34 =	vmax.f32 v34, v52  }
0x127: {  	v32 =	vmax.f32 v32, v33;
	v57 =	vmin.f32 v31, v40;
	v58 =	vld [tilespmem:s31+$0x8090];
	v34 =	vmax.f32 v34, v53  }
0x128: {  	v31 =	vmax.f32 v31, v40;
	v60 =	vld [tilespmem:s31+$0x80A0];
	v59 =	vmin.f32 v30, v57;
	v34 =	vmax.f32 v34, v39  }
0x129: {  	v33 =	vld [tilespmem:s31+$0x80B0];
	v30 =	vmax.f32 v30, v57;
	v41 =	vmin.f32 v29, v59;
	v34 =	vmax.f32 v34, v54  }
0x12a: {  	v29 =	vmax.f32 v29, v59;
	v61 =	vmin.f32 v28, v41;
	v35 =	vmax.f32 v34, v55;
	v34 =	vld [tilespmem:s31+$0x80C0]  }
0x12b: {  	v28 =	vmax.f32 v28, v41;
	v62 =	vmin.f32 v27, v61;
	v36 =	vmax.f32 v35, v56;
	v35 =	vld [tilespmem:s31+$0x80D0]  }
0x12c: {  	v27 =	vmax.f32 v27, v61;
	v63 =	vmin.f32 v26, v62;
	v38 =	vmax.f32 v36, v58;
	v36 =	vld [tilespmem:s31+$0x80E0]  }
0x12d: {  	s21 =	simm.s32 $0x800;
	s22 =	simm.s32 $0xC00;
	v37 =	vld [tilespmem:s31+$0x80F0];
	v26 =	vmax.f32 v26, v62;
	v25 =	vmax.f32 v25, v63;
	v38 =	vmax.f32 v38, v60  }
.LBB2_10:
0x12e: {  	p0 =	sne.s32 s22, $0x1FC00;
	v33 =	vmax.f32 v38, v33  }
0x12f: {  	v33 =	vmax.f32 v33, v34  }
0x130: {  	v33 =	vmax.f32 v33, v35  }
0x131: {  	v33 =	vmax.f32 v33, v36  }
0x132: {  	s20 =	sadd.s32 $0x10, s20;
	v33 =	vmax.f32 v33, v37  }
0x133: {  	s23 =	sshra.s32 s21, $0x2;
	s21 =	smov.u32 s22;
	[tilespmem:s20+$0x0] =	vst v33;
	v34 =	vmin.f32 v32, v33;
	v32 =	vmax.f32 v32, v33  }
0x134: {  	v33 =	vld [tilespmem:s23+$0x8010];
	v35 =	vmin.f32 v31, v34;
	v31 =	vmax.f32 v31, v34  }
0x135: {  	v34 =	vld [tilespmem:s23+$0x8000];
	v36 =	vmin.f32 v30, v35;
	v30 =	vmax.f32 v30, v35  }
0x136: {  	v35 =	vld [tilespmem:s23+$0x8020];
	v37 =	vmin.f32 v29, v36;
	v29 =	vmax.f32 v29, v36  }
0x137: {  	v36 =	vld [tilespmem:s23+$0x8030];
	v38 =	vmin.f32 v28, v37;
	v28 =	vmax.f32 v28, v37  }
0x138: {  	v37 =	vld [tilespmem:s23+$0x8040];
	v39 =	vmin.f32 v27, v38;
	v27 =	vmax.f32 v27, v38  }
0x139: {  	v38 =	vld [tilespmem:s23+$0x8050];
	v40 =	vmin.f32 v26, v39;
	v26 =	vmax.f32 v26, v39  }
0x13a: {  	v33 =	vmax.f32 v34, v33;
	v34 =	vld [tilespmem:s23+$0x8060];
	v25 =	vmax.f32 v25, v40  }
0x13b: {  	v33 =	vmax.f32 v33, v35;
	v35 =	vld [tilespmem:s23+$0x8070]  }
0x13c: {  	v33 =	vmax.f32 v33, v36;
	v36 =	vld [tilespmem:s23+$0x8080]  }
0x13d: {  	v33 =	vmax.f32 v33, v37;
	v37 =	vld [tilespmem:s23+$0x8090]  }
0x13e: {  	v33 =	vmax.f32 v33, v38;
	v38 =	vld [tilespmem:s23+$0x80A0]  }
.Ltmp8:
0x13f: {  	v34 =	vmax.f32 v33, v34;
	v33 =	vld [tilespmem:s23+$0x80B0];
	(pc) =	sbr.rel @p0 .LBB2_10-.Ltmp8, $4  }
0x140: {  	v35 =	vmax.f32 v34, v35;
	v34 =	vld [tilespmem:s23+$0x80C0]  }
0x141: {  	v36 =	vmax.f32 v35, v36;
	v35 =	vld [tilespmem:s23+$0x80D0]  }
0x142: {  	v37 =	vmax.f32 v36, v37;
	v36 =	vld [tilespmem:s23+$0x80E0]  }
0x143: {  	s22 =	sadd.s32 $0x400, s22;
	v38 =	vmax.f32 v37, v38;
	v37 =	vld [tilespmem:s23+$0x80F0]  }
0x144: {  	v33 =	vmax.f32 v38, v33  }
0x145: {  	v33 =	vmax.f32 v33, v34  }
0x146: {  	v33 =	vmax.f32 v33, v35  }
0x147: {  	v33 =	vmax.f32 v33, v36  }
0x148: {  	s20 =	sadd.s32 $0x10, s20;
	v33 =	vmax.f32 v33, v37  }
0x149: {  	s21 =	sshra.s32 s21, $0x2;
	[tilespmem:s20+$0x0] =	vst v33  }
0x14a: {  	v56 =	vld [tilespmem:s21+$0x8010]  }
0x14b: {  	v57 =	vld [tilespmem:s21+$0x8000]  }
0x14c: {  	v58 =	vld [tilespmem:s21+$0x8020]  }
0x14d: {  	v59 =	vld [tilespmem:s21+$0x8030]  }
0x14e: {  	v60 =	vld [tilespmem:s21+$0x8040]  }
0x14f: {  	v39 =	vld [tilespmem:s21+$0x8050]  }
0x150: {  	v61 =	vld [tilespmem:s21+$0x8060];
	v34 =	vmax.f32 v57, v56  }
0x151: {  	v62 =	vld [tilespmem:s21+$0x8070];
	v34 =	vmax.f32 v34, v58  }
0x152: {  	v63 =	vld [tilespmem:s21+$0x8080];
	v34 =	vmax.f32 v34, v59  }
0x153: {  	v42 =	vld [tilespmem:s21+$0x8090];
	v34 =	vmax.f32 v34, v60  }
0x154: {  	v43 =	vld [tilespmem:s21+$0x80A0];
	v34 =	vmax.f32 v34, v39  }
0x155: {  	v44 =	vld [tilespmem:s21+$0x80B0];
	v34 =	vmax.f32 v34, v61  }
0x156: {  	v45 =	vld [tilespmem:s21+$0x80C0];
	v34 =	vmax.f32 v34, v62  }
0x157: {  	v46 =	vld [tilespmem:s21+$0x80D0];
	v34 =	vmax.f32 v34, v63  }
0x158: {  	v47 =	vld [tilespmem:s21+$0x80E0];
	v34 =	vmax.f32 v34, v42  }
0x159: {  	v48 =	vld [tilespmem:s21+$0x80F0];
	v34 =	vmax.f32 v34, v43  }
0x15a: {  	v34 =	vmax.f32 v34, v44  }
0x15b: {  	v34 =	vmax.f32 v34, v45  }
0x15c: {  	v49 =	vmin.f32 v32, v33;
	v34 =	vmax.f32 v34, v46  }
0x15d: {  	v50 =	vmax.f32 v32, v33;
	v51 =	vmin.f32 v31, v49;
	v34 =	vmax.f32 v34, v47  }
0x15e: {  	v31 =	vmax.f32 v31, v49;
	v52 =	vmin.f32 v30, v51;
	v34 =	vmax.f32 v34, v48  }
0x15f: {  	v30 =	vmax.f32 v30, v51;
	v53 =	vmin.f32 v29, v52;
	v54 =	vmin.f32 v50, v34  }
0x160: {  	v29 =	vmax.f32 v29, v52;
	v55 =	vmin.f32 v28, v53;
	v56 =	vmin.f32 v31, v54  }
0x161: {  	v28 =	vmax.f32 v28, v53;
	v57 =	vmin.f32 v27, v55;
	v58 =	vmin.f32 v30, v56  }
0x162: {  	v27 =	vmax.f32 v27, v55;
	v59 =	vmin.f32 v26, v57;
	v60 =	vmin.f32 v29, v58  }
0x163: {  	s20 =	sadd.s32 $0x10, s20;
	v26 =	vmax.f32 v26, v57;
	v25 =	vmax.f32 v25, v59;
	v61 =	vmin.f32 v28, v60  }
0x164: {  	v32 =	vmax.f32 v50, v34;
	[tilespmem:s20+$0x0] =	vst v34;
	v34 =	vimm.s32 $0x0;
	v62 =	vmin.f32 v27, v61  }
0x165: {  	v31 =	vmax.f32 v31, v54;
	v30 =	vmax.f32 v30, v56;
	v63 =	vmin.f32 v26, v62  }
0x166: {  	s20 =	simm.s32 $0x10000;
	v29 =	vmax.f32 v29, v58;
	v28 =	vmax.f32 v28, v60;
	v25 =	vmax.f32 v25, v63  }
0x167: {  	s22 =	simm.s32 $0x1;
	s21 =	simm.s32 $0x0;
	v35 =	vld [tilespmem:s20+$0x0];
	v27 =	vmax.f32 v27, v61;
	v26 =	vmax.f32 v26, v62;
	v33 =	vmax.f32 v25, v17  }
.LBB2_12:
0x168: {  	p0 =	sne.s32 s22, $0x7F;
	_ =	sdelay $0x3  }
0x169: {  	vm0 =	vge.f32 v35, v33;
	v35 =	vshll.u32 v34, $0x4  }
0x16a: {  	v35 =	vor.u32 v0, v35;
	v36 =	vsel vm0, $0x1, v1  }
0x16b: {  	v34 =	vadd.s32 v36, v34  }
.Ltmp9:
0x16c: {  	(pc) =	sbr.rel @p0 .LBB2_12-.Ltmp9, $4  }
0x16d: {  	_ = 	snop  }
0x16e: {  	v36 =	vmov s21;
	s21 =	smov.u32 s22  }
0x16f: {  	s20 =	sadd.s32 $0x10, s20;
	[tilespmem:v35+s14+$0x0] =	vst.idx.msk vm0, v36  }
0x170: {  	s22 =	sadd.s32 $0x1, s22;
	v35 =	vld [tilespmem:s20+$0x0]  }
0x171: {  	_ =	sdelay $0x3  }
0x172: {  	vm0 =	vge.f32 v35, v33  }
0x173: {  	v33 =	vsel vm0, $0x1, v1  }
0x174: {  	v33 =	vadd.s32 v33, v34  }
0x175: {  	v61 =	vxor.u32 $0x80000000, v33  }
0x176: {  	(xrf0) =	vmax.scan.msk.u32 $0xffff, v61;
	_ =	sdelay $0x5  }
0x177: {  	v35, _, _ =	vpop (xrf0)  }
0x178: {  	(v2sf) =	vpush v35, $0xF;
	_ =	sdelay $0xe  }
0x179: {  	s20 =	spop (v2sf)  }
0x17a: {  	v62 =	vshll.u32 v34, $0x4;
	s20 =	sxor.u32 $0x80000000, s20  }
0x17b: {  	v34 =	vor.u32 v0, v62;
	p0 =	slt.s32 s20, $0x1  }
.Ltmp10:
0x17c: {  	_ = 	snop;
	(pc) =	sbr.rel @p0 .LBB2_16-.Ltmp10, $3  }
0x17d: {  	_ =	sdelay $0x1  }
0x17e: {  	v63 =	vmov s21  }
0x17f: {  	[tilespmem:v34+s14+$0x0] =	vst.idx.msk vm0, v63  }
0x180: {  	s21 =	simm.s32 $0x0;
	s22 =	simm.s32 $0x10800  }
.LBB2_15:
0x181: {  	v34 =	vld [tilespmem:s22+$0x0];
	_ =	sdelay $0x4  }
0x182: {  	vm0 =	vgt.s32 v34, $0x0  }
0x183: {  	v34 =	vnsel vm0, $0x0, v34  }
0x184: {  	v34 =	vmin.u32 v34, $0x7F  }
0x185: {  	v34 =	vshll.u32 v34, $0x8  }
0x186: {  	v35 =	vor.u32 v0, v34  }
0x187: {  	v38 =	vor.u32 v3, v34  }
0x188: {  	v40 =	vor.u32 v4, v34;
	_ =	sdelay $0x1  }
0x189: {  	v41 =	vor.u32 v5, v34  }
0x18a: {  	v35 =	vld.idx.msk [tilespmem:v35+s12+$0x0], $0xffff  }
0x18b: {  	v36 =	vor.u32 v2, v34;
	v55 =	vld.idx.msk [tilespmem:v38+s12+$0x0], $0xffff  }
0x18c: {  	v61 =	vld.idx.msk [tilespmem:v40+s12+$0x0], $0xffff  }
0x18d: {  	v37 =	vmov s21  }
0x18e: {  	vm15 =	vlt.s32 v37, v33;
	v48 =	vld.idx.msk [tilespmem:v41+s12+$0x0], $0xffff  }
0x18f: {  	v35 =	vnsel vm15, $0xFF800000, v35  }
0x190: {  	v49 =	vor.u32 v6, v34;
	v36 =	vld.idx.msk [tilespmem:v36+s12+$0x0], $0xffff;
	v51 =	vmin.f32 v24, v35  }
0x191: {  	v58 =	vnsel vm15, $0xFF800000, v55;
	v46 =	vnsel vm15, $0xFF800000, v61;
	v39 =	vmin.f32 v22, v51  }
0x192: {  	v24 =	vmax.f32 v24, v35;
	v22 =	vmax.f32 v22, v51;
	v52 =	vmin.f32 v21, v39  }
0x193: {  	v51 =	vnsel vm15, $0xFF800000, v48;
	v21 =	vmax.f32 v21, v39;
	v53 =	vmin.f32 v23, v52  }
0x194: {  	v23 =	vmax.f32 v23, v52;
	v54 =	vmax.f32 v19, v53;
	v19 =	vmin.f32 v19, v53  }
0x195: {  	v37 =	vmax.f32 v20, v19;
	v19 =	vmin.f32 v20, v19;
	v20 =	vnsel vm15, $0xFF800000, v36  }
0x196: {  	v56 =	vmin.f32 v18, v19;
	v57 =	vmin.f32 v24, v20;
	v18 =	vmax.f32 v18, v19  }
0x197: {  	v20 =	vmax.f32 v24, v20;
	v17 =	vmax.f32 v17, v56;
	v19 =	vmin.f32 v22, v57  }
0x198: {  	v22 =	vmax.f32 v22, v57;
	v60 =	vmin.f32 v20, v58;
	v20 =	vmax.f32 v20, v58  }
0x199: {  	v24 =	vmin.f32 v21, v19;
	v19 =	vmax.f32 v21, v19;
	v63 =	vmin.f32 v22, v60  }
0x19a: {  	v22 =	vmax.f32 v22, v60;
	v21 =	vmax.f32 v23, v24;
	v23 =	vmin.f32 v23, v24  }
0x19b: {  	v47 =	vmin.f32 v20, v46;
	v24 =	vmax.f32 v54, v23;
	v23 =	vmin.f32 v54, v23  }
0x19c: {  	v54 =	vor.u32 v7, v34;
	v59 =	vmax.f32 v37, v23;
	v23 =	vmin.f32 v37, v23  }
0x19d: {  	v62 =	vmin.f32 v18, v23;
	v18 =	vmax.f32 v18, v23;
	v23 =	vmin.f32 v19, v63  }
0x19e: {  	v19 =	vmax.f32 v19, v63;
	v17 =	vmax.f32 v17, v62;
	v44 =	vmin.f32 v21, v23  }
0x19f: {  	v21 =	vmax.f32 v21, v23;
	v62 =	vor.u32 v8, v34;
	v23 =	vmin.f32 v24, v44  }
0x1a0: {  	v24 =	vmax.f32 v24, v44;
	v45 =	vmax.f32 v59, v23;
	v23 =	vmin.f32 v59, v23  }
0x1a1: {  	v50 =	vmax.f32 v18, v23;
	v18 =	vmin.f32 v18, v23;
	v23 =	vmin.f32 v22, v47  }
0x1a2: {  	v22 =	vmax.f32 v22, v47;
	v47 =	vor.u32 v9, v34;
	v17 =	vmax.f32 v17, v18  }
0x1a3: {  	v59 =	vld.idx.msk [tilespmem:v54+s12+$0x0], $0xffff;
	v18 =	vmax.f32 v20, v46;
	v20 =	vmin.f32 v19, v23;
	v19 =	vmax.f32 v19, v23  }
0x1a4: {  	v23 =	vmin.f32 v21, v20;
	v20 =	vmax.f32 v21, v20;
	v38 =	vmin.f32 v18, v51  }
0x1a5: {  	v52 =	vld.idx.msk [tilespmem:v49+s12+$0x0], $0xffff;
	v18 =	vmax.f32 v18, v51;
	v21 =	vmax.f32 v24, v23;
	v23 =	vmin.f32 v24, v23  }
0x1a6: {  	v55 =	vmin.f32 v22, v38;
	v22 =	vmax.f32 v22, v38;
	v24 =	vmax.f32 v45, v23  }
0x1a7: {  	v46 =	vld.idx.msk [tilespmem:v62+s12+$0x0], $0xffff;
	v23 =	vmin.f32 v45, v23;
	v56 =	vmin.f32 v19, v55;
	v19 =	vmax.f32 v19, v55  }
0x1a8: {  	v44 =	vnsel vm15, $0xFF800000, v59;
	v53 =	vmin.f32 v50, v23;
	v23 =	vmax.f32 v50, v23  }
0x1a9: {  	v57 =	vmax.f32 v20, v56;
	v20 =	vmin.f32 v20, v56;
	v17 =	vmax.f32 v17, v53  }
0x1aa: {  	v35 =	vmax.f32 v21, v20;
	v20 =	vmin.f32 v21, v20;
	v21 =	vnsel vm15, $0xFF800000, v52  }
0x1ab: {  	v52 =	vor.u32 v10, v34;
	v58 =	vmax.f32 v24, v20;
	v20 =	vmin.f32 v24, v20  }
0x1ac: {  	v24 =	vmin.f32 v18, v21;
	v18 =	vmax.f32 v18, v21;
	v49 =	vnsel vm15, $0xFF800000, v46  }
0x1ad: {  	v60 =	vmin.f32 v23, v20;
	v61 =	vmin.f32 v22, v24;
	v20 =	vmax.f32 v23, v20  }
0x1ae: {  	v21 =	vmax.f32 v22, v24;
	v45 =	vmin.f32 v18, v44;
	v18 =	vmax.f32 v18, v44  }
0x1af: {  	v17 =	vmax.f32 v17, v60;
	v23 =	vmin.f32 v19, v61;
	v19 =	vmax.f32 v19, v61  }
0x1b0: {  	v38 =	vmin.f32 v18, v49;
	v18 =	vmax.f32 v18, v49;
	v22 =	vmin.f32 v57, v23  }
0x1b1: {  	v60 =	vor.u32 v11, v34;
	v23 =	vmax.f32 v57, v23;
	v24 =	vmin.f32 v35, v22  }
0x1b2: {  	v22 =	vmax.f32 v35, v22;
	v63 =	vmax.f32 v58, v24;
	v24 =	vmin.f32 v58, v24  }
0x1b3: {  	v48 =	vmax.f32 v20, v24;
	v20 =	vmin.f32 v20, v24;
	v24 =	vmin.f32 v21, v45  }
0x1b4: {  	v57 =	vld.idx.msk [tilespmem:v52+s12+$0x0], $0xffff;
	v21 =	vmax.f32 v21, v45;
	v45 =	vor.u32 v12, v34;
	v17 =	vmax.f32 v17, v20  }
0x1b5: {  	v50 =	vld.idx.msk [tilespmem:v47+s12+$0x0], $0xffff;
	v20 =	vmin.f32 v19, v24;
	v19 =	vmax.f32 v19, v24;
	v53 =	vmin.f32 v21, v38  }
0x1b6: {  	v21 =	vmax.f32 v21, v38;
	v24 =	vmin.f32 v23, v20;
	v20 =	vmax.f32 v23, v20  }
0x1b7: {  	v54 =	vmin.f32 v19, v53;
	v19 =	vmax.f32 v19, v53;
	v23 =	vmax.f32 v22, v24  }
0x1b8: {  	v22 =	vmin.f32 v22, v24;
	v55 =	vmax.f32 v20, v54;
	v20 =	vmin.f32 v20, v54  }
0x1b9: {  	v62 =	vnsel vm15, $0xFF800000, v57;
	v24 =	vmax.f32 v63, v22;
	v22 =	vmin.f32 v63, v22  }
0x1ba: {  	v44 =	vld.idx.msk [tilespmem:v60+s12+$0x0], $0xffff;
	v35 =	vmax.f32 v23, v20;
	v20 =	vmin.f32 v23, v20;
	v23 =	vnsel vm15, $0xFF800000, v50  }
0x1bb: {  	v50 =	vor.u32 v13, v34;
	v51 =	vmin.f32 v48, v22;
	v22 =	vmax.f32 v48, v22  }
0x1bc: {  	v56 =	vmax.f32 v24, v20;
	v20 =	vmin.f32 v24, v20;
	v24 =	vmin.f32 v18, v23  }
0x1bd: {  	v18 =	vmax.f32 v18, v23;
	v17 =	vmax.f32 v17, v51;
	v58 =	vmin.f32 v22, v20  }
0x1be: {  	v59 =	vmin.f32 v21, v24;
	v20 =	vmax.f32 v22, v20;
	v21 =	vmax.f32 v21, v24  }
0x1bf: {  	v63 =	vmin.f32 v18, v62;
	v18 =	vmax.f32 v18, v62;
	v47 =	vnsel vm15, $0xFF800000, v44  }
0x1c0: {  	v44 =	vor.u32 v15, v34;
	v17 =	vmax.f32 v17, v58;
	v22 =	vmin.f32 v19, v59  }
0x1c1: {  	v19 =	vmax.f32 v19, v59;
	v38 =	vmin.f32 v18, v47;
	v23 =	vmin.f32 v55, v22  }
0x1c2: {  	v18 =	vmax.f32 v18, v47;
	v22 =	vmax.f32 v55, v22;
	v24 =	vmin.f32 v35, v23  }
0x1c3: {  	v23 =	vmax.f32 v35, v23;
	v61 =	vmax.f32 v56, v24;
	v24 =	vmin.f32 v56, v24  }
0x1c4: {  	v56 =	vor.u32 v14, v34;
	v34 =	vor.u32 v16, v34;
	v46 =	vmax.f32 v20, v24  }
0x1c5: {  	v39 =	vld.idx.msk [tilespmem:v50+s12+$0x0], $0xffff;
	v20 =	vmin.f32 v20, v24;
	v24 =	vmin.f32 v21, v63;
	v21 =	vmax.f32 v21, v63  }
0x1c6: {  	v17 =	vmax.f32 v17, v20;
	v20 =	vmin.f32 v19, v24;
	v19 =	vmax.f32 v19, v24  }
0x1c7: {  	v48 =	vld.idx.msk [tilespmem:v45+s12+$0x0], $0xffff;
	v51 =	vmin.f32 v21, v38;
	v21 =	vmax.f32 v21, v38;
	v24 =	vmin.f32 v22, v20  }
0x1c8: {  	v20 =	vmax.f32 v22, v20;
	v52 =	vmin.f32 v19, v51;
	v19 =	vmax.f32 v19, v51  }
0x1c9: {  	v22 =	vmax.f32 v23, v24;
	v23 =	vmin.f32 v23, v24;
	v53 =	vmax.f32 v20, v52  }
0x1ca: {  	v20 =	vmin.f32 v20, v52;
	v60 =	vnsel vm15, $0xFF800000, v39;
	v24 =	vmax.f32 v61, v23  }
0x1cb: {  	v23 =	vmin.f32 v61, v23;
	v35 =	vmax.f32 v22, v20;
	v20 =	vmin.f32 v22, v20  }
0x1cc: {  	v22 =	vnsel vm15, $0xFF800000, v48;
	v49 =	vmin.f32 v46, v23;
	v23 =	vmax.f32 v46, v23  }
0x1cd: {  	v54 =	vmin.f32 v24, v20;
	v55 =	vmin.f32 v18, v22;
	v20 =	vmax.f32 v24, v20  }
0x1ce: {  	v18 =	vmax.f32 v18, v22;
	v17 =	vmax.f32 v17, v49;
	v24 =	vmin.f32 v23, v54  }
0x1cf: {  	v48 =	vld.idx.msk [tilespmem:v44+s12+$0x0], $0xffff;
	v57 =	vmin.f32 v21, v55;
	v23 =	vmax.f32 v23, v54;
	v21 =	vmax.f32 v21, v55  }
0x1d0: {  	v39 =	vmin.f32 v18, v60;
	v17 =	vmax.f32 v17, v24;
	v24 =	vmin.f32 v19, v57  }
0x1d1: {  	v18 =	vmax.f32 v18, v60;
	v19 =	vmax.f32 v19, v57;
	v22 =	vmin.f32 v53, v24  }
0x1d2: {  	v61 =	vld.idx.msk [tilespmem:v56+s12+$0x0], $0xffff;
	v63 =	vmin.f32 v21, v39;
	v21 =	vmax.f32 v21, v39;
	v58 =	vmin.f32 v35, v22  }
0x1d3: {  	v24 =	vmax.f32 v53, v24;
	v22 =	vmax.f32 v35, v22;
	v59 =	vmin.f32 v20, v58  }
0x1d4: {  	v53 =	vnsel vm15, $0xFF800000, v48;
	v62 =	vmax.f32 v23, v59;
	v23 =	vmin.f32 v23, v59  }
0x1d5: {  	v20 =	vmax.f32 v20, v58;
	v17 =	vmax.f32 v17, v23;
	v23 =	vmin.f32 v19, v63  }
0x1d6: {  	v19 =	vmax.f32 v19, v63;
	v45 =	vmax.f32 v24, v23;
	v23 =	vmin.f32 v24, v23  }
0x1d7: {  	v24 =	vnsel vm15, $0xFF800000, v61;
	v46 =	vmax.f32 v22, v23;
	v22 =	vmin.f32 v22, v23  }
0x1d8: {  	v23 =	vmin.f32 v18, v24;
	v18 =	vmax.f32 v18, v24;
	v47 =	vmax.f32 v20, v22  }
0x1d9: {  	v20 =	vmin.f32 v20, v22;
	v22 =	vmin.f32 v21, v23;
	v21 =	vmax.f32 v21, v23  }
0x1da: {  	v54 =	vmin.f32 v18, v53;
	v18 =	vmax.f32 v18, v53;
	v49 =	vmax.f32 v62, v20  }
0x1db: {  	v23 =	vld.idx.msk [tilespmem:v34+s12+$0x0], $0xffff;
	v20 =	vmin.f32 v62, v20;
	v50 =	vmin.f32 v19, v22;
	v19 =	vmax.f32 v19, v22  }
0x1dc: {  	v55 =	vmax.f32 v21, v54;
	v17 =	vmax.f32 v17, v20;
	v20 =	vmin.f32 v45, v50  }
0x1dd: {  	v21 =	vmin.f32 v21, v54;
	v24 =	vmax.f32 v45, v50;
	v22 =	vmin.f32 v46, v20  }
0x1de: {  	v35 =	vmax.f32 v19, v21;
	v19 =	vmin.f32 v19, v21;
	v51 =	vmin.f32 v47, v22  }
0x1df: {  	v20 =	vmax.f32 v46, v20;
	v22 =	vmax.f32 v47, v22;
	v52 =	vmin.f32 v49, v51  }
0x1e0: {  	v34 =	vmax.f32 v49, v51;
	v21 =	vnsel vm15, $0xFF800000, v23;
	v23 =	vmax.f32 v24, v19  }
0x1e1: {  	v19 =	vmin.f32 v24, v19;
	v17 =	vmax.f32 v17, v52;
	v56 =	vmin.f32 v18, v21  }
0x1e2: {  	s21 =	sadd.s32 $0x1, s21;
	v57 =	vmax.f32 v20, v19;
	v19 =	vmin.f32 v20, v19;
	v20 =	vmin.f32 v55, v56  }
0x1e3: {  	p0 =	sne.s32 s20, s21;
	v24 =	vmax.f32 v18, v21;
	v58 =	vmax.f32 v22, v19;
	v59 =	vmin.f32 v35, v20  }
.Ltmp11:
0x1e4: {  	v19 =	vmin.f32 v22, v19;
	v22 =	vmax.f32 v55, v56;
	v61 =	vmin.f32 v23, v59;
	(pc) =	sbr.rel @p0 .LBB2_15-.Ltmp11, $4  }
0x1e5: {  	v60 =	vmax.f32 v34, v19;
	v19 =	vmin.f32 v34, v19;
	v18 =	vmin.f32 v57, v61  }
0x1e6: {  	v21 =	vmax.f32 v35, v20;
	v17 =	vmax.f32 v17, v19;
	v62 =	vmin.f32 v58, v18  }
0x1e7: {  	v23 =	vmax.f32 v23, v59;
	v19 =	vmax.f32 v57, v61;
	v63 =	vmin.f32 v60, v62  }
0x1e8: {  	s22 =	sadd.s32 $0x10, s22;
	v20 =	vmax.f32 v58, v18;
	v18 =	vmax.f32 v60, v62;
	v17 =	vmax.f32 v17, v63  }
.Ltmp12:
0x1e9: {  	_ = 	snop;
	(pc) =	sbr.rel .LBB2_16-.Ltmp12, $1  }
0x1ea: {  	_ =	sdelay $0x3  }
.LBB2_18:
0x1eb: {  	_ =	sfence.sel $0x180000  }
0x1ec: {  	[bflag:$0x0] =	sbarrier.arrive $0xFFFF  }
0x1ed: {  	p0 =	sne.s32 s2, $0x0;
	_ =	strace $0x9000004A  }
0x1ee: {  	s0 =	sadd.s32 @!p0 $0x100000, s0;
	[bflag:$0x2] =	sbarrier.arrive $0xFFFF  }
0x1ef: {  	[sflag:s0] =	ssyncadd.tile.s32 @!p0 $0x1;
	_ =	shalt  }
.Lfunc_end2:
_tile_overlayer_lowered:
.L_overlay_start_2:
0x1f0: {  	(tag) =	ssettag $0x2  }
0x1f1: {  	s0 =	rddreg [dreg:$0x0];
	s2 =	stileid.u32  }
0x1f2: {  	s1 =	rddreg [dreg:$0x1];
	p0 =	sne.s32 s2, $0x0  }
0x1f3: {  	s3 =	rddreg [dreg:$0x2];
	[bflag:$0x3] =	sbarrier.arrive $0xFFFF;
	s2 =	simm.s32 @!p0 $0x1C03  }
0x1f4: {  	[timem:s3], [sflag:s2] =	dma.local @!p0 [hbm:s0], s1  }
0x1f5: {  	s0 =	simm.s32 @!p0 $0x3  }
0x1f6: {  	_ =	swait.ge @!p0 [sflag:s0], s1  }
0x1f7: {  	s1 =	ssub.s32 @!p0 $0x0, s1;
	[sflag:s0] =	ssyncset.done @!p0 $0x0  }
0x1f8: {  	[sflag:s0] =	ssyncadd.s32 @!p0 s1  }
0x1f9: {  	[bflag:$0x3] =	sbarrier.arrive $0xFFFF  }
0x1fa: {  	_ =	shalt  }

// kernel: sparse-core-data-format-call.cloned.1.call-start
scs
called_computation_lowered:
.L_overlay_start_0:
0x0: {  	s2 =	sld [smem:$0x3FD9]  }
0x1: {  	s3 =	sld [smem:$0x3FFE];
	_ =	sdelay $0x1  }
0x2: {  	s1 =	srdreg.scid  }
0x3: {  	s0 =	sand.u32 $0x1, s1  }
0x4: {  	s18 =	sshll.u32 s0, $0xA;
	s2 =	sadd.s32 s3, s2  }
0x5: {  	s2 =	sadd.s32 s2, s18  }
0x6: {  	[smem:$0x3FC7] =	sst s2  }
0x7: {  	_ = 	snop  }
0x8: {  	s2 =	sld [smem:$0x3FC9];
	(tm) =	ssettm $0x1  }
0x9: {  	s19 =	sld [smem:$0x3FFB];
	_ =	sdelay $0x3  }
0xa: {  	_ =	strace s19  }
0xb: {  	s3 =	sld [smem:$0x3FFC];
	_ =	sdelay $0x3  }
0xc: {  	_ =	strace s3  }
0xd: {  	s3 =	sld [smem:$0x3FFD];
	_ =	sdelay $0x3  }
0xe: {  	_ =	strace s3  }
0xf: {  	_ =	strace $0x8FFFFFFF  }
0x10: {  	s20 =	sld [smem:$0x3FDB];
	_ =	sdelay $0x1  }
0x11: {  	s4 =	simm.s32 $_scs_section_size  }
0x12: {  	s5 =	simm.s32 $_size__tile_overlayer_lowered;
	s6 =	simm.s32 $_tile_overlayer_lowered  }
0x13: {  	s23 =	simm.s32 $0x1BFF;
	s22 =	sshll.u32 s6, $0x1;
	s3 =	sadd.s32 s4, s20  }
0x14: {  	s7 =	simm.s32 $0x0;
	s21 =	sshll.u32 s5, $0x1;
	s5 =	sadd.s32 s22, s3  }
0x15: {  	[timem:s7], [sflag:s23] =	dma.local [hbm:s5], s21  }
0x16: {  	_ =	swait.ge [sflag:s23], s21  }
0x17: {  	s4 =	ssub.s32 $0x0, s21;
	[sflag:s23] =	ssyncset.done $0x0  }
0x18: {  	[sflag:s23] =	ssyncadd.s32 s4;
	_ =	sdelay $0x1  }
0x19: {  	s24 =	simm.s32 $0x1B8B  }
0x1a: {  	_ =	swait.ge [sflag:s24], $0x1  }
0x1b: {  	[sflag:s24] =	ssyncset.done $0x0  }
0x1c: {  	s26 =	simm.s32 $0x1B8E;
	s25 =	sld [smem:$0x3FFE];
	[sflag:s24] =	ssyncadd.s32 $0xFFFFFFFF  }
0x1d: {  	s27 =	simm.s32 $execute0_lowered;
	[smem:$0x3FD2] =	sst s26  }
0x1e: {  	s5 =	sshll.u32 s27, $0x1;
	_ =	strace $0x80000046;
	[dreg:$0x1] =	wrdreg $0xFFFFFFFF  }
0x1f: {  	s28 =	simm.s32 $_size_execute0_lowered;
	s3 =	sadd.s32 s3, s5;
	[dreg:$0x0] =	wrdreg $0x0  }
0x20: {  	s5 =	sshll.u32 s28, $0x1;
	[dreg:$0x2] =	wrdreg s3  }
0x21: {  	[dreg:$0x3] =	wrdreg s5  }
0x22: {  	[dreg:$0x4] =	wrdreg $0xC0  }
0x23: {  	_ =	task [dreg:s7], $0x5FFFF  }
0x24: {  	[dreg:$0x1] =	wrdreg $0xFFFFFFFF  }
0x25: {  	[dreg:$0x0] =	wrdreg $0x60  }
0x26: {  	[dreg:$0x2] =	wrdreg s2  }
0x27: {  	[dreg:$0x3] =	wrdreg s25  }
0x28: {  	[dreg:$0x4] =	wrdreg $0x9  }
0x29: {  	_ =	task.clear_ibuf [dreg:s7], $0x5FFFF;
	_ =	strace $0x90000046  }
0x2a: {  	s29 =	simm.s32 $0x9;
	_ =	strace $0x80000048  }
0x2b: {  	_ =	swait.ge [sflag:s29], $0x1  }
0x2c: {  	[sflag:s29] =	ssyncadd.s32 $0xFFFFFFFF  }
0x2d: {  	_ =	strace $0x90000048  }
0x2e: {  	_ =	sfence  }
0x2f: {  	s30 =	sld [smem:$0x0];
	_ =	sdelay $0x2  }
0x30: {  	s31 =	sshll.u32 s1, $0xD;
	s1 =	sshrl.u32 s1, $0x2  }
0x31: {  	s3 =	sand.u32 $0x4000, s31;
	s1 =	sadd.s32 s1, s30  }
0x32: {  	s0 =	sor.u32 s3, s0;
	s1 =	sshll.u32 s1, $0x11  }
0x33: {  	s0 =	sor.u32 s1, s0  }
0x34: {  	s0 =	sadd.s32 $0x8F2B, s0  }
0x35: {  	[sflag:s0] =	ssyncadd.remote.s32 $0x1  }
0x36: {  	_ =	sfence.sel $0xFFFF  }
0x37: {  	[dreg:$0x0] =	wrdreg $0xFFFFFFFF;
	(pc) =	sbr.abs _section_cstart, $3  }
0x38: {  	[dreg:$0x1] =	wrdreg $0xFFFFFFFF  }
0x39: {  	_ =	task.clear_ibuf [dreg:s7], $0x2FFFF;
	_ =	strace $0x9FFFFFFF  }
0x3a: {  	(tm) =	ssettm $0x7FFFFFFF  }
0x3b: {  	_ =	shalt  }
tec
execute0_lowered:
.L_overlay_start_1:
0x0: {  	(tag) =	ssettag $0x1  }
0x1: {  	s0 =	srdreg.scid  }
0x2: {  	s1 =	sshll.u32 s0, $0x4  }
0x3: {  	s2 =	rddreg [dreg:$0x0];
	s0 =	stileid.u32;
	s1 =	sand.u32 $0x10, s1  }
0x4: {  	s4 =	rddreg [dreg:$0x1];
	s7 =	simm.s32 $0x1;
	s1 =	sor.u32 s0, s1  }
0x5: {  	s8 =	simm.s32 $0x2;
	s9 =	simm.s32 $0x0;
	s3 =	sshll.u32 s1, $0x1  }
0x6: {  	s12 =	simm.s32 $0x0;
	s11 =	simm.s32 $0x0;
	s6 =	ssub.s32 $0x1000, s3  }
.Ltmp0:
0x7: {  	s4 =	sadd.s32 $0x800, s4;
	s5 =	sand.u32 $0x3E, s6;
	(pc) =	sbr.rel .LBB1_1-.Ltmp0, $4  }
0x8: {  	s1 =	rddreg [dreg:$0x2];
	_ =	strace $0x80000047;
	p0 =	sne.s32 s5, $0x0  }
0x9: {  	s6 =	sshrl.u32 s6, $0x6;
	s5 =	simm.s32 $0x1;
	s7 =	simm.s32 @!p0 $0x0  }
0xa: {  	s10 =	smov.u32 s3;
	[sflag:s5] =	ssyncpa.u1 $0x0;
	s6 =	sadd.s32 s7, s6  }
0xb: {  	[sflag:s8] =	ssyncpa.u1 $0x0;
	s8 =	simm.s32 $0x0;
	s7 =	sadd.s32 $0x1, s6  }
.LBB1_9:
0xc: {  	s14 =	sadd.s32 $0x40, s10  }
0xd: {  	p1 =	sgt.s32 s14, $0xFFF  }
0xe: {  	s14 =	smov.u32 @p1 s3;
	p1 =	sne.s32 s11, s7  }
.Ltmp1:
0xf: {  	p0 =	slt.u32 s11, $0x2;
	(pc) =	sbr.rel @!p1 .LBB1_10-.Ltmp1, $4  }
0x10: {  	s13 =	simm.s32 @!p0 $0x2  }
0x11: {  	s15 =	sadd.s32 $0x1, s11;
	_ =	swait.ge @!p0 [sflag:s13], $0x4000  }
0x12: {  	s12 =	smov.u32 s10;
	s9 =	sadd.s32 $0x4000, s9;
	[sflag:s13] =	ssyncset.done @!p0 $0x0  }
0x13: {  	s11 =	smov.u32 s15;
	s10 =	smov.u32 s14;
	[sflag:s13] =	ssyncadd.s32 @!p0 $0xFFFFC000  }
.LBB1_1:
0x14: {  	p0 =	sge.u32 s11, s6  }
0x15: {  	s13 =	sxor.u32 @!p0 $0xFFFFFFFF, s11  }
0x16: {  	s31 =	sadd.s32 $0xFFFFFFFF, s11;
	s14 =	sshll.u32 @!p0 s10, $0xA;
	s13 =	sshll.u32 @!p0 s13, $0xE  }
0x17: {  	s15 =	simm.s32 @!p0 $0x0;
	s14 =	sadd.s32 @!p0 s2, s14;
	s13 =	sand.u32 @!p0 $0x4000, s13  }
0x18: {  	[tilespmem:s13], [sflag:$0x1] =	stream.linear.gather @!p0 [hbm4b:s14+s15], $0x4000, $0x38;
	[tilespmem:$0x10000] =	vst v63  }
0x19: {  	p0 =	sge.u32 s31, s6  }
.Ltmp2:
0x1a: {  	_ = 	snop;
	(pc) =	sbr.rel @p0 .LBB1_9-.Ltmp2, $1  }
0x1b: {  	_ =	sdelay $0x3  }
0x1c: {  	s13 =	sshll.u32 s9, $0x2  }
0x1d: {  	_ =	swait.ge [sflag:s5], $0x4000;
	s14 =	sshll.u32 s11, $0xE;
	s16 =	simm.s32 $0x0  }
0x1e: {  	p1 =	por $0x1, $0x1;
	s13 =	sand.u32 $0x10000, s13;
	[sflag:s5] =	ssyncset.done $0x0  }
0x1f: {  	s14 =	sand.u32 $0x4000, s14;
	s15 =	sshrl.u32 s13, $0x2;
	[sflag:s5] =	ssyncadd.s32 $0xFFFFC000  }
0x20: {  	s13 =	sor.u32 $0x8000, s14;
	s14 =	sadd.s32 $0x8040, s15;
	s15 =	sadd.s32 $0x40, s15  }
.LBB1_3:
0x21: {  	s16 =	sshll.u32 s16, $0x2  }
0x22: {  	p0 =	por p1, p1;
	s17 =	sshra.s32 s16, $0x2  }
0x23: {  	s18 =	simm.s32 $0x0;
	s16 =	sadd.s32 s17, s14;
	s17 =	sadd.s32 s17, s15  }
.LBB1_4:
0x24: {  	v0 =	vmov s17;
	_ =	sdelay $0x3  }
0x25: {  	s20 =	simm.s32 $0x0  }
0x26: {  	v6 =	vld.idx.msk [tilespmem:v0+s20+$0x30 ss:$0x1], $0xffff  }
0x27: {  	v7 =	vld.idx.msk [tilespmem:v0+s20+$0xFFFFFFC0 ss:$0x1], $0xffff  }
0x28: {  	v5 =	vld.idx.msk [tilespmem:v0+s20+$0xFFFFFFD0 ss:$0x1], $0xffff  }
0x29: {  	v4 =	vld.idx.msk [tilespmem:v0+s20+$0xFFFFFFE0 ss:$0x1], $0xffff  }
0x2a: {  	v3 =	vld.idx.msk [tilespmem:v0+s20+$0xFFFFFFF0 ss:$0x1], $0xffff  }
0x2b: {  	v1 =	vld.idx.msk [tilespmem:v0+s20+$0x0 ss:$0x1], $0xffff  }
0x2c: {  	v2 =	vld.idx.msk [tilespmem:v0+s20+$0x10 ss:$0x1], $0xffff;
	[tilespmem:s16+$0x30] =	vst v6  }
0x2d: {  	s19 =	simm.s32 $0x80;
	s21 =	simm.s32 $0x400;
	[tilespmem:s16+$0xFFFFFFC0] =	vst v7;
	v6 =	vld.idx.msk [tilespmem:v0+s20+$0x20 ss:$0x1], $0xffff;
	s20 =	smov.u32 s16  }
.LBB1_5:
0x2e: {  	p1 =	sne.s32 s21, $0xE00;
	v7 =	vld.idx.msk [tilespmem:v0+s19+$0x30 ss:$0x1], $0xffff;
	[tilespmem:s20+$0xFFFFFFD0] =	vst v5  }
0x2f: {  	v8 =	vld.idx.msk [tilespmem:v0+s19+$0xFFFFFFC0 ss:$0x1], $0xffff;
	[tilespmem:s20+$0xFFFFFFE0] =	vst v4  }
0x30: {  	v5 =	vld.idx.msk [tilespmem:v0+s19+$0xFFFFFFD0 ss:$0x1], $0xffff;
	[tilespmem:s20+$0xFFFFFFF0] =	vst v3  }
.Ltmp3:
0x31: {  	v4 =	vld.idx.msk [tilespmem:v0+s19+$0xFFFFFFE0 ss:$0x1], $0xffff;
	[tilespmem:s20+$0x0] =	vst v1;
	(pc) =	sbr.rel @p1 .LBB1_5-.Ltmp3, $4  }
0x32: {  	v3 =	vld.idx.msk [tilespmem:v0+s19+$0xFFFFFFF0 ss:$0x1], $0xffff;
	[tilespmem:s20+$0x10] =	vst v2  }
0x33: {  	v1 =	vld.idx.msk [tilespmem:v0+s19+$0x0 ss:$0x1], $0xffff;
	[tilespmem:s20+$0x20] =	vst v6;
	s20 =	sadd.s32 $0x400, s20  }
0x34: {  	v2 =	vld.idx.msk [tilespmem:v0+s19+$0x10 ss:$0x1], $0xffff;
	[tilespmem:s20+$0x30] =	vst v7  }
0x35: {  	[tilespmem:s20+$0xFFFFFFC0] =	vst v8;
	v6 =	vld.idx.msk [tilespmem:v0+s19+$0x20 ss:$0x1], $0xffff;
	s19 =	sshra.s32 s21, $0x2;
	s21 =	sadd.s32 $0x200, s21  }
0x36: {  	_ =	sdelay $0x2  }
0x37: {  	[tilespmem:s20+$0xFFFFFFD0] =	vst v5  }
0x38: {  	v56 =	vld.idx.msk [tilespmem:v0+s19+$0x30 ss:$0x1], $0xffff;
	[tilespmem:s20+$0xFFFFFFE0] =	vst v4  }
0x39: {  	v57 =	vld.idx.msk [tilespmem:v0+s19+$0xFFFFFFC0 ss:$0x1], $0xffff;
	[tilespmem:s20+$0xFFFFFFF0] =	vst v3  }
0x3a: {  	v58 =	vld.idx.msk [tilespmem:v0+s19+$0xFFFFFFD0 ss:$0x1], $0xffff;
	[tilespmem:s20+$0x0] =	vst v1  }
0x3b: {  	v59 =	vld.idx.msk [tilespmem:v0+s19+$0xFFFFFFE0 ss:$0x1], $0xffff;
	[tilespmem:s20+$0x10] =	vst v2  }
0x3c: {  	v60 =	vld.idx.msk [tilespmem:v0+s19+$0xFFFFFFF0 ss:$0x1], $0xffff;
	s31 =	sadd.s32 $0x400, s20;
	[tilespmem:s20+$0x20] =	vst v6  }
0x3d: {  	v61 =	vld.idx.msk [tilespmem:v0+s19+$0x0 ss:$0x1], $0xffff;
	[tilespmem:s31+$0x30] =	vst v56  }
0x3e: {  	v62 =	vld.idx.msk [tilespmem:v0+s19+$0x10 ss:$0x1], $0xffff;
	s18 =	sadd.s32 $0x1, s18;
	[tilespmem:s31+$0xFFFFFFC0] =	vst v57  }
0x3f: {  	v63 =	vld.idx.msk [tilespmem:v0+s19+$0x20 ss:$0x1], $0xffff;
	p1 =	sne.s32 s18, $0x8;
	[tilespmem:s31+$0xFFFFFFD0] =	vst v58  }
.Ltmp4:
0x40: {  	[tilespmem:s31+$0xFFFFFFE0] =	vst v59;
	(pc) =	sbr.rel @p1 .LBB1_4-.Ltmp4, $4  }
0x41: {  	[tilespmem:s31+$0xFFFFFFF0] =	vst v60  }
0x42: {  	[tilespmem:s31+$0x0] =	vst v61  }
0x43: {  	[tilespmem:s31+$0x10] =	vst v62  }
0x44: {  	s16 =	sadd.s32 $0x80, s16;
	s17 =	sadd.s32 $0x400, s17;
	[tilespmem:s31+$0x20] =	vst v63  }
.Ltmp5:
0x45: {  	(pc) =	sbr.rel @p0 .LBB1_3-.Ltmp5, $2  }
0x46: {  	_ =	sdelay $0x2  }
0x47: {  	s16 =	simm.s32 $0x2000;
	p1 =	por $0x0, $0x0  }
.Ltmp6:
0x48: {  	(pc) =	sbr.rel .LBB1_9-.Ltmp6, $4  }
0x49: {  	_ = 	snop  }
0x4a: {  	s12 =	sshll.u32 s12, $0xA  }
0x4b: {  	s12 =	sadd.s32 s4, s12  }
0x4c: {  	[hbm4b:s12+s8] =	stream.linear.scatter [tilespmem:s13], [sflag:$0x2], $0x4000, $0x38;
	[tilespmem:$0x10000] =	vst v63  }
.LBB1_10:
0x4d: {  	_ =	sfence.sel $0x180000  }
0x4e: {  	s2 =	simm.s32 $0x1;
	[bflag:$0x0] =	sbarrier.arrive $0xFFFF  }
0x4f: {  	s31 =	simm.s32 $0x2;
	[sflag:s2] =	ssyncpa.u1 $0x1  }
0x50: {  	[sflag:s31] =	ssyncpa.u1 $0x1  }
0x51: {  	p0 =	sne.s32 s0, $0x0;
	_ =	strace $0x90000047  }
0x52: {  	s0 =	sadd.s32 @!p0 $0x100000, s1;
	[bflag:$0x2] =	sbarrier.arrive $0xFFFF  }
0x53: {  	[sflag:s0] =	ssyncadd.tile.s32 @!p0 $0x1;
	_ =	shalt  }
.Lfunc_end1:
_tile_overlayer_lowered:
.L_overlay_start_2:
0x54: {  	(tag) =	ssettag $0x2  }
0x55: {  	s0 =	rddreg [dreg:$0x0];
	s2 =	stileid.u32  }
0x56: {  	s1 =	rddreg [dreg:$0x1];
	p0 =	sne.s32 s2, $0x0  }
0x57: {  	s3 =	rddreg [dreg:$0x2];
	[bflag:$0x3] =	sbarrier.arrive $0xFFFF;
	s2 =	simm.s32 @!p0 $0x1C01  }
0x58: {  	[timem:s3], [sflag:s2] =	dma.local @!p0 [hbm:s0], s1  }
0x59: {  	s0 =	simm.s32 @!p0 $0x1  }
0x5a: {  	_ =	swait.ge @!p0 [sflag:s0], s1  }
0x5b: {  	s1 =	ssub.s32 @!p0 $0x0, s1;
	[sflag:s0] =	ssyncset.done @!p0 $0x0  }
0x5c: {  	[sflag:s0] =	ssyncadd.s32 @!p0 s1  }
0x5d: {  	[bflag:$0x3] =	sbarrier.arrive $0xFFFF  }
0x5e: {  	_ =	shalt  }

</sc_bundles>
